<compile_context>
chip_gen: v7x
topology: tpu7x:2x2x1
jax: 0.10.2.dev20260603
libtpu: 0.0.44.dev20260713+nightly
codegen_flags: <defaults>
</compile_context>

<pallas_src>
import functools

import jax
import jax.numpy as jnp
from jax import lax
from jax.experimental import pallas as pl
from jax.experimental.pallas import tpu as pltpu
from jax.experimental.pallas import tpu_sc as plsc

_N = 5000
_NPAD = 5024
_NBLK = _NPAD // 16
_NPAIR = _NBLK // 2
_NSUB = 16
_KCAP = ((_NBLK + _NSUB - 1) // _NSUB) * 16
_SCORE_THRESH = 0.05
_NMS_THRESH = 0.5
_MAX_DET = 100
_NEG = -1e9


def _iou16(bx1, by1, bx2, by2, ba, x1s, y1s, x2s, y2s, as_, clamp):
    ltx = jnp.maximum(bx1, x1s)
    lty = jnp.maximum(by1, y1s)
    rbx = jnp.minimum(bx2, x2s)
    rby = jnp.minimum(by2, y2s)
    iw = jnp.maximum(rbx - ltx, 0.0)
    ih = jnp.maximum(rby - lty, 0.0)
    inter = iw * ih
    union = ba + as_ - inter
    if clamp:
        union = jnp.maximum(union, 1e-9)
    return inter / union


def _nms_body(x1h, y1h, x2h, y2h, sh, oh, outh,
              x1, y1, x2, y2, sv, ov,
              kb1, kb2, kb3, kb4, kba, keep, outbuf, svec, rbuf, sbuf):
    c = lax.axis_index("c")
    w = lax.axis_index("s")

    @pl.when(c == 0)
    def _():
        pltpu.sync_copy(x1h, x1)
        pltpu.sync_copy(y1h, y1)
        pltpu.sync_copy(x2h, x2)
        pltpu.sync_copy(y2h, y2)
        pltpu.sync_copy(sh, sv)
        pltpu.sync_copy(oh, ov)

        iota = lax.iota(jnp.int32, 16)

        zero16 = jnp.zeros((16,), jnp.float32)

        def zb(r, cc):
            ro = r * 16
            kb1[pl.ds(ro, 16)] = zero16
            kb2[pl.ds(ro, 16)] = zero16
            kb3[pl.ds(ro, 16)] = zero16
            kb4[pl.ds(ro, 16)] = zero16
            kba[pl.ds(ro, 16)] = zero16
            return cc

        lax.fori_loop(0, _KCAP, zb, jnp.int32(0))

        def pair_body(p, carry):
            k_w, ktot_g = carry
            t0 = 2 * p
            o = t0 * 16
            idxa = ov[pl.ds(o, 16)]
            idxb = ov[pl.ds(o + 16, 16)]
            ax1 = plsc.load_gather(x1, [idxa])
            ay1 = plsc.load_gather(y1, [idxa])
            ax2 = plsc.load_gather(x2, [idxa])
            ay2 = plsc.load_gather(y2, [idxa])
            asc = plsc.load_gather(sv, [idxa])
            bx1 = plsc.load_gather(x1, [idxb])
            by1 = plsc.load_gather(y1, [idxb])
            bx2 = plsc.load_gather(x2, [idxb])
            by2 = plsc.load_gather(y2, [idxb])
            bsc = plsc.load_gather(sv, [idxb])
            aar = (ax2 - ax1) * (ay2 - ay1)
            bar = (bx2 - bx1) * (by2 - by1)

            def cbody(k, st):
                supa, supb = st
                for half in range(2):
                    ko = k * 32 + half * 16
                    vx1 = kb1[pl.ds(ko, 16)]
                    vy1 = kb2[pl.ds(ko, 16)]
                    vx2 = kb3[pl.ds(ko, 16)]
                    vy2 = kb4[pl.ds(ko, 16)]
                    va = kba[pl.ds(ko, 16)]
                    ioua = _iou16(vx1, vy1, vx2, vy2, va,
                                  ax1, ay1, ax2, ay2, aar, False)
                    ioub = _iou16(vx1, vy1, vx2, vy2, va,
                                  bx1, by1, bx2, by2, bar, False)
                    supa = jnp.maximum(supa, ioua)
                    supb = jnp.maximum(supb, ioub)
                return supa, supb

            zz = jnp.zeros((16,), jnp.float32)
            supa, supb = lax.fori_loop(
                0, (k_w + 1) >> 1, cbody, (zz, zz))

            par = p & 1
            svec[pl.ds(0, 16)] = supa
            svec[pl.ds(16, 16)] = supb
            pltpu.sync_copy(svec, sbuf.at[pl.ds(par * 512 + w * 32, 32)])
            plsc.subcore_barrier()
            pltpu.sync_copy(sbuf.at[pl.ds(par * 512, 512)], rbuf)
            acca = rbuf[pl.ds(0, 16)]
            accb = rbuf[pl.ds(16, 16)]
            for r in range(1, _NSUB):
                acca = jnp.maximum(acca, rbuf[pl.ds(r * 32, 16)])
                accb = jnp.maximum(accb, rbuf[pl.ds(r * 32 + 16, 16)])

            def resolve(gx1, gy1, gx2, gy2, gs, ga, acc, extra):
                basev = ((gs > _SCORE_THRESH)
                         & jnp.logical_not(acc > _NMS_THRESH))
                if extra is not None:
                    ex1, ey1, ex2, ey2, ea, ekeep = extra
                masks = []
                for j in range(16):
                    xj1 = gx1[j]
                    yj1 = gy1[j]
                    xj2 = gx2[j]
                    yj2 = gy2[j]
                    aj = ga[j]
                    iou = _iou16(gx1, gy1, gx2, gy2, ga,
                                 xj1, yj1, xj2, yj2, aj, True)
                    masks.append((iou > _NMS_THRESH) & (iota < j))
                    if extra is not None:
                        iou2 = _iou16(ex1, ey1, ex2, ey2, ea,
                                      xj1, yj1, xj2, yj2, aj, True)
                        ebad = plsc.all_reduce_population_count(
                            (iou2 > _NMS_THRESH) & (ekeep > 0)) > 0
                        basev = basev & jnp.logical_not(ebad & (iota == j))
                keepb16 = jnp.zeros((16,), jnp.bool_)
                for j in range(16):
                    ncnt = plsc.all_reduce_population_count(
                        masks[j] & keepb16)
                    keepb16 = keepb16 | ((ncnt == 0) & basev & (iota == j))
                return keepb16.astype(jnp.int32)

            keepa = resolve(ax1, ay1, ax2, ay2, asc, aar, acca, None)
            keepb = resolve(bx1, by1, bx2, by2, bsc, bar, accb,
                            (ax1, ay1, ax2, ay2, aar, keepa))

            selw = iota == w
            mina = plsc.all_reduce_population_count(
                (keepa > 0) & selw)[0] > 0
            minb = plsc.all_reduce_population_count(
                (keepb > 0) & selw)[0] > 0

            @pl.when(mina)
            def _():
                ia = plsc.load_gather(
                    ov, [jnp.full((16,), o + w, jnp.int32)])
                r1 = plsc.load_gather(x1, [ia])
                r2 = plsc.load_gather(y1, [ia])
                r3 = plsc.load_gather(x2, [ia])
                r4 = plsc.load_gather(y2, [ia])
                ro = k_w * 16
                kb1[pl.ds(ro, 16)] = r1
                kb2[pl.ds(ro, 16)] = r2
                kb3[pl.ds(ro, 16)] = r3
                kb4[pl.ds(ro, 16)] = r4
                kba[pl.ds(ro, 16)] = (r3 - r1) * (r4 - r2)

            kw2 = k_w + mina.astype(jnp.int32)

            @pl.when(minb)
            def _():
                ib = plsc.load_gather(
                    ov, [jnp.full((16,), o + 16 + w, jnp.int32)])
                r1 = plsc.load_gather(x1, [ib])
                r2 = plsc.load_gather(y1, [ib])
                r3 = plsc.load_gather(x2, [ib])
                r4 = plsc.load_gather(y2, [ib])
                ro = kw2 * 16
                kb1[pl.ds(ro, 16)] = r1
                kb2[pl.ds(ro, 16)] = r2
                kb3[pl.ds(ro, 16)] = r3
                kb4[pl.ds(ro, 16)] = r4
                kba[pl.ds(ro, 16)] = (r3 - r1) * (r4 - r2)

            koff = kw2 + minb.astype(jnp.int32)

            nka = plsc.all_reduce_population_count(keepa > 0)[0]
            nkb = plsc.all_reduce_population_count(keepb > 0)[0]

            @pl.when(w == 0)
            def _():
                keep[pl.ds(o, 16)] = keepa
                keep[pl.ds(o + 16, 16)] = keepb

            return koff, ktot_g + nka + nkb

        _, ktot = lax.fori_loop(
            0, _NPAIR, pair_body, (jnp.int32(0), jnp.int32(0)))

        @pl.when(w == 0)
        def _():
            def sel_body(t, nk):
                o = t * 16
                kvec = keep[pl.ds(o, 16)]
                cum = jnp.cumsum(kvec)
                exc = cum - kvec
                gidx = o + iota
                kb = kvec > 0
                pos = jnp.where(kb, nk + exc, ktot + gidx - nk - exc)
                m = pos < _MAX_DET
                base = pos * 5
                idx16 = ov[pl.ds(o, 16)]
                vx1 = plsc.load_gather(x1, [idx16])
                vy1 = plsc.load_gather(y1, [idx16])
                vx2 = plsc.load_gather(x2, [idx16])
                vy2 = plsc.load_gather(y2, [idx16])
                vs = plsc.load_gather(sv, [idx16])
                so = jnp.where(kb, vs, jnp.float32(_NEG))
                plsc.store_scatter(outbuf, [base], vx1, mask=m)
                plsc.store_scatter(outbuf, [base + 1], vy1, mask=m)
                plsc.store_scatter(outbuf, [base + 2], vx2, mask=m)
                plsc.store_scatter(outbuf, [base + 3], vy2, mask=m)
                plsc.store_scatter(outbuf, [base + 4], so, mask=m)
                return nk + jnp.sum(kvec)

            lax.fori_loop(0, _NBLK, sel_body, jnp.int32(0))
            pltpu.sync_copy(outbuf, outh)


_nms_call = functools.partial(
    pl.kernel,
    out_type=jax.ShapeDtypeStruct((512,), jnp.float32),
    mesh=plsc.VectorSubcoreMesh(core_axis_name="c", subcore_axis_name="s"),
    compiler_params=pltpu.CompilerParams(needs_layout_passes=False),
    scratch_types=[
        pltpu.VMEM((_NPAD,), jnp.float32),
        pltpu.VMEM((_NPAD,), jnp.float32),
        pltpu.VMEM((_NPAD,), jnp.float32),
        pltpu.VMEM((_NPAD,), jnp.float32),
        pltpu.VMEM((_NPAD,), jnp.float32),
        pltpu.VMEM((_NPAD,), jnp.int32),
        pltpu.VMEM((_KCAP * 16,), jnp.float32),
        pltpu.VMEM((_KCAP * 16,), jnp.float32),
        pltpu.VMEM((_KCAP * 16,), jnp.float32),
        pltpu.VMEM((_KCAP * 16,), jnp.float32),
        pltpu.VMEM((_KCAP * 16,), jnp.float32),
        pltpu.VMEM((_NPAD,), jnp.int32),
        pltpu.VMEM((512,), jnp.float32),
        pltpu.VMEM((32,), jnp.float32),
        pltpu.VMEM((512,), jnp.float32),
        pltpu.VMEM_SHARED((1024,), jnp.float32),
    ],
)(_nms_body)


def kernel(boxes, scores):
    order = jnp.argsort(-scores).astype(jnp.int32)
    pad = _NPAD - _N
    orderp = jnp.concatenate(
        [order, jnp.arange(_N, _NPAD, dtype=jnp.int32)])
    bp = jnp.concatenate([boxes, jnp.zeros((pad, 4), jnp.float32)], axis=0)
    sp = jnp.concatenate(
        [scores, jnp.full((pad,), -1.0, jnp.float32)])
    out = _nms_call(bp[:, 0], bp[:, 1], bp[:, 2], bp[:, 3], sp, orderp)
    return out[:_MAX_DET * 5].reshape(_MAX_DET, 5)

# --- scband reference (transcript-rebuilt; emitter-appended) ---
"""Pipeline reference for scband-parallel-amodal-visible-roiheads-69776038691582 (READ-ONLY COPY).

The authoritative reference and input builder live on the scoring server;
editing this copy changes nothing except your own understanding.
"""

import jax, jax.numpy as jnp
import numpy as np
from jax import lax

NUM_BOXES = 5000
SCORE_THRESH = 0.05
NMS_THRESH = 0.5
MAX_DET = 100


def setup_inputs(seed: int = 0) -> dict:
    key = jax.random.key(seed)
    k1, k2, k3 = jax.random.split(key, 3)
    xy = jax.random.uniform(k1, (NUM_BOXES, 2), dtype=jnp.float32) * 800.0
    wh = jax.random.uniform(k2, (NUM_BOXES, 2), dtype=jnp.float32) * 120.0 + 4.0
    boxes = jnp.concatenate([xy, xy + wh], axis=-1).astype(jnp.float32)
    scores = jax.random.uniform(k3, (NUM_BOXES,), dtype=jnp.float32)
    return {"boxes": boxes, "scores": scores}


def _pairwise_iou(a, b):
    area_a = (a[:, 2] - a[:, 0]) * (a[:, 3] - a[:, 1])
    area_b = (b[:, 2] - b[:, 0]) * (b[:, 3] - b[:, 1])
    lt = jnp.maximum(a[:, None, :2], b[None, :, :2])
    rb = jnp.minimum(a[:, None, 2:], b[None, :, 2:])
    wh = jnp.clip(rb - lt, 0.0)
    inter = wh[..., 0] * wh[..., 1]
    union = area_a[:, None] + area_b[None, :] - inter
    return inter / jnp.maximum(union, 1e-9)


def reference(boxes, scores):
    # Greedy per-class-agnostic NMS as performed at the end of
    # Parallel_Amodal_Visible_ROIHeads inference (fast_rcnn_inference path):
    # score threshold -> greedy IoU suppression -> keep top detections_per_img.
    n = boxes.shape[0]
    order = jnp.argsort(-scores)
    b = boxes[order]
    s = scores[order]
    iou = _pairwise_iou(b, b)
    valid = s > SCORE_THRESH
    idxs = jnp.arange(n)

    def body(i, keep):
        suppressed = jnp.any(keep & (iou[:, i] > NMS_THRESH) & (idxs < i))
        return keep.at[i].set(valid[i] & jnp.logical_not(suppressed))

    keep = lax.fori_loop(0, n, body, jnp.zeros((n,), dtype=bool))
    masked = jnp.where(keep, s, jnp.float32(-1e9))
    top_s, top_i = lax.top_k(masked, MAX_DET)
    top_b = b[top_i]
    out = jnp.concatenate([top_b, top_s[:, None]], axis=-1)
    return out

if __name__ == "__main__":
    import jax
    _d = setup_inputs()
    print(jax.jit(kernel)(*tuple(_d.values())))

</pallas_src>

<mosaic_0001>
#map = affine_map<(d0, d1) -> (0)>
module attributes {stable_mosaic.version = 14 : i64} {
  func.func @_nms_body(%arg0: i32, %arg1: i32, %arg2: memref<5024xf32, #tpu.memory_space<hbm>>, %arg3: memref<5024xf32, #tpu.memory_space<hbm>>, %arg4: memref<5024xf32, #tpu.memory_space<hbm>>, %arg5: memref<5024xf32, #tpu.memory_space<hbm>>, %arg6: memref<5024xf32, #tpu.memory_space<hbm>>, %arg7: memref<5024xi32, #tpu.memory_space<hbm>>, %arg8: memref<512xf32, #tpu.memory_space<hbm>>, %arg9: memref<5024xf32, #tpu.memory_space<vmem>>, %arg10: memref<5024xf32, #tpu.memory_space<vmem>>, %arg11: memref<5024xf32, #tpu.memory_space<vmem>>, %arg12: memref<5024xf32, #tpu.memory_space<vmem>>, %arg13: memref<5024xf32, #tpu.memory_space<vmem>>, %arg14: memref<5024xi32, #tpu.memory_space<vmem>>, %arg15: memref<5120xf32, #tpu.memory_space<vmem>>, %arg16: memref<5120xf32, #tpu.memory_space<vmem>>, %arg17: memref<5120xf32, #tpu.memory_space<vmem>>, %arg18: memref<5120xf32, #tpu.memory_space<vmem>>, %arg19: memref<5120xf32, #tpu.memory_space<vmem>>, %arg20: memref<5024xi32, #tpu.memory_space<vmem>>, %arg21: memref<512xf32, #tpu.memory_space<vmem>>, %arg22: memref<32xf32, #tpu.memory_space<vmem>>, %arg23: memref<512xf32, #tpu.memory_space<vmem>>, %arg24: memref<1024xf32, #tpu.memory_space<vmem_shared>>) attributes {dimension_semantics = [#tpu.dimension_semantics<core_parallel>, #tpu.dimension_semantics<subcore_parallel>], iteration_bounds = array<i64: 2, 16>, scalar_prefetch = 0 : i64, scratch_operands = 16 : i64, tpu.core_type = #tpu.core_type<sc_vector_subcore>, window_params = [{transform_indices = #map}, {transform_indices = #map}, {transform_indices = #map}, {transform_indices = #map}, {transform_indices = #map}, {transform_indices = #map}, {transform_indices = #map}]} {
    %eq3A = arith.constant 0 : i32
    %eq3A_0 = arith.cmpi eq, %arg0, %eq3A : i32
    %convert_element_type3A = arith.extui %eq3A_0 : i1 to i32
    %cond3A = arith.constant 0 : i32
    %cond3A_1 = arith.cmpi ne, %convert_element_type3A, %cond3A : i32
    scf.if %cond3A_1 {
      "tpu.region"() ({
        %run_scoped3A = tpu.sem_alloc : memref<!tpu.dma_semaphore, #tpu.memory_space<semaphore_mem>>
        tpu.enqueue_dma source(%arg2 : memref<5024xf32, #tpu.memory_space<hbm>>) target(%arg9 : memref<5024xf32, #tpu.memory_space<vmem>>) target_semaphore(%run_scoped3A : memref<!tpu.dma_semaphore, #tpu.memory_space<semaphore_mem>>)
        tpu.wait_dma2 semaphore(%run_scoped3A : memref<!tpu.dma_semaphore, #tpu.memory_space<semaphore_mem>>) src(%arg2 : memref<5024xf32, #tpu.memory_space<hbm>>) dst(%arg9 : memref<5024xf32, #tpu.memory_space<vmem>>)
        tpu.yield
      }) : () -> ()
      "tpu.region"() ({
        %run_scoped3A = tpu.sem_alloc : memref<!tpu.dma_semaphore, #tpu.memory_space<semaphore_mem>>
        tpu.enqueue_dma source(%arg3 : memref<5024xf32, #tpu.memory_space<hbm>>) target(%arg10 : memref<5024xf32, #tpu.memory_space<vmem>>) target_semaphore(%run_scoped3A : memref<!tpu.dma_semaphore, #tpu.memory_space<semaphore_mem>>)
        tpu.wait_dma2 semaphore(%run_scoped3A : memref<!tpu.dma_semaphore, #tpu.memory_space<semaphore_mem>>) src(%arg3 : memref<5024xf32, #tpu.memory_space<hbm>>) dst(%arg10 : memref<5024xf32, #tpu.memory_space<vmem>>)
        tpu.yield
      }) : () -> ()
      "tpu.region"() ({
        %run_scoped3A = tpu.sem_alloc : memref<!tpu.dma_semaphore, #tpu.memory_space<semaphore_mem>>
        tpu.enqueue_dma source(%arg4 : memref<5024xf32, #tpu.memory_space<hbm>>) target(%arg11 : memref<5024xf32, #tpu.memory_space<vmem>>) target_semaphore(%run_scoped3A : memref<!tpu.dma_semaphore, #tpu.memory_space<semaphore_mem>>)
        tpu.wait_dma2 semaphore(%run_scoped3A : memref<!tpu.dma_semaphore, #tpu.memory_space<semaphore_mem>>) src(%arg4 : memref<5024xf32, #tpu.memory_space<hbm>>) dst(%arg11 : memref<5024xf32, #tpu.memory_space<vmem>>)
        tpu.yield
      }) : () -> ()
      "tpu.region"() ({
        %run_scoped3A = tpu.sem_alloc : memref<!tpu.dma_semaphore, #tpu.memory_space<semaphore_mem>>
        tpu.enqueue_dma source(%arg5 : memref<5024xf32, #tpu.memory_space<hbm>>) target(%arg12 : memref<5024xf32, #tpu.memory_space<vmem>>) target_semaphore(%run_scoped3A : memref<!tpu.dma_semaphore, #tpu.memory_space<semaphore_mem>>)
        tpu.wait_dma2 semaphore(%run_scoped3A : memref<!tpu.dma_semaphore, #tpu.memory_space<semaphore_mem>>) src(%arg5 : memref<5024xf32, #tpu.memory_space<hbm>>) dst(%arg12 : memref<5024xf32, #tpu.memory_space<vmem>>)
        tpu.yield
      }) : () -> ()
      "tpu.region"() ({
        %run_scoped3A = tpu.sem_alloc : memref<!tpu.dma_semaphore, #tpu.memory_space<semaphore_mem>>
        tpu.enqueue_dma source(%arg6 : memref<5024xf32, #tpu.memory_space<hbm>>) target(%arg13 : memref<5024xf32, #tpu.memory_space<vmem>>) target_semaphore(%run_scoped3A : memref<!tpu.dma_semaphore, #tpu.memory_space<semaphore_mem>>)
        tpu.wait_dma2 semaphore(%run_scoped3A : memref<!tpu.dma_semaphore, #tpu.memory_space<semaphore_mem>>) src(%arg6 : memref<5024xf32, #tpu.memory_space<hbm>>) dst(%arg13 : memref<5024xf32, #tpu.memory_space<vmem>>)
        tpu.yield
      }) : () -> ()
      "tpu.region"() ({
        %run_scoped3A = tpu.sem_alloc : memref<!tpu.dma_semaphore, #tpu.memory_space<semaphore_mem>>
        tpu.enqueue_dma source(%arg7 : memref<5024xi32, #tpu.memory_space<hbm>>) target(%arg14 : memref<5024xi32, #tpu.memory_space<vmem>>) target_semaphore(%run_scoped3A : memref<!tpu.dma_semaphore, #tpu.memory_space<semaphore_mem>>)
        tpu.wait_dma2 semaphore(%run_scoped3A : memref<!tpu.dma_semaphore, #tpu.memory_space<semaphore_mem>>) src(%arg7 : memref<5024xi32, #tpu.memory_space<hbm>>) dst(%arg14 : memref<5024xi32, #tpu.memory_space<vmem>>)
        tpu.yield
      }) : () -> ()
      %iota3A = tpu.iota {dimensions = array<i32: 0>} : vector<16xi32>
      %broadcast_in_dim3A = arith.constant 0.000000e+00 : f32
      %broadcast_in_dim3A_2 = vector.broadcast %broadcast_in_dim3A : f32 to vector<16xf32>
      %scan3A = arith.constant 0 : i32
      %scan3A_3 = arith.constant 0 : i32
      %scan3A_4 = arith.constant 320 : i32
      %scan3A_5 = arith.addi %scan3A_3, %scan3A_4 : i32
      %scan3A_6 = arith.constant 1 : i32
      scf.for %scan3A_21 = %scan3A_3 to %scan3A_5 step %scan3A_6  : i32 {
        %mul3A = arith.constant 16 : i32
        %mul3A_22 = arith.muli %scan3A_21, %mul3A : i32
        %swap3A = arith.index_cast %mul3A_22 : i32 to index
        %swap3A_23 = tpu.vector_load %arg15[%swap3A] {strides = array<i32>} : memref<5120xf32, #tpu.memory_space<vmem>>, vector<16xf32>,
        tpu.vector_store %arg15[%swap3A], %broadcast_in_dim3A_2 {strides = array<i32>} : memref<5120xf32, #tpu.memory_space<vmem>>, vector<16xf32>,
        %swap3A_24 = arith.index_cast %mul3A_22 : i32 to index
        %swap3A_25 = tpu.vector_load %arg16[%swap3A_24] {strides = array<i32>} : memref<5120xf32, #tpu.memory_space<vmem>>, vector<16xf32>,
        tpu.vector_store %arg16[%swap3A_24], %broadcast_in_dim3A_2 {strides = array<i32>} : memref<5120xf32, #tpu.memory_space<vmem>>, vector<16xf32>,
        %swap3A_26 = arith.index_cast %mul3A_22 : i32 to index
        %swap3A_27 = tpu.vector_load %arg17[%swap3A_26] {strides = array<i32>} : memref<5120xf32, #tpu.memory_space<vmem>>, vector<16xf32>,
        tpu.vector_store %arg17[%swap3A_26], %broadcast_in_dim3A_2 {strides = array<i32>} : memref<5120xf32, #tpu.memory_space<vmem>>, vector<16xf32>,
        %swap3A_28 = arith.index_cast %mul3A_22 : i32 to index
        %swap3A_29 = tpu.vector_load %arg18[%swap3A_28] {strides = array<i32>} : memref<5120xf32, #tpu.memory_space<vmem>>, vector<16xf32>,
        tpu.vector_store %arg18[%swap3A_28], %broadcast_in_dim3A_2 {strides = array<i32>} : memref<5120xf32, #tpu.memory_space<vmem>>, vector<16xf32>,
        %swap3A_30 = arith.index_cast %mul3A_22 : i32 to index
        %swap3A_31 = tpu.vector_load %arg19[%swap3A_30] {strides = array<i32>} : memref<5120xf32, #tpu.memory_space<vmem>>, vector<16xf32>,
        tpu.vector_store %arg19[%swap3A_30], %broadcast_in_dim3A_2 {strides = array<i32>} : memref<5120xf32, #tpu.memory_space<vmem>>, vector<16xf32>,
      }
      %scan3A_7 = arith.constant 320 : i32
      %scan3A_8 = arith.constant 0 : i32
      %scan3A_9 = arith.constant 0 : i32
      %scan3A_10 = arith.constant 0 : i32
      %scan3A_11 = arith.constant 157 : i32
      %scan3A_12 = arith.addi %scan3A_10, %scan3A_11 : i32
      %scan3A_13 = arith.constant 1 : i32
      %scan3A_14:2 = scf.for %scan3A_21 = %scan3A_10 to %scan3A_12 step %scan3A_13 iter_args(%scan3A_22 = %scan3A_8, %scan3A_23 = %scan3A_9) -> (i32, i32)  : i32 {
        %mul3A = arith.constant 2 : i32
        %mul3A_24 = arith.muli %mul3A, %scan3A_21 : i32
        %mul3A_25 = arith.constant 16 : i32
        %mul3A_26 = arith.muli %mul3A_24, %mul3A_25 : i32
        %get3A = arith.index_cast %mul3A_26 : i32 to index
        %get3A_27 = tpu.vector_load %arg14[%get3A] {strides = array<i32>} : memref<5024xi32, #tpu.memory_space<vmem>>, vector<16xi32>,
        %add3A = arith.constant 16 : i32
        %add3A_28 = arith.addi %mul3A_26, %add3A : i32
        %get3A_29 = arith.index_cast %add3A_28 : i32 to index
        %get3A_30 = tpu.vector_load %arg14[%get3A_29] {strides = array<i32>} : memref<5024xi32, #tpu.memory_space<vmem>>, vector<16xi32>,
        %gather3A = tpu.vector_load_idx %arg9[%get3A_27] : memref<5024xf32, #tpu.memory_space<vmem>>[vector<16xi32>], vector<16xf32>,
        %gather3A_31 = tpu.vector_load_idx %arg10[%get3A_27] : memref<5024xf32, #tpu.memory_space<vmem>>[vector<16xi32>], vector<16xf32>,
        %gather3A_32 = tpu.vector_load_idx %arg11[%get3A_27] : memref<5024xf32, #tpu.memory_space<vmem>>[vector<16xi32>], vector<16xf32>,
        %gather3A_33 = tpu.vector_load_idx %arg12[%get3A_27] : memref<5024xf32, #tpu.memory_space<vmem>>[vector<16xi32>], vector<16xf32>,
        %gather3A_34 = tpu.vector_load_idx %arg13[%get3A_27] : memref<5024xf32, #tpu.memory_space<vmem>>[vector<16xi32>], vector<16xf32>,
        %gather3A_35 = tpu.vector_load_idx %arg9[%get3A_30] : memref<5024xf32, #tpu.memory_space<vmem>>[vector<16xi32>], vector<16xf32>,
        %gather3A_36 = tpu.vector_load_idx %arg10[%get3A_30] : memref<5024xf32, #tpu.memory_space<vmem>>[vector<16xi32>], vector<16xf32>,
        %gather3A_37 = tpu.vector_load_idx %arg11[%get3A_30] : memref<5024xf32, #tpu.memory_space<vmem>>[vector<16xi32>], vector<16xf32>,
        %gather3A_38 = tpu.vector_load_idx %arg12[%get3A_30] : memref<5024xf32, #tpu.memory_space<vmem>>[vector<16xi32>], vector<16xf32>,
        %gather3A_39 = tpu.vector_load_idx %arg13[%get3A_30] : memref<5024xf32, #tpu.memory_space<vmem>>[vector<16xi32>], vector<16xf32>,
        %sub3A = arith.subf %gather3A_32, %gather3A : vector<16xf32>
        %sub3A_40 = arith.subf %gather3A_33, %gather3A_31 : vector<16xf32>
        %mul3A_41 = arith.mulf %sub3A, %sub3A_40 : vector<16xf32>
        %sub3A_42 = arith.subf %gather3A_37, %gather3A_35 : vector<16xf32>
        %sub3A_43 = arith.subf %gather3A_38, %gather3A_36 : vector<16xf32>
        %mul3A_44 = arith.mulf %sub3A_42, %sub3A_43 : vector<16xf32>
        %broadcast_in_dim3A_45 = arith.constant 0.000000e+00 : f32
        %broadcast_in_dim3A_46 = vector.broadcast %broadcast_in_dim3A_45 : f32 to vector<16xf32>
        %add3A_47 = arith.constant 1 : i32
        %add3A_48 = arith.addi %scan3A_22, %add3A_47 : i32
        %shift_right_arithmetic3A = arith.constant 1 : i32
        %shift_right_arithmetic3A_49 = arith.shrsi %add3A_48, %shift_right_arithmetic3A : i32
        %while3A = arith.constant 0 : i32
        %while3A_50 = arith.subi %shift_right_arithmetic3A_49, %while3A : i32
        %while3A_51 = arith.addi %while3A, %while3A_50 : i32
        %while3A_52 = arith.constant 1 : i32
        %while3A_53 = arith.divsi %while3A_50, %while3A_52 : i32
        %while3A_54 = arith.muli %while3A_53, %while3A_52 : i32
        %while3A_55 = arith.addi %while3A, %while3A_54 : i32
        %while3A_56 = arith.constant 1 : i32
        %while3A_57:2 = scf.for %while3A_2564 = %while3A to %while3A_55 step %while3A_56 iter_args(%while3A_2565 = %broadcast_in_dim3A_46, %while3A_2566 = %broadcast_in_dim3A_46) -> (vector<16xf32>, vector<16xf32>)  : i32 {
          %mul3A_2567 = arith.constant 32 : i32
          %mul3A_2568 = arith.muli %while3A_2564, %mul3A_2567 : i32
          %add3A_2569 = arith.constant 0 : i32
          %add3A_2570 = arith.addi %mul3A_2568, %add3A_2569 : i32
          %get3A_2571 = arith.index_cast %add3A_2570 : i32 to index
          %get3A_2572 = tpu.vector_load %arg15[%get3A_2571] {strides = array<i32>} : memref<5120xf32, #tpu.memory_space<vmem>>, vector<16xf32>,
          %get3A_2573 = arith.index_cast %add3A_2570 : i32 to index
          %get3A_2574 = tpu.vector_load %arg16[%get3A_2573] {strides = array<i32>} : memref<5120xf32, #tpu.memory_space<vmem>>, vector<16xf32>,
          %get3A_2575 = arith.index_cast %add3A_2570 : i32 to index
          %get3A_2576 = tpu.vector_load %arg17[%get3A_2575] {strides = array<i32>} : memref<5120xf32, #tpu.memory_space<vmem>>, vector<16xf32>,
          %get3A_2577 = arith.index_cast %add3A_2570 : i32 to index
          %get3A_2578 = tpu.vector_load %arg18[%get3A_2577] {strides = array<i32>} : memref<5120xf32, #tpu.memory_space<vmem>>, vector<16xf32>,
          %get3A_2579 = arith.index_cast %add3A_2570 : i32 to index
          %get3A_2580 = tpu.vector_load %arg19[%get3A_2579] {strides = array<i32>} : memref<5120xf32, #tpu.memory_space<vmem>>, vector<16xf32>,
          %max3A_2581 = arith.maximumf %get3A_2572, %gather3A : vector<16xf32>
          %max3A_2582 = arith.maximumf %get3A_2574, %gather3A_31 : vector<16xf32>
          %min3A_2583 = arith.minimumf %get3A_2576, %gather3A_32 : vector<16xf32>
          %min3A_2584 = arith.minimumf %get3A_2578, %gather3A_33 : vector<16xf32>
          %sub3A_2585 = arith.subf %min3A_2583, %max3A_2581 : vector<16xf32>
          %max3A_2586 = arith.constant 0.000000e+00 : f32
          %max3A_2587 = vector.broadcast %max3A_2586 : f32 to vector<16xf32>
          %max3A_2588 = arith.maximumf %sub3A_2585, %max3A_2587 : vector<16xf32>
          %sub3A_2589 = arith.subf %min3A_2584, %max3A_2582 : vector<16xf32>
          %max3A_2590 = arith.constant 0.000000e+00 : f32
          %max3A_2591 = vector.broadcast %max3A_2590 : f32 to vector<16xf32>
          %max3A_2592 = arith.maximumf %sub3A_2589, %max3A_2591 : vector<16xf32>
          %mul3A_2593 = arith.mulf %max3A_2588, %max3A_2592 : vector<16xf32>
          %add3A_2594 = arith.addf %get3A_2580, %mul3A_41 : vector<16xf32>
          %sub3A_2595 = arith.subf %add3A_2594, %mul3A_2593 : vector<16xf32>
          %div3A_2596 = arith.divf %mul3A_2593, %sub3A_2595 : vector<16xf32>
          %max3A_2597 = arith.maximumf %get3A_2572, %gather3A_35 : vector<16xf32>
          %max3A_2598 = arith.maximumf %get3A_2574, %gather3A_36 : vector<16xf32>
          %min3A_2599 = arith.minimumf %get3A_2576, %gather3A_37 : vector<16xf32>
          %min3A_2600 = arith.minimumf %get3A_2578, %gather3A_38 : vector<16xf32>
          %sub3A_2601 = arith.subf %min3A_2599, %max3A_2597 : vector<16xf32>
          %max3A_2602 = arith.constant 0.000000e+00 : f32
          %max3A_2603 = vector.broadcast %max3A_2602 : f32 to vector<16xf32>
          %max3A_2604 = arith.maximumf %sub3A_2601, %max3A_2603 : vector<16xf32>
          %sub3A_2605 = arith.subf %min3A_2600, %max3A_2598 : vector<16xf32>
          %max3A_2606 = arith.constant 0.000000e+00 : f32
          %max3A_2607 = vector.broadcast %max3A_2606 : f32 to vector<16xf32>
          %max3A_2608 = arith.maximumf %sub3A_2605, %max3A_2607 : vector<16xf32>
          %mul3A_2609 = arith.mulf %max3A_2604, %max3A_2608 : vector<16xf32>
          %add3A_2610 = arith.addf %get3A_2580, %mul3A_44 : vector<16xf32>
          %sub3A_2611 = arith.subf %add3A_2610, %mul3A_2609 : vector<16xf32>
          %div3A_2612 = arith.divf %mul3A_2609, %sub3A_2611 : vector<16xf32>
          %max3A_2613 = arith.maximumf %while3A_2565, %div3A_2596 : vector<16xf32>
          %max3A_2614 = arith.maximumf %while3A_2566, %div3A_2612 : vector<16xf32>
          %mul3A_2615 = arith.constant 32 : i32
          %mul3A_2616 = arith.muli %while3A_2564, %mul3A_2615 : i32
          %add3A_2617 = arith.constant 16 : i32
          %add3A_2618 = arith.addi %mul3A_2616, %add3A_2617 : i32
          %get3A_2619 = arith.index_cast %add3A_2618 : i32 to index
          %get3A_2620 = tpu.vector_load %arg15[%get3A_2619] {strides = array<i32>} : memref<5120xf32, #tpu.memory_space<vmem>>, vector<16xf32>,
          %get3A_2621 = arith.index_cast %add3A_2618 : i32 to index
          %get3A_2622 = tpu.vector_load %arg16[%get3A_2621] {strides = array<i32>} : memref<5120xf32, #tpu.memory_space<vmem>>, vector<16xf32>,
          %get3A_2623 = arith.index_cast %add3A_2618 : i32 to index
          %get3A_2624 = tpu.vector_load %arg17[%get3A_2623] {strides = array<i32>} : memref<5120xf32, #tpu.memory_space<vmem>>, vector<16xf32>,
          %get3A_2625 = arith.index_cast %add3A_2618 : i32 to index
          %get3A_2626 = tpu.vector_load %arg18[%get3A_2625] {strides = array<i32>} : memref<5120xf32, #tpu.memory_space<vmem>>, vector<16xf32>,
          %get3A_2627 = arith.index_cast %add3A_2618 : i32 to index
          %get3A_2628 = tpu.vector_load %arg19[%get3A_2627] {strides = array<i32>} : memref<5120xf32, #tpu.memory_space<vmem>>, vector<16xf32>,
          %max3A_2629 = arith.maximumf %get3A_2620, %gather3A : vector<16xf32>
          %max3A_2630 = arith.maximumf %get3A_2622, %gather3A_31 : vector<16xf32>
          %min3A_2631 = arith.minimumf %get3A_2624, %gather3A_32 : vector<16xf32>
          %min3A_2632 = arith.minimumf %get3A_2626, %gather3A_33 : vector<16xf32>
          %sub3A_2633 = arith.subf %min3A_2631, %max3A_2629 : vector<16xf32>
          %max3A_2634 = arith.constant 0.000000e+00 : f32
          %max3A_2635 = vector.broadcast %max3A_2634 : f32 to vector<16xf32>
          %max3A_2636 = arith.maximumf %sub3A_2633, %max3A_2635 : vector<16xf32>
          %sub3A_2637 = arith.subf %min3A_2632, %max3A_2630 : vector<16xf32>
          %max3A_2638 = arith.constant 0.000000e+00 : f32
          %max3A_2639 = vector.broadcast %max3A_2638 : f32 to vector<16xf32>
          %max3A_2640 = arith.maximumf %sub3A_2637, %max3A_2639 : vector<16xf32>
          %mul3A_2641 = arith.mulf %max3A_2636, %max3A_2640 : vector<16xf32>
          %add3A_2642 = arith.addf %get3A_2628, %mul3A_41 : vector<16xf32>
          %sub3A_2643 = arith.subf %add3A_2642, %mul3A_2641 : vector<16xf32>
          %div3A_2644 = arith.divf %mul3A_2641, %sub3A_2643 : vector<16xf32>
          %max3A_2645 = arith.maximumf %get3A_2620, %gather3A_35 : vector<16xf32>
          %max3A_2646 = arith.maximumf %get3A_2622, %gather3A_36 : vector<16xf32>
          %min3A_2647 = arith.minimumf %get3A_2624, %gather3A_37 : vector<16xf32>
          %min3A_2648 = arith.minimumf %get3A_2626, %gather3A_38 : vector<16xf32>
          %sub3A_2649 = arith.subf %min3A_2647, %max3A_2645 : vector<16xf32>
          %max3A_2650 = arith.constant 0.000000e+00 : f32
          %max3A_2651 = vector.broadcast %max3A_2650 : f32 to vector<16xf32>
          %max3A_2652 = arith.maximumf %sub3A_2649, %max3A_2651 : vector<16xf32>
          %sub3A_2653 = arith.subf %min3A_2648, %max3A_2646 : vector<16xf32>
          %max3A_2654 = arith.constant 0.000000e+00 : f32
          %max3A_2655 = vector.broadcast %max3A_2654 : f32 to vector<16xf32>
          %max3A_2656 = arith.maximumf %sub3A_2653, %max3A_2655 : vector<16xf32>
          %mul3A_2657 = arith.mulf %max3A_2652, %max3A_2656 : vector<16xf32>
          %add3A_2658 = arith.addf %get3A_2628, %mul3A_44 : vector<16xf32>
          %sub3A_2659 = arith.subf %add3A_2658, %mul3A_2657 : vector<16xf32>
          %div3A_2660 = arith.divf %mul3A_2657, %sub3A_2659 : vector<16xf32>
          %max3A_2661 = arith.maximumf %max3A_2613, %div3A_2644 : vector<16xf32>
          %max3A_2662 = arith.maximumf %max3A_2614, %div3A_2660 : vector<16xf32>
          scf.yield %max3A_2661, %max3A_2662 : vector<16xf32>, vector<16xf32>
        }
        %while3A_58 = arith.constant 1 : i32
        %while3A_59:2 = scf.for %while3A_2564 = %while3A_55 to %while3A_51 step %while3A_58 iter_args(%while3A_2565 = %while3A_57#0, %while3A_2566 = %while3A_57#1) -> (vector<16xf32>, vector<16xf32>)  : i32 {
          %mul3A_2567 = arith.constant 32 : i32
          %mul3A_2568 = arith.muli %while3A_2564, %mul3A_2567 : i32
          %add3A_2569 = arith.constant 0 : i32
          %add3A_2570 = arith.addi %mul3A_2568, %add3A_2569 : i32
          %get3A_2571 = arith.index_cast %add3A_2570 : i32 to index
          %get3A_2572 = tpu.vector_load %arg15[%get3A_2571] {strides = array<i32>} : memref<5120xf32, #tpu.memory_space<vmem>>, vector<16xf32>,
          %get3A_2573 = arith.index_cast %add3A_2570 : i32 to index
          %get3A_2574 = tpu.vector_load %arg16[%get3A_2573] {strides = array<i32>} : memref<5120xf32, #tpu.memory_space<vmem>>, vector<16xf32>,
          %get3A_2575 = arith.index_cast %add3A_2570 : i32 to index
          %get3A_2576 = tpu.vector_load %arg17[%get3A_2575] {strides = array<i32>} : memref<5120xf32, #tpu.memory_space<vmem>>, vector<16xf32>,
          %get3A_2577 = arith.index_cast %add3A_2570 : i32 to index
          %get3A_2578 = tpu.vector_load %arg18[%get3A_2577] {strides = array<i32>} : memref<5120xf32, #tpu.memory_space<vmem>>, vector<16xf32>,
          %get3A_2579 = arith.index_cast %add3A_2570 : i32 to index
          %get3A_2580 = tpu.vector_load %arg19[%get3A_2579] {strides = array<i32>} : memref<5120xf32, #tpu.memory_space<vmem>>, vector<16xf32>,
          %max3A_2581 = arith.maximumf %get3A_2572, %gather3A : vector<16xf32>
          %max3A_2582 = arith.maximumf %get3A_2574, %gather3A_31 : vector<16xf32>
          %min3A_2583 = arith.minimumf %get3A_2576, %gather3A_32 : vector<16xf32>
          %min3A_2584 = arith.minimumf %get3A_2578, %gather3A_33 : vector<16xf32>
          %sub3A_2585 = arith.subf %min3A_2583, %max3A_2581 : vector<16xf32>
          %max3A_2586 = arith.constant 0.000000e+00 : f32
          %max3A_2587 = vector.broadcast %max3A_2586 : f32 to vector<16xf32>
          %max3A_2588 = arith.maximumf %sub3A_2585, %max3A_2587 : vector<16xf32>
          %sub3A_2589 = arith.subf %min3A_2584, %max3A_2582 : vector<16xf32>
          %max3A_2590 = arith.constant 0.000000e+00 : f32
          %max3A_2591 = vector.broadcast %max3A_2590 : f32 to vector<16xf32>
          %max3A_2592 = arith.maximumf %sub3A_2589, %max3A_2591 : vector<16xf32>
          %mul3A_2593 = arith.mulf %max3A_2588, %max3A_2592 : vector<16xf32>
          %add3A_2594 = arith.addf %get3A_2580, %mul3A_41 : vector<16xf32>
          %sub3A_2595 = arith.subf %add3A_2594, %mul3A_2593 : vector<16xf32>
          %div3A_2596 = arith.divf %mul3A_2593, %sub3A_2595 : vector<16xf32>
          %max3A_2597 = arith.maximumf %get3A_2572, %gather3A_35 : vector<16xf32>
          %max3A_2598 = arith.maximumf %get3A_2574, %gather3A_36 : vector<16xf32>
          %min3A_2599 = arith.minimumf %get3A_2576, %gather3A_37 : vector<16xf32>
          %min3A_2600 = arith.minimumf %get3A_2578, %gather3A_38 : vector<16xf32>
          %sub3A_2601 = arith.subf %min3A_2599, %max3A_2597 : vector<16xf32>
          %max3A_2602 = arith.constant 0.000000e+00 : f32
          %max3A_2603 = vector.broadcast %max3A_2602 : f32 to vector<16xf32>
          %max3A_2604 = arith.maximumf %sub3A_2601, %max3A_2603 : vector<16xf32>
          %sub3A_2605 = arith.subf %min3A_2600, %max3A_2598 : vector<16xf32>
          %max3A_2606 = arith.constant 0.000000e+00 : f32
          %max3A_2607 = vector.broadcast %max3A_2606 : f32 to vector<16xf32>
          %max3A_2608 = arith.maximumf %sub3A_2605, %max3A_2607 : vector<16xf32>
          %mul3A_2609 = arith.mulf %max3A_2604, %max3A_2608 : vector<16xf32>
          %add3A_2610 = arith.addf %get3A_2580, %mul3A_44 : vector<16xf32>
          %sub3A_2611 = arith.subf %add3A_2610, %mul3A_2609 : vector<16xf32>
          %div3A_2612 = arith.divf %mul3A_2609, %sub3A_2611 : vector<16xf32>
          %max3A_2613 = arith.maximumf %while3A_2565, %div3A_2596 : vector<16xf32>
          %max3A_2614 = arith.maximumf %while3A_2566, %div3A_2612 : vector<16xf32>
          %mul3A_2615 = arith.constant 32 : i32
          %mul3A_2616 = arith.muli %while3A_2564, %mul3A_2615 : i32
          %add3A_2617 = arith.constant 16 : i32
          %add3A_2618 = arith.addi %mul3A_2616, %add3A_2617 : i32
          %get3A_2619 = arith.index_cast %add3A_2618 : i32 to index
          %get3A_2620 = tpu.vector_load %arg15[%get3A_2619] {strides = array<i32>} : memref<5120xf32, #tpu.memory_space<vmem>>, vector<16xf32>,
          %get3A_2621 = arith.index_cast %add3A_2618 : i32 to index
          %get3A_2622 = tpu.vector_load %arg16[%get3A_2621] {strides = array<i32>} : memref<5120xf32, #tpu.memory_space<vmem>>, vector<16xf32>,
          %get3A_2623 = arith.index_cast %add3A_2618 : i32 to index
          %get3A_2624 = tpu.vector_load %arg17[%get3A_2623] {strides = array<i32>} : memref<5120xf32, #tpu.memory_space<vmem>>, vector<16xf32>,
          %get3A_2625 = arith.index_cast %add3A_2618 : i32 to index
          %get3A_2626 = tpu.vector_load %arg18[%get3A_2625] {strides = array<i32>} : memref<5120xf32, #tpu.memory_space<vmem>>, vector<16xf32>,
          %get3A_2627 = arith.index_cast %add3A_2618 : i32 to index
          %get3A_2628 = tpu.vector_load %arg19[%get3A_2627] {strides = array<i32>} : memref<5120xf32, #tpu.memory_space<vmem>>, vector<16xf32>,
          %max3A_2629 = arith.maximumf %get3A_2620, %gather3A : vector<16xf32>
          %max3A_2630 = arith.maximumf %get3A_2622, %gather3A_31 : vector<16xf32>
          %min3A_2631 = arith.minimumf %get3A_2624, %gather3A_32 : vector<16xf32>
          %min3A_2632 = arith.minimumf %get3A_2626, %gather3A_33 : vector<16xf32>
          %sub3A_2633 = arith.subf %min3A_2631, %max3A_2629 : vector<16xf32>
          %max3A_2634 = arith.constant 0.000000e+00 : f32
          %max3A_2635 = vector.broadcast %max3A_2634 : f32 to vector<16xf32>
          %max3A_2636 = arith.maximumf %sub3A_2633, %max3A_2635 : vector<16xf32>
          %sub3A_2637 = arith.subf %min3A_2632, %max3A_2630 : vector<16xf32>
          %max3A_2638 = arith.constant 0.000000e+00 : f32
          %max3A_2639 = vector.broadcast %max3A_2638 : f32 to vector<16xf32>
          %max3A_2640 = arith.maximumf %sub3A_2637, %max3A_2639 : vector<16xf32>
          %mul3A_2641 = arith.mulf %max3A_2636, %max3A_2640 : vector<16xf32>
          %add3A_2642 = arith.addf %get3A_2628, %mul3A_41 : vector<16xf32>
          %sub3A_2643 = arith.subf %add3A_2642, %mul3A_2641 : vector<16xf32>
          %div3A_2644 = arith.divf %mul3A_2641, %sub3A_2643 : vector<16xf32>
          %max3A_2645 = arith.maximumf %get3A_2620, %gather3A_35 : vector<16xf32>
          %max3A_2646 = arith.maximumf %get3A_2622, %gather3A_36 : vector<16xf32>
          %min3A_2647 = arith.minimumf %get3A_2624, %gather3A_37 : vector<16xf32>
          %min3A_2648 = arith.minimumf %get3A_2626, %gather3A_38 : vector<16xf32>
          %sub3A_2649 = arith.subf %min3A_2647, %max3A_2645 : vector<16xf32>
          %max3A_2650 = arith.constant 0.000000e+00 : f32
          %max3A_2651 = vector.broadcast %max3A_2650 : f32 to vector<16xf32>
          %max3A_2652 = arith.maximumf %sub3A_2649, %max3A_2651 : vector<16xf32>
          %sub3A_2653 = arith.subf %min3A_2648, %max3A_2646 : vector<16xf32>
          %max3A_2654 = arith.constant 0.000000e+00 : f32
          %max3A_2655 = vector.broadcast %max3A_2654 : f32 to vector<16xf32>
          %max3A_2656 = arith.maximumf %sub3A_2653, %max3A_2655 : vector<16xf32>
          %mul3A_2657 = arith.mulf %max3A_2652, %max3A_2656 : vector<16xf32>
          %add3A_2658 = arith.addf %get3A_2628, %mul3A_44 : vector<16xf32>
          %sub3A_2659 = arith.subf %add3A_2658, %mul3A_2657 : vector<16xf32>
          %div3A_2660 = arith.divf %mul3A_2657, %sub3A_2659 : vector<16xf32>
          %max3A_2661 = arith.maximumf %max3A_2613, %div3A_2644 : vector<16xf32>
          %max3A_2662 = arith.maximumf %max3A_2614, %div3A_2660 : vector<16xf32>
          scf.yield %max3A_2661, %max3A_2662 : vector<16xf32>, vector<16xf32>
        }
        %and3A = arith.constant 1 : i32
        %and3A_60 = arith.andi %scan3A_21, %and3A : i32
        %swap3A = arith.constant 0 : index
        %swap3A_61 = tpu.vector_load %arg22[%swap3A] {strides = array<i32>} : memref<32xf32, #tpu.memory_space<vmem>>, vector<16xf32>,
        tpu.vector_store %arg22[%swap3A], %while3A_59#0 {strides = array<i32>} : memref<32xf32, #tpu.memory_space<vmem>>, vector<16xf32>,
        %swap3A_62 = arith.constant 16 : index
        %swap3A_63 = tpu.vector_load %arg22[%swap3A_62] {strides = array<i32>} : memref<32xf32, #tpu.memory_space<vmem>>, vector<16xf32>,
        tpu.vector_store %arg22[%swap3A_62], %while3A_59#1 {strides = array<i32>} : memref<32xf32, #tpu.memory_space<vmem>>, vector<16xf32>,
        %mul3A_64 = arith.constant 512 : i32
        %mul3A_65 = arith.muli %and3A_60, %mul3A_64 : i32
        %mul3A_66 = arith.constant 32 : i32
        %mul3A_67 = arith.muli %arg1, %mul3A_66 : i32
        %add3A_68 = arith.addi %mul3A_65, %mul3A_67 : i32
        "tpu.region"() ({
          %run_scoped3A = tpu.sem_alloc : memref<!tpu.dma_semaphore, #tpu.memory_space<semaphore_mem>>
          %dma_start3A = tpu.memref_slice %arg24[%add3A_68] : memref<1024xf32, #tpu.memory_space<vmem_shared>> -> memref<32xf32, #tpu.memory_space<vmem_shared>>
          %dma_start3A_2564 = tpu.memref_slice %arg24[%add3A_68] : memref<1024xf32, #tpu.memory_space<vmem_shared>> -> memref<32xf32, #tpu.memory_space<vmem_shared>>
          tpu.enqueue_dma source(%arg22 : memref<32xf32, #tpu.memory_space<vmem>>) target(%dma_start3A_2564 : memref<32xf32, #tpu.memory_space<vmem_shared>>) target_semaphore(%run_scoped3A : memref<!tpu.dma_semaphore, #tpu.memory_space<semaphore_mem>>)
          %dma_wait3A = tpu.memref_slice %arg24[%add3A_68] : memref<1024xf32, #tpu.memory_space<vmem_shared>> -> memref<32xf32, #tpu.memory_space<vmem_shared>>
          %dma_wait3A_2565 = tpu.memref_slice %arg24[%add3A_68] : memref<1024xf32, #tpu.memory_space<vmem_shared>> -> memref<32xf32, #tpu.memory_space<vmem_shared>>
          tpu.wait_dma2 semaphore(%run_scoped3A : memref<!tpu.dma_semaphore, #tpu.memory_space<semaphore_mem>>) src(%arg22 : memref<32xf32, #tpu.memory_space<vmem>>) dst(%dma_wait3A_2565 : memref<32xf32, #tpu.memory_space<vmem_shared>>)
          tpu.yield
        }) : () -> ()
        %barrier3A = arith.constant 0 : index
        tpu.barrier barrier_id(%barrier3A)
        %mul3A_69 = arith.constant 512 : i32
        %mul3A_70 = arith.muli %and3A_60, %mul3A_69 : i32
        "tpu.region"() ({
          %run_scoped3A = tpu.sem_alloc : memref<!tpu.dma_semaphore, #tpu.memory_space<semaphore_mem>>
          %dma_start3A = tpu.memref_slice %arg24[%mul3A_70] : memref<1024xf32, #tpu.memory_space<vmem_shared>> -> memref<512xf32, #tpu.memory_space<vmem_shared>>
          %dma_start3A_2564 = tpu.memref_slice %arg24[%mul3A_70] : memref<1024xf32, #tpu.memory_space<vmem_shared>> -> memref<512xf32, #tpu.memory_space<vmem_shared>>
          tpu.enqueue_dma source(%dma_start3A_2564 : memref<512xf32, #tpu.memory_space<vmem_shared>>) target(%arg23 : memref<512xf32, #tpu.memory_space<vmem>>) target_semaphore(%run_scoped3A : memref<!tpu.dma_semaphore, #tpu.memory_space<semaphore_mem>>)
          %dma_wait3A = tpu.memref_slice %arg24[%mul3A_70] : memref<1024xf32, #tpu.memory_space<vmem_shared>> -> memref<512xf32, #tpu.memory_space<vmem_shared>>
          %dma_wait3A_2565 = tpu.memref_slice %arg24[%mul3A_70] : memref<1024xf32, #tpu.memory_space<vmem_shared>> -> memref<512xf32, #tpu.memory_space<vmem_shared>>
          tpu.wait_dma2 semaphore(%run_scoped3A : memref<!tpu.dma_semaphore, #tpu.memory_space<semaphore_mem>>) src(%dma_wait3A_2565 : memref<512xf32, #tpu.memory_space<vmem_shared>>) dst(%arg23 : memref<512xf32, #tpu.memory_space<vmem>>)
          tpu.yield
        }) : () -> ()
        %get3A_71 = arith.constant 0 : index
        %get3A_72 = tpu.vector_load %arg23[%get3A_71] {strides = array<i32>} : memref<512xf32, #tpu.memory_space<vmem>>, vector<16xf32>,
        %get3A_73 = arith.constant 16 : index
        %get3A_74 = tpu.vector_load %arg23[%get3A_73] {strides = array<i32>} : memref<512xf32, #tpu.memory_space<vmem>>, vector<16xf32>,
        %get3A_75 = arith.constant 32 : index
        %get3A_76 = tpu.vector_load %arg23[%get3A_75] {strides = array<i32>} : memref<512xf32, #tpu.memory_space<vmem>>, vector<16xf32>,
        %max3A = arith.maximumf %get3A_72, %get3A_76 : vector<16xf32>
        %get3A_77 = arith.constant 48 : index
        %get3A_78 = tpu.vector_load %arg23[%get3A_77] {strides = array<i32>} : memref<512xf32, #tpu.memory_space<vmem>>, vector<16xf32>,
        %max3A_79 = arith.maximumf %get3A_74, %get3A_78 : vector<16xf32>
        %get3A_80 = arith.constant 64 : index
        %get3A_81 = tpu.vector_load %arg23[%get3A_80] {strides = array<i32>} : memref<512xf32, #tpu.memory_space<vmem>>, vector<16xf32>,
        %max3A_82 = arith.maximumf %max3A, %get3A_81 : vector<16xf32>
        %get3A_83 = arith.constant 80 : index
        %get3A_84 = tpu.vector_load %arg23[%get3A_83] {strides = array<i32>} : memref<512xf32, #tpu.memory_space<vmem>>, vector<16xf32>,
        %max3A_85 = arith.maximumf %max3A_79, %get3A_84 : vector<16xf32>
        %get3A_86 = arith.constant 96 : index
        %get3A_87 = tpu.vector_load %arg23[%get3A_86] {strides = array<i32>} : memref<512xf32, #tpu.memory_space<vmem>>, vector<16xf32>,
        %max3A_88 = arith.maximumf %max3A_82, %get3A_87 : vector<16xf32>
        %get3A_89 = arith.constant 112 : index
        %get3A_90 = tpu.vector_load %arg23[%get3A_89] {strides = array<i32>} : memref<512xf32, #tpu.memory_space<vmem>>, vector<16xf32>,
        %max3A_91 = arith.maximumf %max3A_85, %get3A_90 : vector<16xf32>
        %get3A_92 = arith.constant 128 : index
        %get3A_93 = tpu.vector_load %arg23[%get3A_92] {strides = array<i32>} : memref<512xf32, #tpu.memory_space<vmem>>, vector<16xf32>,
        %max3A_94 = arith.maximumf %max3A_88, %get3A_93 : vector<16xf32>
        %get3A_95 = arith.constant 144 : index
        %get3A_96 = tpu.vector_load %arg23[%get3A_95] {strides = array<i32>} : memref<512xf32, #tpu.memory_space<vmem>>, vector<16xf32>,
        %max3A_97 = arith.maximumf %max3A_91, %get3A_96 : vector<16xf32>
        %get3A_98 = arith.constant 160 : index
        %get3A_99 = tpu.vector_load %arg23[%get3A_98] {strides = array<i32>} : memref<512xf32, #tpu.memory_space<vmem>>, vector<16xf32>,
        %max3A_100 = arith.maximumf %max3A_94, %get3A_99 : vector<16xf32>
        %get3A_101 = arith.constant 176 : index
        %get3A_102 = tpu.vector_load %arg23[%get3A_101] {strides = array<i32>} : memref<512xf32, #tpu.memory_space<vmem>>, vector<16xf32>,
        %max3A_103 = arith.maximumf %max3A_97, %get3A_102 : vector<16xf32>
        %get3A_104 = arith.constant 192 : index
        %get3A_105 = tpu.vector_load %arg23[%get3A_104] {strides = array<i32>} : memref<512xf32, #tpu.memory_space<vmem>>, vector<16xf32>,
        %max3A_106 = arith.maximumf %max3A_100, %get3A_105 : vector<16xf32>
        %get3A_107 = arith.constant 208 : index
        %get3A_108 = tpu.vector_load %arg23[%get3A_107] {strides = array<i32>} : memref<512xf32, #tpu.memory_space<vmem>>, vector<16xf32>,
        %max3A_109 = arith.maximumf %max3A_103, %get3A_108 : vector<16xf32>
        %get3A_110 = arith.constant 224 : index
        %get3A_111 = tpu.vector_load %arg23[%get3A_110] {strides = array<i32>} : memref<512xf32, #tpu.memory_space<vmem>>, vector<16xf32>,
        %max3A_112 = arith.maximumf %max3A_106, %get3A_111 : vector<16xf32>
        %get3A_113 = arith.constant 240 : index
        %get3A_114 = tpu.vector_load %arg23[%get3A_113] {strides = array<i32>} : memref<512xf32, #tpu.memory_space<vmem>>, vector<16xf32>,
        %max3A_115 = arith.maximumf %max3A_109, %get3A_114 : vector<16xf32>
        %get3A_116 = arith.constant 256 : index
        %get3A_117 = tpu.vector_load %arg23[%get3A_116] {strides = array<i32>} : memref<512xf32, #tpu.memory_space<vmem>>, vector<16xf32>,
        %max3A_118 = arith.maximumf %max3A_112, %get3A_117 : vector<16xf32>
        %get3A_119 = arith.constant 272 : index
        %get3A_120 = tpu.vector_load %arg23[%get3A_119] {strides = array<i32>} : memref<512xf32, #tpu.memory_space<vmem>>, vector<16xf32>,
        %max3A_121 = arith.maximumf %max3A_115, %get3A_120 : vector<16xf32>
        %get3A_122 = arith.constant 288 : index
        %get3A_123 = tpu.vector_load %arg23[%get3A_122] {strides = array<i32>} : memref<512xf32, #tpu.memory_space<vmem>>, vector<16xf32>,
        %max3A_124 = arith.maximumf %max3A_118, %get3A_123 : vector<16xf32>
        %get3A_125 = arith.constant 304 : index
        %get3A_126 = tpu.vector_load %arg23[%get3A_125] {strides = array<i32>} : memref<512xf32, #tpu.memory_space<vmem>>, vector<16xf32>,
        %max3A_127 = arith.maximumf %max3A_121, %get3A_126 : vector<16xf32>
        %get3A_128 = arith.constant 320 : index
        %get3A_129 = tpu.vector_load %arg23[%get3A_128] {strides = array<i32>} : memref<512xf32, #tpu.memory_space<vmem>>, vector<16xf32>,
        %max3A_130 = arith.maximumf %max3A_124, %get3A_129 : vector<16xf32>
        %get3A_131 = arith.constant 336 : index
        %get3A_132 = tpu.vector_load %arg23[%get3A_131] {strides = array<i32>} : memref<512xf32, #tpu.memory_space<vmem>>, vector<16xf32>,
        %max3A_133 = arith.maximumf %max3A_127, %get3A_132 : vector<16xf32>
        %get3A_134 = arith.constant 352 : index
        %get3A_135 = tpu.vector_load %arg23[%get3A_134] {strides = array<i32>} : memref<512xf32, #tpu.memory_space<vmem>>, vector<16xf32>,
        %max3A_136 = arith.maximumf %max3A_130, %get3A_135 : vector<16xf32>
        %get3A_137 = arith.constant 368 : index
        %get3A_138 = tpu.vector_load %arg23[%get3A_137] {strides = array<i32>} : memref<512xf32, #tpu.memory_space<vmem>>, vector<16xf32>,
        %max3A_139 = arith.maximumf %max3A_133, %get3A_138 : vector<16xf32>
        %get3A_140 = arith.constant 384 : index
        %get3A_141 = tpu.vector_load %arg23[%get3A_140] {strides = array<i32>} : memref<512xf32, #tpu.memory_space<vmem>>, vector<16xf32>,
        %max3A_142 = arith.maximumf %max3A_136, %get3A_141 : vector<16xf32>
        %get3A_143 = arith.constant 400 : index
        %get3A_144 = tpu.vector_load %arg23[%get3A_143] {strides = array<i32>} : memref<512xf32, #tpu.memory_space<vmem>>, vector<16xf32>,
        %max3A_145 = arith.maximumf %max3A_139, %get3A_144 : vector<16xf32>
        %get3A_146 = arith.constant 416 : index
        %get3A_147 = tpu.vector_load %arg23[%get3A_146] {strides = array<i32>} : memref<512xf32, #tpu.memory_space<vmem>>, vector<16xf32>,
        %max3A_148 = arith.maximumf %max3A_142, %get3A_147 : vector<16xf32>
        %get3A_149 = arith.constant 432 : index
        %get3A_150 = tpu.vector_load %arg23[%get3A_149] {strides = array<i32>} : memref<512xf32, #tpu.memory_space<vmem>>, vector<16xf32>,
        %max3A_151 = arith.maximumf %max3A_145, %get3A_150 : vector<16xf32>
        %get3A_152 = arith.constant 448 : index
        %get3A_153 = tpu.vector_load %arg23[%get3A_152] {strides = array<i32>} : memref<512xf32, #tpu.memory_space<vmem>>, vector<16xf32>,
        %max3A_154 = arith.maximumf %max3A_148, %get3A_153 : vector<16xf32>
        %get3A_155 = arith.constant 464 : index
        %get3A_156 = tpu.vector_load %arg23[%get3A_155] {strides = array<i32>} : memref<512xf32, #tpu.memory_space<vmem>>, vector<16xf32>,
        %max3A_157 = arith.maximumf %max3A_151, %get3A_156 : vector<16xf32>
        %get3A_158 = arith.constant 480 : index
        %get3A_159 = tpu.vector_load %arg23[%get3A_158] {strides = array<i32>} : memref<512xf32, #tpu.memory_space<vmem>>, vector<16xf32>,
        %max3A_160 = arith.maximumf %max3A_154, %get3A_159 : vector<16xf32>
        %get3A_161 = arith.constant 496 : index
        %get3A_162 = tpu.vector_load %arg23[%get3A_161] {strides = array<i32>} : memref<512xf32, #tpu.memory_space<vmem>>, vector<16xf32>,
        %max3A_163 = arith.maximumf %max3A_157, %get3A_162 : vector<16xf32>
        %gt3A = arith.constant 5.000000e-02 : f32
        %gt3A_164 = vector.broadcast %gt3A : f32 to vector<16xf32>
        %gt3A_165 = arith.cmpf ogt, %gather3A_34, %gt3A_164 : vector<16xf32>
        %gt3A_166 = arith.constant 5.000000e-01 : f32
        %gt3A_167 = vector.broadcast %gt3A_166 : f32 to vector<16xf32>
        %gt3A_168 = arith.cmpf ogt, %max3A_160, %gt3A_167 : vector<16xf32>
        %not3A = arith.constant dense<true> : vector<16xi1>
        %not3A_169 = arith.xori %gt3A_168, %not3A : vector<16xi1>
        %and3A_170 = arith.andi %gt3A_165, %not3A_169 : vector<16xi1>
        %slice3A = vector.extract_strided_slice %gather3A {offsets = [0], sizes = [1], strides = [1]} : vector<16xf32> to vector<1xf32>
        %squeeze3A = vector.extract %slice3A[0] : f32 from vector<1xf32>
        %slice3A_171 = vector.extract_strided_slice %gather3A_31 {offsets = [0], sizes = [1], strides = [1]} : vector<16xf32> to vector<1xf32>
        %squeeze3A_172 = vector.extract %slice3A_171[0] : f32 from vector<1xf32>
        %slice3A_173 = vector.extract_strided_slice %gather3A_32 {offsets = [0], sizes = [1], strides = [1]} : vector<16xf32> to vector<1xf32>
        %squeeze3A_174 = vector.extract %slice3A_173[0] : f32 from vector<1xf32>
        %slice3A_175 = vector.extract_strided_slice %gather3A_33 {offsets = [0], sizes = [1], strides = [1]} : vector<16xf32> to vector<1xf32>
        %squeeze3A_176 = vector.extract %slice3A_175[0] : f32 from vector<1xf32>
        %slice3A_177 = vector.extract_strided_slice %mul3A_41 {offsets = [0], sizes = [1], strides = [1]} : vector<16xf32> to vector<1xf32>
        %squeeze3A_178 = vector.extract %slice3A_177[0] : f32 from vector<1xf32>
        %max3A_179 = vector.broadcast %squeeze3A : f32 to vector<16xf32>
        %max3A_180 = arith.maximumf %gather3A, %max3A_179 : vector<16xf32>
        %max3A_181 = vector.broadcast %squeeze3A_172 : f32 to vector<16xf32>
        %max3A_182 = arith.maximumf %gather3A_31, %max3A_181 : vector<16xf32>
        %min3A = vector.broadcast %squeeze3A_174 : f32 to vector<16xf32>
        %min3A_183 = arith.minimumf %gather3A_32, %min3A : vector<16xf32>
        %min3A_184 = vector.broadcast %squeeze3A_176 : f32 to vector<16xf32>
        %min3A_185 = arith.minimumf %gather3A_33, %min3A_184 : vector<16xf32>
        %sub3A_186 = arith.subf %min3A_183, %max3A_180 : vector<16xf32>
        %max3A_187 = arith.constant 0.000000e+00 : f32
        %max3A_188 = vector.broadcast %max3A_187 : f32 to vector<16xf32>
        %max3A_189 = arith.maximumf %sub3A_186, %max3A_188 : vector<16xf32>
        %sub3A_190 = arith.subf %min3A_185, %max3A_182 : vector<16xf32>
        %max3A_191 = arith.constant 0.000000e+00 : f32
        %max3A_192 = vector.broadcast %max3A_191 : f32 to vector<16xf32>
        %max3A_193 = arith.maximumf %sub3A_190, %max3A_192 : vector<16xf32>
        %mul3A_194 = arith.mulf %max3A_189, %max3A_193 : vector<16xf32>
        %add3A_195 = vector.broadcast %squeeze3A_178 : f32 to vector<16xf32>
        %add3A_196 = arith.addf %mul3A_41, %add3A_195 : vector<16xf32>
        %sub3A_197 = arith.subf %add3A_196, %mul3A_194 : vector<16xf32>
        %max3A_198 = arith.constant 9.99999971E-10 : f32
        %max3A_199 = vector.broadcast %max3A_198 : f32 to vector<16xf32>
        %max3A_200 = arith.maximumf %sub3A_197, %max3A_199 : vector<16xf32>
        %div3A = arith.divf %mul3A_194, %max3A_200 : vector<16xf32>
        %gt3A_201 = arith.constant 5.000000e-01 : f32
        %gt3A_202 = vector.broadcast %gt3A_201 : f32 to vector<16xf32>
        %gt3A_203 = arith.cmpf ogt, %div3A, %gt3A_202 : vector<16xf32>
        %lt3A = arith.constant 0 : i32
        %lt3A_204 = vector.broadcast %lt3A : i32 to vector<16xi32>
        %lt3A_205 = arith.cmpi slt, %iota3A, %lt3A_204 : vector<16xi32>
        %and3A_206 = arith.andi %gt3A_203, %lt3A_205 : vector<16xi1>
        %slice3A_207 = vector.extract_strided_slice %gather3A {offsets = [1], sizes = [1], strides = [1]} : vector<16xf32> to vector<1xf32>
        %squeeze3A_208 = vector.extract %slice3A_207[0] : f32 from vector<1xf32>
        %slice3A_209 = vector.extract_strided_slice %gather3A_31 {offsets = [1], sizes = [1], strides = [1]} : vector<16xf32> to vector<1xf32>
        %squeeze3A_210 = vector.extract %slice3A_209[0] : f32 from vector<1xf32>
        %slice3A_211 = vector.extract_strided_slice %gather3A_32 {offsets = [1], sizes = [1], strides = [1]} : vector<16xf32> to vector<1xf32>
        %squeeze3A_212 = vector.extract %slice3A_211[0] : f32 from vector<1xf32>
        %slice3A_213 = vector.extract_strided_slice %gather3A_33 {offsets = [1], sizes = [1], strides = [1]} : vector<16xf32> to vector<1xf32>
        %squeeze3A_214 = vector.extract %slice3A_213[0] : f32 from vector<1xf32>
        %slice3A_215 = vector.extract_strided_slice %mul3A_41 {offsets = [1], sizes = [1], strides = [1]} : vector<16xf32> to vector<1xf32>
        %squeeze3A_216 = vector.extract %slice3A_215[0] : f32 from vector<1xf32>
        %max3A_217 = vector.broadcast %squeeze3A_208 : f32 to vector<16xf32>
        %max3A_218 = arith.maximumf %gather3A, %max3A_217 : vector<16xf32>
        %max3A_219 = vector.broadcast %squeeze3A_210 : f32 to vector<16xf32>
        %max3A_220 = arith.maximumf %gather3A_31, %max3A_219 : vector<16xf32>
        %min3A_221 = vector.broadcast %squeeze3A_212 : f32 to vector<16xf32>
        %min3A_222 = arith.minimumf %gather3A_32, %min3A_221 : vector<16xf32>
        %min3A_223 = vector.broadcast %squeeze3A_214 : f32 to vector<16xf32>
        %min3A_224 = arith.minimumf %gather3A_33, %min3A_223 : vector<16xf32>
        %sub3A_225 = arith.subf %min3A_222, %max3A_218 : vector<16xf32>
        %max3A_226 = arith.constant 0.000000e+00 : f32
        %max3A_227 = vector.broadcast %max3A_226 : f32 to vector<16xf32>
        %max3A_228 = arith.maximumf %sub3A_225, %max3A_227 : vector<16xf32>
        %sub3A_229 = arith.subf %min3A_224, %max3A_220 : vector<16xf32>
        %max3A_230 = arith.constant 0.000000e+00 : f32
        %max3A_231 = vector.broadcast %max3A_230 : f32 to vector<16xf32>
        %max3A_232 = arith.maximumf %sub3A_229, %max3A_231 : vector<16xf32>
        %mul3A_233 = arith.mulf %max3A_228, %max3A_232 : vector<16xf32>
        %add3A_234 = vector.broadcast %squeeze3A_216 : f32 to vector<16xf32>
        %add3A_235 = arith.addf %mul3A_41, %add3A_234 : vector<16xf32>
        %sub3A_236 = arith.subf %add3A_235, %mul3A_233 : vector<16xf32>
        %max3A_237 = arith.constant 9.99999971E-10 : f32
        %max3A_238 = vector.broadcast %max3A_237 : f32 to vector<16xf32>
        %max3A_239 = arith.maximumf %sub3A_236, %max3A_238 : vector<16xf32>
        %div3A_240 = arith.divf %mul3A_233, %max3A_239 : vector<16xf32>
        %gt3A_241 = arith.constant 5.000000e-01 : f32
        %gt3A_242 = vector.broadcast %gt3A_241 : f32 to vector<16xf32>
        %gt3A_243 = arith.cmpf ogt, %div3A_240, %gt3A_242 : vector<16xf32>
        %lt3A_244 = arith.constant 1 : i32
        %lt3A_245 = vector.broadcast %lt3A_244 : i32 to vector<16xi32>
        %lt3A_246 = arith.cmpi slt, %iota3A, %lt3A_245 : vector<16xi32>
        %and3A_247 = arith.andi %gt3A_243, %lt3A_246 : vector<16xi1>
        %slice3A_248 = vector.extract_strided_slice %gather3A {offsets = [2], sizes = [1], strides = [1]} : vector<16xf32> to vector<1xf32>
        %squeeze3A_249 = vector.extract %slice3A_248[0] : f32 from vector<1xf32>
        %slice3A_250 = vector.extract_strided_slice %gather3A_31 {offsets = [2], sizes = [1], strides = [1]} : vector<16xf32> to vector<1xf32>
        %squeeze3A_251 = vector.extract %slice3A_250[0] : f32 from vector<1xf32>
        %slice3A_252 = vector.extract_strided_slice %gather3A_32 {offsets = [2], sizes = [1], strides = [1]} : vector<16xf32> to vector<1xf32>
        %squeeze3A_253 = vector.extract %slice3A_252[0] : f32 from vector<1xf32>
        %slice3A_254 = vector.extract_strided_slice %gather3A_33 {offsets = [2], sizes = [1], strides = [1]} : vector<16xf32> to vector<1xf32>
        %squeeze3A_255 = vector.extract %slice3A_254[0] : f32 from vector<1xf32>
        %slice3A_256 = vector.extract_strided_slice %mul3A_41 {offsets = [2], sizes = [1], strides = [1]} : vector<16xf32> to vector<1xf32>
        %squeeze3A_257 = vector.extract %slice3A_256[0] : f32 from vector<1xf32>
        %max3A_258 = vector.broadcast %squeeze3A_249 : f32 to vector<16xf32>
        %max3A_259 = arith.maximumf %gather3A, %max3A_258 : vector<16xf32>
        %max3A_260 = vector.broadcast %squeeze3A_251 : f32 to vector<16xf32>
        %max3A_261 = arith.maximumf %gather3A_31, %max3A_260 : vector<16xf32>
        %min3A_262 = vector.broadcast %squeeze3A_253 : f32 to vector<16xf32>
        %min3A_263 = arith.minimumf %gather3A_32, %min3A_262 : vector<16xf32>
        %min3A_264 = vector.broadcast %squeeze3A_255 : f32 to vector<16xf32>
        %min3A_265 = arith.minimumf %gather3A_33, %min3A_264 : vector<16xf32>
        %sub3A_266 = arith.subf %min3A_263, %max3A_259 : vector<16xf32>
        %max3A_267 = arith.constant 0.000000e+00 : f32
        %max3A_268 = vector.broadcast %max3A_267 : f32 to vector<16xf32>
        %max3A_269 = arith.maximumf %sub3A_266, %max3A_268 : vector<16xf32>
        %sub3A_270 = arith.subf %min3A_265, %max3A_261 : vector<16xf32>
        %max3A_271 = arith.constant 0.000000e+00 : f32
        %max3A_272 = vector.broadcast %max3A_271 : f32 to vector<16xf32>
        %max3A_273 = arith.maximumf %sub3A_270, %max3A_272 : vector<16xf32>
        %mul3A_274 = arith.mulf %max3A_269, %max3A_273 : vector<16xf32>
        %add3A_275 = vector.broadcast %squeeze3A_257 : f32 to vector<16xf32>
        %add3A_276 = arith.addf %mul3A_41, %add3A_275 : vector<16xf32>
        %sub3A_277 = arith.subf %add3A_276, %mul3A_274 : vector<16xf32>
        %max3A_278 = arith.constant 9.99999971E-10 : f32
        %max3A_279 = vector.broadcast %max3A_278 : f32 to vector<16xf32>
        %max3A_280 = arith.maximumf %sub3A_277, %max3A_279 : vector<16xf32>
        %div3A_281 = arith.divf %mul3A_274, %max3A_280 : vector<16xf32>
        %gt3A_282 = arith.constant 5.000000e-01 : f32
        %gt3A_283 = vector.broadcast %gt3A_282 : f32 to vector<16xf32>
        %gt3A_284 = arith.cmpf ogt, %div3A_281, %gt3A_283 : vector<16xf32>
        %lt3A_285 = arith.constant 2 : i32
        %lt3A_286 = vector.broadcast %lt3A_285 : i32 to vector<16xi32>
        %lt3A_287 = arith.cmpi slt, %iota3A, %lt3A_286 : vector<16xi32>
        %and3A_288 = arith.andi %gt3A_284, %lt3A_287 : vector<16xi1>
        %slice3A_289 = vector.extract_strided_slice %gather3A {offsets = [3], sizes = [1], strides = [1]} : vector<16xf32> to vector<1xf32>
        %squeeze3A_290 = vector.extract %slice3A_289[0] : f32 from vector<1xf32>
        %slice3A_291 = vector.extract_strided_slice %gather3A_31 {offsets = [3], sizes = [1], strides = [1]} : vector<16xf32> to vector<1xf32>
        %squeeze3A_292 = vector.extract %slice3A_291[0] : f32 from vector<1xf32>
        %slice3A_293 = vector.extract_strided_slice %gather3A_32 {offsets = [3], sizes = [1], strides = [1]} : vector<16xf32> to vector<1xf32>
        %squeeze3A_294 = vector.extract %slice3A_293[0] : f32 from vector<1xf32>
        %slice3A_295 = vector.extract_strided_slice %gather3A_33 {offsets = [3], sizes = [1], strides = [1]} : vector<16xf32> to vector<1xf32>
        %squeeze3A_296 = vector.extract %slice3A_295[0] : f32 from vector<1xf32>
        %slice3A_297 = vector.extract_strided_slice %mul3A_41 {offsets = [3], sizes = [1], strides = [1]} : vector<16xf32> to vector<1xf32>
        %squeeze3A_298 = vector.extract %slice3A_297[0] : f32 from vector<1xf32>
        %max3A_299 = vector.broadcast %squeeze3A_290 : f32 to vector<16xf32>
        %max3A_300 = arith.maximumf %gather3A, %max3A_299 : vector<16xf32>
        %max3A_301 = vector.broadcast %squeeze3A_292 : f32 to vector<16xf32>
        %max3A_302 = arith.maximumf %gather3A_31, %max3A_301 : vector<16xf32>
        %min3A_303 = vector.broadcast %squeeze3A_294 : f32 to vector<16xf32>
        %min3A_304 = arith.minimumf %gather3A_32, %min3A_303 : vector<16xf32>
        %min3A_305 = vector.broadcast %squeeze3A_296 : f32 to vector<16xf32>
        %min3A_306 = arith.minimumf %gather3A_33, %min3A_305 : vector<16xf32>
        %sub3A_307 = arith.subf %min3A_304, %max3A_300 : vector<16xf32>
        %max3A_308 = arith.constant 0.000000e+00 : f32
        %max3A_309 = vector.broadcast %max3A_308 : f32 to vector<16xf32>
        %max3A_310 = arith.maximumf %sub3A_307, %max3A_309 : vector<16xf32>
        %sub3A_311 = arith.subf %min3A_306, %max3A_302 : vector<16xf32>
        %max3A_312 = arith.constant 0.000000e+00 : f32
        %max3A_313 = vector.broadcast %max3A_312 : f32 to vector<16xf32>
        %max3A_314 = arith.maximumf %sub3A_311, %max3A_313 : vector<16xf32>
        %mul3A_315 = arith.mulf %max3A_310, %max3A_314 : vector<16xf32>
        %add3A_316 = vector.broadcast %squeeze3A_298 : f32 to vector<16xf32>
        %add3A_317 = arith.addf %mul3A_41, %add3A_316 : vector<16xf32>
        %sub3A_318 = arith.subf %add3A_317, %mul3A_315 : vector<16xf32>
        %max3A_319 = arith.constant 9.99999971E-10 : f32
        %max3A_320 = vector.broadcast %max3A_319 : f32 to vector<16xf32>
        %max3A_321 = arith.maximumf %sub3A_318, %max3A_320 : vector<16xf32>
        %div3A_322 = arith.divf %mul3A_315, %max3A_321 : vector<16xf32>
        %gt3A_323 = arith.constant 5.000000e-01 : f32
        %gt3A_324 = vector.broadcast %gt3A_323 : f32 to vector<16xf32>
        %gt3A_325 = arith.cmpf ogt, %div3A_322, %gt3A_324 : vector<16xf32>
        %lt3A_326 = arith.constant 3 : i32
        %lt3A_327 = vector.broadcast %lt3A_326 : i32 to vector<16xi32>
        %lt3A_328 = arith.cmpi slt, %iota3A, %lt3A_327 : vector<16xi32>
        %and3A_329 = arith.andi %gt3A_325, %lt3A_328 : vector<16xi1>
        %slice3A_330 = vector.extract_strided_slice %gather3A {offsets = [4], sizes = [1], strides = [1]} : vector<16xf32> to vector<1xf32>
        %squeeze3A_331 = vector.extract %slice3A_330[0] : f32 from vector<1xf32>
        %slice3A_332 = vector.extract_strided_slice %gather3A_31 {offsets = [4], sizes = [1], strides = [1]} : vector<16xf32> to vector<1xf32>
        %squeeze3A_333 = vector.extract %slice3A_332[0] : f32 from vector<1xf32>
        %slice3A_334 = vector.extract_strided_slice %gather3A_32 {offsets = [4], sizes = [1], strides = [1]} : vector<16xf32> to vector<1xf32>
        %squeeze3A_335 = vector.extract %slice3A_334[0] : f32 from vector<1xf32>
        %slice3A_336 = vector.extract_strided_slice %gather3A_33 {offsets = [4], sizes = [1], strides = [1]} : vector<16xf32> to vector<1xf32>
        %squeeze3A_337 = vector.extract %slice3A_336[0] : f32 from vector<1xf32>
        %slice3A_338 = vector.extract_strided_slice %mul3A_41 {offsets = [4], sizes = [1], strides = [1]} : vector<16xf32> to vector<1xf32>
        %squeeze3A_339 = vector.extract %slice3A_338[0] : f32 from vector<1xf32>
        %max3A_340 = vector.broadcast %squeeze3A_331 : f32 to vector<16xf32>
        %max3A_341 = arith.maximumf %gather3A, %max3A_340 : vector<16xf32>
        %max3A_342 = vector.broadcast %squeeze3A_333 : f32 to vector<16xf32>
        %max3A_343 = arith.maximumf %gather3A_31, %max3A_342 : vector<16xf32>
        %min3A_344 = vector.broadcast %squeeze3A_335 : f32 to vector<16xf32>
        %min3A_345 = arith.minimumf %gather3A_32, %min3A_344 : vector<16xf32>
        %min3A_346 = vector.broadcast %squeeze3A_337 : f32 to vector<16xf32>
        %min3A_347 = arith.minimumf %gather3A_33, %min3A_346 : vector<16xf32>
        %sub3A_348 = arith.subf %min3A_345, %max3A_341 : vector<16xf32>
        %max3A_349 = arith.constant 0.000000e+00 : f32
        %max3A_350 = vector.broadcast %max3A_349 : f32 to vector<16xf32>
        %max3A_351 = arith.maximumf %sub3A_348, %max3A_350 : vector<16xf32>
        %sub3A_352 = arith.subf %min3A_347, %max3A_343 : vector<16xf32>
        %max3A_353 = arith.constant 0.000000e+00 : f32
        %max3A_354 = vector.broadcast %max3A_353 : f32 to vector<16xf32>
        %max3A_355 = arith.maximumf %sub3A_352, %max3A_354 : vector<16xf32>
        %mul3A_356 = arith.mulf %max3A_351, %max3A_355 : vector<16xf32>
        %add3A_357 = vector.broadcast %squeeze3A_339 : f32 to vector<16xf32>
        %add3A_358 = arith.addf %mul3A_41, %add3A_357 : vector<16xf32>
        %sub3A_359 = arith.subf %add3A_358, %mul3A_356 : vector<16xf32>
        %max3A_360 = arith.constant 9.99999971E-10 : f32
        %max3A_361 = vector.broadcast %max3A_360 : f32 to vector<16xf32>
        %max3A_362 = arith.maximumf %sub3A_359, %max3A_361 : vector<16xf32>
        %div3A_363 = arith.divf %mul3A_356, %max3A_362 : vector<16xf32>
        %gt3A_364 = arith.constant 5.000000e-01 : f32
        %gt3A_365 = vector.broadcast %gt3A_364 : f32 to vector<16xf32>
        %gt3A_366 = arith.cmpf ogt, %div3A_363, %gt3A_365 : vector<16xf32>
        %lt3A_367 = arith.constant 4 : i32
        %lt3A_368 = vector.broadcast %lt3A_367 : i32 to vector<16xi32>
        %lt3A_369 = arith.cmpi slt, %iota3A, %lt3A_368 : vector<16xi32>
        %and3A_370 = arith.andi %gt3A_366, %lt3A_369 : vector<16xi1>
        %slice3A_371 = vector.extract_strided_slice %gather3A {offsets = [5], sizes = [1], strides = [1]} : vector<16xf32> to vector<1xf32>
        %squeeze3A_372 = vector.extract %slice3A_371[0] : f32 from vector<1xf32>
        %slice3A_373 = vector.extract_strided_slice %gather3A_31 {offsets = [5], sizes = [1], strides = [1]} : vector<16xf32> to vector<1xf32>
        %squeeze3A_374 = vector.extract %slice3A_373[0] : f32 from vector<1xf32>
        %slice3A_375 = vector.extract_strided_slice %gather3A_32 {offsets = [5], sizes = [1], strides = [1]} : vector<16xf32> to vector<1xf32>
        %squeeze3A_376 = vector.extract %slice3A_375[0] : f32 from vector<1xf32>
        %slice3A_377 = vector.extract_strided_slice %gather3A_33 {offsets = [5], sizes = [1], strides = [1]} : vector<16xf32> to vector<1xf32>
        %squeeze3A_378 = vector.extract %slice3A_377[0] : f32 from vector<1xf32>
        %slice3A_379 = vector.extract_strided_slice %mul3A_41 {offsets = [5], sizes = [1], strides = [1]} : vector<16xf32> to vector<1xf32>
        %squeeze3A_380 = vector.extract %slice3A_379[0] : f32 from vector<1xf32>
        %max3A_381 = vector.broadcast %squeeze3A_372 : f32 to vector<16xf32>
        %max3A_382 = arith.maximumf %gather3A, %max3A_381 : vector<16xf32>
        %max3A_383 = vector.broadcast %squeeze3A_374 : f32 to vector<16xf32>
        %max3A_384 = arith.maximumf %gather3A_31, %max3A_383 : vector<16xf32>
        %min3A_385 = vector.broadcast %squeeze3A_376 : f32 to vector<16xf32>
        %min3A_386 = arith.minimumf %gather3A_32, %min3A_385 : vector<16xf32>
        %min3A_387 = vector.broadcast %squeeze3A_378 : f32 to vector<16xf32>
        %min3A_388 = arith.minimumf %gather3A_33, %min3A_387 : vector<16xf32>
        %sub3A_389 = arith.subf %min3A_386, %max3A_382 : vector<16xf32>
        %max3A_390 = arith.constant 0.000000e+00 : f32
        %max3A_391 = vector.broadcast %max3A_390 : f32 to vector<16xf32>
        %max3A_392 = arith.maximumf %sub3A_389, %max3A_391 : vector<16xf32>
        %sub3A_393 = arith.subf %min3A_388, %max3A_384 : vector<16xf32>
        %max3A_394 = arith.constant 0.000000e+00 : f32
        %max3A_395 = vector.broadcast %max3A_394 : f32 to vector<16xf32>
        %max3A_396 = arith.maximumf %sub3A_393, %max3A_395 : vector<16xf32>
        %mul3A_397 = arith.mulf %max3A_392, %max3A_396 : vector<16xf32>
        %add3A_398 = vector.broadcast %squeeze3A_380 : f32 to vector<16xf32>
        %add3A_399 = arith.addf %mul3A_41, %add3A_398 : vector<16xf32>
        %sub3A_400 = arith.subf %add3A_399, %mul3A_397 : vector<16xf32>
        %max3A_401 = arith.constant 9.99999971E-10 : f32
        %max3A_402 = vector.broadcast %max3A_401 : f32 to vector<16xf32>
        %max3A_403 = arith.maximumf %sub3A_400, %max3A_402 : vector<16xf32>
        %div3A_404 = arith.divf %mul3A_397, %max3A_403 : vector<16xf32>
        %gt3A_405 = arith.constant 5.000000e-01 : f32
        %gt3A_406 = vector.broadcast %gt3A_405 : f32 to vector<16xf32>
        %gt3A_407 = arith.cmpf ogt, %div3A_404, %gt3A_406 : vector<16xf32>
        %lt3A_408 = arith.constant 5 : i32
        %lt3A_409 = vector.broadcast %lt3A_408 : i32 to vector<16xi32>
        %lt3A_410 = arith.cmpi slt, %iota3A, %lt3A_409 : vector<16xi32>
        %and3A_411 = arith.andi %gt3A_407, %lt3A_410 : vector<16xi1>
        %slice3A_412 = vector.extract_strided_slice %gather3A {offsets = [6], sizes = [1], strides = [1]} : vector<16xf32> to vector<1xf32>
        %squeeze3A_413 = vector.extract %slice3A_412[0] : f32 from vector<1xf32>
        %slice3A_414 = vector.extract_strided_slice %gather3A_31 {offsets = [6], sizes = [1], strides = [1]} : vector<16xf32> to vector<1xf32>
        %squeeze3A_415 = vector.extract %slice3A_414[0] : f32 from vector<1xf32>
        %slice3A_416 = vector.extract_strided_slice %gather3A_32 {offsets = [6], sizes = [1], strides = [1]} : vector<16xf32> to vector<1xf32>
        %squeeze3A_417 = vector.extract %slice3A_416[0] : f32 from vector<1xf32>
        %slice3A_418 = vector.extract_strided_slice %gather3A_33 {offsets = [6], sizes = [1], strides = [1]} : vector<16xf32> to vector<1xf32>
        %squeeze3A_419 = vector.extract %slice3A_418[0] : f32 from vector<1xf32>
        %slice3A_420 = vector.extract_strided_slice %mul3A_41 {offsets = [6], sizes = [1], strides = [1]} : vector<16xf32> to vector<1xf32>
        %squeeze3A_421 = vector.extract %slice3A_420[0] : f32 from vector<1xf32>
        %max3A_422 = vector.broadcast %squeeze3A_413 : f32 to vector<16xf32>
        %max3A_423 = arith.maximumf %gather3A, %max3A_422 : vector<16xf32>
        %max3A_424 = vector.broadcast %squeeze3A_415 : f32 to vector<16xf32>
        %max3A_425 = arith.maximumf %gather3A_31, %max3A_424 : vector<16xf32>
        %min3A_426 = vector.broadcast %squeeze3A_417 : f32 to vector<16xf32>
        %min3A_427 = arith.minimumf %gather3A_32, %min3A_426 : vector<16xf32>
        %min3A_428 = vector.broadcast %squeeze3A_419 : f32 to vector<16xf32>
        %min3A_429 = arith.minimumf %gather3A_33, %min3A_428 : vector<16xf32>
        %sub3A_430 = arith.subf %min3A_427, %max3A_423 : vector<16xf32>
        %max3A_431 = arith.constant 0.000000e+00 : f32
        %max3A_432 = vector.broadcast %max3A_431 : f32 to vector<16xf32>
        %max3A_433 = arith.maximumf %sub3A_430, %max3A_432 : vector<16xf32>
        %sub3A_434 = arith.subf %min3A_429, %max3A_425 : vector<16xf32>
        %max3A_435 = arith.constant 0.000000e+00 : f32
        %max3A_436 = vector.broadcast %max3A_435 : f32 to vector<16xf32>
        %max3A_437 = arith.maximumf %sub3A_434, %max3A_436 : vector<16xf32>
        %mul3A_438 = arith.mulf %max3A_433, %max3A_437 : vector<16xf32>
        %add3A_439 = vector.broadcast %squeeze3A_421 : f32 to vector<16xf32>
        %add3A_440 = arith.addf %mul3A_41, %add3A_439 : vector<16xf32>
        %sub3A_441 = arith.subf %add3A_440, %mul3A_438 : vector<16xf32>
        %max3A_442 = arith.constant 9.99999971E-10 : f32
        %max3A_443 = vector.broadcast %max3A_442 : f32 to vector<16xf32>
        %max3A_444 = arith.maximumf %sub3A_441, %max3A_443 : vector<16xf32>
        %div3A_445 = arith.divf %mul3A_438, %max3A_444 : vector<16xf32>
        %gt3A_446 = arith.constant 5.000000e-01 : f32
        %gt3A_447 = vector.broadcast %gt3A_446 : f32 to vector<16xf32>
        %gt3A_448 = arith.cmpf ogt, %div3A_445, %gt3A_447 : vector<16xf32>
        %lt3A_449 = arith.constant 6 : i32
        %lt3A_450 = vector.broadcast %lt3A_449 : i32 to vector<16xi32>
        %lt3A_451 = arith.cmpi slt, %iota3A, %lt3A_450 : vector<16xi32>
        %and3A_452 = arith.andi %gt3A_448, %lt3A_451 : vector<16xi1>
        %slice3A_453 = vector.extract_strided_slice %gather3A {offsets = [7], sizes = [1], strides = [1]} : vector<16xf32> to vector<1xf32>
        %squeeze3A_454 = vector.extract %slice3A_453[0] : f32 from vector<1xf32>
        %slice3A_455 = vector.extract_strided_slice %gather3A_31 {offsets = [7], sizes = [1], strides = [1]} : vector<16xf32> to vector<1xf32>
        %squeeze3A_456 = vector.extract %slice3A_455[0] : f32 from vector<1xf32>
        %slice3A_457 = vector.extract_strided_slice %gather3A_32 {offsets = [7], sizes = [1], strides = [1]} : vector<16xf32> to vector<1xf32>
        %squeeze3A_458 = vector.extract %slice3A_457[0] : f32 from vector<1xf32>
        %slice3A_459 = vector.extract_strided_slice %gather3A_33 {offsets = [7], sizes = [1], strides = [1]} : vector<16xf32> to vector<1xf32>
        %squeeze3A_460 = vector.extract %slice3A_459[0] : f32 from vector<1xf32>
        %slice3A_461 = vector.extract_strided_slice %mul3A_41 {offsets = [7], sizes = [1], strides = [1]} : vector<16xf32> to vector<1xf32>
        %squeeze3A_462 = vector.extract %slice3A_461[0] : f32 from vector<1xf32>
        %max3A_463 = vector.broadcast %squeeze3A_454 : f32 to vector<16xf32>
        %max3A_464 = arith.maximumf %gather3A, %max3A_463 : vector<16xf32>
        %max3A_465 = vector.broadcast %squeeze3A_456 : f32 to vector<16xf32>
        %max3A_466 = arith.maximumf %gather3A_31, %max3A_465 : vector<16xf32>
        %min3A_467 = vector.broadcast %squeeze3A_458 : f32 to vector<16xf32>
        %min3A_468 = arith.minimumf %gather3A_32, %min3A_467 : vector<16xf32>
        %min3A_469 = vector.broadcast %squeeze3A_460 : f32 to vector<16xf32>
        %min3A_470 = arith.minimumf %gather3A_33, %min3A_469 : vector<16xf32>
        %sub3A_471 = arith.subf %min3A_468, %max3A_464 : vector<16xf32>
        %max3A_472 = arith.constant 0.000000e+00 : f32
        %max3A_473 = vector.broadcast %max3A_472 : f32 to vector<16xf32>
        %max3A_474 = arith.maximumf %sub3A_471, %max3A_473 : vector<16xf32>
        %sub3A_475 = arith.subf %min3A_470, %max3A_466 : vector<16xf32>
        %max3A_476 = arith.constant 0.000000e+00 : f32
        %max3A_477 = vector.broadcast %max3A_476 : f32 to vector<16xf32>
        %max3A_478 = arith.maximumf %sub3A_475, %max3A_477 : vector<16xf32>
        %mul3A_479 = arith.mulf %max3A_474, %max3A_478 : vector<16xf32>
        %add3A_480 = vector.broadcast %squeeze3A_462 : f32 to vector<16xf32>
        %add3A_481 = arith.addf %mul3A_41, %add3A_480 : vector<16xf32>
        %sub3A_482 = arith.subf %add3A_481, %mul3A_479 : vector<16xf32>
        %max3A_483 = arith.constant 9.99999971E-10 : f32
        %max3A_484 = vector.broadcast %max3A_483 : f32 to vector<16xf32>
        %max3A_485 = arith.maximumf %sub3A_482, %max3A_484 : vector<16xf32>
        %div3A_486 = arith.divf %mul3A_479, %max3A_485 : vector<16xf32>
        %gt3A_487 = arith.constant 5.000000e-01 : f32
        %gt3A_488 = vector.broadcast %gt3A_487 : f32 to vector<16xf32>
        %gt3A_489 = arith.cmpf ogt, %div3A_486, %gt3A_488 : vector<16xf32>
        %lt3A_490 = arith.constant 7 : i32
        %lt3A_491 = vector.broadcast %lt3A_490 : i32 to vector<16xi32>
        %lt3A_492 = arith.cmpi slt, %iota3A, %lt3A_491 : vector<16xi32>
        %and3A_493 = arith.andi %gt3A_489, %lt3A_492 : vector<16xi1>
        %slice3A_494 = vector.extract_strided_slice %gather3A {offsets = [8], sizes = [1], strides = [1]} : vector<16xf32> to vector<1xf32>
        %squeeze3A_495 = vector.extract %slice3A_494[0] : f32 from vector<1xf32>
        %slice3A_496 = vector.extract_strided_slice %gather3A_31 {offsets = [8], sizes = [1], strides = [1]} : vector<16xf32> to vector<1xf32>
        %squeeze3A_497 = vector.extract %slice3A_496[0] : f32 from vector<1xf32>
        %slice3A_498 = vector.extract_strided_slice %gather3A_32 {offsets = [8], sizes = [1], strides = [1]} : vector<16xf32> to vector<1xf32>
        %squeeze3A_499 = vector.extract %slice3A_498[0] : f32 from vector<1xf32>
        %slice3A_500 = vector.extract_strided_slice %gather3A_33 {offsets = [8], sizes = [1], strides = [1]} : vector<16xf32> to vector<1xf32>
        %squeeze3A_501 = vector.extract %slice3A_500[0] : f32 from vector<1xf32>
        %slice3A_502 = vector.extract_strided_slice %mul3A_41 {offsets = [8], sizes = [1], strides = [1]} : vector<16xf32> to vector<1xf32>
        %squeeze3A_503 = vector.extract %slice3A_502[0] : f32 from vector<1xf32>
        %max3A_504 = vector.broadcast %squeeze3A_495 : f32 to vector<16xf32>
        %max3A_505 = arith.maximumf %gather3A, %max3A_504 : vector<16xf32>
        %max3A_506 = vector.broadcast %squeeze3A_497 : f32 to vector<16xf32>
        %max3A_507 = arith.maximumf %gather3A_31, %max3A_506 : vector<16xf32>
        %min3A_508 = vector.broadcast %squeeze3A_499 : f32 to vector<16xf32>
        %min3A_509 = arith.minimumf %gather3A_32, %min3A_508 : vector<16xf32>
        %min3A_510 = vector.broadcast %squeeze3A_501 : f32 to vector<16xf32>
        %min3A_511 = arith.minimumf %gather3A_33, %min3A_510 : vector<16xf32>
        %sub3A_512 = arith.subf %min3A_509, %max3A_505 : vector<16xf32>
        %max3A_513 = arith.constant 0.000000e+00 : f32
        %max3A_514 = vector.broadcast %max3A_513 : f32 to vector<16xf32>
        %max3A_515 = arith.maximumf %sub3A_512, %max3A_514 : vector<16xf32>
        %sub3A_516 = arith.subf %min3A_511, %max3A_507 : vector<16xf32>
        %max3A_517 = arith.constant 0.000000e+00 : f32
        %max3A_518 = vector.broadcast %max3A_517 : f32 to vector<16xf32>
        %max3A_519 = arith.maximumf %sub3A_516, %max3A_518 : vector<16xf32>
        %mul3A_520 = arith.mulf %max3A_515, %max3A_519 : vector<16xf32>
        %add3A_521 = vector.broadcast %squeeze3A_503 : f32 to vector<16xf32>
        %add3A_522 = arith.addf %mul3A_41, %add3A_521 : vector<16xf32>
        %sub3A_523 = arith.subf %add3A_522, %mul3A_520 : vector<16xf32>
        %max3A_524 = arith.constant 9.99999971E-10 : f32
        %max3A_525 = vector.broadcast %max3A_524 : f32 to vector<16xf32>
        %max3A_526 = arith.maximumf %sub3A_523, %max3A_525 : vector<16xf32>
        %div3A_527 = arith.divf %mul3A_520, %max3A_526 : vector<16xf32>
        %gt3A_528 = arith.constant 5.000000e-01 : f32
        %gt3A_529 = vector.broadcast %gt3A_528 : f32 to vector<16xf32>
        %gt3A_530 = arith.cmpf ogt, %div3A_527, %gt3A_529 : vector<16xf32>
        %lt3A_531 = arith.constant 8 : i32
        %lt3A_532 = vector.broadcast %lt3A_531 : i32 to vector<16xi32>
        %lt3A_533 = arith.cmpi slt, %iota3A, %lt3A_532 : vector<16xi32>
        %and3A_534 = arith.andi %gt3A_530, %lt3A_533 : vector<16xi1>
        %slice3A_535 = vector.extract_strided_slice %gather3A {offsets = [9], sizes = [1], strides = [1]} : vector<16xf32> to vector<1xf32>
        %squeeze3A_536 = vector.extract %slice3A_535[0] : f32 from vector<1xf32>
        %slice3A_537 = vector.extract_strided_slice %gather3A_31 {offsets = [9], sizes = [1], strides = [1]} : vector<16xf32> to vector<1xf32>
        %squeeze3A_538 = vector.extract %slice3A_537[0] : f32 from vector<1xf32>
        %slice3A_539 = vector.extract_strided_slice %gather3A_32 {offsets = [9], sizes = [1], strides = [1]} : vector<16xf32> to vector<1xf32>
        %squeeze3A_540 = vector.extract %slice3A_539[0] : f32 from vector<1xf32>
        %slice3A_541 = vector.extract_strided_slice %gather3A_33 {offsets = [9], sizes = [1], strides = [1]} : vector<16xf32> to vector<1xf32>
        %squeeze3A_542 = vector.extract %slice3A_541[0] : f32 from vector<1xf32>
        %slice3A_543 = vector.extract_strided_slice %mul3A_41 {offsets = [9], sizes = [1], strides = [1]} : vector<16xf32> to vector<1xf32>
        %squeeze3A_544 = vector.extract %slice3A_543[0] : f32 from vector<1xf32>
        %max3A_545 = vector.broadcast %squeeze3A_536 : f32 to vector<16xf32>
        %max3A_546 = arith.maximumf %gather3A, %max3A_545 : vector<16xf32>
        %max3A_547 = vector.broadcast %squeeze3A_538 : f32 to vector<16xf32>
        %max3A_548 = arith.maximumf %gather3A_31, %max3A_547 : vector<16xf32>
        %min3A_549 = vector.broadcast %squeeze3A_540 : f32 to vector<16xf32>
        %min3A_550 = arith.minimumf %gather3A_32, %min3A_549 : vector<16xf32>
        %min3A_551 = vector.broadcast %squeeze3A_542 : f32 to vector<16xf32>
        %min3A_552 = arith.minimumf %gather3A_33, %min3A_551 : vector<16xf32>
        %sub3A_553 = arith.subf %min3A_550, %max3A_546 : vector<16xf32>
        %max3A_554 = arith.constant 0.000000e+00 : f32
        %max3A_555 = vector.broadcast %max3A_554 : f32 to vector<16xf32>
        %max3A_556 = arith.maximumf %sub3A_553, %max3A_555 : vector<16xf32>
        %sub3A_557 = arith.subf %min3A_552, %max3A_548 : vector<16xf32>
        %max3A_558 = arith.constant 0.000000e+00 : f32
        %max3A_559 = vector.broadcast %max3A_558 : f32 to vector<16xf32>
        %max3A_560 = arith.maximumf %sub3A_557, %max3A_559 : vector<16xf32>
        %mul3A_561 = arith.mulf %max3A_556, %max3A_560 : vector<16xf32>
        %add3A_562 = vector.broadcast %squeeze3A_544 : f32 to vector<16xf32>
        %add3A_563 = arith.addf %mul3A_41, %add3A_562 : vector<16xf32>
        %sub3A_564 = arith.subf %add3A_563, %mul3A_561 : vector<16xf32>
        %max3A_565 = arith.constant 9.99999971E-10 : f32
        %max3A_566 = vector.broadcast %max3A_565 : f32 to vector<16xf32>
        %max3A_567 = arith.maximumf %sub3A_564, %max3A_566 : vector<16xf32>
        %div3A_568 = arith.divf %mul3A_561, %max3A_567 : vector<16xf32>
        %gt3A_569 = arith.constant 5.000000e-01 : f32
        %gt3A_570 = vector.broadcast %gt3A_569 : f32 to vector<16xf32>
        %gt3A_571 = arith.cmpf ogt, %div3A_568, %gt3A_570 : vector<16xf32>
        %lt3A_572 = arith.constant 9 : i32
        %lt3A_573 = vector.broadcast %lt3A_572 : i32 to vector<16xi32>
        %lt3A_574 = arith.cmpi slt, %iota3A, %lt3A_573 : vector<16xi32>
        %and3A_575 = arith.andi %gt3A_571, %lt3A_574 : vector<16xi1>
        %slice3A_576 = vector.extract_strided_slice %gather3A {offsets = [10], sizes = [1], strides = [1]} : vector<16xf32> to vector<1xf32>
        %squeeze3A_577 = vector.extract %slice3A_576[0] : f32 from vector<1xf32>
        %slice3A_578 = vector.extract_strided_slice %gather3A_31 {offsets = [10], sizes = [1], strides = [1]} : vector<16xf32> to vector<1xf32>
        %squeeze3A_579 = vector.extract %slice3A_578[0] : f32 from vector<1xf32>
        %slice3A_580 = vector.extract_strided_slice %gather3A_32 {offsets = [10], sizes = [1], strides = [1]} : vector<16xf32> to vector<1xf32>
        %squeeze3A_581 = vector.extract %slice3A_580[0] : f32 from vector<1xf32>
        %slice3A_582 = vector.extract_strided_slice %gather3A_33 {offsets = [10], sizes = [1], strides = [1]} : vector<16xf32> to vector<1xf32>
        %squeeze3A_583 = vector.extract %slice3A_582[0] : f32 from vector<1xf32>
        %slice3A_584 = vector.extract_strided_slice %mul3A_41 {offsets = [10], sizes = [1], strides = [1]} : vector<16xf32> to vector<1xf32>
        %squeeze3A_585 = vector.extract %slice3A_584[0] : f32 from vector<1xf32>
        %max3A_586 = vector.broadcast %squeeze3A_577 : f32 to vector<16xf32>
        %max3A_587 = arith.maximumf %gather3A, %max3A_586 : vector<16xf32>
        %max3A_588 = vector.broadcast %squeeze3A_579 : f32 to vector<16xf32>
        %max3A_589 = arith.maximumf %gather3A_31, %max3A_588 : vector<16xf32>
        %min3A_590 = vector.broadcast %squeeze3A_581 : f32 to vector<16xf32>
        %min3A_591 = arith.minimumf %gather3A_32, %min3A_590 : vector<16xf32>
        %min3A_592 = vector.broadcast %squeeze3A_583 : f32 to vector<16xf32>
        %min3A_593 = arith.minimumf %gather3A_33, %min3A_592 : vector<16xf32>
        %sub3A_594 = arith.subf %min3A_591, %max3A_587 : vector<16xf32>
        %max3A_595 = arith.constant 0.000000e+00 : f32
        %max3A_596 = vector.broadcast %max3A_595 : f32 to vector<16xf32>
        %max3A_597 = arith.maximumf %sub3A_594, %max3A_596 : vector<16xf32>
        %sub3A_598 = arith.subf %min3A_593, %max3A_589 : vector<16xf32>
        %max3A_599 = arith.constant 0.000000e+00 : f32
        %max3A_600 = vector.broadcast %max3A_599 : f32 to vector<16xf32>
        %max3A_601 = arith.maximumf %sub3A_598, %max3A_600 : vector<16xf32>
        %mul3A_602 = arith.mulf %max3A_597, %max3A_601 : vector<16xf32>
        %add3A_603 = vector.broadcast %squeeze3A_585 : f32 to vector<16xf32>
        %add3A_604 = arith.addf %mul3A_41, %add3A_603 : vector<16xf32>
        %sub3A_605 = arith.subf %add3A_604, %mul3A_602 : vector<16xf32>
        %max3A_606 = arith.constant 9.99999971E-10 : f32
        %max3A_607 = vector.broadcast %max3A_606 : f32 to vector<16xf32>
        %max3A_608 = arith.maximumf %sub3A_605, %max3A_607 : vector<16xf32>
        %div3A_609 = arith.divf %mul3A_602, %max3A_608 : vector<16xf32>
        %gt3A_610 = arith.constant 5.000000e-01 : f32
        %gt3A_611 = vector.broadcast %gt3A_610 : f32 to vector<16xf32>
        %gt3A_612 = arith.cmpf ogt, %div3A_609, %gt3A_611 : vector<16xf32>
        %lt3A_613 = arith.constant 10 : i32
        %lt3A_614 = vector.broadcast %lt3A_613 : i32 to vector<16xi32>
        %lt3A_615 = arith.cmpi slt, %iota3A, %lt3A_614 : vector<16xi32>
        %and3A_616 = arith.andi %gt3A_612, %lt3A_615 : vector<16xi1>
        %slice3A_617 = vector.extract_strided_slice %gather3A {offsets = [11], sizes = [1], strides = [1]} : vector<16xf32> to vector<1xf32>
        %squeeze3A_618 = vector.extract %slice3A_617[0] : f32 from vector<1xf32>
        %slice3A_619 = vector.extract_strided_slice %gather3A_31 {offsets = [11], sizes = [1], strides = [1]} : vector<16xf32> to vector<1xf32>
        %squeeze3A_620 = vector.extract %slice3A_619[0] : f32 from vector<1xf32>
        %slice3A_621 = vector.extract_strided_slice %gather3A_32 {offsets = [11], sizes = [1], strides = [1]} : vector<16xf32> to vector<1xf32>
        %squeeze3A_622 = vector.extract %slice3A_621[0] : f32 from vector<1xf32>
        %slice3A_623 = vector.extract_strided_slice %gather3A_33 {offsets = [11], sizes = [1], strides = [1]} : vector<16xf32> to vector<1xf32>
        %squeeze3A_624 = vector.extract %slice3A_623[0] : f32 from vector<1xf32>
        %slice3A_625 = vector.extract_strided_slice %mul3A_41 {offsets = [11], sizes = [1], strides = [1]} : vector<16xf32> to vector<1xf32>
        %squeeze3A_626 = vector.extract %slice3A_625[0] : f32 from vector<1xf32>
        %max3A_627 = vector.broadcast %squeeze3A_618 : f32 to vector<16xf32>
        %max3A_628 = arith.maximumf %gather3A, %max3A_627 : vector<16xf32>
        %max3A_629 = vector.broadcast %squeeze3A_620 : f32 to vector<16xf32>
        %max3A_630 = arith.maximumf %gather3A_31, %max3A_629 : vector<16xf32>
        %min3A_631 = vector.broadcast %squeeze3A_622 : f32 to vector<16xf32>
        %min3A_632 = arith.minimumf %gather3A_32, %min3A_631 : vector<16xf32>
        %min3A_633 = vector.broadcast %squeeze3A_624 : f32 to vector<16xf32>
        %min3A_634 = arith.minimumf %gather3A_33, %min3A_633 : vector<16xf32>
        %sub3A_635 = arith.subf %min3A_632, %max3A_628 : vector<16xf32>
        %max3A_636 = arith.constant 0.000000e+00 : f32
        %max3A_637 = vector.broadcast %max3A_636 : f32 to vector<16xf32>
        %max3A_638 = arith.maximumf %sub3A_635, %max3A_637 : vector<16xf32>
        %sub3A_639 = arith.subf %min3A_634, %max3A_630 : vector<16xf32>
        %max3A_640 = arith.constant 0.000000e+00 : f32
        %max3A_641 = vector.broadcast %max3A_640 : f32 to vector<16xf32>
        %max3A_642 = arith.maximumf %sub3A_639, %max3A_641 : vector<16xf32>
        %mul3A_643 = arith.mulf %max3A_638, %max3A_642 : vector<16xf32>
        %add3A_644 = vector.broadcast %squeeze3A_626 : f32 to vector<16xf32>
        %add3A_645 = arith.addf %mul3A_41, %add3A_644 : vector<16xf32>
        %sub3A_646 = arith.subf %add3A_645, %mul3A_643 : vector<16xf32>
        %max3A_647 = arith.constant 9.99999971E-10 : f32
        %max3A_648 = vector.broadcast %max3A_647 : f32 to vector<16xf32>
        %max3A_649 = arith.maximumf %sub3A_646, %max3A_648 : vector<16xf32>
        %div3A_650 = arith.divf %mul3A_643, %max3A_649 : vector<16xf32>
        %gt3A_651 = arith.constant 5.000000e-01 : f32
        %gt3A_652 = vector.broadcast %gt3A_651 : f32 to vector<16xf32>
        %gt3A_653 = arith.cmpf ogt, %div3A_650, %gt3A_652 : vector<16xf32>
        %lt3A_654 = arith.constant 11 : i32
        %lt3A_655 = vector.broadcast %lt3A_654 : i32 to vector<16xi32>
        %lt3A_656 = arith.cmpi slt, %iota3A, %lt3A_655 : vector<16xi32>
        %and3A_657 = arith.andi %gt3A_653, %lt3A_656 : vector<16xi1>
        %slice3A_658 = vector.extract_strided_slice %gather3A {offsets = [12], sizes = [1], strides = [1]} : vector<16xf32> to vector<1xf32>
        %squeeze3A_659 = vector.extract %slice3A_658[0] : f32 from vector<1xf32>
        %slice3A_660 = vector.extract_strided_slice %gather3A_31 {offsets = [12], sizes = [1], strides = [1]} : vector<16xf32> to vector<1xf32>
        %squeeze3A_661 = vector.extract %slice3A_660[0] : f32 from vector<1xf32>
        %slice3A_662 = vector.extract_strided_slice %gather3A_32 {offsets = [12], sizes = [1], strides = [1]} : vector<16xf32> to vector<1xf32>
        %squeeze3A_663 = vector.extract %slice3A_662[0] : f32 from vector<1xf32>
        %slice3A_664 = vector.extract_strided_slice %gather3A_33 {offsets = [12], sizes = [1], strides = [1]} : vector<16xf32> to vector<1xf32>
        %squeeze3A_665 = vector.extract %slice3A_664[0] : f32 from vector<1xf32>
        %slice3A_666 = vector.extract_strided_slice %mul3A_41 {offsets = [12], sizes = [1], strides = [1]} : vector<16xf32> to vector<1xf32>
        %squeeze3A_667 = vector.extract %slice3A_666[0] : f32 from vector<1xf32>
        %max3A_668 = vector.broadcast %squeeze3A_659 : f32 to vector<16xf32>
        %max3A_669 = arith.maximumf %gather3A, %max3A_668 : vector<16xf32>
        %max3A_670 = vector.broadcast %squeeze3A_661 : f32 to vector<16xf32>
        %max3A_671 = arith.maximumf %gather3A_31, %max3A_670 : vector<16xf32>
        %min3A_672 = vector.broadcast %squeeze3A_663 : f32 to vector<16xf32>
        %min3A_673 = arith.minimumf %gather3A_32, %min3A_672 : vector<16xf32>
        %min3A_674 = vector.broadcast %squeeze3A_665 : f32 to vector<16xf32>
        %min3A_675 = arith.minimumf %gather3A_33, %min3A_674 : vector<16xf32>
        %sub3A_676 = arith.subf %min3A_673, %max3A_669 : vector<16xf32>
        %max3A_677 = arith.constant 0.000000e+00 : f32
        %max3A_678 = vector.broadcast %max3A_677 : f32 to vector<16xf32>
        %max3A_679 = arith.maximumf %sub3A_676, %max3A_678 : vector<16xf32>
        %sub3A_680 = arith.subf %min3A_675, %max3A_671 : vector<16xf32>
        %max3A_681 = arith.constant 0.000000e+00 : f32
        %max3A_682 = vector.broadcast %max3A_681 : f32 to vector<16xf32>
        %max3A_683 = arith.maximumf %sub3A_680, %max3A_682 : vector<16xf32>
        %mul3A_684 = arith.mulf %max3A_679, %max3A_683 : vector<16xf32>
        %add3A_685 = vector.broadcast %squeeze3A_667 : f32 to vector<16xf32>
        %add3A_686 = arith.addf %mul3A_41, %add3A_685 : vector<16xf32>
        %sub3A_687 = arith.subf %add3A_686, %mul3A_684 : vector<16xf32>
        %max3A_688 = arith.constant 9.99999971E-10 : f32
        %max3A_689 = vector.broadcast %max3A_688 : f32 to vector<16xf32>
        %max3A_690 = arith.maximumf %sub3A_687, %max3A_689 : vector<16xf32>
        %div3A_691 = arith.divf %mul3A_684, %max3A_690 : vector<16xf32>
        %gt3A_692 = arith.constant 5.000000e-01 : f32
        %gt3A_693 = vector.broadcast %gt3A_692 : f32 to vector<16xf32>
        %gt3A_694 = arith.cmpf ogt, %div3A_691, %gt3A_693 : vector<16xf32>
        %lt3A_695 = arith.constant 12 : i32
        %lt3A_696 = vector.broadcast %lt3A_695 : i32 to vector<16xi32>
        %lt3A_697 = arith.cmpi slt, %iota3A, %lt3A_696 : vector<16xi32>
        %and3A_698 = arith.andi %gt3A_694, %lt3A_697 : vector<16xi1>
        %slice3A_699 = vector.extract_strided_slice %gather3A {offsets = [13], sizes = [1], strides = [1]} : vector<16xf32> to vector<1xf32>
        %squeeze3A_700 = vector.extract %slice3A_699[0] : f32 from vector<1xf32>
        %slice3A_701 = vector.extract_strided_slice %gather3A_31 {offsets = [13], sizes = [1], strides = [1]} : vector<16xf32> to vector<1xf32>
        %squeeze3A_702 = vector.extract %slice3A_701[0] : f32 from vector<1xf32>
        %slice3A_703 = vector.extract_strided_slice %gather3A_32 {offsets = [13], sizes = [1], strides = [1]} : vector<16xf32> to vector<1xf32>
        %squeeze3A_704 = vector.extract %slice3A_703[0] : f32 from vector<1xf32>
        %slice3A_705 = vector.extract_strided_slice %gather3A_33 {offsets = [13], sizes = [1], strides = [1]} : vector<16xf32> to vector<1xf32>
        %squeeze3A_706 = vector.extract %slice3A_705[0] : f32 from vector<1xf32>
        %slice3A_707 = vector.extract_strided_slice %mul3A_41 {offsets = [13], sizes = [1], strides = [1]} : vector<16xf32> to vector<1xf32>
        %squeeze3A_708 = vector.extract %slice3A_707[0] : f32 from vector<1xf32>
        %max3A_709 = vector.broadcast %squeeze3A_700 : f32 to vector<16xf32>
        %max3A_710 = arith.maximumf %gather3A, %max3A_709 : vector<16xf32>
        %max3A_711 = vector.broadcast %squeeze3A_702 : f32 to vector<16xf32>
        %max3A_712 = arith.maximumf %gather3A_31, %max3A_711 : vector<16xf32>
        %min3A_713 = vector.broadcast %squeeze3A_704 : f32 to vector<16xf32>
        %min3A_714 = arith.minimumf %gather3A_32, %min3A_713 : vector<16xf32>
        %min3A_715 = vector.broadcast %squeeze3A_706 : f32 to vector<16xf32>
        %min3A_716 = arith.minimumf %gather3A_33, %min3A_715 : vector<16xf32>
        %sub3A_717 = arith.subf %min3A_714, %max3A_710 : vector<16xf32>
        %max3A_718 = arith.constant 0.000000e+00 : f32
        %max3A_719 = vector.broadcast %max3A_718 : f32 to vector<16xf32>
        %max3A_720 = arith.maximumf %sub3A_717, %max3A_719 : vector<16xf32>
        %sub3A_721 = arith.subf %min3A_716, %max3A_712 : vector<16xf32>
        %max3A_722 = arith.constant 0.000000e+00 : f32
        %max3A_723 = vector.broadcast %max3A_722 : f32 to vector<16xf32>
        %max3A_724 = arith.maximumf %sub3A_721, %max3A_723 : vector<16xf32>
        %mul3A_725 = arith.mulf %max3A_720, %max3A_724 : vector<16xf32>
        %add3A_726 = vector.broadcast %squeeze3A_708 : f32 to vector<16xf32>
        %add3A_727 = arith.addf %mul3A_41, %add3A_726 : vector<16xf32>
        %sub3A_728 = arith.subf %add3A_727, %mul3A_725 : vector<16xf32>
        %max3A_729 = arith.constant 9.99999971E-10 : f32
        %max3A_730 = vector.broadcast %max3A_729 : f32 to vector<16xf32>
        %max3A_731 = arith.maximumf %sub3A_728, %max3A_730 : vector<16xf32>
        %div3A_732 = arith.divf %mul3A_725, %max3A_731 : vector<16xf32>
        %gt3A_733 = arith.constant 5.000000e-01 : f32
        %gt3A_734 = vector.broadcast %gt3A_733 : f32 to vector<16xf32>
        %gt3A_735 = arith.cmpf ogt, %div3A_732, %gt3A_734 : vector<16xf32>
        %lt3A_736 = arith.constant 13 : i32
        %lt3A_737 = vector.broadcast %lt3A_736 : i32 to vector<16xi32>
        %lt3A_738 = arith.cmpi slt, %iota3A, %lt3A_737 : vector<16xi32>
        %and3A_739 = arith.andi %gt3A_735, %lt3A_738 : vector<16xi1>
        %slice3A_740 = vector.extract_strided_slice %gather3A {offsets = [14], sizes = [1], strides = [1]} : vector<16xf32> to vector<1xf32>
        %squeeze3A_741 = vector.extract %slice3A_740[0] : f32 from vector<1xf32>
        %slice3A_742 = vector.extract_strided_slice %gather3A_31 {offsets = [14], sizes = [1], strides = [1]} : vector<16xf32> to vector<1xf32>
        %squeeze3A_743 = vector.extract %slice3A_742[0] : f32 from vector<1xf32>
        %slice3A_744 = vector.extract_strided_slice %gather3A_32 {offsets = [14], sizes = [1], strides = [1]} : vector<16xf32> to vector<1xf32>
        %squeeze3A_745 = vector.extract %slice3A_744[0] : f32 from vector<1xf32>
        %slice3A_746 = vector.extract_strided_slice %gather3A_33 {offsets = [14], sizes = [1], strides = [1]} : vector<16xf32> to vector<1xf32>
        %squeeze3A_747 = vector.extract %slice3A_746[0] : f32 from vector<1xf32>
        %slice3A_748 = vector.extract_strided_slice %mul3A_41 {offsets = [14], sizes = [1], strides = [1]} : vector<16xf32> to vector<1xf32>
        %squeeze3A_749 = vector.extract %slice3A_748[0] : f32 from vector<1xf32>
        %max3A_750 = vector.broadcast %squeeze3A_741 : f32 to vector<16xf32>
        %max3A_751 = arith.maximumf %gather3A, %max3A_750 : vector<16xf32>
        %max3A_752 = vector.broadcast %squeeze3A_743 : f32 to vector<16xf32>
        %max3A_753 = arith.maximumf %gather3A_31, %max3A_752 : vector<16xf32>
        %min3A_754 = vector.broadcast %squeeze3A_745 : f32 to vector<16xf32>
        %min3A_755 = arith.minimumf %gather3A_32, %min3A_754 : vector<16xf32>
        %min3A_756 = vector.broadcast %squeeze3A_747 : f32 to vector<16xf32>
        %min3A_757 = arith.minimumf %gather3A_33, %min3A_756 : vector<16xf32>
        %sub3A_758 = arith.subf %min3A_755, %max3A_751 : vector<16xf32>
        %max3A_759 = arith.constant 0.000000e+00 : f32
        %max3A_760 = vector.broadcast %max3A_759 : f32 to vector<16xf32>
        %max3A_761 = arith.maximumf %sub3A_758, %max3A_760 : vector<16xf32>
        %sub3A_762 = arith.subf %min3A_757, %max3A_753 : vector<16xf32>
        %max3A_763 = arith.constant 0.000000e+00 : f32
        %max3A_764 = vector.broadcast %max3A_763 : f32 to vector<16xf32>
        %max3A_765 = arith.maximumf %sub3A_762, %max3A_764 : vector<16xf32>
        %mul3A_766 = arith.mulf %max3A_761, %max3A_765 : vector<16xf32>
        %add3A_767 = vector.broadcast %squeeze3A_749 : f32 to vector<16xf32>
        %add3A_768 = arith.addf %mul3A_41, %add3A_767 : vector<16xf32>
        %sub3A_769 = arith.subf %add3A_768, %mul3A_766 : vector<16xf32>
        %max3A_770 = arith.constant 9.99999971E-10 : f32
        %max3A_771 = vector.broadcast %max3A_770 : f32 to vector<16xf32>
        %max3A_772 = arith.maximumf %sub3A_769, %max3A_771 : vector<16xf32>
        %div3A_773 = arith.divf %mul3A_766, %max3A_772 : vector<16xf32>
        %gt3A_774 = arith.constant 5.000000e-01 : f32
        %gt3A_775 = vector.broadcast %gt3A_774 : f32 to vector<16xf32>
        %gt3A_776 = arith.cmpf ogt, %div3A_773, %gt3A_775 : vector<16xf32>
        %lt3A_777 = arith.constant 14 : i32
        %lt3A_778 = vector.broadcast %lt3A_777 : i32 to vector<16xi32>
        %lt3A_779 = arith.cmpi slt, %iota3A, %lt3A_778 : vector<16xi32>
        %and3A_780 = arith.andi %gt3A_776, %lt3A_779 : vector<16xi1>
        %slice3A_781 = vector.extract_strided_slice %gather3A {offsets = [15], sizes = [1], strides = [1]} : vector<16xf32> to vector<1xf32>
        %squeeze3A_782 = vector.extract %slice3A_781[0] : f32 from vector<1xf32>
        %slice3A_783 = vector.extract_strided_slice %gather3A_31 {offsets = [15], sizes = [1], strides = [1]} : vector<16xf32> to vector<1xf32>
        %squeeze3A_784 = vector.extract %slice3A_783[0] : f32 from vector<1xf32>
        %slice3A_785 = vector.extract_strided_slice %gather3A_32 {offsets = [15], sizes = [1], strides = [1]} : vector<16xf32> to vector<1xf32>
        %squeeze3A_786 = vector.extract %slice3A_785[0] : f32 from vector<1xf32>
        %slice3A_787 = vector.extract_strided_slice %gather3A_33 {offsets = [15], sizes = [1], strides = [1]} : vector<16xf32> to vector<1xf32>
        %squeeze3A_788 = vector.extract %slice3A_787[0] : f32 from vector<1xf32>
        %slice3A_789 = vector.extract_strided_slice %mul3A_41 {offsets = [15], sizes = [1], strides = [1]} : vector<16xf32> to vector<1xf32>
        %squeeze3A_790 = vector.extract %slice3A_789[0] : f32 from vector<1xf32>
        %max3A_791 = vector.broadcast %squeeze3A_782 : f32 to vector<16xf32>
        %max3A_792 = arith.maximumf %gather3A, %max3A_791 : vector<16xf32>
        %max3A_793 = vector.broadcast %squeeze3A_784 : f32 to vector<16xf32>
        %max3A_794 = arith.maximumf %gather3A_31, %max3A_793 : vector<16xf32>
        %min3A_795 = vector.broadcast %squeeze3A_786 : f32 to vector<16xf32>
        %min3A_796 = arith.minimumf %gather3A_32, %min3A_795 : vector<16xf32>
        %min3A_797 = vector.broadcast %squeeze3A_788 : f32 to vector<16xf32>
        %min3A_798 = arith.minimumf %gather3A_33, %min3A_797 : vector<16xf32>
        %sub3A_799 = arith.subf %min3A_796, %max3A_792 : vector<16xf32>
        %max3A_800 = arith.constant 0.000000e+00 : f32
        %max3A_801 = vector.broadcast %max3A_800 : f32 to vector<16xf32>
        %max3A_802 = arith.maximumf %sub3A_799, %max3A_801 : vector<16xf32>
        %sub3A_803 = arith.subf %min3A_798, %max3A_794 : vector<16xf32>
        %max3A_804 = arith.constant 0.000000e+00 : f32
        %max3A_805 = vector.broadcast %max3A_804 : f32 to vector<16xf32>
        %max3A_806 = arith.maximumf %sub3A_803, %max3A_805 : vector<16xf32>
        %mul3A_807 = arith.mulf %max3A_802, %max3A_806 : vector<16xf32>
        %add3A_808 = vector.broadcast %squeeze3A_790 : f32 to vector<16xf32>
        %add3A_809 = arith.addf %mul3A_41, %add3A_808 : vector<16xf32>
        %sub3A_810 = arith.subf %add3A_809, %mul3A_807 : vector<16xf32>
        %max3A_811 = arith.constant 9.99999971E-10 : f32
        %max3A_812 = vector.broadcast %max3A_811 : f32 to vector<16xf32>
        %max3A_813 = arith.maximumf %sub3A_810, %max3A_812 : vector<16xf32>
        %div3A_814 = arith.divf %mul3A_807, %max3A_813 : vector<16xf32>
        %gt3A_815 = arith.constant 5.000000e-01 : f32
        %gt3A_816 = vector.broadcast %gt3A_815 : f32 to vector<16xf32>
        %gt3A_817 = arith.cmpf ogt, %div3A_814, %gt3A_816 : vector<16xf32>
        %lt3A_818 = arith.constant 15 : i32
        %lt3A_819 = vector.broadcast %lt3A_818 : i32 to vector<16xi32>
        %lt3A_820 = arith.cmpi slt, %iota3A, %lt3A_819 : vector<16xi32>
        %and3A_821 = arith.andi %gt3A_817, %lt3A_820 : vector<16xi1>
        %broadcast_in_dim3A_822 = arith.constant false
        %broadcast_in_dim3A_823 = vector.broadcast %broadcast_in_dim3A_822 : i1 to vector<16xi1>
        %and3A_824 = arith.andi %and3A_206, %broadcast_in_dim3A_823 : vector<16xi1>
        %all_reduce_population_count3A = tpu.all_reduce %and3A_824 {dim = 0 : i64, kind = #tpu.reduction_kind<sum>} : vector<16xi1> -> vector<16xi32>
        %eq3A_825 = arith.constant 0 : i32
        %eq3A_826 = vector.broadcast %eq3A_825 : i32 to vector<16xi32>
        %eq3A_827 = arith.cmpi eq, %all_reduce_population_count3A, %eq3A_826 : vector<16xi32>
        %and3A_828 = arith.andi %eq3A_827, %and3A_170 : vector<16xi1>
        %eq3A_829 = arith.constant 0 : i32
        %eq3A_830 = vector.broadcast %eq3A_829 : i32 to vector<16xi32>
        %eq3A_831 = arith.cmpi eq, %iota3A, %eq3A_830 : vector<16xi32>
        %and3A_832 = arith.andi %and3A_828, %eq3A_831 : vector<16xi1>
        %or3A = arith.ori %broadcast_in_dim3A_823, %and3A_832 : vector<16xi1>
        %and3A_833 = arith.andi %and3A_247, %or3A : vector<16xi1>
        %all_reduce_population_count3A_834 = tpu.all_reduce %and3A_833 {dim = 0 : i64, kind = #tpu.reduction_kind<sum>} : vector<16xi1> -> vector<16xi32>
        %eq3A_835 = arith.constant 0 : i32
        %eq3A_836 = vector.broadcast %eq3A_835 : i32 to vector<16xi32>
        %eq3A_837 = arith.cmpi eq, %all_reduce_population_count3A_834, %eq3A_836 : vector<16xi32>
        %and3A_838 = arith.andi %eq3A_837, %and3A_170 : vector<16xi1>
        %eq3A_839 = arith.constant 1 : i32
        %eq3A_840 = vector.broadcast %eq3A_839 : i32 to vector<16xi32>
        %eq3A_841 = arith.cmpi eq, %iota3A, %eq3A_840 : vector<16xi32>
        %and3A_842 = arith.andi %and3A_838, %eq3A_841 : vector<16xi1>
        %or3A_843 = arith.ori %or3A, %and3A_842 : vector<16xi1>
        %and3A_844 = arith.andi %and3A_288, %or3A_843 : vector<16xi1>
        %all_reduce_population_count3A_845 = tpu.all_reduce %and3A_844 {dim = 0 : i64, kind = #tpu.reduction_kind<sum>} : vector<16xi1> -> vector<16xi32>
        %eq3A_846 = arith.constant 0 : i32
        %eq3A_847 = vector.broadcast %eq3A_846 : i32 to vector<16xi32>
        %eq3A_848 = arith.cmpi eq, %all_reduce_population_count3A_845, %eq3A_847 : vector<16xi32>
        %and3A_849 = arith.andi %eq3A_848, %and3A_170 : vector<16xi1>
        %eq3A_850 = arith.constant 2 : i32
        %eq3A_851 = vector.broadcast %eq3A_850 : i32 to vector<16xi32>
        %eq3A_852 = arith.cmpi eq, %iota3A, %eq3A_851 : vector<16xi32>
        %and3A_853 = arith.andi %and3A_849, %eq3A_852 : vector<16xi1>
        %or3A_854 = arith.ori %or3A_843, %and3A_853 : vector<16xi1>
        %and3A_855 = arith.andi %and3A_329, %or3A_854 : vector<16xi1>
        %all_reduce_population_count3A_856 = tpu.all_reduce %and3A_855 {dim = 0 : i64, kind = #tpu.reduction_kind<sum>} : vector<16xi1> -> vector<16xi32>
        %eq3A_857 = arith.constant 0 : i32
        %eq3A_858 = vector.broadcast %eq3A_857 : i32 to vector<16xi32>
        %eq3A_859 = arith.cmpi eq, %all_reduce_population_count3A_856, %eq3A_858 : vector<16xi32>
        %and3A_860 = arith.andi %eq3A_859, %and3A_170 : vector<16xi1>
        %eq3A_861 = arith.constant 3 : i32
        %eq3A_862 = vector.broadcast %eq3A_861 : i32 to vector<16xi32>
        %eq3A_863 = arith.cmpi eq, %iota3A, %eq3A_862 : vector<16xi32>
        %and3A_864 = arith.andi %and3A_860, %eq3A_863 : vector<16xi1>
        %or3A_865 = arith.ori %or3A_854, %and3A_864 : vector<16xi1>
        %and3A_866 = arith.andi %and3A_370, %or3A_865 : vector<16xi1>
        %all_reduce_population_count3A_867 = tpu.all_reduce %and3A_866 {dim = 0 : i64, kind = #tpu.reduction_kind<sum>} : vector<16xi1> -> vector<16xi32>
        %eq3A_868 = arith.constant 0 : i32
        %eq3A_869 = vector.broadcast %eq3A_868 : i32 to vector<16xi32>
        %eq3A_870 = arith.cmpi eq, %all_reduce_population_count3A_867, %eq3A_869 : vector<16xi32>
        %and3A_871 = arith.andi %eq3A_870, %and3A_170 : vector<16xi1>
        %eq3A_872 = arith.constant 4 : i32
        %eq3A_873 = vector.broadcast %eq3A_872 : i32 to vector<16xi32>
        %eq3A_874 = arith.cmpi eq, %iota3A, %eq3A_873 : vector<16xi32>
        %and3A_875 = arith.andi %and3A_871, %eq3A_874 : vector<16xi1>
        %or3A_876 = arith.ori %or3A_865, %and3A_875 : vector<16xi1>
        %and3A_877 = arith.andi %and3A_411, %or3A_876 : vector<16xi1>
        %all_reduce_population_count3A_878 = tpu.all_reduce %and3A_877 {dim = 0 : i64, kind = #tpu.reduction_kind<sum>} : vector<16xi1> -> vector<16xi32>
        %eq3A_879 = arith.constant 0 : i32
        %eq3A_880 = vector.broadcast %eq3A_879 : i32 to vector<16xi32>
        %eq3A_881 = arith.cmpi eq, %all_reduce_population_count3A_878, %eq3A_880 : vector<16xi32>
        %and3A_882 = arith.andi %eq3A_881, %and3A_170 : vector<16xi1>
        %eq3A_883 = arith.constant 5 : i32
        %eq3A_884 = vector.broadcast %eq3A_883 : i32 to vector<16xi32>
        %eq3A_885 = arith.cmpi eq, %iota3A, %eq3A_884 : vector<16xi32>
        %and3A_886 = arith.andi %and3A_882, %eq3A_885 : vector<16xi1>
        %or3A_887 = arith.ori %or3A_876, %and3A_886 : vector<16xi1>
        %and3A_888 = arith.andi %and3A_452, %or3A_887 : vector<16xi1>
        %all_reduce_population_count3A_889 = tpu.all_reduce %and3A_888 {dim = 0 : i64, kind = #tpu.reduction_kind<sum>} : vector<16xi1> -> vector<16xi32>
        %eq3A_890 = arith.constant 0 : i32
        %eq3A_891 = vector.broadcast %eq3A_890 : i32 to vector<16xi32>
        %eq3A_892 = arith.cmpi eq, %all_reduce_population_count3A_889, %eq3A_891 : vector<16xi32>
        %and3A_893 = arith.andi %eq3A_892, %and3A_170 : vector<16xi1>
        %eq3A_894 = arith.constant 6 : i32
        %eq3A_895 = vector.broadcast %eq3A_894 : i32 to vector<16xi32>
        %eq3A_896 = arith.cmpi eq, %iota3A, %eq3A_895 : vector<16xi32>
        %and3A_897 = arith.andi %and3A_893, %eq3A_896 : vector<16xi1>
        %or3A_898 = arith.ori %or3A_887, %and3A_897 : vector<16xi1>
        %and3A_899 = arith.andi %and3A_493, %or3A_898 : vector<16xi1>
        %all_reduce_population_count3A_900 = tpu.all_reduce %and3A_899 {dim = 0 : i64, kind = #tpu.reduction_kind<sum>} : vector<16xi1> -> vector<16xi32>
        %eq3A_901 = arith.constant 0 : i32
        %eq3A_902 = vector.broadcast %eq3A_901 : i32 to vector<16xi32>
        %eq3A_903 = arith.cmpi eq, %all_reduce_population_count3A_900, %eq3A_902 : vector<16xi32>
        %and3A_904 = arith.andi %eq3A_903, %and3A_170 : vector<16xi1>
        %eq3A_905 = arith.constant 7 : i32
        %eq3A_906 = vector.broadcast %eq3A_905 : i32 to vector<16xi32>
        %eq3A_907 = arith.cmpi eq, %iota3A, %eq3A_906 : vector<16xi32>
        %and3A_908 = arith.andi %and3A_904, %eq3A_907 : vector<16xi1>
        %or3A_909 = arith.ori %or3A_898, %and3A_908 : vector<16xi1>
        %and3A_910 = arith.andi %and3A_534, %or3A_909 : vector<16xi1>
        %all_reduce_population_count3A_911 = tpu.all_reduce %and3A_910 {dim = 0 : i64, kind = #tpu.reduction_kind<sum>} : vector<16xi1> -> vector<16xi32>
        %eq3A_912 = arith.constant 0 : i32
        %eq3A_913 = vector.broadcast %eq3A_912 : i32 to vector<16xi32>
        %eq3A_914 = arith.cmpi eq, %all_reduce_population_count3A_911, %eq3A_913 : vector<16xi32>
        %and3A_915 = arith.andi %eq3A_914, %and3A_170 : vector<16xi1>
        %eq3A_916 = arith.constant 8 : i32
        %eq3A_917 = vector.broadcast %eq3A_916 : i32 to vector<16xi32>
        %eq3A_918 = arith.cmpi eq, %iota3A, %eq3A_917 : vector<16xi32>
        %and3A_919 = arith.andi %and3A_915, %eq3A_918 : vector<16xi1>
        %or3A_920 = arith.ori %or3A_909, %and3A_919 : vector<16xi1>
        %and3A_921 = arith.andi %and3A_575, %or3A_920 : vector<16xi1>
        %all_reduce_population_count3A_922 = tpu.all_reduce %and3A_921 {dim = 0 : i64, kind = #tpu.reduction_kind<sum>} : vector<16xi1> -> vector<16xi32>
        %eq3A_923 = arith.constant 0 : i32
        %eq3A_924 = vector.broadcast %eq3A_923 : i32 to vector<16xi32>
        %eq3A_925 = arith.cmpi eq, %all_reduce_population_count3A_922, %eq3A_924 : vector<16xi32>
        %and3A_926 = arith.andi %eq3A_925, %and3A_170 : vector<16xi1>
        %eq3A_927 = arith.constant 9 : i32
        %eq3A_928 = vector.broadcast %eq3A_927 : i32 to vector<16xi32>
        %eq3A_929 = arith.cmpi eq, %iota3A, %eq3A_928 : vector<16xi32>
        %and3A_930 = arith.andi %and3A_926, %eq3A_929 : vector<16xi1>
        %or3A_931 = arith.ori %or3A_920, %and3A_930 : vector<16xi1>
        %and3A_932 = arith.andi %and3A_616, %or3A_931 : vector<16xi1>
        %all_reduce_population_count3A_933 = tpu.all_reduce %and3A_932 {dim = 0 : i64, kind = #tpu.reduction_kind<sum>} : vector<16xi1> -> vector<16xi32>
        %eq3A_934 = arith.constant 0 : i32
        %eq3A_935 = vector.broadcast %eq3A_934 : i32 to vector<16xi32>
        %eq3A_936 = arith.cmpi eq, %all_reduce_population_count3A_933, %eq3A_935 : vector<16xi32>
        %and3A_937 = arith.andi %eq3A_936, %and3A_170 : vector<16xi1>
        %eq3A_938 = arith.constant 10 : i32
        %eq3A_939 = vector.broadcast %eq3A_938 : i32 to vector<16xi32>
        %eq3A_940 = arith.cmpi eq, %iota3A, %eq3A_939 : vector<16xi32>
        %and3A_941 = arith.andi %and3A_937, %eq3A_940 : vector<16xi1>
        %or3A_942 = arith.ori %or3A_931, %and3A_941 : vector<16xi1>
        %and3A_943 = arith.andi %and3A_657, %or3A_942 : vector<16xi1>
        %all_reduce_population_count3A_944 = tpu.all_reduce %and3A_943 {dim = 0 : i64, kind = #tpu.reduction_kind<sum>} : vector<16xi1> -> vector<16xi32>
        %eq3A_945 = arith.constant 0 : i32
        %eq3A_946 = vector.broadcast %eq3A_945 : i32 to vector<16xi32>
        %eq3A_947 = arith.cmpi eq, %all_reduce_population_count3A_944, %eq3A_946 : vector<16xi32>
        %and3A_948 = arith.andi %eq3A_947, %and3A_170 : vector<16xi1>
        %eq3A_949 = arith.constant 11 : i32
        %eq3A_950 = vector.broadcast %eq3A_949 : i32 to vector<16xi32>
        %eq3A_951 = arith.cmpi eq, %iota3A, %eq3A_950 : vector<16xi32>
        %and3A_952 = arith.andi %and3A_948, %eq3A_951 : vector<16xi1>
        %or3A_953 = arith.ori %or3A_942, %and3A_952 : vector<16xi1>
        %and3A_954 = arith.andi %and3A_698, %or3A_953 : vector<16xi1>
        %all_reduce_population_count3A_955 = tpu.all_reduce %and3A_954 {dim = 0 : i64, kind = #tpu.reduction_kind<sum>} : vector<16xi1> -> vector<16xi32>
        %eq3A_956 = arith.constant 0 : i32
        %eq3A_957 = vector.broadcast %eq3A_956 : i32 to vector<16xi32>
        %eq3A_958 = arith.cmpi eq, %all_reduce_population_count3A_955, %eq3A_957 : vector<16xi32>
        %and3A_959 = arith.andi %eq3A_958, %and3A_170 : vector<16xi1>
        %eq3A_960 = arith.constant 12 : i32
        %eq3A_961 = vector.broadcast %eq3A_960 : i32 to vector<16xi32>
        %eq3A_962 = arith.cmpi eq, %iota3A, %eq3A_961 : vector<16xi32>
        %and3A_963 = arith.andi %and3A_959, %eq3A_962 : vector<16xi1>
        %or3A_964 = arith.ori %or3A_953, %and3A_963 : vector<16xi1>
        %and3A_965 = arith.andi %and3A_739, %or3A_964 : vector<16xi1>
        %all_reduce_population_count3A_966 = tpu.all_reduce %and3A_965 {dim = 0 : i64, kind = #tpu.reduction_kind<sum>} : vector<16xi1> -> vector<16xi32>
        %eq3A_967 = arith.constant 0 : i32
        %eq3A_968 = vector.broadcast %eq3A_967 : i32 to vector<16xi32>
        %eq3A_969 = arith.cmpi eq, %all_reduce_population_count3A_966, %eq3A_968 : vector<16xi32>
        %and3A_970 = arith.andi %eq3A_969, %and3A_170 : vector<16xi1>
        %eq3A_971 = arith.constant 13 : i32
        %eq3A_972 = vector.broadcast %eq3A_971 : i32 to vector<16xi32>
        %eq3A_973 = arith.cmpi eq, %iota3A, %eq3A_972 : vector<16xi32>
        %and3A_974 = arith.andi %and3A_970, %eq3A_973 : vector<16xi1>
        %or3A_975 = arith.ori %or3A_964, %and3A_974 : vector<16xi1>
        %and3A_976 = arith.andi %and3A_780, %or3A_975 : vector<16xi1>
        %all_reduce_population_count3A_977 = tpu.all_reduce %and3A_976 {dim = 0 : i64, kind = #tpu.reduction_kind<sum>} : vector<16xi1> -> vector<16xi32>
        %eq3A_978 = arith.constant 0 : i32
        %eq3A_979 = vector.broadcast %eq3A_978 : i32 to vector<16xi32>
        %eq3A_980 = arith.cmpi eq, %all_reduce_population_count3A_977, %eq3A_979 : vector<16xi32>
        %and3A_981 = arith.andi %eq3A_980, %and3A_170 : vector<16xi1>
        %eq3A_982 = arith.constant 14 : i32
        %eq3A_983 = vector.broadcast %eq3A_982 : i32 to vector<16xi32>
        %eq3A_984 = arith.cmpi eq, %iota3A, %eq3A_983 : vector<16xi32>
        %and3A_985 = arith.andi %and3A_981, %eq3A_984 : vector<16xi1>
        %or3A_986 = arith.ori %or3A_975, %and3A_985 : vector<16xi1>
        %and3A_987 = arith.andi %and3A_821, %or3A_986 : vector<16xi1>
        %all_reduce_population_count3A_988 = tpu.all_reduce %and3A_987 {dim = 0 : i64, kind = #tpu.reduction_kind<sum>} : vector<16xi1> -> vector<16xi32>
        %eq3A_989 = arith.constant 0 : i32
        %eq3A_990 = vector.broadcast %eq3A_989 : i32 to vector<16xi32>
        %eq3A_991 = arith.cmpi eq, %all_reduce_population_count3A_988, %eq3A_990 : vector<16xi32>
        %and3A_992 = arith.andi %eq3A_991, %and3A_170 : vector<16xi1>
        %eq3A_993 = arith.constant 15 : i32
        %eq3A_994 = vector.broadcast %eq3A_993 : i32 to vector<16xi32>
        %eq3A_995 = arith.cmpi eq, %iota3A, %eq3A_994 : vector<16xi32>
        %and3A_996 = arith.andi %and3A_992, %eq3A_995 : vector<16xi1>
        %or3A_997 = arith.ori %or3A_986, %and3A_996 : vector<16xi1>
        %convert_element_type3A_998 = arith.extui %or3A_997 : vector<16xi1> to vector<16xi32>
        %gt3A_999 = arith.constant 5.000000e-02 : f32
        %gt3A_1000 = vector.broadcast %gt3A_999 : f32 to vector<16xf32>
        %gt3A_1001 = arith.cmpf ogt, %gather3A_39, %gt3A_1000 : vector<16xf32>
        %gt3A_1002 = arith.constant 5.000000e-01 : f32
        %gt3A_1003 = vector.broadcast %gt3A_1002 : f32 to vector<16xf32>
        %gt3A_1004 = arith.cmpf ogt, %max3A_163, %gt3A_1003 : vector<16xf32>
        %not3A_1005 = arith.constant dense<true> : vector<16xi1>
        %not3A_1006 = arith.xori %gt3A_1004, %not3A_1005 : vector<16xi1>
        %and3A_1007 = arith.andi %gt3A_1001, %not3A_1006 : vector<16xi1>
        %slice3A_1008 = vector.extract_strided_slice %gather3A_35 {offsets = [0], sizes = [1], strides = [1]} : vector<16xf32> to vector<1xf32>
        %squeeze3A_1009 = vector.extract %slice3A_1008[0] : f32 from vector<1xf32>
        %slice3A_1010 = vector.extract_strided_slice %gather3A_36 {offsets = [0], sizes = [1], strides = [1]} : vector<16xf32> to vector<1xf32>
        %squeeze3A_1011 = vector.extract %slice3A_1010[0] : f32 from vector<1xf32>
        %slice3A_1012 = vector.extract_strided_slice %gather3A_37 {offsets = [0], sizes = [1], strides = [1]} : vector<16xf32> to vector<1xf32>
        %squeeze3A_1013 = vector.extract %slice3A_1012[0] : f32 from vector<1xf32>
        %slice3A_1014 = vector.extract_strided_slice %gather3A_38 {offsets = [0], sizes = [1], strides = [1]} : vector<16xf32> to vector<1xf32>
        %squeeze3A_1015 = vector.extract %slice3A_1014[0] : f32 from vector<1xf32>
        %slice3A_1016 = vector.extract_strided_slice %mul3A_44 {offsets = [0], sizes = [1], strides = [1]} : vector<16xf32> to vector<1xf32>
        %squeeze3A_1017 = vector.extract %slice3A_1016[0] : f32 from vector<1xf32>
        %max3A_1018 = vector.broadcast %squeeze3A_1009 : f32 to vector<16xf32>
        %max3A_1019 = arith.maximumf %gather3A_35, %max3A_1018 : vector<16xf32>
        %max3A_1020 = vector.broadcast %squeeze3A_1011 : f32 to vector<16xf32>
        %max3A_1021 = arith.maximumf %gather3A_36, %max3A_1020 : vector<16xf32>
        %min3A_1022 = vector.broadcast %squeeze3A_1013 : f32 to vector<16xf32>
        %min3A_1023 = arith.minimumf %gather3A_37, %min3A_1022 : vector<16xf32>
        %min3A_1024 = vector.broadcast %squeeze3A_1015 : f32 to vector<16xf32>
        %min3A_1025 = arith.minimumf %gather3A_38, %min3A_1024 : vector<16xf32>
        %sub3A_1026 = arith.subf %min3A_1023, %max3A_1019 : vector<16xf32>
        %max3A_1027 = arith.constant 0.000000e+00 : f32
        %max3A_1028 = vector.broadcast %max3A_1027 : f32 to vector<16xf32>
        %max3A_1029 = arith.maximumf %sub3A_1026, %max3A_1028 : vector<16xf32>
        %sub3A_1030 = arith.subf %min3A_1025, %max3A_1021 : vector<16xf32>
        %max3A_1031 = arith.constant 0.000000e+00 : f32
        %max3A_1032 = vector.broadcast %max3A_1031 : f32 to vector<16xf32>
        %max3A_1033 = arith.maximumf %sub3A_1030, %max3A_1032 : vector<16xf32>
        %mul3A_1034 = arith.mulf %max3A_1029, %max3A_1033 : vector<16xf32>
        %add3A_1035 = vector.broadcast %squeeze3A_1017 : f32 to vector<16xf32>
        %add3A_1036 = arith.addf %mul3A_44, %add3A_1035 : vector<16xf32>
        %sub3A_1037 = arith.subf %add3A_1036, %mul3A_1034 : vector<16xf32>
        %max3A_1038 = arith.constant 9.99999971E-10 : f32
        %max3A_1039 = vector.broadcast %max3A_1038 : f32 to vector<16xf32>
        %max3A_1040 = arith.maximumf %sub3A_1037, %max3A_1039 : vector<16xf32>
        %div3A_1041 = arith.divf %mul3A_1034, %max3A_1040 : vector<16xf32>
        %gt3A_1042 = arith.constant 5.000000e-01 : f32
        %gt3A_1043 = vector.broadcast %gt3A_1042 : f32 to vector<16xf32>
        %gt3A_1044 = arith.cmpf ogt, %div3A_1041, %gt3A_1043 : vector<16xf32>
        %lt3A_1045 = arith.constant 0 : i32
        %lt3A_1046 = vector.broadcast %lt3A_1045 : i32 to vector<16xi32>
        %lt3A_1047 = arith.cmpi slt, %iota3A, %lt3A_1046 : vector<16xi32>
        %and3A_1048 = arith.andi %gt3A_1044, %lt3A_1047 : vector<16xi1>
        %max3A_1049 = vector.broadcast %squeeze3A_1009 : f32 to vector<16xf32>
        %max3A_1050 = arith.maximumf %gather3A, %max3A_1049 : vector<16xf32>
        %max3A_1051 = vector.broadcast %squeeze3A_1011 : f32 to vector<16xf32>
        %max3A_1052 = arith.maximumf %gather3A_31, %max3A_1051 : vector<16xf32>
        %min3A_1053 = vector.broadcast %squeeze3A_1013 : f32 to vector<16xf32>
        %min3A_1054 = arith.minimumf %gather3A_32, %min3A_1053 : vector<16xf32>
        %min3A_1055 = vector.broadcast %squeeze3A_1015 : f32 to vector<16xf32>
        %min3A_1056 = arith.minimumf %gather3A_33, %min3A_1055 : vector<16xf32>
        %sub3A_1057 = arith.subf %min3A_1054, %max3A_1050 : vector<16xf32>
        %max3A_1058 = arith.constant 0.000000e+00 : f32
        %max3A_1059 = vector.broadcast %max3A_1058 : f32 to vector<16xf32>
        %max3A_1060 = arith.maximumf %sub3A_1057, %max3A_1059 : vector<16xf32>
        %sub3A_1061 = arith.subf %min3A_1056, %max3A_1052 : vector<16xf32>
        %max3A_1062 = arith.constant 0.000000e+00 : f32
        %max3A_1063 = vector.broadcast %max3A_1062 : f32 to vector<16xf32>
        %max3A_1064 = arith.maximumf %sub3A_1061, %max3A_1063 : vector<16xf32>
        %mul3A_1065 = arith.mulf %max3A_1060, %max3A_1064 : vector<16xf32>
        %add3A_1066 = vector.broadcast %squeeze3A_1017 : f32 to vector<16xf32>
        %add3A_1067 = arith.addf %mul3A_41, %add3A_1066 : vector<16xf32>
        %sub3A_1068 = arith.subf %add3A_1067, %mul3A_1065 : vector<16xf32>
        %max3A_1069 = arith.constant 9.99999971E-10 : f32
        %max3A_1070 = vector.broadcast %max3A_1069 : f32 to vector<16xf32>
        %max3A_1071 = arith.maximumf %sub3A_1068, %max3A_1070 : vector<16xf32>
        %div3A_1072 = arith.divf %mul3A_1065, %max3A_1071 : vector<16xf32>
        %gt3A_1073 = arith.constant 5.000000e-01 : f32
        %gt3A_1074 = vector.broadcast %gt3A_1073 : f32 to vector<16xf32>
        %gt3A_1075 = arith.cmpf ogt, %div3A_1072, %gt3A_1074 : vector<16xf32>
        %gt3A_1076 = arith.constant 0 : i32
        %gt3A_1077 = vector.broadcast %gt3A_1076 : i32 to vector<16xi32>
        %gt3A_1078 = arith.cmpi sgt, %convert_element_type3A_998, %gt3A_1077 : vector<16xi32>
        %and3A_1079 = arith.andi %gt3A_1075, %gt3A_1078 : vector<16xi1>
        %all_reduce_population_count3A_1080 = tpu.all_reduce %and3A_1079 {dim = 0 : i64, kind = #tpu.reduction_kind<sum>} : vector<16xi1> -> vector<16xi32>
        %gt3A_1081 = arith.constant 0 : i32
        %gt3A_1082 = vector.broadcast %gt3A_1081 : i32 to vector<16xi32>
        %gt3A_1083 = arith.cmpi sgt, %all_reduce_population_count3A_1080, %gt3A_1082 : vector<16xi32>
        %eq3A_1084 = arith.constant 0 : i32
        %eq3A_1085 = vector.broadcast %eq3A_1084 : i32 to vector<16xi32>
        %eq3A_1086 = arith.cmpi eq, %iota3A, %eq3A_1085 : vector<16xi32>
        %and3A_1087 = arith.andi %gt3A_1083, %eq3A_1086 : vector<16xi1>
        %not3A_1088 = arith.constant dense<true> : vector<16xi1>
        %not3A_1089 = arith.xori %and3A_1087, %not3A_1088 : vector<16xi1>
        %and3A_1090 = arith.andi %and3A_1007, %not3A_1089 : vector<16xi1>
        %slice3A_1091 = vector.extract_strided_slice %gather3A_35 {offsets = [1], sizes = [1], strides = [1]} : vector<16xf32> to vector<1xf32>
        %squeeze3A_1092 = vector.extract %slice3A_1091[0] : f32 from vector<1xf32>
        %slice3A_1093 = vector.extract_strided_slice %gather3A_36 {offsets = [1], sizes = [1], strides = [1]} : vector<16xf32> to vector<1xf32>
        %squeeze3A_1094 = vector.extract %slice3A_1093[0] : f32 from vector<1xf32>
        %slice3A_1095 = vector.extract_strided_slice %gather3A_37 {offsets = [1], sizes = [1], strides = [1]} : vector<16xf32> to vector<1xf32>
        %squeeze3A_1096 = vector.extract %slice3A_1095[0] : f32 from vector<1xf32>
        %slice3A_1097 = vector.extract_strided_slice %gather3A_38 {offsets = [1], sizes = [1], strides = [1]} : vector<16xf32> to vector<1xf32>
        %squeeze3A_1098 = vector.extract %slice3A_1097[0] : f32 from vector<1xf32>
        %slice3A_1099 = vector.extract_strided_slice %mul3A_44 {offsets = [1], sizes = [1], strides = [1]} : vector<16xf32> to vector<1xf32>
        %squeeze3A_1100 = vector.extract %slice3A_1099[0] : f32 from vector<1xf32>
        %max3A_1101 = vector.broadcast %squeeze3A_1092 : f32 to vector<16xf32>
        %max3A_1102 = arith.maximumf %gather3A_35, %max3A_1101 : vector<16xf32>
        %max3A_1103 = vector.broadcast %squeeze3A_1094 : f32 to vector<16xf32>
        %max3A_1104 = arith.maximumf %gather3A_36, %max3A_1103 : vector<16xf32>
        %min3A_1105 = vector.broadcast %squeeze3A_1096 : f32 to vector<16xf32>
        %min3A_1106 = arith.minimumf %gather3A_37, %min3A_1105 : vector<16xf32>
        %min3A_1107 = vector.broadcast %squeeze3A_1098 : f32 to vector<16xf32>
        %min3A_1108 = arith.minimumf %gather3A_38, %min3A_1107 : vector<16xf32>
        %sub3A_1109 = arith.subf %min3A_1106, %max3A_1102 : vector<16xf32>
        %max3A_1110 = arith.constant 0.000000e+00 : f32
        %max3A_1111 = vector.broadcast %max3A_1110 : f32 to vector<16xf32>
        %max3A_1112 = arith.maximumf %sub3A_1109, %max3A_1111 : vector<16xf32>
        %sub3A_1113 = arith.subf %min3A_1108, %max3A_1104 : vector<16xf32>
        %max3A_1114 = arith.constant 0.000000e+00 : f32
        %max3A_1115 = vector.broadcast %max3A_1114 : f32 to vector<16xf32>
        %max3A_1116 = arith.maximumf %sub3A_1113, %max3A_1115 : vector<16xf32>
        %mul3A_1117 = arith.mulf %max3A_1112, %max3A_1116 : vector<16xf32>
        %add3A_1118 = vector.broadcast %squeeze3A_1100 : f32 to vector<16xf32>
        %add3A_1119 = arith.addf %mul3A_44, %add3A_1118 : vector<16xf32>
        %sub3A_1120 = arith.subf %add3A_1119, %mul3A_1117 : vector<16xf32>
        %max3A_1121 = arith.constant 9.99999971E-10 : f32
        %max3A_1122 = vector.broadcast %max3A_1121 : f32 to vector<16xf32>
        %max3A_1123 = arith.maximumf %sub3A_1120, %max3A_1122 : vector<16xf32>
        %div3A_1124 = arith.divf %mul3A_1117, %max3A_1123 : vector<16xf32>
        %gt3A_1125 = arith.constant 5.000000e-01 : f32
        %gt3A_1126 = vector.broadcast %gt3A_1125 : f32 to vector<16xf32>
        %gt3A_1127 = arith.cmpf ogt, %div3A_1124, %gt3A_1126 : vector<16xf32>
        %lt3A_1128 = arith.constant 1 : i32
        %lt3A_1129 = vector.broadcast %lt3A_1128 : i32 to vector<16xi32>
        %lt3A_1130 = arith.cmpi slt, %iota3A, %lt3A_1129 : vector<16xi32>
        %and3A_1131 = arith.andi %gt3A_1127, %lt3A_1130 : vector<16xi1>
        %max3A_1132 = vector.broadcast %squeeze3A_1092 : f32 to vector<16xf32>
        %max3A_1133 = arith.maximumf %gather3A, %max3A_1132 : vector<16xf32>
        %max3A_1134 = vector.broadcast %squeeze3A_1094 : f32 to vector<16xf32>
        %max3A_1135 = arith.maximumf %gather3A_31, %max3A_1134 : vector<16xf32>
        %min3A_1136 = vector.broadcast %squeeze3A_1096 : f32 to vector<16xf32>
        %min3A_1137 = arith.minimumf %gather3A_32, %min3A_1136 : vector<16xf32>
        %min3A_1138 = vector.broadcast %squeeze3A_1098 : f32 to vector<16xf32>
        %min3A_1139 = arith.minimumf %gather3A_33, %min3A_1138 : vector<16xf32>
        %sub3A_1140 = arith.subf %min3A_1137, %max3A_1133 : vector<16xf32>
        %max3A_1141 = arith.constant 0.000000e+00 : f32
        %max3A_1142 = vector.broadcast %max3A_1141 : f32 to vector<16xf32>
        %max3A_1143 = arith.maximumf %sub3A_1140, %max3A_1142 : vector<16xf32>
        %sub3A_1144 = arith.subf %min3A_1139, %max3A_1135 : vector<16xf32>
        %max3A_1145 = arith.constant 0.000000e+00 : f32
        %max3A_1146 = vector.broadcast %max3A_1145 : f32 to vector<16xf32>
        %max3A_1147 = arith.maximumf %sub3A_1144, %max3A_1146 : vector<16xf32>
        %mul3A_1148 = arith.mulf %max3A_1143, %max3A_1147 : vector<16xf32>
        %add3A_1149 = vector.broadcast %squeeze3A_1100 : f32 to vector<16xf32>
        %add3A_1150 = arith.addf %mul3A_41, %add3A_1149 : vector<16xf32>
        %sub3A_1151 = arith.subf %add3A_1150, %mul3A_1148 : vector<16xf32>
        %max3A_1152 = arith.constant 9.99999971E-10 : f32
        %max3A_1153 = vector.broadcast %max3A_1152 : f32 to vector<16xf32>
        %max3A_1154 = arith.maximumf %sub3A_1151, %max3A_1153 : vector<16xf32>
        %div3A_1155 = arith.divf %mul3A_1148, %max3A_1154 : vector<16xf32>
        %gt3A_1156 = arith.constant 5.000000e-01 : f32
        %gt3A_1157 = vector.broadcast %gt3A_1156 : f32 to vector<16xf32>
        %gt3A_1158 = arith.cmpf ogt, %div3A_1155, %gt3A_1157 : vector<16xf32>
        %gt3A_1159 = arith.constant 0 : i32
        %gt3A_1160 = vector.broadcast %gt3A_1159 : i32 to vector<16xi32>
        %gt3A_1161 = arith.cmpi sgt, %convert_element_type3A_998, %gt3A_1160 : vector<16xi32>
        %and3A_1162 = arith.andi %gt3A_1158, %gt3A_1161 : vector<16xi1>
        %all_reduce_population_count3A_1163 = tpu.all_reduce %and3A_1162 {dim = 0 : i64, kind = #tpu.reduction_kind<sum>} : vector<16xi1> -> vector<16xi32>
        %gt3A_1164 = arith.constant 0 : i32
        %gt3A_1165 = vector.broadcast %gt3A_1164 : i32 to vector<16xi32>
        %gt3A_1166 = arith.cmpi sgt, %all_reduce_population_count3A_1163, %gt3A_1165 : vector<16xi32>
        %eq3A_1167 = arith.constant 1 : i32
        %eq3A_1168 = vector.broadcast %eq3A_1167 : i32 to vector<16xi32>
        %eq3A_1169 = arith.cmpi eq, %iota3A, %eq3A_1168 : vector<16xi32>
        %and3A_1170 = arith.andi %gt3A_1166, %eq3A_1169 : vector<16xi1>
        %not3A_1171 = arith.constant dense<true> : vector<16xi1>
        %not3A_1172 = arith.xori %and3A_1170, %not3A_1171 : vector<16xi1>
        %and3A_1173 = arith.andi %and3A_1090, %not3A_1172 : vector<16xi1>
        %slice3A_1174 = vector.extract_strided_slice %gather3A_35 {offsets = [2], sizes = [1], strides = [1]} : vector<16xf32> to vector<1xf32>
        %squeeze3A_1175 = vector.extract %slice3A_1174[0] : f32 from vector<1xf32>
        %slice3A_1176 = vector.extract_strided_slice %gather3A_36 {offsets = [2], sizes = [1], strides = [1]} : vector<16xf32> to vector<1xf32>
        %squeeze3A_1177 = vector.extract %slice3A_1176[0] : f32 from vector<1xf32>
        %slice3A_1178 = vector.extract_strided_slice %gather3A_37 {offsets = [2], sizes = [1], strides = [1]} : vector<16xf32> to vector<1xf32>
        %squeeze3A_1179 = vector.extract %slice3A_1178[0] : f32 from vector<1xf32>
        %slice3A_1180 = vector.extract_strided_slice %gather3A_38 {offsets = [2], sizes = [1], strides = [1]} : vector<16xf32> to vector<1xf32>
        %squeeze3A_1181 = vector.extract %slice3A_1180[0] : f32 from vector<1xf32>
        %slice3A_1182 = vector.extract_strided_slice %mul3A_44 {offsets = [2], sizes = [1], strides = [1]} : vector<16xf32> to vector<1xf32>
        %squeeze3A_1183 = vector.extract %slice3A_1182[0] : f32 from vector<1xf32>
        %max3A_1184 = vector.broadcast %squeeze3A_1175 : f32 to vector<16xf32>
        %max3A_1185 = arith.maximumf %gather3A_35, %max3A_1184 : vector<16xf32>
        %max3A_1186 = vector.broadcast %squeeze3A_1177 : f32 to vector<16xf32>
        %max3A_1187 = arith.maximumf %gather3A_36, %max3A_1186 : vector<16xf32>
        %min3A_1188 = vector.broadcast %squeeze3A_1179 : f32 to vector<16xf32>
        %min3A_1189 = arith.minimumf %gather3A_37, %min3A_1188 : vector<16xf32>
        %min3A_1190 = vector.broadcast %squeeze3A_1181 : f32 to vector<16xf32>
        %min3A_1191 = arith.minimumf %gather3A_38, %min3A_1190 : vector<16xf32>
        %sub3A_1192 = arith.subf %min3A_1189, %max3A_1185 : vector<16xf32>
        %max3A_1193 = arith.constant 0.000000e+00 : f32
        %max3A_1194 = vector.broadcast %max3A_1193 : f32 to vector<16xf32>
        %max3A_1195 = arith.maximumf %sub3A_1192, %max3A_1194 : vector<16xf32>
        %sub3A_1196 = arith.subf %min3A_1191, %max3A_1187 : vector<16xf32>
        %max3A_1197 = arith.constant 0.000000e+00 : f32
        %max3A_1198 = vector.broadcast %max3A_1197 : f32 to vector<16xf32>
        %max3A_1199 = arith.maximumf %sub3A_1196, %max3A_1198 : vector<16xf32>
        %mul3A_1200 = arith.mulf %max3A_1195, %max3A_1199 : vector<16xf32>
        %add3A_1201 = vector.broadcast %squeeze3A_1183 : f32 to vector<16xf32>
        %add3A_1202 = arith.addf %mul3A_44, %add3A_1201 : vector<16xf32>
        %sub3A_1203 = arith.subf %add3A_1202, %mul3A_1200 : vector<16xf32>
        %max3A_1204 = arith.constant 9.99999971E-10 : f32
        %max3A_1205 = vector.broadcast %max3A_1204 : f32 to vector<16xf32>
        %max3A_1206 = arith.maximumf %sub3A_1203, %max3A_1205 : vector<16xf32>
        %div3A_1207 = arith.divf %mul3A_1200, %max3A_1206 : vector<16xf32>
        %gt3A_1208 = arith.constant 5.000000e-01 : f32
        %gt3A_1209 = vector.broadcast %gt3A_1208 : f32 to vector<16xf32>
        %gt3A_1210 = arith.cmpf ogt, %div3A_1207, %gt3A_1209 : vector<16xf32>
        %lt3A_1211 = arith.constant 2 : i32
        %lt3A_1212 = vector.broadcast %lt3A_1211 : i32 to vector<16xi32>
        %lt3A_1213 = arith.cmpi slt, %iota3A, %lt3A_1212 : vector<16xi32>
        %and3A_1214 = arith.andi %gt3A_1210, %lt3A_1213 : vector<16xi1>
        %max3A_1215 = vector.broadcast %squeeze3A_1175 : f32 to vector<16xf32>
        %max3A_1216 = arith.maximumf %gather3A, %max3A_1215 : vector<16xf32>
        %max3A_1217 = vector.broadcast %squeeze3A_1177 : f32 to vector<16xf32>
        %max3A_1218 = arith.maximumf %gather3A_31, %max3A_1217 : vector<16xf32>
        %min3A_1219 = vector.broadcast %squeeze3A_1179 : f32 to vector<16xf32>
        %min3A_1220 = arith.minimumf %gather3A_32, %min3A_1219 : vector<16xf32>
        %min3A_1221 = vector.broadcast %squeeze3A_1181 : f32 to vector<16xf32>
        %min3A_1222 = arith.minimumf %gather3A_33, %min3A_1221 : vector<16xf32>
        %sub3A_1223 = arith.subf %min3A_1220, %max3A_1216 : vector<16xf32>
        %max3A_1224 = arith.constant 0.000000e+00 : f32
        %max3A_1225 = vector.broadcast %max3A_1224 : f32 to vector<16xf32>
        %max3A_1226 = arith.maximumf %sub3A_1223, %max3A_1225 : vector<16xf32>
        %sub3A_1227 = arith.subf %min3A_1222, %max3A_1218 : vector<16xf32>
        %max3A_1228 = arith.constant 0.000000e+00 : f32
        %max3A_1229 = vector.broadcast %max3A_1228 : f32 to vector<16xf32>
        %max3A_1230 = arith.maximumf %sub3A_1227, %max3A_1229 : vector<16xf32>
        %mul3A_1231 = arith.mulf %max3A_1226, %max3A_1230 : vector<16xf32>
        %add3A_1232 = vector.broadcast %squeeze3A_1183 : f32 to vector<16xf32>
        %add3A_1233 = arith.addf %mul3A_41, %add3A_1232 : vector<16xf32>
        %sub3A_1234 = arith.subf %add3A_1233, %mul3A_1231 : vector<16xf32>
        %max3A_1235 = arith.constant 9.99999971E-10 : f32
        %max3A_1236 = vector.broadcast %max3A_1235 : f32 to vector<16xf32>
        %max3A_1237 = arith.maximumf %sub3A_1234, %max3A_1236 : vector<16xf32>
        %div3A_1238 = arith.divf %mul3A_1231, %max3A_1237 : vector<16xf32>
        %gt3A_1239 = arith.constant 5.000000e-01 : f32
        %gt3A_1240 = vector.broadcast %gt3A_1239 : f32 to vector<16xf32>
        %gt3A_1241 = arith.cmpf ogt, %div3A_1238, %gt3A_1240 : vector<16xf32>
        %gt3A_1242 = arith.constant 0 : i32
        %gt3A_1243 = vector.broadcast %gt3A_1242 : i32 to vector<16xi32>
        %gt3A_1244 = arith.cmpi sgt, %convert_element_type3A_998, %gt3A_1243 : vector<16xi32>
        %and3A_1245 = arith.andi %gt3A_1241, %gt3A_1244 : vector<16xi1>
        %all_reduce_population_count3A_1246 = tpu.all_reduce %and3A_1245 {dim = 0 : i64, kind = #tpu.reduction_kind<sum>} : vector<16xi1> -> vector<16xi32>
        %gt3A_1247 = arith.constant 0 : i32
        %gt3A_1248 = vector.broadcast %gt3A_1247 : i32 to vector<16xi32>
        %gt3A_1249 = arith.cmpi sgt, %all_reduce_population_count3A_1246, %gt3A_1248 : vector<16xi32>
        %eq3A_1250 = arith.constant 2 : i32
        %eq3A_1251 = vector.broadcast %eq3A_1250 : i32 to vector<16xi32>
        %eq3A_1252 = arith.cmpi eq, %iota3A, %eq3A_1251 : vector<16xi32>
        %and3A_1253 = arith.andi %gt3A_1249, %eq3A_1252 : vector<16xi1>
        %not3A_1254 = arith.constant dense<true> : vector<16xi1>
        %not3A_1255 = arith.xori %and3A_1253, %not3A_1254 : vector<16xi1>
        %and3A_1256 = arith.andi %and3A_1173, %not3A_1255 : vector<16xi1>
        %slice3A_1257 = vector.extract_strided_slice %gather3A_35 {offsets = [3], sizes = [1], strides = [1]} : vector<16xf32> to vector<1xf32>
        %squeeze3A_1258 = vector.extract %slice3A_1257[0] : f32 from vector<1xf32>
        %slice3A_1259 = vector.extract_strided_slice %gather3A_36 {offsets = [3], sizes = [1], strides = [1]} : vector<16xf32> to vector<1xf32>
        %squeeze3A_1260 = vector.extract %slice3A_1259[0] : f32 from vector<1xf32>
        %slice3A_1261 = vector.extract_strided_slice %gather3A_37 {offsets = [3], sizes = [1], strides = [1]} : vector<16xf32> to vector<1xf32>
        %squeeze3A_1262 = vector.extract %slice3A_1261[0] : f32 from vector<1xf32>
        %slice3A_1263 = vector.extract_strided_slice %gather3A_38 {offsets = [3], sizes = [1], strides = [1]} : vector<16xf32> to vector<1xf32>
        %squeeze3A_1264 = vector.extract %slice3A_1263[0] : f32 from vector<1xf32>
        %slice3A_1265 = vector.extract_strided_slice %mul3A_44 {offsets = [3], sizes = [1], strides = [1]} : vector<16xf32> to vector<1xf32>
        %squeeze3A_1266 = vector.extract %slice3A_1265[0] : f32 from vector<1xf32>
        %max3A_1267 = vector.broadcast %squeeze3A_1258 : f32 to vector<16xf32>
        %max3A_1268 = arith.maximumf %gather3A_35, %max3A_1267 : vector<16xf32>
        %max3A_1269 = vector.broadcast %squeeze3A_1260 : f32 to vector<16xf32>
        %max3A_1270 = arith.maximumf %gather3A_36, %max3A_1269 : vector<16xf32>
        %min3A_1271 = vector.broadcast %squeeze3A_1262 : f32 to vector<16xf32>
        %min3A_1272 = arith.minimumf %gather3A_37, %min3A_1271 : vector<16xf32>
        %min3A_1273 = vector.broadcast %squeeze3A_1264 : f32 to vector<16xf32>
        %min3A_1274 = arith.minimumf %gather3A_38, %min3A_1273 : vector<16xf32>
        %sub3A_1275 = arith.subf %min3A_1272, %max3A_1268 : vector<16xf32>
        %max3A_1276 = arith.constant 0.000000e+00 : f32
        %max3A_1277 = vector.broadcast %max3A_1276 : f32 to vector<16xf32>
        %max3A_1278 = arith.maximumf %sub3A_1275, %max3A_1277 : vector<16xf32>
        %sub3A_1279 = arith.subf %min3A_1274, %max3A_1270 : vector<16xf32>
        %max3A_1280 = arith.constant 0.000000e+00 : f32
        %max3A_1281 = vector.broadcast %max3A_1280 : f32 to vector<16xf32>
        %max3A_1282 = arith.maximumf %sub3A_1279, %max3A_1281 : vector<16xf32>
        %mul3A_1283 = arith.mulf %max3A_1278, %max3A_1282 : vector<16xf32>
        %add3A_1284 = vector.broadcast %squeeze3A_1266 : f32 to vector<16xf32>
        %add3A_1285 = arith.addf %mul3A_44, %add3A_1284 : vector<16xf32>
        %sub3A_1286 = arith.subf %add3A_1285, %mul3A_1283 : vector<16xf32>
        %max3A_1287 = arith.constant 9.99999971E-10 : f32
        %max3A_1288 = vector.broadcast %max3A_1287 : f32 to vector<16xf32>
        %max3A_1289 = arith.maximumf %sub3A_1286, %max3A_1288 : vector<16xf32>
        %div3A_1290 = arith.divf %mul3A_1283, %max3A_1289 : vector<16xf32>
        %gt3A_1291 = arith.constant 5.000000e-01 : f32
        %gt3A_1292 = vector.broadcast %gt3A_1291 : f32 to vector<16xf32>
        %gt3A_1293 = arith.cmpf ogt, %div3A_1290, %gt3A_1292 : vector<16xf32>
        %lt3A_1294 = arith.constant 3 : i32
        %lt3A_1295 = vector.broadcast %lt3A_1294 : i32 to vector<16xi32>
        %lt3A_1296 = arith.cmpi slt, %iota3A, %lt3A_1295 : vector<16xi32>
        %and3A_1297 = arith.andi %gt3A_1293, %lt3A_1296 : vector<16xi1>
        %max3A_1298 = vector.broadcast %squeeze3A_1258 : f32 to vector<16xf32>
        %max3A_1299 = arith.maximumf %gather3A, %max3A_1298 : vector<16xf32>
        %max3A_1300 = vector.broadcast %squeeze3A_1260 : f32 to vector<16xf32>
        %max3A_1301 = arith.maximumf %gather3A_31, %max3A_1300 : vector<16xf32>
        %min3A_1302 = vector.broadcast %squeeze3A_1262 : f32 to vector<16xf32>
        %min3A_1303 = arith.minimumf %gather3A_32, %min3A_1302 : vector<16xf32>
        %min3A_1304 = vector.broadcast %squeeze3A_1264 : f32 to vector<16xf32>
        %min3A_1305 = arith.minimumf %gather3A_33, %min3A_1304 : vector<16xf32>
        %sub3A_1306 = arith.subf %min3A_1303, %max3A_1299 : vector<16xf32>
        %max3A_1307 = arith.constant 0.000000e+00 : f32
        %max3A_1308 = vector.broadcast %max3A_1307 : f32 to vector<16xf32>
        %max3A_1309 = arith.maximumf %sub3A_1306, %max3A_1308 : vector<16xf32>
        %sub3A_1310 = arith.subf %min3A_1305, %max3A_1301 : vector<16xf32>
        %max3A_1311 = arith.constant 0.000000e+00 : f32
        %max3A_1312 = vector.broadcast %max3A_1311 : f32 to vector<16xf32>
        %max3A_1313 = arith.maximumf %sub3A_1310, %max3A_1312 : vector<16xf32>
        %mul3A_1314 = arith.mulf %max3A_1309, %max3A_1313 : vector<16xf32>
        %add3A_1315 = vector.broadcast %squeeze3A_1266 : f32 to vector<16xf32>
        %add3A_1316 = arith.addf %mul3A_41, %add3A_1315 : vector<16xf32>
        %sub3A_1317 = arith.subf %add3A_1316, %mul3A_1314 : vector<16xf32>
        %max3A_1318 = arith.constant 9.99999971E-10 : f32
        %max3A_1319 = vector.broadcast %max3A_1318 : f32 to vector<16xf32>
        %max3A_1320 = arith.maximumf %sub3A_1317, %max3A_1319 : vector<16xf32>
        %div3A_1321 = arith.divf %mul3A_1314, %max3A_1320 : vector<16xf32>
        %gt3A_1322 = arith.constant 5.000000e-01 : f32
        %gt3A_1323 = vector.broadcast %gt3A_1322 : f32 to vector<16xf32>
        %gt3A_1324 = arith.cmpf ogt, %div3A_1321, %gt3A_1323 : vector<16xf32>
        %gt3A_1325 = arith.constant 0 : i32
        %gt3A_1326 = vector.broadcast %gt3A_1325 : i32 to vector<16xi32>
        %gt3A_1327 = arith.cmpi sgt, %convert_element_type3A_998, %gt3A_1326 : vector<16xi32>
        %and3A_1328 = arith.andi %gt3A_1324, %gt3A_1327 : vector<16xi1>
        %all_reduce_population_count3A_1329 = tpu.all_reduce %and3A_1328 {dim = 0 : i64, kind = #tpu.reduction_kind<sum>} : vector<16xi1> -> vector<16xi32>
        %gt3A_1330 = arith.constant 0 : i32
        %gt3A_1331 = vector.broadcast %gt3A_1330 : i32 to vector<16xi32>
        %gt3A_1332 = arith.cmpi sgt, %all_reduce_population_count3A_1329, %gt3A_1331 : vector<16xi32>
        %eq3A_1333 = arith.constant 3 : i32
        %eq3A_1334 = vector.broadcast %eq3A_1333 : i32 to vector<16xi32>
        %eq3A_1335 = arith.cmpi eq, %iota3A, %eq3A_1334 : vector<16xi32>
        %and3A_1336 = arith.andi %gt3A_1332, %eq3A_1335 : vector<16xi1>
        %not3A_1337 = arith.constant dense<true> : vector<16xi1>
        %not3A_1338 = arith.xori %and3A_1336, %not3A_1337 : vector<16xi1>
        %and3A_1339 = arith.andi %and3A_1256, %not3A_1338 : vector<16xi1>
        %slice3A_1340 = vector.extract_strided_slice %gather3A_35 {offsets = [4], sizes = [1], strides = [1]} : vector<16xf32> to vector<1xf32>
        %squeeze3A_1341 = vector.extract %slice3A_1340[0] : f32 from vector<1xf32>
        %slice3A_1342 = vector.extract_strided_slice %gather3A_36 {offsets = [4], sizes = [1], strides = [1]} : vector<16xf32> to vector<1xf32>
        %squeeze3A_1343 = vector.extract %slice3A_1342[0] : f32 from vector<1xf32>
        %slice3A_1344 = vector.extract_strided_slice %gather3A_37 {offsets = [4], sizes = [1], strides = [1]} : vector<16xf32> to vector<1xf32>
        %squeeze3A_1345 = vector.extract %slice3A_1344[0] : f32 from vector<1xf32>
        %slice3A_1346 = vector.extract_strided_slice %gather3A_38 {offsets = [4], sizes = [1], strides = [1]} : vector<16xf32> to vector<1xf32>
        %squeeze3A_1347 = vector.extract %slice3A_1346[0] : f32 from vector<1xf32>
        %slice3A_1348 = vector.extract_strided_slice %mul3A_44 {offsets = [4], sizes = [1], strides = [1]} : vector<16xf32> to vector<1xf32>
        %squeeze3A_1349 = vector.extract %slice3A_1348[0] : f32 from vector<1xf32>
        %max3A_1350 = vector.broadcast %squeeze3A_1341 : f32 to vector<16xf32>
        %max3A_1351 = arith.maximumf %gather3A_35, %max3A_1350 : vector<16xf32>
        %max3A_1352 = vector.broadcast %squeeze3A_1343 : f32 to vector<16xf32>
        %max3A_1353 = arith.maximumf %gather3A_36, %max3A_1352 : vector<16xf32>
        %min3A_1354 = vector.broadcast %squeeze3A_1345 : f32 to vector<16xf32>
        %min3A_1355 = arith.minimumf %gather3A_37, %min3A_1354 : vector<16xf32>
        %min3A_1356 = vector.broadcast %squeeze3A_1347 : f32 to vector<16xf32>
        %min3A_1357 = arith.minimumf %gather3A_38, %min3A_1356 : vector<16xf32>
        %sub3A_1358 = arith.subf %min3A_1355, %max3A_1351 : vector<16xf32>
        %max3A_1359 = arith.constant 0.000000e+00 : f32
        %max3A_1360 = vector.broadcast %max3A_1359 : f32 to vector<16xf32>
        %max3A_1361 = arith.maximumf %sub3A_1358, %max3A_1360 : vector<16xf32>
        %sub3A_1362 = arith.subf %min3A_1357, %max3A_1353 : vector<16xf32>
        %max3A_1363 = arith.constant 0.000000e+00 : f32
        %max3A_1364 = vector.broadcast %max3A_1363 : f32 to vector<16xf32>
        %max3A_1365 = arith.maximumf %sub3A_1362, %max3A_1364 : vector<16xf32>
        %mul3A_1366 = arith.mulf %max3A_1361, %max3A_1365 : vector<16xf32>
        %add3A_1367 = vector.broadcast %squeeze3A_1349 : f32 to vector<16xf32>
        %add3A_1368 = arith.addf %mul3A_44, %add3A_1367 : vector<16xf32>
        %sub3A_1369 = arith.subf %add3A_1368, %mul3A_1366 : vector<16xf32>
        %max3A_1370 = arith.constant 9.99999971E-10 : f32
        %max3A_1371 = vector.broadcast %max3A_1370 : f32 to vector<16xf32>
        %max3A_1372 = arith.maximumf %sub3A_1369, %max3A_1371 : vector<16xf32>
        %div3A_1373 = arith.divf %mul3A_1366, %max3A_1372 : vector<16xf32>
        %gt3A_1374 = arith.constant 5.000000e-01 : f32
        %gt3A_1375 = vector.broadcast %gt3A_1374 : f32 to vector<16xf32>
        %gt3A_1376 = arith.cmpf ogt, %div3A_1373, %gt3A_1375 : vector<16xf32>
        %lt3A_1377 = arith.constant 4 : i32
        %lt3A_1378 = vector.broadcast %lt3A_1377 : i32 to vector<16xi32>
        %lt3A_1379 = arith.cmpi slt, %iota3A, %lt3A_1378 : vector<16xi32>
        %and3A_1380 = arith.andi %gt3A_1376, %lt3A_1379 : vector<16xi1>
        %max3A_1381 = vector.broadcast %squeeze3A_1341 : f32 to vector<16xf32>
        %max3A_1382 = arith.maximumf %gather3A, %max3A_1381 : vector<16xf32>
        %max3A_1383 = vector.broadcast %squeeze3A_1343 : f32 to vector<16xf32>
        %max3A_1384 = arith.maximumf %gather3A_31, %max3A_1383 : vector<16xf32>
        %min3A_1385 = vector.broadcast %squeeze3A_1345 : f32 to vector<16xf32>
        %min3A_1386 = arith.minimumf %gather3A_32, %min3A_1385 : vector<16xf32>
        %min3A_1387 = vector.broadcast %squeeze3A_1347 : f32 to vector<16xf32>
        %min3A_1388 = arith.minimumf %gather3A_33, %min3A_1387 : vector<16xf32>
        %sub3A_1389 = arith.subf %min3A_1386, %max3A_1382 : vector<16xf32>
        %max3A_1390 = arith.constant 0.000000e+00 : f32
        %max3A_1391 = vector.broadcast %max3A_1390 : f32 to vector<16xf32>
        %max3A_1392 = arith.maximumf %sub3A_1389, %max3A_1391 : vector<16xf32>
        %sub3A_1393 = arith.subf %min3A_1388, %max3A_1384 : vector<16xf32>
        %max3A_1394 = arith.constant 0.000000e+00 : f32
        %max3A_1395 = vector.broadcast %max3A_1394 : f32 to vector<16xf32>
        %max3A_1396 = arith.maximumf %sub3A_1393, %max3A_1395 : vector<16xf32>
        %mul3A_1397 = arith.mulf %max3A_1392, %max3A_1396 : vector<16xf32>
        %add3A_1398 = vector.broadcast %squeeze3A_1349 : f32 to vector<16xf32>
        %add3A_1399 = arith.addf %mul3A_41, %add3A_1398 : vector<16xf32>
        %sub3A_1400 = arith.subf %add3A_1399, %mul3A_1397 : vector<16xf32>
        %max3A_1401 = arith.constant 9.99999971E-10 : f32
        %max3A_1402 = vector.broadcast %max3A_1401 : f32 to vector<16xf32>
        %max3A_1403 = arith.maximumf %sub3A_1400, %max3A_1402 : vector<16xf32>
        %div3A_1404 = arith.divf %mul3A_1397, %max3A_1403 : vector<16xf32>
        %gt3A_1405 = arith.constant 5.000000e-01 : f32
        %gt3A_1406 = vector.broadcast %gt3A_1405 : f32 to vector<16xf32>
        %gt3A_1407 = arith.cmpf ogt, %div3A_1404, %gt3A_1406 : vector<16xf32>
        %gt3A_1408 = arith.constant 0 : i32
        %gt3A_1409 = vector.broadcast %gt3A_1408 : i32 to vector<16xi32>
        %gt3A_1410 = arith.cmpi sgt, %convert_element_type3A_998, %gt3A_1409 : vector<16xi32>
        %and3A_1411 = arith.andi %gt3A_1407, %gt3A_1410 : vector<16xi1>
        %all_reduce_population_count3A_1412 = tpu.all_reduce %and3A_1411 {dim = 0 : i64, kind = #tpu.reduction_kind<sum>} : vector<16xi1> -> vector<16xi32>
        %gt3A_1413 = arith.constant 0 : i32
        %gt3A_1414 = vector.broadcast %gt3A_1413 : i32 to vector<16xi32>
        %gt3A_1415 = arith.cmpi sgt, %all_reduce_population_count3A_1412, %gt3A_1414 : vector<16xi32>
        %eq3A_1416 = arith.constant 4 : i32
        %eq3A_1417 = vector.broadcast %eq3A_1416 : i32 to vector<16xi32>
        %eq3A_1418 = arith.cmpi eq, %iota3A, %eq3A_1417 : vector<16xi32>
        %and3A_1419 = arith.andi %gt3A_1415, %eq3A_1418 : vector<16xi1>
        %not3A_1420 = arith.constant dense<true> : vector<16xi1>
        %not3A_1421 = arith.xori %and3A_1419, %not3A_1420 : vector<16xi1>
        %and3A_1422 = arith.andi %and3A_1339, %not3A_1421 : vector<16xi1>
        %slice3A_1423 = vector.extract_strided_slice %gather3A_35 {offsets = [5], sizes = [1], strides = [1]} : vector<16xf32> to vector<1xf32>
        %squeeze3A_1424 = vector.extract %slice3A_1423[0] : f32 from vector<1xf32>
        %slice3A_1425 = vector.extract_strided_slice %gather3A_36 {offsets = [5], sizes = [1], strides = [1]} : vector<16xf32> to vector<1xf32>
        %squeeze3A_1426 = vector.extract %slice3A_1425[0] : f32 from vector<1xf32>
        %slice3A_1427 = vector.extract_strided_slice %gather3A_37 {offsets = [5], sizes = [1], strides = [1]} : vector<16xf32> to vector<1xf32>
        %squeeze3A_1428 = vector.extract %slice3A_1427[0] : f32 from vector<1xf32>
        %slice3A_1429 = vector.extract_strided_slice %gather3A_38 {offsets = [5], sizes = [1], strides = [1]} : vector<16xf32> to vector<1xf32>
        %squeeze3A_1430 = vector.extract %slice3A_1429[0] : f32 from vector<1xf32>
        %slice3A_1431 = vector.extract_strided_slice %mul3A_44 {offsets = [5], sizes = [1], strides = [1]} : vector<16xf32> to vector<1xf32>
        %squeeze3A_1432 = vector.extract %slice3A_1431[0] : f32 from vector<1xf32>
        %max3A_1433 = vector.broadcast %squeeze3A_1424 : f32 to vector<16xf32>
        %max3A_1434 = arith.maximumf %gather3A_35, %max3A_1433 : vector<16xf32>
        %max3A_1435 = vector.broadcast %squeeze3A_1426 : f32 to vector<16xf32>
        %max3A_1436 = arith.maximumf %gather3A_36, %max3A_1435 : vector<16xf32>
        %min3A_1437 = vector.broadcast %squeeze3A_1428 : f32 to vector<16xf32>
        %min3A_1438 = arith.minimumf %gather3A_37, %min3A_1437 : vector<16xf32>
        %min3A_1439 = vector.broadcast %squeeze3A_1430 : f32 to vector<16xf32>
        %min3A_1440 = arith.minimumf %gather3A_38, %min3A_1439 : vector<16xf32>
        %sub3A_1441 = arith.subf %min3A_1438, %max3A_1434 : vector<16xf32>
        %max3A_1442 = arith.constant 0.000000e+00 : f32
        %max3A_1443 = vector.broadcast %max3A_1442 : f32 to vector<16xf32>
        %max3A_1444 = arith.maximumf %sub3A_1441, %max3A_1443 : vector<16xf32>
        %sub3A_1445 = arith.subf %min3A_1440, %max3A_1436 : vector<16xf32>
        %max3A_1446 = arith.constant 0.000000e+00 : f32
        %max3A_1447 = vector.broadcast %max3A_1446 : f32 to vector<16xf32>
        %max3A_1448 = arith.maximumf %sub3A_1445, %max3A_1447 : vector<16xf32>
        %mul3A_1449 = arith.mulf %max3A_1444, %max3A_1448 : vector<16xf32>
        %add3A_1450 = vector.broadcast %squeeze3A_1432 : f32 to vector<16xf32>
        %add3A_1451 = arith.addf %mul3A_44, %add3A_1450 : vector<16xf32>
        %sub3A_1452 = arith.subf %add3A_1451, %mul3A_1449 : vector<16xf32>
        %max3A_1453 = arith.constant 9.99999971E-10 : f32
        %max3A_1454 = vector.broadcast %max3A_1453 : f32 to vector<16xf32>
        %max3A_1455 = arith.maximumf %sub3A_1452, %max3A_1454 : vector<16xf32>
        %div3A_1456 = arith.divf %mul3A_1449, %max3A_1455 : vector<16xf32>
        %gt3A_1457 = arith.constant 5.000000e-01 : f32
        %gt3A_1458 = vector.broadcast %gt3A_1457 : f32 to vector<16xf32>
        %gt3A_1459 = arith.cmpf ogt, %div3A_1456, %gt3A_1458 : vector<16xf32>
        %lt3A_1460 = arith.constant 5 : i32
        %lt3A_1461 = vector.broadcast %lt3A_1460 : i32 to vector<16xi32>
        %lt3A_1462 = arith.cmpi slt, %iota3A, %lt3A_1461 : vector<16xi32>
        %and3A_1463 = arith.andi %gt3A_1459, %lt3A_1462 : vector<16xi1>
        %max3A_1464 = vector.broadcast %squeeze3A_1424 : f32 to vector<16xf32>
        %max3A_1465 = arith.maximumf %gather3A, %max3A_1464 : vector<16xf32>
        %max3A_1466 = vector.broadcast %squeeze3A_1426 : f32 to vector<16xf32>
        %max3A_1467 = arith.maximumf %gather3A_31, %max3A_1466 : vector<16xf32>
        %min3A_1468 = vector.broadcast %squeeze3A_1428 : f32 to vector<16xf32>
        %min3A_1469 = arith.minimumf %gather3A_32, %min3A_1468 : vector<16xf32>
        %min3A_1470 = vector.broadcast %squeeze3A_1430 : f32 to vector<16xf32>
        %min3A_1471 = arith.minimumf %gather3A_33, %min3A_1470 : vector<16xf32>
        %sub3A_1472 = arith.subf %min3A_1469, %max3A_1465 : vector<16xf32>
        %max3A_1473 = arith.constant 0.000000e+00 : f32
        %max3A_1474 = vector.broadcast %max3A_1473 : f32 to vector<16xf32>
        %max3A_1475 = arith.maximumf %sub3A_1472, %max3A_1474 : vector<16xf32>
        %sub3A_1476 = arith.subf %min3A_1471, %max3A_1467 : vector<16xf32>
        %max3A_1477 = arith.constant 0.000000e+00 : f32
        %max3A_1478 = vector.broadcast %max3A_1477 : f32 to vector<16xf32>
        %max3A_1479 = arith.maximumf %sub3A_1476, %max3A_1478 : vector<16xf32>
        %mul3A_1480 = arith.mulf %max3A_1475, %max3A_1479 : vector<16xf32>
        %add3A_1481 = vector.broadcast %squeeze3A_1432 : f32 to vector<16xf32>
        %add3A_1482 = arith.addf %mul3A_41, %add3A_1481 : vector<16xf32>
        %sub3A_1483 = arith.subf %add3A_1482, %mul3A_1480 : vector<16xf32>
        %max3A_1484 = arith.constant 9.99999971E-10 : f32
        %max3A_1485 = vector.broadcast %max3A_1484 : f32 to vector<16xf32>
        %max3A_1486 = arith.maximumf %sub3A_1483, %max3A_1485 : vector<16xf32>
        %div3A_1487 = arith.divf %mul3A_1480, %max3A_1486 : vector<16xf32>
        %gt3A_1488 = arith.constant 5.000000e-01 : f32
        %gt3A_1489 = vector.broadcast %gt3A_1488 : f32 to vector<16xf32>
        %gt3A_1490 = arith.cmpf ogt, %div3A_1487, %gt3A_1489 : vector<16xf32>
        %gt3A_1491 = arith.constant 0 : i32
        %gt3A_1492 = vector.broadcast %gt3A_1491 : i32 to vector<16xi32>
        %gt3A_1493 = arith.cmpi sgt, %convert_element_type3A_998, %gt3A_1492 : vector<16xi32>
        %and3A_1494 = arith.andi %gt3A_1490, %gt3A_1493 : vector<16xi1>
        %all_reduce_population_count3A_1495 = tpu.all_reduce %and3A_1494 {dim = 0 : i64, kind = #tpu.reduction_kind<sum>} : vector<16xi1> -> vector<16xi32>
        %gt3A_1496 = arith.constant 0 : i32
        %gt3A_1497 = vector.broadcast %gt3A_1496 : i32 to vector<16xi32>
        %gt3A_1498 = arith.cmpi sgt, %all_reduce_population_count3A_1495, %gt3A_1497 : vector<16xi32>
        %eq3A_1499 = arith.constant 5 : i32
        %eq3A_1500 = vector.broadcast %eq3A_1499 : i32 to vector<16xi32>
        %eq3A_1501 = arith.cmpi eq, %iota3A, %eq3A_1500 : vector<16xi32>
        %and3A_1502 = arith.andi %gt3A_1498, %eq3A_1501 : vector<16xi1>
        %not3A_1503 = arith.constant dense<true> : vector<16xi1>
        %not3A_1504 = arith.xori %and3A_1502, %not3A_1503 : vector<16xi1>
        %and3A_1505 = arith.andi %and3A_1422, %not3A_1504 : vector<16xi1>
        %slice3A_1506 = vector.extract_strided_slice %gather3A_35 {offsets = [6], sizes = [1], strides = [1]} : vector<16xf32> to vector<1xf32>
        %squeeze3A_1507 = vector.extract %slice3A_1506[0] : f32 from vector<1xf32>
        %slice3A_1508 = vector.extract_strided_slice %gather3A_36 {offsets = [6], sizes = [1], strides = [1]} : vector<16xf32> to vector<1xf32>
        %squeeze3A_1509 = vector.extract %slice3A_1508[0] : f32 from vector<1xf32>
        %slice3A_1510 = vector.extract_strided_slice %gather3A_37 {offsets = [6], sizes = [1], strides = [1]} : vector<16xf32> to vector<1xf32>
        %squeeze3A_1511 = vector.extract %slice3A_1510[0] : f32 from vector<1xf32>
        %slice3A_1512 = vector.extract_strided_slice %gather3A_38 {offsets = [6], sizes = [1], strides = [1]} : vector<16xf32> to vector<1xf32>
        %squeeze3A_1513 = vector.extract %slice3A_1512[0] : f32 from vector<1xf32>
        %slice3A_1514 = vector.extract_strided_slice %mul3A_44 {offsets = [6], sizes = [1], strides = [1]} : vector<16xf32> to vector<1xf32>
        %squeeze3A_1515 = vector.extract %slice3A_1514[0] : f32 from vector<1xf32>
        %max3A_1516 = vector.broadcast %squeeze3A_1507 : f32 to vector<16xf32>
        %max3A_1517 = arith.maximumf %gather3A_35, %max3A_1516 : vector<16xf32>
        %max3A_1518 = vector.broadcast %squeeze3A_1509 : f32 to vector<16xf32>
        %max3A_1519 = arith.maximumf %gather3A_36, %max3A_1518 : vector<16xf32>
        %min3A_1520 = vector.broadcast %squeeze3A_1511 : f32 to vector<16xf32>
        %min3A_1521 = arith.minimumf %gather3A_37, %min3A_1520 : vector<16xf32>
        %min3A_1522 = vector.broadcast %squeeze3A_1513 : f32 to vector<16xf32>
        %min3A_1523 = arith.minimumf %gather3A_38, %min3A_1522 : vector<16xf32>
        %sub3A_1524 = arith.subf %min3A_1521, %max3A_1517 : vector<16xf32>
        %max3A_1525 = arith.constant 0.000000e+00 : f32
        %max3A_1526 = vector.broadcast %max3A_1525 : f32 to vector<16xf32>
        %max3A_1527 = arith.maximumf %sub3A_1524, %max3A_1526 : vector<16xf32>
        %sub3A_1528 = arith.subf %min3A_1523, %max3A_1519 : vector<16xf32>
        %max3A_1529 = arith.constant 0.000000e+00 : f32
        %max3A_1530 = vector.broadcast %max3A_1529 : f32 to vector<16xf32>
        %max3A_1531 = arith.maximumf %sub3A_1528, %max3A_1530 : vector<16xf32>
        %mul3A_1532 = arith.mulf %max3A_1527, %max3A_1531 : vector<16xf32>
        %add3A_1533 = vector.broadcast %squeeze3A_1515 : f32 to vector<16xf32>
        %add3A_1534 = arith.addf %mul3A_44, %add3A_1533 : vector<16xf32>
        %sub3A_1535 = arith.subf %add3A_1534, %mul3A_1532 : vector<16xf32>
        %max3A_1536 = arith.constant 9.99999971E-10 : f32
        %max3A_1537 = vector.broadcast %max3A_1536 : f32 to vector<16xf32>
        %max3A_1538 = arith.maximumf %sub3A_1535, %max3A_1537 : vector<16xf32>
        %div3A_1539 = arith.divf %mul3A_1532, %max3A_1538 : vector<16xf32>
        %gt3A_1540 = arith.constant 5.000000e-01 : f32
        %gt3A_1541 = vector.broadcast %gt3A_1540 : f32 to vector<16xf32>
        %gt3A_1542 = arith.cmpf ogt, %div3A_1539, %gt3A_1541 : vector<16xf32>
        %lt3A_1543 = arith.constant 6 : i32
        %lt3A_1544 = vector.broadcast %lt3A_1543 : i32 to vector<16xi32>
        %lt3A_1545 = arith.cmpi slt, %iota3A, %lt3A_1544 : vector<16xi32>
        %and3A_1546 = arith.andi %gt3A_1542, %lt3A_1545 : vector<16xi1>
        %max3A_1547 = vector.broadcast %squeeze3A_1507 : f32 to vector<16xf32>
        %max3A_1548 = arith.maximumf %gather3A, %max3A_1547 : vector<16xf32>
        %max3A_1549 = vector.broadcast %squeeze3A_1509 : f32 to vector<16xf32>
        %max3A_1550 = arith.maximumf %gather3A_31, %max3A_1549 : vector<16xf32>
        %min3A_1551 = vector.broadcast %squeeze3A_1511 : f32 to vector<16xf32>
        %min3A_1552 = arith.minimumf %gather3A_32, %min3A_1551 : vector<16xf32>
        %min3A_1553 = vector.broadcast %squeeze3A_1513 : f32 to vector<16xf32>
        %min3A_1554 = arith.minimumf %gather3A_33, %min3A_1553 : vector<16xf32>
        %sub3A_1555 = arith.subf %min3A_1552, %max3A_1548 : vector<16xf32>
        %max3A_1556 = arith.constant 0.000000e+00 : f32
        %max3A_1557 = vector.broadcast %max3A_1556 : f32 to vector<16xf32>
        %max3A_1558 = arith.maximumf %sub3A_1555, %max3A_1557 : vector<16xf32>
        %sub3A_1559 = arith.subf %min3A_1554, %max3A_1550 : vector<16xf32>
        %max3A_1560 = arith.constant 0.000000e+00 : f32
        %max3A_1561 = vector.broadcast %max3A_1560 : f32 to vector<16xf32>
        %max3A_1562 = arith.maximumf %sub3A_1559, %max3A_1561 : vector<16xf32>
        %mul3A_1563 = arith.mulf %max3A_1558, %max3A_1562 : vector<16xf32>
        %add3A_1564 = vector.broadcast %squeeze3A_1515 : f32 to vector<16xf32>
        %add3A_1565 = arith.addf %mul3A_41, %add3A_1564 : vector<16xf32>
        %sub3A_1566 = arith.subf %add3A_1565, %mul3A_1563 : vector<16xf32>
        %max3A_1567 = arith.constant 9.99999971E-10 : f32
        %max3A_1568 = vector.broadcast %max3A_1567 : f32 to vector<16xf32>
        %max3A_1569 = arith.maximumf %sub3A_1566, %max3A_1568 : vector<16xf32>
        %div3A_1570 = arith.divf %mul3A_1563, %max3A_1569 : vector<16xf32>
        %gt3A_1571 = arith.constant 5.000000e-01 : f32
        %gt3A_1572 = vector.broadcast %gt3A_1571 : f32 to vector<16xf32>
        %gt3A_1573 = arith.cmpf ogt, %div3A_1570, %gt3A_1572 : vector<16xf32>
        %gt3A_1574 = arith.constant 0 : i32
        %gt3A_1575 = vector.broadcast %gt3A_1574 : i32 to vector<16xi32>
        %gt3A_1576 = arith.cmpi sgt, %convert_element_type3A_998, %gt3A_1575 : vector<16xi32>
        %and3A_1577 = arith.andi %gt3A_1573, %gt3A_1576 : vector<16xi1>
        %all_reduce_population_count3A_1578 = tpu.all_reduce %and3A_1577 {dim = 0 : i64, kind = #tpu.reduction_kind<sum>} : vector<16xi1> -> vector<16xi32>
        %gt3A_1579 = arith.constant 0 : i32
        %gt3A_1580 = vector.broadcast %gt3A_1579 : i32 to vector<16xi32>
        %gt3A_1581 = arith.cmpi sgt, %all_reduce_population_count3A_1578, %gt3A_1580 : vector<16xi32>
        %eq3A_1582 = arith.constant 6 : i32
        %eq3A_1583 = vector.broadcast %eq3A_1582 : i32 to vector<16xi32>
        %eq3A_1584 = arith.cmpi eq, %iota3A, %eq3A_1583 : vector<16xi32>
        %and3A_1585 = arith.andi %gt3A_1581, %eq3A_1584 : vector<16xi1>
        %not3A_1586 = arith.constant dense<true> : vector<16xi1>
        %not3A_1587 = arith.xori %and3A_1585, %not3A_1586 : vector<16xi1>
        %and3A_1588 = arith.andi %and3A_1505, %not3A_1587 : vector<16xi1>
        %slice3A_1589 = vector.extract_strided_slice %gather3A_35 {offsets = [7], sizes = [1], strides = [1]} : vector<16xf32> to vector<1xf32>
        %squeeze3A_1590 = vector.extract %slice3A_1589[0] : f32 from vector<1xf32>
        %slice3A_1591 = vector.extract_strided_slice %gather3A_36 {offsets = [7], sizes = [1], strides = [1]} : vector<16xf32> to vector<1xf32>
        %squeeze3A_1592 = vector.extract %slice3A_1591[0] : f32 from vector<1xf32>
        %slice3A_1593 = vector.extract_strided_slice %gather3A_37 {offsets = [7], sizes = [1], strides = [1]} : vector<16xf32> to vector<1xf32>
        %squeeze3A_1594 = vector.extract %slice3A_1593[0] : f32 from vector<1xf32>
        %slice3A_1595 = vector.extract_strided_slice %gather3A_38 {offsets = [7], sizes = [1], strides = [1]} : vector<16xf32> to vector<1xf32>
        %squeeze3A_1596 = vector.extract %slice3A_1595[0] : f32 from vector<1xf32>
        %slice3A_1597 = vector.extract_strided_slice %mul3A_44 {offsets = [7], sizes = [1], strides = [1]} : vector<16xf32> to vector<1xf32>
        %squeeze3A_1598 = vector.extract %slice3A_1597[0] : f32 from vector<1xf32>
        %max3A_1599 = vector.broadcast %squeeze3A_1590 : f32 to vector<16xf32>
        %max3A_1600 = arith.maximumf %gather3A_35, %max3A_1599 : vector<16xf32>
        %max3A_1601 = vector.broadcast %squeeze3A_1592 : f32 to vector<16xf32>
        %max3A_1602 = arith.maximumf %gather3A_36, %max3A_1601 : vector<16xf32>
        %min3A_1603 = vector.broadcast %squeeze3A_1594 : f32 to vector<16xf32>
        %min3A_1604 = arith.minimumf %gather3A_37, %min3A_1603 : vector<16xf32>
        %min3A_1605 = vector.broadcast %squeeze3A_1596 : f32 to vector<16xf32>
        %min3A_1606 = arith.minimumf %gather3A_38, %min3A_1605 : vector<16xf32>
        %sub3A_1607 = arith.subf %min3A_1604, %max3A_1600 : vector<16xf32>
        %max3A_1608 = arith.constant 0.000000e+00 : f32
        %max3A_1609 = vector.broadcast %max3A_1608 : f32 to vector<16xf32>
        %max3A_1610 = arith.maximumf %sub3A_1607, %max3A_1609 : vector<16xf32>
        %sub3A_1611 = arith.subf %min3A_1606, %max3A_1602 : vector<16xf32>
        %max3A_1612 = arith.constant 0.000000e+00 : f32
        %max3A_1613 = vector.broadcast %max3A_1612 : f32 to vector<16xf32>
        %max3A_1614 = arith.maximumf %sub3A_1611, %max3A_1613 : vector<16xf32>
        %mul3A_1615 = arith.mulf %max3A_1610, %max3A_1614 : vector<16xf32>
        %add3A_1616 = vector.broadcast %squeeze3A_1598 : f32 to vector<16xf32>
        %add3A_1617 = arith.addf %mul3A_44, %add3A_1616 : vector<16xf32>
        %sub3A_1618 = arith.subf %add3A_1617, %mul3A_1615 : vector<16xf32>
        %max3A_1619 = arith.constant 9.99999971E-10 : f32
        %max3A_1620 = vector.broadcast %max3A_1619 : f32 to vector<16xf32>
        %max3A_1621 = arith.maximumf %sub3A_1618, %max3A_1620 : vector<16xf32>
        %div3A_1622 = arith.divf %mul3A_1615, %max3A_1621 : vector<16xf32>
        %gt3A_1623 = arith.constant 5.000000e-01 : f32
        %gt3A_1624 = vector.broadcast %gt3A_1623 : f32 to vector<16xf32>
        %gt3A_1625 = arith.cmpf ogt, %div3A_1622, %gt3A_1624 : vector<16xf32>
        %lt3A_1626 = arith.constant 7 : i32
        %lt3A_1627 = vector.broadcast %lt3A_1626 : i32 to vector<16xi32>
        %lt3A_1628 = arith.cmpi slt, %iota3A, %lt3A_1627 : vector<16xi32>
        %and3A_1629 = arith.andi %gt3A_1625, %lt3A_1628 : vector<16xi1>
        %max3A_1630 = vector.broadcast %squeeze3A_1590 : f32 to vector<16xf32>
        %max3A_1631 = arith.maximumf %gather3A, %max3A_1630 : vector<16xf32>
        %max3A_1632 = vector.broadcast %squeeze3A_1592 : f32 to vector<16xf32>
        %max3A_1633 = arith.maximumf %gather3A_31, %max3A_1632 : vector<16xf32>
        %min3A_1634 = vector.broadcast %squeeze3A_1594 : f32 to vector<16xf32>
        %min3A_1635 = arith.minimumf %gather3A_32, %min3A_1634 : vector<16xf32>
        %min3A_1636 = vector.broadcast %squeeze3A_1596 : f32 to vector<16xf32>
        %min3A_1637 = arith.minimumf %gather3A_33, %min3A_1636 : vector<16xf32>
        %sub3A_1638 = arith.subf %min3A_1635, %max3A_1631 : vector<16xf32>
        %max3A_1639 = arith.constant 0.000000e+00 : f32
        %max3A_1640 = vector.broadcast %max3A_1639 : f32 to vector<16xf32>
        %max3A_1641 = arith.maximumf %sub3A_1638, %max3A_1640 : vector<16xf32>
        %sub3A_1642 = arith.subf %min3A_1637, %max3A_1633 : vector<16xf32>
        %max3A_1643 = arith.constant 0.000000e+00 : f32
        %max3A_1644 = vector.broadcast %max3A_1643 : f32 to vector<16xf32>
        %max3A_1645 = arith.maximumf %sub3A_1642, %max3A_1644 : vector<16xf32>
        %mul3A_1646 = arith.mulf %max3A_1641, %max3A_1645 : vector<16xf32>
        %add3A_1647 = vector.broadcast %squeeze3A_1598 : f32 to vector<16xf32>
        %add3A_1648 = arith.addf %mul3A_41, %add3A_1647 : vector<16xf32>
        %sub3A_1649 = arith.subf %add3A_1648, %mul3A_1646 : vector<16xf32>
        %max3A_1650 = arith.constant 9.99999971E-10 : f32
        %max3A_1651 = vector.broadcast %max3A_1650 : f32 to vector<16xf32>
        %max3A_1652 = arith.maximumf %sub3A_1649, %max3A_1651 : vector<16xf32>
        %div3A_1653 = arith.divf %mul3A_1646, %max3A_1652 : vector<16xf32>
        %gt3A_1654 = arith.constant 5.000000e-01 : f32
        %gt3A_1655 = vector.broadcast %gt3A_1654 : f32 to vector<16xf32>
        %gt3A_1656 = arith.cmpf ogt, %div3A_1653, %gt3A_1655 : vector<16xf32>
        %gt3A_1657 = arith.constant 0 : i32
        %gt3A_1658 = vector.broadcast %gt3A_1657 : i32 to vector<16xi32>
        %gt3A_1659 = arith.cmpi sgt, %convert_element_type3A_998, %gt3A_1658 : vector<16xi32>
        %and3A_1660 = arith.andi %gt3A_1656, %gt3A_1659 : vector<16xi1>
        %all_reduce_population_count3A_1661 = tpu.all_reduce %and3A_1660 {dim = 0 : i64, kind = #tpu.reduction_kind<sum>} : vector<16xi1> -> vector<16xi32>
        %gt3A_1662 = arith.constant 0 : i32
        %gt3A_1663 = vector.broadcast %gt3A_1662 : i32 to vector<16xi32>
        %gt3A_1664 = arith.cmpi sgt, %all_reduce_population_count3A_1661, %gt3A_1663 : vector<16xi32>
        %eq3A_1665 = arith.constant 7 : i32
        %eq3A_1666 = vector.broadcast %eq3A_1665 : i32 to vector<16xi32>
        %eq3A_1667 = arith.cmpi eq, %iota3A, %eq3A_1666 : vector<16xi32>
        %and3A_1668 = arith.andi %gt3A_1664, %eq3A_1667 : vector<16xi1>
        %not3A_1669 = arith.constant dense<true> : vector<16xi1>
        %not3A_1670 = arith.xori %and3A_1668, %not3A_1669 : vector<16xi1>
        %and3A_1671 = arith.andi %and3A_1588, %not3A_1670 : vector<16xi1>
        %slice3A_1672 = vector.extract_strided_slice %gather3A_35 {offsets = [8], sizes = [1], strides = [1]} : vector<16xf32> to vector<1xf32>
        %squeeze3A_1673 = vector.extract %slice3A_1672[0] : f32 from vector<1xf32>
        %slice3A_1674 = vector.extract_strided_slice %gather3A_36 {offsets = [8], sizes = [1], strides = [1]} : vector<16xf32> to vector<1xf32>
        %squeeze3A_1675 = vector.extract %slice3A_1674[0] : f32 from vector<1xf32>
        %slice3A_1676 = vector.extract_strided_slice %gather3A_37 {offsets = [8], sizes = [1], strides = [1]} : vector<16xf32> to vector<1xf32>
        %squeeze3A_1677 = vector.extract %slice3A_1676[0] : f32 from vector<1xf32>
        %slice3A_1678 = vector.extract_strided_slice %gather3A_38 {offsets = [8], sizes = [1], strides = [1]} : vector<16xf32> to vector<1xf32>
        %squeeze3A_1679 = vector.extract %slice3A_1678[0] : f32 from vector<1xf32>
        %slice3A_1680 = vector.extract_strided_slice %mul3A_44 {offsets = [8], sizes = [1], strides = [1]} : vector<16xf32> to vector<1xf32>
        %squeeze3A_1681 = vector.extract %slice3A_1680[0] : f32 from vector<1xf32>
        %max3A_1682 = vector.broadcast %squeeze3A_1673 : f32 to vector<16xf32>
        %max3A_1683 = arith.maximumf %gather3A_35, %max3A_1682 : vector<16xf32>
        %max3A_1684 = vector.broadcast %squeeze3A_1675 : f32 to vector<16xf32>
        %max3A_1685 = arith.maximumf %gather3A_36, %max3A_1684 : vector<16xf32>
        %min3A_1686 = vector.broadcast %squeeze3A_1677 : f32 to vector<16xf32>
        %min3A_1687 = arith.minimumf %gather3A_37, %min3A_1686 : vector<16xf32>
        %min3A_1688 = vector.broadcast %squeeze3A_1679 : f32 to vector<16xf32>
        %min3A_1689 = arith.minimumf %gather3A_38, %min3A_1688 : vector<16xf32>
        %sub3A_1690 = arith.subf %min3A_1687, %max3A_1683 : vector<16xf32>
        %max3A_1691 = arith.constant 0.000000e+00 : f32
        %max3A_1692 = vector.broadcast %max3A_1691 : f32 to vector<16xf32>
        %max3A_1693 = arith.maximumf %sub3A_1690, %max3A_1692 : vector<16xf32>
        %sub3A_1694 = arith.subf %min3A_1689, %max3A_1685 : vector<16xf32>
        %max3A_1695 = arith.constant 0.000000e+00 : f32
        %max3A_1696 = vector.broadcast %max3A_1695 : f32 to vector<16xf32>
        %max3A_1697 = arith.maximumf %sub3A_1694, %max3A_1696 : vector<16xf32>
        %mul3A_1698 = arith.mulf %max3A_1693, %max3A_1697 : vector<16xf32>
        %add3A_1699 = vector.broadcast %squeeze3A_1681 : f32 to vector<16xf32>
        %add3A_1700 = arith.addf %mul3A_44, %add3A_1699 : vector<16xf32>
        %sub3A_1701 = arith.subf %add3A_1700, %mul3A_1698 : vector<16xf32>
        %max3A_1702 = arith.constant 9.99999971E-10 : f32
        %max3A_1703 = vector.broadcast %max3A_1702 : f32 to vector<16xf32>
        %max3A_1704 = arith.maximumf %sub3A_1701, %max3A_1703 : vector<16xf32>
        %div3A_1705 = arith.divf %mul3A_1698, %max3A_1704 : vector<16xf32>
        %gt3A_1706 = arith.constant 5.000000e-01 : f32
        %gt3A_1707 = vector.broadcast %gt3A_1706 : f32 to vector<16xf32>
        %gt3A_1708 = arith.cmpf ogt, %div3A_1705, %gt3A_1707 : vector<16xf32>
        %lt3A_1709 = arith.constant 8 : i32
        %lt3A_1710 = vector.broadcast %lt3A_1709 : i32 to vector<16xi32>
        %lt3A_1711 = arith.cmpi slt, %iota3A, %lt3A_1710 : vector<16xi32>
        %and3A_1712 = arith.andi %gt3A_1708, %lt3A_1711 : vector<16xi1>
        %max3A_1713 = vector.broadcast %squeeze3A_1673 : f32 to vector<16xf32>
        %max3A_1714 = arith.maximumf %gather3A, %max3A_1713 : vector<16xf32>
        %max3A_1715 = vector.broadcast %squeeze3A_1675 : f32 to vector<16xf32>
        %max3A_1716 = arith.maximumf %gather3A_31, %max3A_1715 : vector<16xf32>
        %min3A_1717 = vector.broadcast %squeeze3A_1677 : f32 to vector<16xf32>
        %min3A_1718 = arith.minimumf %gather3A_32, %min3A_1717 : vector<16xf32>
        %min3A_1719 = vector.broadcast %squeeze3A_1679 : f32 to vector<16xf32>
        %min3A_1720 = arith.minimumf %gather3A_33, %min3A_1719 : vector<16xf32>
        %sub3A_1721 = arith.subf %min3A_1718, %max3A_1714 : vector<16xf32>
        %max3A_1722 = arith.constant 0.000000e+00 : f32
        %max3A_1723 = vector.broadcast %max3A_1722 : f32 to vector<16xf32>
        %max3A_1724 = arith.maximumf %sub3A_1721, %max3A_1723 : vector<16xf32>
        %sub3A_1725 = arith.subf %min3A_1720, %max3A_1716 : vector<16xf32>
        %max3A_1726 = arith.constant 0.000000e+00 : f32
        %max3A_1727 = vector.broadcast %max3A_1726 : f32 to vector<16xf32>
        %max3A_1728 = arith.maximumf %sub3A_1725, %max3A_1727 : vector<16xf32>
        %mul3A_1729 = arith.mulf %max3A_1724, %max3A_1728 : vector<16xf32>
        %add3A_1730 = vector.broadcast %squeeze3A_1681 : f32 to vector<16xf32>
        %add3A_1731 = arith.addf %mul3A_41, %add3A_1730 : vector<16xf32>
        %sub3A_1732 = arith.subf %add3A_1731, %mul3A_1729 : vector<16xf32>
        %max3A_1733 = arith.constant 9.99999971E-10 : f32
        %max3A_1734 = vector.broadcast %max3A_1733 : f32 to vector<16xf32>
        %max3A_1735 = arith.maximumf %sub3A_1732, %max3A_1734 : vector<16xf32>
        %div3A_1736 = arith.divf %mul3A_1729, %max3A_1735 : vector<16xf32>
        %gt3A_1737 = arith.constant 5.000000e-01 : f32
        %gt3A_1738 = vector.broadcast %gt3A_1737 : f32 to vector<16xf32>
        %gt3A_1739 = arith.cmpf ogt, %div3A_1736, %gt3A_1738 : vector<16xf32>
        %gt3A_1740 = arith.constant 0 : i32
        %gt3A_1741 = vector.broadcast %gt3A_1740 : i32 to vector<16xi32>
        %gt3A_1742 = arith.cmpi sgt, %convert_element_type3A_998, %gt3A_1741 : vector<16xi32>
        %and3A_1743 = arith.andi %gt3A_1739, %gt3A_1742 : vector<16xi1>
        %all_reduce_population_count3A_1744 = tpu.all_reduce %and3A_1743 {dim = 0 : i64, kind = #tpu.reduction_kind<sum>} : vector<16xi1> -> vector<16xi32>
        %gt3A_1745 = arith.constant 0 : i32
        %gt3A_1746 = vector.broadcast %gt3A_1745 : i32 to vector<16xi32>
        %gt3A_1747 = arith.cmpi sgt, %all_reduce_population_count3A_1744, %gt3A_1746 : vector<16xi32>
        %eq3A_1748 = arith.constant 8 : i32
        %eq3A_1749 = vector.broadcast %eq3A_1748 : i32 to vector<16xi32>
        %eq3A_1750 = arith.cmpi eq, %iota3A, %eq3A_1749 : vector<16xi32>
        %and3A_1751 = arith.andi %gt3A_1747, %eq3A_1750 : vector<16xi1>
        %not3A_1752 = arith.constant dense<true> : vector<16xi1>
        %not3A_1753 = arith.xori %and3A_1751, %not3A_1752 : vector<16xi1>
        %and3A_1754 = arith.andi %and3A_1671, %not3A_1753 : vector<16xi1>
        %slice3A_1755 = vector.extract_strided_slice %gather3A_35 {offsets = [9], sizes = [1], strides = [1]} : vector<16xf32> to vector<1xf32>
        %squeeze3A_1756 = vector.extract %slice3A_1755[0] : f32 from vector<1xf32>
        %slice3A_1757 = vector.extract_strided_slice %gather3A_36 {offsets = [9], sizes = [1], strides = [1]} : vector<16xf32> to vector<1xf32>
        %squeeze3A_1758 = vector.extract %slice3A_1757[0] : f32 from vector<1xf32>
        %slice3A_1759 = vector.extract_strided_slice %gather3A_37 {offsets = [9], sizes = [1], strides = [1]} : vector<16xf32> to vector<1xf32>
        %squeeze3A_1760 = vector.extract %slice3A_1759[0] : f32 from vector<1xf32>
        %slice3A_1761 = vector.extract_strided_slice %gather3A_38 {offsets = [9], sizes = [1], strides = [1]} : vector<16xf32> to vector<1xf32>
        %squeeze3A_1762 = vector.extract %slice3A_1761[0] : f32 from vector<1xf32>
        %slice3A_1763 = vector.extract_strided_slice %mul3A_44 {offsets = [9], sizes = [1], strides = [1]} : vector<16xf32> to vector<1xf32>
        %squeeze3A_1764 = vector.extract %slice3A_1763[0] : f32 from vector<1xf32>
        %max3A_1765 = vector.broadcast %squeeze3A_1756 : f32 to vector<16xf32>
        %max3A_1766 = arith.maximumf %gather3A_35, %max3A_1765 : vector<16xf32>
        %max3A_1767 = vector.broadcast %squeeze3A_1758 : f32 to vector<16xf32>
        %max3A_1768 = arith.maximumf %gather3A_36, %max3A_1767 : vector<16xf32>
        %min3A_1769 = vector.broadcast %squeeze3A_1760 : f32 to vector<16xf32>
        %min3A_1770 = arith.minimumf %gather3A_37, %min3A_1769 : vector<16xf32>
        %min3A_1771 = vector.broadcast %squeeze3A_1762 : f32 to vector<16xf32>
        %min3A_1772 = arith.minimumf %gather3A_38, %min3A_1771 : vector<16xf32>
        %sub3A_1773 = arith.subf %min3A_1770, %max3A_1766 : vector<16xf32>
        %max3A_1774 = arith.constant 0.000000e+00 : f32
        %max3A_1775 = vector.broadcast %max3A_1774 : f32 to vector<16xf32>
        %max3A_1776 = arith.maximumf %sub3A_1773, %max3A_1775 : vector<16xf32>
        %sub3A_1777 = arith.subf %min3A_1772, %max3A_1768 : vector<16xf32>
        %max3A_1778 = arith.constant 0.000000e+00 : f32
        %max3A_1779 = vector.broadcast %max3A_1778 : f32 to vector<16xf32>
        %max3A_1780 = arith.maximumf %sub3A_1777, %max3A_1779 : vector<16xf32>
        %mul3A_1781 = arith.mulf %max3A_1776, %max3A_1780 : vector<16xf32>
        %add3A_1782 = vector.broadcast %squeeze3A_1764 : f32 to vector<16xf32>
        %add3A_1783 = arith.addf %mul3A_44, %add3A_1782 : vector<16xf32>
        %sub3A_1784 = arith.subf %add3A_1783, %mul3A_1781 : vector<16xf32>
        %max3A_1785 = arith.constant 9.99999971E-10 : f32
        %max3A_1786 = vector.broadcast %max3A_1785 : f32 to vector<16xf32>
        %max3A_1787 = arith.maximumf %sub3A_1784, %max3A_1786 : vector<16xf32>
        %div3A_1788 = arith.divf %mul3A_1781, %max3A_1787 : vector<16xf32>
        %gt3A_1789 = arith.constant 5.000000e-01 : f32
        %gt3A_1790 = vector.broadcast %gt3A_1789 : f32 to vector<16xf32>
        %gt3A_1791 = arith.cmpf ogt, %div3A_1788, %gt3A_1790 : vector<16xf32>
        %lt3A_1792 = arith.constant 9 : i32
        %lt3A_1793 = vector.broadcast %lt3A_1792 : i32 to vector<16xi32>
        %lt3A_1794 = arith.cmpi slt, %iota3A, %lt3A_1793 : vector<16xi32>
        %and3A_1795 = arith.andi %gt3A_1791, %lt3A_1794 : vector<16xi1>
        %max3A_1796 = vector.broadcast %squeeze3A_1756 : f32 to vector<16xf32>
        %max3A_1797 = arith.maximumf %gather3A, %max3A_1796 : vector<16xf32>
        %max3A_1798 = vector.broadcast %squeeze3A_1758 : f32 to vector<16xf32>
        %max3A_1799 = arith.maximumf %gather3A_31, %max3A_1798 : vector<16xf32>
        %min3A_1800 = vector.broadcast %squeeze3A_1760 : f32 to vector<16xf32>
        %min3A_1801 = arith.minimumf %gather3A_32, %min3A_1800 : vector<16xf32>
        %min3A_1802 = vector.broadcast %squeeze3A_1762 : f32 to vector<16xf32>
        %min3A_1803 = arith.minimumf %gather3A_33, %min3A_1802 : vector<16xf32>
        %sub3A_1804 = arith.subf %min3A_1801, %max3A_1797 : vector<16xf32>
        %max3A_1805 = arith.constant 0.000000e+00 : f32
        %max3A_1806 = vector.broadcast %max3A_1805 : f32 to vector<16xf32>
        %max3A_1807 = arith.maximumf %sub3A_1804, %max3A_1806 : vector<16xf32>
        %sub3A_1808 = arith.subf %min3A_1803, %max3A_1799 : vector<16xf32>
        %max3A_1809 = arith.constant 0.000000e+00 : f32
        %max3A_1810 = vector.broadcast %max3A_1809 : f32 to vector<16xf32>
        %max3A_1811 = arith.maximumf %sub3A_1808, %max3A_1810 : vector<16xf32>
        %mul3A_1812 = arith.mulf %max3A_1807, %max3A_1811 : vector<16xf32>
        %add3A_1813 = vector.broadcast %squeeze3A_1764 : f32 to vector<16xf32>
        %add3A_1814 = arith.addf %mul3A_41, %add3A_1813 : vector<16xf32>
        %sub3A_1815 = arith.subf %add3A_1814, %mul3A_1812 : vector<16xf32>
        %max3A_1816 = arith.constant 9.99999971E-10 : f32
        %max3A_1817 = vector.broadcast %max3A_1816 : f32 to vector<16xf32>
        %max3A_1818 = arith.maximumf %sub3A_1815, %max3A_1817 : vector<16xf32>
        %div3A_1819 = arith.divf %mul3A_1812, %max3A_1818 : vector<16xf32>
        %gt3A_1820 = arith.constant 5.000000e-01 : f32
        %gt3A_1821 = vector.broadcast %gt3A_1820 : f32 to vector<16xf32>
        %gt3A_1822 = arith.cmpf ogt, %div3A_1819, %gt3A_1821 : vector<16xf32>
        %gt3A_1823 = arith.constant 0 : i32
        %gt3A_1824 = vector.broadcast %gt3A_1823 : i32 to vector<16xi32>
        %gt3A_1825 = arith.cmpi sgt, %convert_element_type3A_998, %gt3A_1824 : vector<16xi32>
        %and3A_1826 = arith.andi %gt3A_1822, %gt3A_1825 : vector<16xi1>
        %all_reduce_population_count3A_1827 = tpu.all_reduce %and3A_1826 {dim = 0 : i64, kind = #tpu.reduction_kind<sum>} : vector<16xi1> -> vector<16xi32>
        %gt3A_1828 = arith.constant 0 : i32
        %gt3A_1829 = vector.broadcast %gt3A_1828 : i32 to vector<16xi32>
        %gt3A_1830 = arith.cmpi sgt, %all_reduce_population_count3A_1827, %gt3A_1829 : vector<16xi32>
        %eq3A_1831 = arith.constant 9 : i32
        %eq3A_1832 = vector.broadcast %eq3A_1831 : i32 to vector<16xi32>
        %eq3A_1833 = arith.cmpi eq, %iota3A, %eq3A_1832 : vector<16xi32>
        %and3A_1834 = arith.andi %gt3A_1830, %eq3A_1833 : vector<16xi1>
        %not3A_1835 = arith.constant dense<true> : vector<16xi1>
        %not3A_1836 = arith.xori %and3A_1834, %not3A_1835 : vector<16xi1>
        %and3A_1837 = arith.andi %and3A_1754, %not3A_1836 : vector<16xi1>
        %slice3A_1838 = vector.extract_strided_slice %gather3A_35 {offsets = [10], sizes = [1], strides = [1]} : vector<16xf32> to vector<1xf32>
        %squeeze3A_1839 = vector.extract %slice3A_1838[0] : f32 from vector<1xf32>
        %slice3A_1840 = vector.extract_strided_slice %gather3A_36 {offsets = [10], sizes = [1], strides = [1]} : vector<16xf32> to vector<1xf32>
        %squeeze3A_1841 = vector.extract %slice3A_1840[0] : f32 from vector<1xf32>
        %slice3A_1842 = vector.extract_strided_slice %gather3A_37 {offsets = [10], sizes = [1], strides = [1]} : vector<16xf32> to vector<1xf32>
        %squeeze3A_1843 = vector.extract %slice3A_1842[0] : f32 from vector<1xf32>
        %slice3A_1844 = vector.extract_strided_slice %gather3A_38 {offsets = [10], sizes = [1], strides = [1]} : vector<16xf32> to vector<1xf32>
        %squeeze3A_1845 = vector.extract %slice3A_1844[0] : f32 from vector<1xf32>
        %slice3A_1846 = vector.extract_strided_slice %mul3A_44 {offsets = [10], sizes = [1], strides = [1]} : vector<16xf32> to vector<1xf32>
        %squeeze3A_1847 = vector.extract %slice3A_1846[0] : f32 from vector<1xf32>
        %max3A_1848 = vector.broadcast %squeeze3A_1839 : f32 to vector<16xf32>
        %max3A_1849 = arith.maximumf %gather3A_35, %max3A_1848 : vector<16xf32>
        %max3A_1850 = vector.broadcast %squeeze3A_1841 : f32 to vector<16xf32>
        %max3A_1851 = arith.maximumf %gather3A_36, %max3A_1850 : vector<16xf32>
        %min3A_1852 = vector.broadcast %squeeze3A_1843 : f32 to vector<16xf32>
        %min3A_1853 = arith.minimumf %gather3A_37, %min3A_1852 : vector<16xf32>
        %min3A_1854 = vector.broadcast %squeeze3A_1845 : f32 to vector<16xf32>
        %min3A_1855 = arith.minimumf %gather3A_38, %min3A_1854 : vector<16xf32>
        %sub3A_1856 = arith.subf %min3A_1853, %max3A_1849 : vector<16xf32>
        %max3A_1857 = arith.constant 0.000000e+00 : f32
        %max3A_1858 = vector.broadcast %max3A_1857 : f32 to vector<16xf32>
        %max3A_1859 = arith.maximumf %sub3A_1856, %max3A_1858 : vector<16xf32>
        %sub3A_1860 = arith.subf %min3A_1855, %max3A_1851 : vector<16xf32>
        %max3A_1861 = arith.constant 0.000000e+00 : f32
        %max3A_1862 = vector.broadcast %max3A_1861 : f32 to vector<16xf32>
        %max3A_1863 = arith.maximumf %sub3A_1860, %max3A_1862 : vector<16xf32>
        %mul3A_1864 = arith.mulf %max3A_1859, %max3A_1863 : vector<16xf32>
        %add3A_1865 = vector.broadcast %squeeze3A_1847 : f32 to vector<16xf32>
        %add3A_1866 = arith.addf %mul3A_44, %add3A_1865 : vector<16xf32>
        %sub3A_1867 = arith.subf %add3A_1866, %mul3A_1864 : vector<16xf32>
        %max3A_1868 = arith.constant 9.99999971E-10 : f32
        %max3A_1869 = vector.broadcast %max3A_1868 : f32 to vector<16xf32>
        %max3A_1870 = arith.maximumf %sub3A_1867, %max3A_1869 : vector<16xf32>
        %div3A_1871 = arith.divf %mul3A_1864, %max3A_1870 : vector<16xf32>
        %gt3A_1872 = arith.constant 5.000000e-01 : f32
        %gt3A_1873 = vector.broadcast %gt3A_1872 : f32 to vector<16xf32>
        %gt3A_1874 = arith.cmpf ogt, %div3A_1871, %gt3A_1873 : vector<16xf32>
        %lt3A_1875 = arith.constant 10 : i32
        %lt3A_1876 = vector.broadcast %lt3A_1875 : i32 to vector<16xi32>
        %lt3A_1877 = arith.cmpi slt, %iota3A, %lt3A_1876 : vector<16xi32>
        %and3A_1878 = arith.andi %gt3A_1874, %lt3A_1877 : vector<16xi1>
        %max3A_1879 = vector.broadcast %squeeze3A_1839 : f32 to vector<16xf32>
        %max3A_1880 = arith.maximumf %gather3A, %max3A_1879 : vector<16xf32>
        %max3A_1881 = vector.broadcast %squeeze3A_1841 : f32 to vector<16xf32>
        %max3A_1882 = arith.maximumf %gather3A_31, %max3A_1881 : vector<16xf32>
        %min3A_1883 = vector.broadcast %squeeze3A_1843 : f32 to vector<16xf32>
        %min3A_1884 = arith.minimumf %gather3A_32, %min3A_1883 : vector<16xf32>
        %min3A_1885 = vector.broadcast %squeeze3A_1845 : f32 to vector<16xf32>
        %min3A_1886 = arith.minimumf %gather3A_33, %min3A_1885 : vector<16xf32>
        %sub3A_1887 = arith.subf %min3A_1884, %max3A_1880 : vector<16xf32>
        %max3A_1888 = arith.constant 0.000000e+00 : f32
        %max3A_1889 = vector.broadcast %max3A_1888 : f32 to vector<16xf32>
        %max3A_1890 = arith.maximumf %sub3A_1887, %max3A_1889 : vector<16xf32>
        %sub3A_1891 = arith.subf %min3A_1886, %max3A_1882 : vector<16xf32>
        %max3A_1892 = arith.constant 0.000000e+00 : f32
        %max3A_1893 = vector.broadcast %max3A_1892 : f32 to vector<16xf32>
        %max3A_1894 = arith.maximumf %sub3A_1891, %max3A_1893 : vector<16xf32>
        %mul3A_1895 = arith.mulf %max3A_1890, %max3A_1894 : vector<16xf32>
        %add3A_1896 = vector.broadcast %squeeze3A_1847 : f32 to vector<16xf32>
        %add3A_1897 = arith.addf %mul3A_41, %add3A_1896 : vector<16xf32>
        %sub3A_1898 = arith.subf %add3A_1897, %mul3A_1895 : vector<16xf32>
        %max3A_1899 = arith.constant 9.99999971E-10 : f32
        %max3A_1900 = vector.broadcast %max3A_1899 : f32 to vector<16xf32>
        %max3A_1901 = arith.maximumf %sub3A_1898, %max3A_1900 : vector<16xf32>
        %div3A_1902 = arith.divf %mul3A_1895, %max3A_1901 : vector<16xf32>
        %gt3A_1903 = arith.constant 5.000000e-01 : f32
        %gt3A_1904 = vector.broadcast %gt3A_1903 : f32 to vector<16xf32>
        %gt3A_1905 = arith.cmpf ogt, %div3A_1902, %gt3A_1904 : vector<16xf32>
        %gt3A_1906 = arith.constant 0 : i32
        %gt3A_1907 = vector.broadcast %gt3A_1906 : i32 to vector<16xi32>
        %gt3A_1908 = arith.cmpi sgt, %convert_element_type3A_998, %gt3A_1907 : vector<16xi32>
        %and3A_1909 = arith.andi %gt3A_1905, %gt3A_1908 : vector<16xi1>
        %all_reduce_population_count3A_1910 = tpu.all_reduce %and3A_1909 {dim = 0 : i64, kind = #tpu.reduction_kind<sum>} : vector<16xi1> -> vector<16xi32>
        %gt3A_1911 = arith.constant 0 : i32
        %gt3A_1912 = vector.broadcast %gt3A_1911 : i32 to vector<16xi32>
        %gt3A_1913 = arith.cmpi sgt, %all_reduce_population_count3A_1910, %gt3A_1912 : vector<16xi32>
        %eq3A_1914 = arith.constant 10 : i32
        %eq3A_1915 = vector.broadcast %eq3A_1914 : i32 to vector<16xi32>
        %eq3A_1916 = arith.cmpi eq, %iota3A, %eq3A_1915 : vector<16xi32>
        %and3A_1917 = arith.andi %gt3A_1913, %eq3A_1916 : vector<16xi1>
        %not3A_1918 = arith.constant dense<true> : vector<16xi1>
        %not3A_1919 = arith.xori %and3A_1917, %not3A_1918 : vector<16xi1>
        %and3A_1920 = arith.andi %and3A_1837, %not3A_1919 : vector<16xi1>
        %slice3A_1921 = vector.extract_strided_slice %gather3A_35 {offsets = [11], sizes = [1], strides = [1]} : vector<16xf32> to vector<1xf32>
        %squeeze3A_1922 = vector.extract %slice3A_1921[0] : f32 from vector<1xf32>
        %slice3A_1923 = vector.extract_strided_slice %gather3A_36 {offsets = [11], sizes = [1], strides = [1]} : vector<16xf32> to vector<1xf32>
        %squeeze3A_1924 = vector.extract %slice3A_1923[0] : f32 from vector<1xf32>
        %slice3A_1925 = vector.extract_strided_slice %gather3A_37 {offsets = [11], sizes = [1], strides = [1]} : vector<16xf32> to vector<1xf32>
        %squeeze3A_1926 = vector.extract %slice3A_1925[0] : f32 from vector<1xf32>
        %slice3A_1927 = vector.extract_strided_slice %gather3A_38 {offsets = [11], sizes = [1], strides = [1]} : vector<16xf32> to vector<1xf32>
        %squeeze3A_1928 = vector.extract %slice3A_1927[0] : f32 from vector<1xf32>
        %slice3A_1929 = vector.extract_strided_slice %mul3A_44 {offsets = [11], sizes = [1], strides = [1]} : vector<16xf32> to vector<1xf32>
        %squeeze3A_1930 = vector.extract %slice3A_1929[0] : f32 from vector<1xf32>
        %max3A_1931 = vector.broadcast %squeeze3A_1922 : f32 to vector<16xf32>
        %max3A_1932 = arith.maximumf %gather3A_35, %max3A_1931 : vector<16xf32>
        %max3A_1933 = vector.broadcast %squeeze3A_1924 : f32 to vector<16xf32>
        %max3A_1934 = arith.maximumf %gather3A_36, %max3A_1933 : vector<16xf32>
        %min3A_1935 = vector.broadcast %squeeze3A_1926 : f32 to vector<16xf32>
        %min3A_1936 = arith.minimumf %gather3A_37, %min3A_1935 : vector<16xf32>
        %min3A_1937 = vector.broadcast %squeeze3A_1928 : f32 to vector<16xf32>
        %min3A_1938 = arith.minimumf %gather3A_38, %min3A_1937 : vector<16xf32>
        %sub3A_1939 = arith.subf %min3A_1936, %max3A_1932 : vector<16xf32>
        %max3A_1940 = arith.constant 0.000000e+00 : f32
        %max3A_1941 = vector.broadcast %max3A_1940 : f32 to vector<16xf32>
        %max3A_1942 = arith.maximumf %sub3A_1939, %max3A_1941 : vector<16xf32>
        %sub3A_1943 = arith.subf %min3A_1938, %max3A_1934 : vector<16xf32>
        %max3A_1944 = arith.constant 0.000000e+00 : f32
        %max3A_1945 = vector.broadcast %max3A_1944 : f32 to vector<16xf32>
        %max3A_1946 = arith.maximumf %sub3A_1943, %max3A_1945 : vector<16xf32>
        %mul3A_1947 = arith.mulf %max3A_1942, %max3A_1946 : vector<16xf32>
        %add3A_1948 = vector.broadcast %squeeze3A_1930 : f32 to vector<16xf32>
        %add3A_1949 = arith.addf %mul3A_44, %add3A_1948 : vector<16xf32>
        %sub3A_1950 = arith.subf %add3A_1949, %mul3A_1947 : vector<16xf32>
        %max3A_1951 = arith.constant 9.99999971E-10 : f32
        %max3A_1952 = vector.broadcast %max3A_1951 : f32 to vector<16xf32>
        %max3A_1953 = arith.maximumf %sub3A_1950, %max3A_1952 : vector<16xf32>
        %div3A_1954 = arith.divf %mul3A_1947, %max3A_1953 : vector<16xf32>
        %gt3A_1955 = arith.constant 5.000000e-01 : f32
        %gt3A_1956 = vector.broadcast %gt3A_1955 : f32 to vector<16xf32>
        %gt3A_1957 = arith.cmpf ogt, %div3A_1954, %gt3A_1956 : vector<16xf32>
        %lt3A_1958 = arith.constant 11 : i32
        %lt3A_1959 = vector.broadcast %lt3A_1958 : i32 to vector<16xi32>
        %lt3A_1960 = arith.cmpi slt, %iota3A, %lt3A_1959 : vector<16xi32>
        %and3A_1961 = arith.andi %gt3A_1957, %lt3A_1960 : vector<16xi1>
        %max3A_1962 = vector.broadcast %squeeze3A_1922 : f32 to vector<16xf32>
        %max3A_1963 = arith.maximumf %gather3A, %max3A_1962 : vector<16xf32>
        %max3A_1964 = vector.broadcast %squeeze3A_1924 : f32 to vector<16xf32>
        %max3A_1965 = arith.maximumf %gather3A_31, %max3A_1964 : vector<16xf32>
        %min3A_1966 = vector.broadcast %squeeze3A_1926 : f32 to vector<16xf32>
        %min3A_1967 = arith.minimumf %gather3A_32, %min3A_1966 : vector<16xf32>
        %min3A_1968 = vector.broadcast %squeeze3A_1928 : f32 to vector<16xf32>
        %min3A_1969 = arith.minimumf %gather3A_33, %min3A_1968 : vector<16xf32>
        %sub3A_1970 = arith.subf %min3A_1967, %max3A_1963 : vector<16xf32>
        %max3A_1971 = arith.constant 0.000000e+00 : f32
        %max3A_1972 = vector.broadcast %max3A_1971 : f32 to vector<16xf32>
        %max3A_1973 = arith.maximumf %sub3A_1970, %max3A_1972 : vector<16xf32>
        %sub3A_1974 = arith.subf %min3A_1969, %max3A_1965 : vector<16xf32>
        %max3A_1975 = arith.constant 0.000000e+00 : f32
        %max3A_1976 = vector.broadcast %max3A_1975 : f32 to vector<16xf32>
        %max3A_1977 = arith.maximumf %sub3A_1974, %max3A_1976 : vector<16xf32>
        %mul3A_1978 = arith.mulf %max3A_1973, %max3A_1977 : vector<16xf32>
        %add3A_1979 = vector.broadcast %squeeze3A_1930 : f32 to vector<16xf32>
        %add3A_1980 = arith.addf %mul3A_41, %add3A_1979 : vector<16xf32>
        %sub3A_1981 = arith.subf %add3A_1980, %mul3A_1978 : vector<16xf32>
        %max3A_1982 = arith.constant 9.99999971E-10 : f32
        %max3A_1983 = vector.broadcast %max3A_1982 : f32 to vector<16xf32>
        %max3A_1984 = arith.maximumf %sub3A_1981, %max3A_1983 : vector<16xf32>
        %div3A_1985 = arith.divf %mul3A_1978, %max3A_1984 : vector<16xf32>
        %gt3A_1986 = arith.constant 5.000000e-01 : f32
        %gt3A_1987 = vector.broadcast %gt3A_1986 : f32 to vector<16xf32>
        %gt3A_1988 = arith.cmpf ogt, %div3A_1985, %gt3A_1987 : vector<16xf32>
        %gt3A_1989 = arith.constant 0 : i32
        %gt3A_1990 = vector.broadcast %gt3A_1989 : i32 to vector<16xi32>
        %gt3A_1991 = arith.cmpi sgt, %convert_element_type3A_998, %gt3A_1990 : vector<16xi32>
        %and3A_1992 = arith.andi %gt3A_1988, %gt3A_1991 : vector<16xi1>
        %all_reduce_population_count3A_1993 = tpu.all_reduce %and3A_1992 {dim = 0 : i64, kind = #tpu.reduction_kind<sum>} : vector<16xi1> -> vector<16xi32>
        %gt3A_1994 = arith.constant 0 : i32
        %gt3A_1995 = vector.broadcast %gt3A_1994 : i32 to vector<16xi32>
        %gt3A_1996 = arith.cmpi sgt, %all_reduce_population_count3A_1993, %gt3A_1995 : vector<16xi32>
        %eq3A_1997 = arith.constant 11 : i32
        %eq3A_1998 = vector.broadcast %eq3A_1997 : i32 to vector<16xi32>
        %eq3A_1999 = arith.cmpi eq, %iota3A, %eq3A_1998 : vector<16xi32>
        %and3A_2000 = arith.andi %gt3A_1996, %eq3A_1999 : vector<16xi1>
        %not3A_2001 = arith.constant dense<true> : vector<16xi1>
        %not3A_2002 = arith.xori %and3A_2000, %not3A_2001 : vector<16xi1>
        %and3A_2003 = arith.andi %and3A_1920, %not3A_2002 : vector<16xi1>
        %slice3A_2004 = vector.extract_strided_slice %gather3A_35 {offsets = [12], sizes = [1], strides = [1]} : vector<16xf32> to vector<1xf32>
        %squeeze3A_2005 = vector.extract %slice3A_2004[0] : f32 from vector<1xf32>
        %slice3A_2006 = vector.extract_strided_slice %gather3A_36 {offsets = [12], sizes = [1], strides = [1]} : vector<16xf32> to vector<1xf32>
        %squeeze3A_2007 = vector.extract %slice3A_2006[0] : f32 from vector<1xf32>
        %slice3A_2008 = vector.extract_strided_slice %gather3A_37 {offsets = [12], sizes = [1], strides = [1]} : vector<16xf32> to vector<1xf32>
        %squeeze3A_2009 = vector.extract %slice3A_2008[0] : f32 from vector<1xf32>
        %slice3A_2010 = vector.extract_strided_slice %gather3A_38 {offsets = [12], sizes = [1], strides = [1]} : vector<16xf32> to vector<1xf32>
        %squeeze3A_2011 = vector.extract %slice3A_2010[0] : f32 from vector<1xf32>
        %slice3A_2012 = vector.extract_strided_slice %mul3A_44 {offsets = [12], sizes = [1], strides = [1]} : vector<16xf32> to vector<1xf32>
        %squeeze3A_2013 = vector.extract %slice3A_2012[0] : f32 from vector<1xf32>
        %max3A_2014 = vector.broadcast %squeeze3A_2005 : f32 to vector<16xf32>
        %max3A_2015 = arith.maximumf %gather3A_35, %max3A_2014 : vector<16xf32>
        %max3A_2016 = vector.broadcast %squeeze3A_2007 : f32 to vector<16xf32>
        %max3A_2017 = arith.maximumf %gather3A_36, %max3A_2016 : vector<16xf32>
        %min3A_2018 = vector.broadcast %squeeze3A_2009 : f32 to vector<16xf32>
        %min3A_2019 = arith.minimumf %gather3A_37, %min3A_2018 : vector<16xf32>
        %min3A_2020 = vector.broadcast %squeeze3A_2011 : f32 to vector<16xf32>
        %min3A_2021 = arith.minimumf %gather3A_38, %min3A_2020 : vector<16xf32>
        %sub3A_2022 = arith.subf %min3A_2019, %max3A_2015 : vector<16xf32>
        %max3A_2023 = arith.constant 0.000000e+00 : f32
        %max3A_2024 = vector.broadcast %max3A_2023 : f32 to vector<16xf32>
        %max3A_2025 = arith.maximumf %sub3A_2022, %max3A_2024 : vector<16xf32>
        %sub3A_2026 = arith.subf %min3A_2021, %max3A_2017 : vector<16xf32>
        %max3A_2027 = arith.constant 0.000000e+00 : f32
        %max3A_2028 = vector.broadcast %max3A_2027 : f32 to vector<16xf32>
        %max3A_2029 = arith.maximumf %sub3A_2026, %max3A_2028 : vector<16xf32>
        %mul3A_2030 = arith.mulf %max3A_2025, %max3A_2029 : vector<16xf32>
        %add3A_2031 = vector.broadcast %squeeze3A_2013 : f32 to vector<16xf32>
        %add3A_2032 = arith.addf %mul3A_44, %add3A_2031 : vector<16xf32>
        %sub3A_2033 = arith.subf %add3A_2032, %mul3A_2030 : vector<16xf32>
        %max3A_2034 = arith.constant 9.99999971E-10 : f32
        %max3A_2035 = vector.broadcast %max3A_2034 : f32 to vector<16xf32>
        %max3A_2036 = arith.maximumf %sub3A_2033, %max3A_2035 : vector<16xf32>
        %div3A_2037 = arith.divf %mul3A_2030, %max3A_2036 : vector<16xf32>
        %gt3A_2038 = arith.constant 5.000000e-01 : f32
        %gt3A_2039 = vector.broadcast %gt3A_2038 : f32 to vector<16xf32>
        %gt3A_2040 = arith.cmpf ogt, %div3A_2037, %gt3A_2039 : vector<16xf32>
        %lt3A_2041 = arith.constant 12 : i32
        %lt3A_2042 = vector.broadcast %lt3A_2041 : i32 to vector<16xi32>
        %lt3A_2043 = arith.cmpi slt, %iota3A, %lt3A_2042 : vector<16xi32>
        %and3A_2044 = arith.andi %gt3A_2040, %lt3A_2043 : vector<16xi1>
        %max3A_2045 = vector.broadcast %squeeze3A_2005 : f32 to vector<16xf32>
        %max3A_2046 = arith.maximumf %gather3A, %max3A_2045 : vector<16xf32>
        %max3A_2047 = vector.broadcast %squeeze3A_2007 : f32 to vector<16xf32>
        %max3A_2048 = arith.maximumf %gather3A_31, %max3A_2047 : vector<16xf32>
        %min3A_2049 = vector.broadcast %squeeze3A_2009 : f32 to vector<16xf32>
        %min3A_2050 = arith.minimumf %gather3A_32, %min3A_2049 : vector<16xf32>
        %min3A_2051 = vector.broadcast %squeeze3A_2011 : f32 to vector<16xf32>
        %min3A_2052 = arith.minimumf %gather3A_33, %min3A_2051 : vector<16xf32>
        %sub3A_2053 = arith.subf %min3A_2050, %max3A_2046 : vector<16xf32>
        %max3A_2054 = arith.constant 0.000000e+00 : f32
        %max3A_2055 = vector.broadcast %max3A_2054 : f32 to vector<16xf32>
        %max3A_2056 = arith.maximumf %sub3A_2053, %max3A_2055 : vector<16xf32>
        %sub3A_2057 = arith.subf %min3A_2052, %max3A_2048 : vector<16xf32>
        %max3A_2058 = arith.constant 0.000000e+00 : f32
        %max3A_2059 = vector.broadcast %max3A_2058 : f32 to vector<16xf32>
        %max3A_2060 = arith.maximumf %sub3A_2057, %max3A_2059 : vector<16xf32>
        %mul3A_2061 = arith.mulf %max3A_2056, %max3A_2060 : vector<16xf32>
        %add3A_2062 = vector.broadcast %squeeze3A_2013 : f32 to vector<16xf32>
        %add3A_2063 = arith.addf %mul3A_41, %add3A_2062 : vector<16xf32>
        %sub3A_2064 = arith.subf %add3A_2063, %mul3A_2061 : vector<16xf32>
        %max3A_2065 = arith.constant 9.99999971E-10 : f32
        %max3A_2066 = vector.broadcast %max3A_2065 : f32 to vector<16xf32>
        %max3A_2067 = arith.maximumf %sub3A_2064, %max3A_2066 : vector<16xf32>
        %div3A_2068 = arith.divf %mul3A_2061, %max3A_2067 : vector<16xf32>
        %gt3A_2069 = arith.constant 5.000000e-01 : f32
        %gt3A_2070 = vector.broadcast %gt3A_2069 : f32 to vector<16xf32>
        %gt3A_2071 = arith.cmpf ogt, %div3A_2068, %gt3A_2070 : vector<16xf32>
        %gt3A_2072 = arith.constant 0 : i32
        %gt3A_2073 = vector.broadcast %gt3A_2072 : i32 to vector<16xi32>
        %gt3A_2074 = arith.cmpi sgt, %convert_element_type3A_998, %gt3A_2073 : vector<16xi32>
        %and3A_2075 = arith.andi %gt3A_2071, %gt3A_2074 : vector<16xi1>
        %all_reduce_population_count3A_2076 = tpu.all_reduce %and3A_2075 {dim = 0 : i64, kind = #tpu.reduction_kind<sum>} : vector<16xi1> -> vector<16xi32>
        %gt3A_2077 = arith.constant 0 : i32
        %gt3A_2078 = vector.broadcast %gt3A_2077 : i32 to vector<16xi32>
        %gt3A_2079 = arith.cmpi sgt, %all_reduce_population_count3A_2076, %gt3A_2078 : vector<16xi32>
        %eq3A_2080 = arith.constant 12 : i32
        %eq3A_2081 = vector.broadcast %eq3A_2080 : i32 to vector<16xi32>
        %eq3A_2082 = arith.cmpi eq, %iota3A, %eq3A_2081 : vector<16xi32>
        %and3A_2083 = arith.andi %gt3A_2079, %eq3A_2082 : vector<16xi1>
        %not3A_2084 = arith.constant dense<true> : vector<16xi1>
        %not3A_2085 = arith.xori %and3A_2083, %not3A_2084 : vector<16xi1>
        %and3A_2086 = arith.andi %and3A_2003, %not3A_2085 : vector<16xi1>
        %slice3A_2087 = vector.extract_strided_slice %gather3A_35 {offsets = [13], sizes = [1], strides = [1]} : vector<16xf32> to vector<1xf32>
        %squeeze3A_2088 = vector.extract %slice3A_2087[0] : f32 from vector<1xf32>
        %slice3A_2089 = vector.extract_strided_slice %gather3A_36 {offsets = [13], sizes = [1], strides = [1]} : vector<16xf32> to vector<1xf32>
        %squeeze3A_2090 = vector.extract %slice3A_2089[0] : f32 from vector<1xf32>
        %slice3A_2091 = vector.extract_strided_slice %gather3A_37 {offsets = [13], sizes = [1], strides = [1]} : vector<16xf32> to vector<1xf32>
        %squeeze3A_2092 = vector.extract %slice3A_2091[0] : f32 from vector<1xf32>
        %slice3A_2093 = vector.extract_strided_slice %gather3A_38 {offsets = [13], sizes = [1], strides = [1]} : vector<16xf32> to vector<1xf32>
        %squeeze3A_2094 = vector.extract %slice3A_2093[0] : f32 from vector<1xf32>
        %slice3A_2095 = vector.extract_strided_slice %mul3A_44 {offsets = [13], sizes = [1], strides = [1]} : vector<16xf32> to vector<1xf32>
        %squeeze3A_2096 = vector.extract %slice3A_2095[0] : f32 from vector<1xf32>
        %max3A_2097 = vector.broadcast %squeeze3A_2088 : f32 to vector<16xf32>
        %max3A_2098 = arith.maximumf %gather3A_35, %max3A_2097 : vector<16xf32>
        %max3A_2099 = vector.broadcast %squeeze3A_2090 : f32 to vector<16xf32>
        %max3A_2100 = arith.maximumf %gather3A_36, %max3A_2099 : vector<16xf32>
        %min3A_2101 = vector.broadcast %squeeze3A_2092 : f32 to vector<16xf32>
        %min3A_2102 = arith.minimumf %gather3A_37, %min3A_2101 : vector<16xf32>
        %min3A_2103 = vector.broadcast %squeeze3A_2094 : f32 to vector<16xf32>
        %min3A_2104 = arith.minimumf %gather3A_38, %min3A_2103 : vector<16xf32>
        %sub3A_2105 = arith.subf %min3A_2102, %max3A_2098 : vector<16xf32>
        %max3A_2106 = arith.constant 0.000000e+00 : f32
        %max3A_2107 = vector.broadcast %max3A_2106 : f32 to vector<16xf32>
        %max3A_2108 = arith.maximumf %sub3A_2105, %max3A_2107 : vector<16xf32>
        %sub3A_2109 = arith.subf %min3A_2104, %max3A_2100 : vector<16xf32>
        %max3A_2110 = arith.constant 0.000000e+00 : f32
        %max3A_2111 = vector.broadcast %max3A_2110 : f32 to vector<16xf32>
        %max3A_2112 = arith.maximumf %sub3A_2109, %max3A_2111 : vector<16xf32>
        %mul3A_2113 = arith.mulf %max3A_2108, %max3A_2112 : vector<16xf32>
        %add3A_2114 = vector.broadcast %squeeze3A_2096 : f32 to vector<16xf32>
        %add3A_2115 = arith.addf %mul3A_44, %add3A_2114 : vector<16xf32>
        %sub3A_2116 = arith.subf %add3A_2115, %mul3A_2113 : vector<16xf32>
        %max3A_2117 = arith.constant 9.99999971E-10 : f32
        %max3A_2118 = vector.broadcast %max3A_2117 : f32 to vector<16xf32>
        %max3A_2119 = arith.maximumf %sub3A_2116, %max3A_2118 : vector<16xf32>
        %div3A_2120 = arith.divf %mul3A_2113, %max3A_2119 : vector<16xf32>
        %gt3A_2121 = arith.constant 5.000000e-01 : f32
        %gt3A_2122 = vector.broadcast %gt3A_2121 : f32 to vector<16xf32>
        %gt3A_2123 = arith.cmpf ogt, %div3A_2120, %gt3A_2122 : vector<16xf32>
        %lt3A_2124 = arith.constant 13 : i32
        %lt3A_2125 = vector.broadcast %lt3A_2124 : i32 to vector<16xi32>
        %lt3A_2126 = arith.cmpi slt, %iota3A, %lt3A_2125 : vector<16xi32>
        %and3A_2127 = arith.andi %gt3A_2123, %lt3A_2126 : vector<16xi1>
        %max3A_2128 = vector.broadcast %squeeze3A_2088 : f32 to vector<16xf32>
        %max3A_2129 = arith.maximumf %gather3A, %max3A_2128 : vector<16xf32>
        %max3A_2130 = vector.broadcast %squeeze3A_2090 : f32 to vector<16xf32>
        %max3A_2131 = arith.maximumf %gather3A_31, %max3A_2130 : vector<16xf32>
        %min3A_2132 = vector.broadcast %squeeze3A_2092 : f32 to vector<16xf32>
        %min3A_2133 = arith.minimumf %gather3A_32, %min3A_2132 : vector<16xf32>
        %min3A_2134 = vector.broadcast %squeeze3A_2094 : f32 to vector<16xf32>
        %min3A_2135 = arith.minimumf %gather3A_33, %min3A_2134 : vector<16xf32>
        %sub3A_2136 = arith.subf %min3A_2133, %max3A_2129 : vector<16xf32>
        %max3A_2137 = arith.constant 0.000000e+00 : f32
        %max3A_2138 = vector.broadcast %max3A_2137 : f32 to vector<16xf32>
        %max3A_2139 = arith.maximumf %sub3A_2136, %max3A_2138 : vector<16xf32>
        %sub3A_2140 = arith.subf %min3A_2135, %max3A_2131 : vector<16xf32>
        %max3A_2141 = arith.constant 0.000000e+00 : f32
        %max3A_2142 = vector.broadcast %max3A_2141 : f32 to vector<16xf32>
        %max3A_2143 = arith.maximumf %sub3A_2140, %max3A_2142 : vector<16xf32>
        %mul3A_2144 = arith.mulf %max3A_2139, %max3A_2143 : vector<16xf32>
        %add3A_2145 = vector.broadcast %squeeze3A_2096 : f32 to vector<16xf32>
        %add3A_2146 = arith.addf %mul3A_41, %add3A_2145 : vector<16xf32>
        %sub3A_2147 = arith.subf %add3A_2146, %mul3A_2144 : vector<16xf32>
        %max3A_2148 = arith.constant 9.99999971E-10 : f32
        %max3A_2149 = vector.broadcast %max3A_2148 : f32 to vector<16xf32>
        %max3A_2150 = arith.maximumf %sub3A_2147, %max3A_2149 : vector<16xf32>
        %div3A_2151 = arith.divf %mul3A_2144, %max3A_2150 : vector<16xf32>
        %gt3A_2152 = arith.constant 5.000000e-01 : f32
        %gt3A_2153 = vector.broadcast %gt3A_2152 : f32 to vector<16xf32>
        %gt3A_2154 = arith.cmpf ogt, %div3A_2151, %gt3A_2153 : vector<16xf32>
        %gt3A_2155 = arith.constant 0 : i32
        %gt3A_2156 = vector.broadcast %gt3A_2155 : i32 to vector<16xi32>
        %gt3A_2157 = arith.cmpi sgt, %convert_element_type3A_998, %gt3A_2156 : vector<16xi32>
        %and3A_2158 = arith.andi %gt3A_2154, %gt3A_2157 : vector<16xi1>
        %all_reduce_population_count3A_2159 = tpu.all_reduce %and3A_2158 {dim = 0 : i64, kind = #tpu.reduction_kind<sum>} : vector<16xi1> -> vector<16xi32>
        %gt3A_2160 = arith.constant 0 : i32
        %gt3A_2161 = vector.broadcast %gt3A_2160 : i32 to vector<16xi32>
        %gt3A_2162 = arith.cmpi sgt, %all_reduce_population_count3A_2159, %gt3A_2161 : vector<16xi32>
        %eq3A_2163 = arith.constant 13 : i32
        %eq3A_2164 = vector.broadcast %eq3A_2163 : i32 to vector<16xi32>
        %eq3A_2165 = arith.cmpi eq, %iota3A, %eq3A_2164 : vector<16xi32>
        %and3A_2166 = arith.andi %gt3A_2162, %eq3A_2165 : vector<16xi1>
        %not3A_2167 = arith.constant dense<true> : vector<16xi1>
        %not3A_2168 = arith.xori %and3A_2166, %not3A_2167 : vector<16xi1>
        %and3A_2169 = arith.andi %and3A_2086, %not3A_2168 : vector<16xi1>
        %slice3A_2170 = vector.extract_strided_slice %gather3A_35 {offsets = [14], sizes = [1], strides = [1]} : vector<16xf32> to vector<1xf32>
        %squeeze3A_2171 = vector.extract %slice3A_2170[0] : f32 from vector<1xf32>
        %slice3A_2172 = vector.extract_strided_slice %gather3A_36 {offsets = [14], sizes = [1], strides = [1]} : vector<16xf32> to vector<1xf32>
        %squeeze3A_2173 = vector.extract %slice3A_2172[0] : f32 from vector<1xf32>
        %slice3A_2174 = vector.extract_strided_slice %gather3A_37 {offsets = [14], sizes = [1], strides = [1]} : vector<16xf32> to vector<1xf32>
        %squeeze3A_2175 = vector.extract %slice3A_2174[0] : f32 from vector<1xf32>
        %slice3A_2176 = vector.extract_strided_slice %gather3A_38 {offsets = [14], sizes = [1], strides = [1]} : vector<16xf32> to vector<1xf32>
        %squeeze3A_2177 = vector.extract %slice3A_2176[0] : f32 from vector<1xf32>
        %slice3A_2178 = vector.extract_strided_slice %mul3A_44 {offsets = [14], sizes = [1], strides = [1]} : vector<16xf32> to vector<1xf32>
        %squeeze3A_2179 = vector.extract %slice3A_2178[0] : f32 from vector<1xf32>
        %max3A_2180 = vector.broadcast %squeeze3A_2171 : f32 to vector<16xf32>
        %max3A_2181 = arith.maximumf %gather3A_35, %max3A_2180 : vector<16xf32>
        %max3A_2182 = vector.broadcast %squeeze3A_2173 : f32 to vector<16xf32>
        %max3A_2183 = arith.maximumf %gather3A_36, %max3A_2182 : vector<16xf32>
        %min3A_2184 = vector.broadcast %squeeze3A_2175 : f32 to vector<16xf32>
        %min3A_2185 = arith.minimumf %gather3A_37, %min3A_2184 : vector<16xf32>
        %min3A_2186 = vector.broadcast %squeeze3A_2177 : f32 to vector<16xf32>
        %min3A_2187 = arith.minimumf %gather3A_38, %min3A_2186 : vector<16xf32>
        %sub3A_2188 = arith.subf %min3A_2185, %max3A_2181 : vector<16xf32>
        %max3A_2189 = arith.constant 0.000000e+00 : f32
        %max3A_2190 = vector.broadcast %max3A_2189 : f32 to vector<16xf32>
        %max3A_2191 = arith.maximumf %sub3A_2188, %max3A_2190 : vector<16xf32>
        %sub3A_2192 = arith.subf %min3A_2187, %max3A_2183 : vector<16xf32>
        %max3A_2193 = arith.constant 0.000000e+00 : f32
        %max3A_2194 = vector.broadcast %max3A_2193 : f32 to vector<16xf32>
        %max3A_2195 = arith.maximumf %sub3A_2192, %max3A_2194 : vector<16xf32>
        %mul3A_2196 = arith.mulf %max3A_2191, %max3A_2195 : vector<16xf32>
        %add3A_2197 = vector.broadcast %squeeze3A_2179 : f32 to vector<16xf32>
        %add3A_2198 = arith.addf %mul3A_44, %add3A_2197 : vector<16xf32>
        %sub3A_2199 = arith.subf %add3A_2198, %mul3A_2196 : vector<16xf32>
        %max3A_2200 = arith.constant 9.99999971E-10 : f32
        %max3A_2201 = vector.broadcast %max3A_2200 : f32 to vector<16xf32>
        %max3A_2202 = arith.maximumf %sub3A_2199, %max3A_2201 : vector<16xf32>
        %div3A_2203 = arith.divf %mul3A_2196, %max3A_2202 : vector<16xf32>
        %gt3A_2204 = arith.constant 5.000000e-01 : f32
        %gt3A_2205 = vector.broadcast %gt3A_2204 : f32 to vector<16xf32>
        %gt3A_2206 = arith.cmpf ogt, %div3A_2203, %gt3A_2205 : vector<16xf32>
        %lt3A_2207 = arith.constant 14 : i32
        %lt3A_2208 = vector.broadcast %lt3A_2207 : i32 to vector<16xi32>
        %lt3A_2209 = arith.cmpi slt, %iota3A, %lt3A_2208 : vector<16xi32>
        %and3A_2210 = arith.andi %gt3A_2206, %lt3A_2209 : vector<16xi1>
        %max3A_2211 = vector.broadcast %squeeze3A_2171 : f32 to vector<16xf32>
        %max3A_2212 = arith.maximumf %gather3A, %max3A_2211 : vector<16xf32>
        %max3A_2213 = vector.broadcast %squeeze3A_2173 : f32 to vector<16xf32>
        %max3A_2214 = arith.maximumf %gather3A_31, %max3A_2213 : vector<16xf32>
        %min3A_2215 = vector.broadcast %squeeze3A_2175 : f32 to vector<16xf32>
        %min3A_2216 = arith.minimumf %gather3A_32, %min3A_2215 : vector<16xf32>
        %min3A_2217 = vector.broadcast %squeeze3A_2177 : f32 to vector<16xf32>
        %min3A_2218 = arith.minimumf %gather3A_33, %min3A_2217 : vector<16xf32>
        %sub3A_2219 = arith.subf %min3A_2216, %max3A_2212 : vector<16xf32>
        %max3A_2220 = arith.constant 0.000000e+00 : f32
        %max3A_2221 = vector.broadcast %max3A_2220 : f32 to vector<16xf32>
        %max3A_2222 = arith.maximumf %sub3A_2219, %max3A_2221 : vector<16xf32>
        %sub3A_2223 = arith.subf %min3A_2218, %max3A_2214 : vector<16xf32>
        %max3A_2224 = arith.constant 0.000000e+00 : f32
        %max3A_2225 = vector.broadcast %max3A_2224 : f32 to vector<16xf32>
        %max3A_2226 = arith.maximumf %sub3A_2223, %max3A_2225 : vector<16xf32>
        %mul3A_2227 = arith.mulf %max3A_2222, %max3A_2226 : vector<16xf32>
        %add3A_2228 = vector.broadcast %squeeze3A_2179 : f32 to vector<16xf32>
        %add3A_2229 = arith.addf %mul3A_41, %add3A_2228 : vector<16xf32>
        %sub3A_2230 = arith.subf %add3A_2229, %mul3A_2227 : vector<16xf32>
        %max3A_2231 = arith.constant 9.99999971E-10 : f32
        %max3A_2232 = vector.broadcast %max3A_2231 : f32 to vector<16xf32>
        %max3A_2233 = arith.maximumf %sub3A_2230, %max3A_2232 : vector<16xf32>
        %div3A_2234 = arith.divf %mul3A_2227, %max3A_2233 : vector<16xf32>
        %gt3A_2235 = arith.constant 5.000000e-01 : f32
        %gt3A_2236 = vector.broadcast %gt3A_2235 : f32 to vector<16xf32>
        %gt3A_2237 = arith.cmpf ogt, %div3A_2234, %gt3A_2236 : vector<16xf32>
        %gt3A_2238 = arith.constant 0 : i32
        %gt3A_2239 = vector.broadcast %gt3A_2238 : i32 to vector<16xi32>
        %gt3A_2240 = arith.cmpi sgt, %convert_element_type3A_998, %gt3A_2239 : vector<16xi32>
        %and3A_2241 = arith.andi %gt3A_2237, %gt3A_2240 : vector<16xi1>
        %all_reduce_population_count3A_2242 = tpu.all_reduce %and3A_2241 {dim = 0 : i64, kind = #tpu.reduction_kind<sum>} : vector<16xi1> -> vector<16xi32>
        %gt3A_2243 = arith.constant 0 : i32
        %gt3A_2244 = vector.broadcast %gt3A_2243 : i32 to vector<16xi32>
        %gt3A_2245 = arith.cmpi sgt, %all_reduce_population_count3A_2242, %gt3A_2244 : vector<16xi32>
        %eq3A_2246 = arith.constant 14 : i32
        %eq3A_2247 = vector.broadcast %eq3A_2246 : i32 to vector<16xi32>
        %eq3A_2248 = arith.cmpi eq, %iota3A, %eq3A_2247 : vector<16xi32>
        %and3A_2249 = arith.andi %gt3A_2245, %eq3A_2248 : vector<16xi1>
        %not3A_2250 = arith.constant dense<true> : vector<16xi1>
        %not3A_2251 = arith.xori %and3A_2249, %not3A_2250 : vector<16xi1>
        %and3A_2252 = arith.andi %and3A_2169, %not3A_2251 : vector<16xi1>
        %slice3A_2253 = vector.extract_strided_slice %gather3A_35 {offsets = [15], sizes = [1], strides = [1]} : vector<16xf32> to vector<1xf32>
        %squeeze3A_2254 = vector.extract %slice3A_2253[0] : f32 from vector<1xf32>
        %slice3A_2255 = vector.extract_strided_slice %gather3A_36 {offsets = [15], sizes = [1], strides = [1]} : vector<16xf32> to vector<1xf32>
        %squeeze3A_2256 = vector.extract %slice3A_2255[0] : f32 from vector<1xf32>
        %slice3A_2257 = vector.extract_strided_slice %gather3A_37 {offsets = [15], sizes = [1], strides = [1]} : vector<16xf32> to vector<1xf32>
        %squeeze3A_2258 = vector.extract %slice3A_2257[0] : f32 from vector<1xf32>
        %slice3A_2259 = vector.extract_strided_slice %gather3A_38 {offsets = [15], sizes = [1], strides = [1]} : vector<16xf32> to vector<1xf32>
        %squeeze3A_2260 = vector.extract %slice3A_2259[0] : f32 from vector<1xf32>
        %slice3A_2261 = vector.extract_strided_slice %mul3A_44 {offsets = [15], sizes = [1], strides = [1]} : vector<16xf32> to vector<1xf32>
        %squeeze3A_2262 = vector.extract %slice3A_2261[0] : f32 from vector<1xf32>
        %max3A_2263 = vector.broadcast %squeeze3A_2254 : f32 to vector<16xf32>
        %max3A_2264 = arith.maximumf %gather3A_35, %max3A_2263 : vector<16xf32>
        %max3A_2265 = vector.broadcast %squeeze3A_2256 : f32 to vector<16xf32>
        %max3A_2266 = arith.maximumf %gather3A_36, %max3A_2265 : vector<16xf32>
        %min3A_2267 = vector.broadcast %squeeze3A_2258 : f32 to vector<16xf32>
        %min3A_2268 = arith.minimumf %gather3A_37, %min3A_2267 : vector<16xf32>
        %min3A_2269 = vector.broadcast %squeeze3A_2260 : f32 to vector<16xf32>
        %min3A_2270 = arith.minimumf %gather3A_38, %min3A_2269 : vector<16xf32>
        %sub3A_2271 = arith.subf %min3A_2268, %max3A_2264 : vector<16xf32>
        %max3A_2272 = arith.constant 0.000000e+00 : f32
        %max3A_2273 = vector.broadcast %max3A_2272 : f32 to vector<16xf32>
        %max3A_2274 = arith.maximumf %sub3A_2271, %max3A_2273 : vector<16xf32>
        %sub3A_2275 = arith.subf %min3A_2270, %max3A_2266 : vector<16xf32>
        %max3A_2276 = arith.constant 0.000000e+00 : f32
        %max3A_2277 = vector.broadcast %max3A_2276 : f32 to vector<16xf32>
        %max3A_2278 = arith.maximumf %sub3A_2275, %max3A_2277 : vector<16xf32>
        %mul3A_2279 = arith.mulf %max3A_2274, %max3A_2278 : vector<16xf32>
        %add3A_2280 = vector.broadcast %squeeze3A_2262 : f32 to vector<16xf32>
        %add3A_2281 = arith.addf %mul3A_44, %add3A_2280 : vector<16xf32>
        %sub3A_2282 = arith.subf %add3A_2281, %mul3A_2279 : vector<16xf32>
        %max3A_2283 = arith.constant 9.99999971E-10 : f32
        %max3A_2284 = vector.broadcast %max3A_2283 : f32 to vector<16xf32>
        %max3A_2285 = arith.maximumf %sub3A_2282, %max3A_2284 : vector<16xf32>
        %div3A_2286 = arith.divf %mul3A_2279, %max3A_2285 : vector<16xf32>
        %gt3A_2287 = arith.constant 5.000000e-01 : f32
        %gt3A_2288 = vector.broadcast %gt3A_2287 : f32 to vector<16xf32>
        %gt3A_2289 = arith.cmpf ogt, %div3A_2286, %gt3A_2288 : vector<16xf32>
        %lt3A_2290 = arith.constant 15 : i32
        %lt3A_2291 = vector.broadcast %lt3A_2290 : i32 to vector<16xi32>
        %lt3A_2292 = arith.cmpi slt, %iota3A, %lt3A_2291 : vector<16xi32>
        %and3A_2293 = arith.andi %gt3A_2289, %lt3A_2292 : vector<16xi1>
        %max3A_2294 = vector.broadcast %squeeze3A_2254 : f32 to vector<16xf32>
        %max3A_2295 = arith.maximumf %gather3A, %max3A_2294 : vector<16xf32>
        %max3A_2296 = vector.broadcast %squeeze3A_2256 : f32 to vector<16xf32>
        %max3A_2297 = arith.maximumf %gather3A_31, %max3A_2296 : vector<16xf32>
        %min3A_2298 = vector.broadcast %squeeze3A_2258 : f32 to vector<16xf32>
        %min3A_2299 = arith.minimumf %gather3A_32, %min3A_2298 : vector<16xf32>
        %min3A_2300 = vector.broadcast %squeeze3A_2260 : f32 to vector<16xf32>
        %min3A_2301 = arith.minimumf %gather3A_33, %min3A_2300 : vector<16xf32>
        %sub3A_2302 = arith.subf %min3A_2299, %max3A_2295 : vector<16xf32>
        %max3A_2303 = arith.constant 0.000000e+00 : f32
        %max3A_2304 = vector.broadcast %max3A_2303 : f32 to vector<16xf32>
        %max3A_2305 = arith.maximumf %sub3A_2302, %max3A_2304 : vector<16xf32>
        %sub3A_2306 = arith.subf %min3A_2301, %max3A_2297 : vector<16xf32>
        %max3A_2307 = arith.constant 0.000000e+00 : f32
        %max3A_2308 = vector.broadcast %max3A_2307 : f32 to vector<16xf32>
        %max3A_2309 = arith.maximumf %sub3A_2306, %max3A_2308 : vector<16xf32>
        %mul3A_2310 = arith.mulf %max3A_2305, %max3A_2309 : vector<16xf32>
        %add3A_2311 = vector.broadcast %squeeze3A_2262 : f32 to vector<16xf32>
        %add3A_2312 = arith.addf %mul3A_41, %add3A_2311 : vector<16xf32>
        %sub3A_2313 = arith.subf %add3A_2312, %mul3A_2310 : vector<16xf32>
        %max3A_2314 = arith.constant 9.99999971E-10 : f32
        %max3A_2315 = vector.broadcast %max3A_2314 : f32 to vector<16xf32>
        %max3A_2316 = arith.maximumf %sub3A_2313, %max3A_2315 : vector<16xf32>
        %div3A_2317 = arith.divf %mul3A_2310, %max3A_2316 : vector<16xf32>
        %gt3A_2318 = arith.constant 5.000000e-01 : f32
        %gt3A_2319 = vector.broadcast %gt3A_2318 : f32 to vector<16xf32>
        %gt3A_2320 = arith.cmpf ogt, %div3A_2317, %gt3A_2319 : vector<16xf32>
        %gt3A_2321 = arith.constant 0 : i32
        %gt3A_2322 = vector.broadcast %gt3A_2321 : i32 to vector<16xi32>
        %gt3A_2323 = arith.cmpi sgt, %convert_element_type3A_998, %gt3A_2322 : vector<16xi32>
        %and3A_2324 = arith.andi %gt3A_2320, %gt3A_2323 : vector<16xi1>
        %all_reduce_population_count3A_2325 = tpu.all_reduce %and3A_2324 {dim = 0 : i64, kind = #tpu.reduction_kind<sum>} : vector<16xi1> -> vector<16xi32>
        %gt3A_2326 = arith.constant 0 : i32
        %gt3A_2327 = vector.broadcast %gt3A_2326 : i32 to vector<16xi32>
        %gt3A_2328 = arith.cmpi sgt, %all_reduce_population_count3A_2325, %gt3A_2327 : vector<16xi32>
        %eq3A_2329 = arith.constant 15 : i32
        %eq3A_2330 = vector.broadcast %eq3A_2329 : i32 to vector<16xi32>
        %eq3A_2331 = arith.cmpi eq, %iota3A, %eq3A_2330 : vector<16xi32>
        %and3A_2332 = arith.andi %gt3A_2328, %eq3A_2331 : vector<16xi1>
        %not3A_2333 = arith.constant dense<true> : vector<16xi1>
        %not3A_2334 = arith.xori %and3A_2332, %not3A_2333 : vector<16xi1>
        %and3A_2335 = arith.andi %and3A_2252, %not3A_2334 : vector<16xi1>
        %broadcast_in_dim3A_2336 = arith.constant false
        %broadcast_in_dim3A_2337 = vector.broadcast %broadcast_in_dim3A_2336 : i1 to vector<16xi1>
        %and3A_2338 = arith.andi %and3A_1048, %broadcast_in_dim3A_2337 : vector<16xi1>
        %all_reduce_population_count3A_2339 = tpu.all_reduce %and3A_2338 {dim = 0 : i64, kind = #tpu.reduction_kind<sum>} : vector<16xi1> -> vector<16xi32>
        %eq3A_2340 = arith.constant 0 : i32
        %eq3A_2341 = vector.broadcast %eq3A_2340 : i32 to vector<16xi32>
        %eq3A_2342 = arith.cmpi eq, %all_reduce_population_count3A_2339, %eq3A_2341 : vector<16xi32>
        %and3A_2343 = arith.andi %eq3A_2342, %and3A_2335 : vector<16xi1>
        %eq3A_2344 = arith.constant 0 : i32
        %eq3A_2345 = vector.broadcast %eq3A_2344 : i32 to vector<16xi32>
        %eq3A_2346 = arith.cmpi eq, %iota3A, %eq3A_2345 : vector<16xi32>
        %and3A_2347 = arith.andi %and3A_2343, %eq3A_2346 : vector<16xi1>
        %or3A_2348 = arith.ori %broadcast_in_dim3A_2337, %and3A_2347 : vector<16xi1>
        %and3A_2349 = arith.andi %and3A_1131, %or3A_2348 : vector<16xi1>
        %all_reduce_population_count3A_2350 = tpu.all_reduce %and3A_2349 {dim = 0 : i64, kind = #tpu.reduction_kind<sum>} : vector<16xi1> -> vector<16xi32>
        %eq3A_2351 = arith.constant 0 : i32
        %eq3A_2352 = vector.broadcast %eq3A_2351 : i32 to vector<16xi32>
        %eq3A_2353 = arith.cmpi eq, %all_reduce_population_count3A_2350, %eq3A_2352 : vector<16xi32>
        %and3A_2354 = arith.andi %eq3A_2353, %and3A_2335 : vector<16xi1>
        %eq3A_2355 = arith.constant 1 : i32
        %eq3A_2356 = vector.broadcast %eq3A_2355 : i32 to vector<16xi32>
        %eq3A_2357 = arith.cmpi eq, %iota3A, %eq3A_2356 : vector<16xi32>
        %and3A_2358 = arith.andi %and3A_2354, %eq3A_2357 : vector<16xi1>
        %or3A_2359 = arith.ori %or3A_2348, %and3A_2358 : vector<16xi1>
        %and3A_2360 = arith.andi %and3A_1214, %or3A_2359 : vector<16xi1>
        %all_reduce_population_count3A_2361 = tpu.all_reduce %and3A_2360 {dim = 0 : i64, kind = #tpu.reduction_kind<sum>} : vector<16xi1> -> vector<16xi32>
        %eq3A_2362 = arith.constant 0 : i32
        %eq3A_2363 = vector.broadcast %eq3A_2362 : i32 to vector<16xi32>
        %eq3A_2364 = arith.cmpi eq, %all_reduce_population_count3A_2361, %eq3A_2363 : vector<16xi32>
        %and3A_2365 = arith.andi %eq3A_2364, %and3A_2335 : vector<16xi1>
        %eq3A_2366 = arith.constant 2 : i32
        %eq3A_2367 = vector.broadcast %eq3A_2366 : i32 to vector<16xi32>
        %eq3A_2368 = arith.cmpi eq, %iota3A, %eq3A_2367 : vector<16xi32>
        %and3A_2369 = arith.andi %and3A_2365, %eq3A_2368 : vector<16xi1>
        %or3A_2370 = arith.ori %or3A_2359, %and3A_2369 : vector<16xi1>
        %and3A_2371 = arith.andi %and3A_1297, %or3A_2370 : vector<16xi1>
        %all_reduce_population_count3A_2372 = tpu.all_reduce %and3A_2371 {dim = 0 : i64, kind = #tpu.reduction_kind<sum>} : vector<16xi1> -> vector<16xi32>
        %eq3A_2373 = arith.constant 0 : i32
        %eq3A_2374 = vector.broadcast %eq3A_2373 : i32 to vector<16xi32>
        %eq3A_2375 = arith.cmpi eq, %all_reduce_population_count3A_2372, %eq3A_2374 : vector<16xi32>
        %and3A_2376 = arith.andi %eq3A_2375, %and3A_2335 : vector<16xi1>
        %eq3A_2377 = arith.constant 3 : i32
        %eq3A_2378 = vector.broadcast %eq3A_2377 : i32 to vector<16xi32>
        %eq3A_2379 = arith.cmpi eq, %iota3A, %eq3A_2378 : vector<16xi32>
        %and3A_2380 = arith.andi %and3A_2376, %eq3A_2379 : vector<16xi1>
        %or3A_2381 = arith.ori %or3A_2370, %and3A_2380 : vector<16xi1>
        %and3A_2382 = arith.andi %and3A_1380, %or3A_2381 : vector<16xi1>
        %all_reduce_population_count3A_2383 = tpu.all_reduce %and3A_2382 {dim = 0 : i64, kind = #tpu.reduction_kind<sum>} : vector<16xi1> -> vector<16xi32>
        %eq3A_2384 = arith.constant 0 : i32
        %eq3A_2385 = vector.broadcast %eq3A_2384 : i32 to vector<16xi32>
        %eq3A_2386 = arith.cmpi eq, %all_reduce_population_count3A_2383, %eq3A_2385 : vector<16xi32>
        %and3A_2387 = arith.andi %eq3A_2386, %and3A_2335 : vector<16xi1>
        %eq3A_2388 = arith.constant 4 : i32
        %eq3A_2389 = vector.broadcast %eq3A_2388 : i32 to vector<16xi32>
        %eq3A_2390 = arith.cmpi eq, %iota3A, %eq3A_2389 : vector<16xi32>
        %and3A_2391 = arith.andi %and3A_2387, %eq3A_2390 : vector<16xi1>
        %or3A_2392 = arith.ori %or3A_2381, %and3A_2391 : vector<16xi1>
        %and3A_2393 = arith.andi %and3A_1463, %or3A_2392 : vector<16xi1>
        %all_reduce_population_count3A_2394 = tpu.all_reduce %and3A_2393 {dim = 0 : i64, kind = #tpu.reduction_kind<sum>} : vector<16xi1> -> vector<16xi32>
        %eq3A_2395 = arith.constant 0 : i32
        %eq3A_2396 = vector.broadcast %eq3A_2395 : i32 to vector<16xi32>
        %eq3A_2397 = arith.cmpi eq, %all_reduce_population_count3A_2394, %eq3A_2396 : vector<16xi32>
        %and3A_2398 = arith.andi %eq3A_2397, %and3A_2335 : vector<16xi1>
        %eq3A_2399 = arith.constant 5 : i32
        %eq3A_2400 = vector.broadcast %eq3A_2399 : i32 to vector<16xi32>
        %eq3A_2401 = arith.cmpi eq, %iota3A, %eq3A_2400 : vector<16xi32>
        %and3A_2402 = arith.andi %and3A_2398, %eq3A_2401 : vector<16xi1>
        %or3A_2403 = arith.ori %or3A_2392, %and3A_2402 : vector<16xi1>
        %and3A_2404 = arith.andi %and3A_1546, %or3A_2403 : vector<16xi1>
        %all_reduce_population_count3A_2405 = tpu.all_reduce %and3A_2404 {dim = 0 : i64, kind = #tpu.reduction_kind<sum>} : vector<16xi1> -> vector<16xi32>
        %eq3A_2406 = arith.constant 0 : i32
        %eq3A_2407 = vector.broadcast %eq3A_2406 : i32 to vector<16xi32>
        %eq3A_2408 = arith.cmpi eq, %all_reduce_population_count3A_2405, %eq3A_2407 : vector<16xi32>
        %and3A_2409 = arith.andi %eq3A_2408, %and3A_2335 : vector<16xi1>
        %eq3A_2410 = arith.constant 6 : i32
        %eq3A_2411 = vector.broadcast %eq3A_2410 : i32 to vector<16xi32>
        %eq3A_2412 = arith.cmpi eq, %iota3A, %eq3A_2411 : vector<16xi32>
        %and3A_2413 = arith.andi %and3A_2409, %eq3A_2412 : vector<16xi1>
        %or3A_2414 = arith.ori %or3A_2403, %and3A_2413 : vector<16xi1>
        %and3A_2415 = arith.andi %and3A_1629, %or3A_2414 : vector<16xi1>
        %all_reduce_population_count3A_2416 = tpu.all_reduce %and3A_2415 {dim = 0 : i64, kind = #tpu.reduction_kind<sum>} : vector<16xi1> -> vector<16xi32>
        %eq3A_2417 = arith.constant 0 : i32
        %eq3A_2418 = vector.broadcast %eq3A_2417 : i32 to vector<16xi32>
        %eq3A_2419 = arith.cmpi eq, %all_reduce_population_count3A_2416, %eq3A_2418 : vector<16xi32>
        %and3A_2420 = arith.andi %eq3A_2419, %and3A_2335 : vector<16xi1>
        %eq3A_2421 = arith.constant 7 : i32
        %eq3A_2422 = vector.broadcast %eq3A_2421 : i32 to vector<16xi32>
        %eq3A_2423 = arith.cmpi eq, %iota3A, %eq3A_2422 : vector<16xi32>
        %and3A_2424 = arith.andi %and3A_2420, %eq3A_2423 : vector<16xi1>
        %or3A_2425 = arith.ori %or3A_2414, %and3A_2424 : vector<16xi1>
        %and3A_2426 = arith.andi %and3A_1712, %or3A_2425 : vector<16xi1>
        %all_reduce_population_count3A_2427 = tpu.all_reduce %and3A_2426 {dim = 0 : i64, kind = #tpu.reduction_kind<sum>} : vector<16xi1> -> vector<16xi32>
        %eq3A_2428 = arith.constant 0 : i32
        %eq3A_2429 = vector.broadcast %eq3A_2428 : i32 to vector<16xi32>
        %eq3A_2430 = arith.cmpi eq, %all_reduce_population_count3A_2427, %eq3A_2429 : vector<16xi32>
        %and3A_2431 = arith.andi %eq3A_2430, %and3A_2335 : vector<16xi1>
        %eq3A_2432 = arith.constant 8 : i32
        %eq3A_2433 = vector.broadcast %eq3A_2432 : i32 to vector<16xi32>
        %eq3A_2434 = arith.cmpi eq, %iota3A, %eq3A_2433 : vector<16xi32>
        %and3A_2435 = arith.andi %and3A_2431, %eq3A_2434 : vector<16xi1>
        %or3A_2436 = arith.ori %or3A_2425, %and3A_2435 : vector<16xi1>
        %and3A_2437 = arith.andi %and3A_1795, %or3A_2436 : vector<16xi1>
        %all_reduce_population_count3A_2438 = tpu.all_reduce %and3A_2437 {dim = 0 : i64, kind = #tpu.reduction_kind<sum>} : vector<16xi1> -> vector<16xi32>
        %eq3A_2439 = arith.constant 0 : i32
        %eq3A_2440 = vector.broadcast %eq3A_2439 : i32 to vector<16xi32>
        %eq3A_2441 = arith.cmpi eq, %all_reduce_population_count3A_2438, %eq3A_2440 : vector<16xi32>
        %and3A_2442 = arith.andi %eq3A_2441, %and3A_2335 : vector<16xi1>
        %eq3A_2443 = arith.constant 9 : i32
        %eq3A_2444 = vector.broadcast %eq3A_2443 : i32 to vector<16xi32>
        %eq3A_2445 = arith.cmpi eq, %iota3A, %eq3A_2444 : vector<16xi32>
        %and3A_2446 = arith.andi %and3A_2442, %eq3A_2445 : vector<16xi1>
        %or3A_2447 = arith.ori %or3A_2436, %and3A_2446 : vector<16xi1>
        %and3A_2448 = arith.andi %and3A_1878, %or3A_2447 : vector<16xi1>
        %all_reduce_population_count3A_2449 = tpu.all_reduce %and3A_2448 {dim = 0 : i64, kind = #tpu.reduction_kind<sum>} : vector<16xi1> -> vector<16xi32>
        %eq3A_2450 = arith.constant 0 : i32
        %eq3A_2451 = vector.broadcast %eq3A_2450 : i32 to vector<16xi32>
        %eq3A_2452 = arith.cmpi eq, %all_reduce_population_count3A_2449, %eq3A_2451 : vector<16xi32>
        %and3A_2453 = arith.andi %eq3A_2452, %and3A_2335 : vector<16xi1>
        %eq3A_2454 = arith.constant 10 : i32
        %eq3A_2455 = vector.broadcast %eq3A_2454 : i32 to vector<16xi32>
        %eq3A_2456 = arith.cmpi eq, %iota3A, %eq3A_2455 : vector<16xi32>
        %and3A_2457 = arith.andi %and3A_2453, %eq3A_2456 : vector<16xi1>
        %or3A_2458 = arith.ori %or3A_2447, %and3A_2457 : vector<16xi1>
        %and3A_2459 = arith.andi %and3A_1961, %or3A_2458 : vector<16xi1>
        %all_reduce_population_count3A_2460 = tpu.all_reduce %and3A_2459 {dim = 0 : i64, kind = #tpu.reduction_kind<sum>} : vector<16xi1> -> vector<16xi32>
        %eq3A_2461 = arith.constant 0 : i32
        %eq3A_2462 = vector.broadcast %eq3A_2461 : i32 to vector<16xi32>
        %eq3A_2463 = arith.cmpi eq, %all_reduce_population_count3A_2460, %eq3A_2462 : vector<16xi32>
        %and3A_2464 = arith.andi %eq3A_2463, %and3A_2335 : vector<16xi1>
        %eq3A_2465 = arith.constant 11 : i32
        %eq3A_2466 = vector.broadcast %eq3A_2465 : i32 to vector<16xi32>
        %eq3A_2467 = arith.cmpi eq, %iota3A, %eq3A_2466 : vector<16xi32>
        %and3A_2468 = arith.andi %and3A_2464, %eq3A_2467 : vector<16xi1>
        %or3A_2469 = arith.ori %or3A_2458, %and3A_2468 : vector<16xi1>
        %and3A_2470 = arith.andi %and3A_2044, %or3A_2469 : vector<16xi1>
        %all_reduce_population_count3A_2471 = tpu.all_reduce %and3A_2470 {dim = 0 : i64, kind = #tpu.reduction_kind<sum>} : vector<16xi1> -> vector<16xi32>
        %eq3A_2472 = arith.constant 0 : i32
        %eq3A_2473 = vector.broadcast %eq3A_2472 : i32 to vector<16xi32>
        %eq3A_2474 = arith.cmpi eq, %all_reduce_population_count3A_2471, %eq3A_2473 : vector<16xi32>
        %and3A_2475 = arith.andi %eq3A_2474, %and3A_2335 : vector<16xi1>
        %eq3A_2476 = arith.constant 12 : i32
        %eq3A_2477 = vector.broadcast %eq3A_2476 : i32 to vector<16xi32>
        %eq3A_2478 = arith.cmpi eq, %iota3A, %eq3A_2477 : vector<16xi32>
        %and3A_2479 = arith.andi %and3A_2475, %eq3A_2478 : vector<16xi1>
        %or3A_2480 = arith.ori %or3A_2469, %and3A_2479 : vector<16xi1>
        %and3A_2481 = arith.andi %and3A_2127, %or3A_2480 : vector<16xi1>
        %all_reduce_population_count3A_2482 = tpu.all_reduce %and3A_2481 {dim = 0 : i64, kind = #tpu.reduction_kind<sum>} : vector<16xi1> -> vector<16xi32>
        %eq3A_2483 = arith.constant 0 : i32
        %eq3A_2484 = vector.broadcast %eq3A_2483 : i32 to vector<16xi32>
        %eq3A_2485 = arith.cmpi eq, %all_reduce_population_count3A_2482, %eq3A_2484 : vector<16xi32>
        %and3A_2486 = arith.andi %eq3A_2485, %and3A_2335 : vector<16xi1>
        %eq3A_2487 = arith.constant 13 : i32
        %eq3A_2488 = vector.broadcast %eq3A_2487 : i32 to vector<16xi32>
        %eq3A_2489 = arith.cmpi eq, %iota3A, %eq3A_2488 : vector<16xi32>
        %and3A_2490 = arith.andi %and3A_2486, %eq3A_2489 : vector<16xi1>
        %or3A_2491 = arith.ori %or3A_2480, %and3A_2490 : vector<16xi1>
        %and3A_2492 = arith.andi %and3A_2210, %or3A_2491 : vector<16xi1>
        %all_reduce_population_count3A_2493 = tpu.all_reduce %and3A_2492 {dim = 0 : i64, kind = #tpu.reduction_kind<sum>} : vector<16xi1> -> vector<16xi32>
        %eq3A_2494 = arith.constant 0 : i32
        %eq3A_2495 = vector.broadcast %eq3A_2494 : i32 to vector<16xi32>
        %eq3A_2496 = arith.cmpi eq, %all_reduce_population_count3A_2493, %eq3A_2495 : vector<16xi32>
        %and3A_2497 = arith.andi %eq3A_2496, %and3A_2335 : vector<16xi1>
        %eq3A_2498 = arith.constant 14 : i32
        %eq3A_2499 = vector.broadcast %eq3A_2498 : i32 to vector<16xi32>
        %eq3A_2500 = arith.cmpi eq, %iota3A, %eq3A_2499 : vector<16xi32>
        %and3A_2501 = arith.andi %and3A_2497, %eq3A_2500 : vector<16xi1>
        %or3A_2502 = arith.ori %or3A_2491, %and3A_2501 : vector<16xi1>
        %and3A_2503 = arith.andi %and3A_2293, %or3A_2502 : vector<16xi1>
        %all_reduce_population_count3A_2504 = tpu.all_reduce %and3A_2503 {dim = 0 : i64, kind = #tpu.reduction_kind<sum>} : vector<16xi1> -> vector<16xi32>
        %eq3A_2505 = arith.constant 0 : i32
        %eq3A_2506 = vector.broadcast %eq3A_2505 : i32 to vector<16xi32>
        %eq3A_2507 = arith.cmpi eq, %all_reduce_population_count3A_2504, %eq3A_2506 : vector<16xi32>
        %and3A_2508 = arith.andi %eq3A_2507, %and3A_2335 : vector<16xi1>
        %eq3A_2509 = arith.constant 15 : i32
        %eq3A_2510 = vector.broadcast %eq3A_2509 : i32 to vector<16xi32>
        %eq3A_2511 = arith.cmpi eq, %iota3A, %eq3A_2510 : vector<16xi32>
        %and3A_2512 = arith.andi %and3A_2508, %eq3A_2511 : vector<16xi1>
        %or3A_2513 = arith.ori %or3A_2502, %and3A_2512 : vector<16xi1>
        %convert_element_type3A_2514 = arith.extui %or3A_2513 : vector<16xi1> to vector<16xi32>
        %eq3A_2515 = vector.broadcast %arg1 : i32 to vector<16xi32>
        %eq3A_2516 = arith.cmpi eq, %iota3A, %eq3A_2515 : vector<16xi32>
        %gt3A_2517 = arith.constant 0 : i32
        %gt3A_2518 = vector.broadcast %gt3A_2517 : i32 to vector<16xi32>
        %gt3A_2519 = arith.cmpi sgt, %convert_element_type3A_998, %gt3A_2518 : vector<16xi32>
        %and3A_2520 = arith.andi %gt3A_2519, %eq3A_2516 : vector<16xi1>
        %all_reduce_population_count3A_2521 = tpu.all_reduce %and3A_2520 {dim = 0 : i64, kind = #tpu.reduction_kind<sum>} : vector<16xi1> -> vector<16xi32>
        %slice3A_2522 = vector.extract_strided_slice %all_reduce_population_count3A_2521 {offsets = [0], sizes = [1], strides = [1]} : vector<16xi32> to vector<1xi32>
        %squeeze3A_2523 = vector.extract %slice3A_2522[0] : i32 from vector<1xi32>
        %gt3A_2524 = arith.constant 0 : i32
        %gt3A_2525 = arith.cmpi sgt, %squeeze3A_2523, %gt3A_2524 : i32
        %gt3A_2526 = arith.constant 0 : i32
        %gt3A_2527 = vector.broadcast %gt3A_2526 : i32 to vector<16xi32>
        %gt3A_2528 = arith.cmpi sgt, %convert_element_type3A_2514, %gt3A_2527 : vector<16xi32>
        %and3A_2529 = arith.andi %gt3A_2528, %eq3A_2516 : vector<16xi1>
        %all_reduce_population_count3A_2530 = tpu.all_reduce %and3A_2529 {dim = 0 : i64, kind = #tpu.reduction_kind<sum>} : vector<16xi1> -> vector<16xi32>
        %slice3A_2531 = vector.extract_strided_slice %all_reduce_population_count3A_2530 {offsets = [0], sizes = [1], strides = [1]} : vector<16xi32> to vector<1xi32>
        %squeeze3A_2532 = vector.extract %slice3A_2531[0] : i32 from vector<1xi32>
        %gt3A_2533 = arith.constant 0 : i32
        %gt3A_2534 = arith.cmpi sgt, %squeeze3A_2532, %gt3A_2533 : i32
        %convert_element_type3A_2535 = arith.extui %gt3A_2525 : i1 to i32
        %cond3A_2536 = arith.constant 0 : i32
        %cond3A_2537 = arith.cmpi ne, %convert_element_type3A_2535, %cond3A_2536 : i32
        scf.if %cond3A_2537 {
          %add3A_2564 = arith.addi %mul3A_26, %arg1 : i32
          %broadcast_in_dim3A_2565 = vector.broadcast %add3A_2564 : i32 to vector<16xi32>
          %gather3A_2566 = tpu.vector_load_idx %arg14[%broadcast_in_dim3A_2565] : memref<5024xi32, #tpu.memory_space<vmem>>[vector<16xi32>], vector<16xi32>,
          %gather3A_2567 = tpu.vector_load_idx %arg9[%gather3A_2566] : memref<5024xf32, #tpu.memory_space<vmem>>[vector<16xi32>], vector<16xf32>,
          %gather3A_2568 = tpu.vector_load_idx %arg10[%gather3A_2566] : memref<5024xf32, #tpu.memory_space<vmem>>[vector<16xi32>], vector<16xf32>,
          %gather3A_2569 = tpu.vector_load_idx %arg11[%gather3A_2566] : memref<5024xf32, #tpu.memory_space<vmem>>[vector<16xi32>], vector<16xf32>,
          %gather3A_2570 = tpu.vector_load_idx %arg12[%gather3A_2566] : memref<5024xf32, #tpu.memory_space<vmem>>[vector<16xi32>], vector<16xf32>,
          %mul3A_2571 = arith.constant 16 : i32
          %mul3A_2572 = arith.muli %scan3A_22, %mul3A_2571 : i32
          %swap3A_2573 = arith.index_cast %mul3A_2572 : i32 to index
          %swap3A_2574 = tpu.vector_load %arg15[%swap3A_2573] {strides = array<i32>} : memref<5120xf32, #tpu.memory_space<vmem>>, vector<16xf32>,
          tpu.vector_store %arg15[%swap3A_2573], %gather3A_2567 {strides = array<i32>} : memref<5120xf32, #tpu.memory_space<vmem>>, vector<16xf32>,
          %swap3A_2575 = arith.index_cast %mul3A_2572 : i32 to index
          %swap3A_2576 = tpu.vector_load %arg16[%swap3A_2575] {strides = array<i32>} : memref<5120xf32, #tpu.memory_space<vmem>>, vector<16xf32>,
          tpu.vector_store %arg16[%swap3A_2575], %gather3A_2568 {strides = array<i32>} : memref<5120xf32, #tpu.memory_space<vmem>>, vector<16xf32>,
          %swap3A_2577 = arith.index_cast %mul3A_2572 : i32 to index
          %swap3A_2578 = tpu.vector_load %arg17[%swap3A_2577] {strides = array<i32>} : memref<5120xf32, #tpu.memory_space<vmem>>, vector<16xf32>,
          tpu.vector_store %arg17[%swap3A_2577], %gather3A_2569 {strides = array<i32>} : memref<5120xf32, #tpu.memory_space<vmem>>, vector<16xf32>,
          %swap3A_2579 = arith.index_cast %mul3A_2572 : i32 to index
          %swap3A_2580 = tpu.vector_load %arg18[%swap3A_2579] {strides = array<i32>} : memref<5120xf32, #tpu.memory_space<vmem>>, vector<16xf32>,
          tpu.vector_store %arg18[%swap3A_2579], %gather3A_2570 {strides = array<i32>} : memref<5120xf32, #tpu.memory_space<vmem>>, vector<16xf32>,
          %sub3A_2581 = arith.subf %gather3A_2569, %gather3A_2567 : vector<16xf32>
          %sub3A_2582 = arith.subf %gather3A_2570, %gather3A_2568 : vector<16xf32>
          %mul3A_2583 = arith.mulf %sub3A_2581, %sub3A_2582 : vector<16xf32>
          %swap3A_2584 = arith.index_cast %mul3A_2572 : i32 to index
          %swap3A_2585 = tpu.vector_load %arg19[%swap3A_2584] {strides = array<i32>} : memref<5120xf32, #tpu.memory_space<vmem>>, vector<16xf32>,
          tpu.vector_store %arg19[%swap3A_2584], %mul3A_2583 {strides = array<i32>} : memref<5120xf32, #tpu.memory_space<vmem>>, vector<16xf32>,
        } else {
        }
        %convert_element_type3A_2538 = arith.extui %gt3A_2525 : i1 to i32
        %add3A_2539 = arith.addi %scan3A_22, %convert_element_type3A_2538 : i32
        %convert_element_type3A_2540 = arith.extui %gt3A_2534 : i1 to i32
        %cond3A_2541 = arith.constant 0 : i32
        %cond3A_2542 = arith.cmpi ne, %convert_element_type3A_2540, %cond3A_2541 : i32
        scf.if %cond3A_2542 {
          %add3A_2564 = arith.constant 16 : i32
          %add3A_2565 = arith.addi %mul3A_26, %add3A_2564 : i32
          %add3A_2566 = arith.addi %add3A_2565, %arg1 : i32
          %broadcast_in_dim3A_2567 = vector.broadcast %add3A_2566 : i32 to vector<16xi32>
          %gather3A_2568 = tpu.vector_load_idx %arg14[%broadcast_in_dim3A_2567] : memref<5024xi32, #tpu.memory_space<vmem>>[vector<16xi32>], vector<16xi32>,
          %gather3A_2569 = tpu.vector_load_idx %arg9[%gather3A_2568] : memref<5024xf32, #tpu.memory_space<vmem>>[vector<16xi32>], vector<16xf32>,
          %gather3A_2570 = tpu.vector_load_idx %arg10[%gather3A_2568] : memref<5024xf32, #tpu.memory_space<vmem>>[vector<16xi32>], vector<16xf32>,
          %gather3A_2571 = tpu.vector_load_idx %arg11[%gather3A_2568] : memref<5024xf32, #tpu.memory_space<vmem>>[vector<16xi32>], vector<16xf32>,
          %gather3A_2572 = tpu.vector_load_idx %arg12[%gather3A_2568] : memref<5024xf32, #tpu.memory_space<vmem>>[vector<16xi32>], vector<16xf32>,
          %mul3A_2573 = arith.constant 16 : i32
          %mul3A_2574 = arith.muli %add3A_2539, %mul3A_2573 : i32
          %swap3A_2575 = arith.index_cast %mul3A_2574 : i32 to index
          %swap3A_2576 = tpu.vector_load %arg15[%swap3A_2575] {strides = array<i32>} : memref<5120xf32, #tpu.memory_space<vmem>>, vector<16xf32>,
          tpu.vector_store %arg15[%swap3A_2575], %gather3A_2569 {strides = array<i32>} : memref<5120xf32, #tpu.memory_space<vmem>>, vector<16xf32>,
          %swap3A_2577 = arith.index_cast %mul3A_2574 : i32 to index
          %swap3A_2578 = tpu.vector_load %arg16[%swap3A_2577] {strides = array<i32>} : memref<5120xf32, #tpu.memory_space<vmem>>, vector<16xf32>,
          tpu.vector_store %arg16[%swap3A_2577], %gather3A_2570 {strides = array<i32>} : memref<5120xf32, #tpu.memory_space<vmem>>, vector<16xf32>,
          %swap3A_2579 = arith.index_cast %mul3A_2574 : i32 to index
          %swap3A_2580 = tpu.vector_load %arg17[%swap3A_2579] {strides = array<i32>} : memref<5120xf32, #tpu.memory_space<vmem>>, vector<16xf32>,
          tpu.vector_store %arg17[%swap3A_2579], %gather3A_2571 {strides = array<i32>} : memref<5120xf32, #tpu.memory_space<vmem>>, vector<16xf32>,
          %swap3A_2581 = arith.index_cast %mul3A_2574 : i32 to index
          %swap3A_2582 = tpu.vector_load %arg18[%swap3A_2581] {strides = array<i32>} : memref<5120xf32, #tpu.memory_space<vmem>>, vector<16xf32>,
          tpu.vector_store %arg18[%swap3A_2581], %gather3A_2572 {strides = array<i32>} : memref<5120xf32, #tpu.memory_space<vmem>>, vector<16xf32>,
          %sub3A_2583 = arith.subf %gather3A_2571, %gather3A_2569 : vector<16xf32>
          %sub3A_2584 = arith.subf %gather3A_2572, %gather3A_2570 : vector<16xf32>
          %mul3A_2585 = arith.mulf %sub3A_2583, %sub3A_2584 : vector<16xf32>
          %swap3A_2586 = arith.index_cast %mul3A_2574 : i32 to index
          %swap3A_2587 = tpu.vector_load %arg19[%swap3A_2586] {strides = array<i32>} : memref<5120xf32, #tpu.memory_space<vmem>>, vector<16xf32>,
          tpu.vector_store %arg19[%swap3A_2586], %mul3A_2585 {strides = array<i32>} : memref<5120xf32, #tpu.memory_space<vmem>>, vector<16xf32>,
        } else {
        }
        %convert_element_type3A_2543 = arith.extui %gt3A_2534 : i1 to i32
        %add3A_2544 = arith.addi %add3A_2539, %convert_element_type3A_2543 : i32
        %gt3A_2545 = arith.constant 0 : i32
        %gt3A_2546 = vector.broadcast %gt3A_2545 : i32 to vector<16xi32>
        %gt3A_2547 = arith.cmpi sgt, %convert_element_type3A_998, %gt3A_2546 : vector<16xi32>
        %all_reduce_population_count3A_2548 = tpu.all_reduce %gt3A_2547 {dim = 0 : i64, kind = #tpu.reduction_kind<sum>} : vector<16xi1> -> vector<16xi32>
        %slice3A_2549 = vector.extract_strided_slice %all_reduce_population_count3A_2548 {offsets = [0], sizes = [1], strides = [1]} : vector<16xi32> to vector<1xi32>
        %squeeze3A_2550 = vector.extract %slice3A_2549[0] : i32 from vector<1xi32>
        %gt3A_2551 = arith.constant 0 : i32
        %gt3A_2552 = vector.broadcast %gt3A_2551 : i32 to vector<16xi32>
        %gt3A_2553 = arith.cmpi sgt, %convert_element_type3A_2514, %gt3A_2552 : vector<16xi32>
        %all_reduce_population_count3A_2554 = tpu.all_reduce %gt3A_2553 {dim = 0 : i64, kind = #tpu.reduction_kind<sum>} : vector<16xi1> -> vector<16xi32>
        %slice3A_2555 = vector.extract_strided_slice %all_reduce_population_count3A_2554 {offsets = [0], sizes = [1], strides = [1]} : vector<16xi32> to vector<1xi32>
        %squeeze3A_2556 = vector.extract %slice3A_2555[0] : i32 from vector<1xi32>
        %eq3A_2557 = arith.constant 0 : i32
        %eq3A_2558 = arith.cmpi eq, %arg1, %eq3A_2557 : i32
        %convert_element_type3A_2559 = arith.extui %eq3A_2558 : i1 to i32
        %cond3A_2560 = arith.constant 0 : i32
        %cond3A_2561 = arith.cmpi ne, %convert_element_type3A_2559, %cond3A_2560 : i32
        scf.if %cond3A_2561 {
          %swap3A_2564 = arith.index_cast %mul3A_26 : i32 to index
          %swap3A_2565 = tpu.vector_load %arg20[%swap3A_2564] {strides = array<i32>} : memref<5024xi32, #tpu.memory_space<vmem>>, vector<16xi32>,
          tpu.vector_store %arg20[%swap3A_2564], %convert_element_type3A_998 {strides = array<i32>} : memref<5024xi32, #tpu.memory_space<vmem>>, vector<16xi32>,
          %add3A_2566 = arith.constant 16 : i32
          %add3A_2567 = arith.addi %mul3A_26, %add3A_2566 : i32
          %swap3A_2568 = arith.index_cast %add3A_2567 : i32 to index
          %swap3A_2569 = tpu.vector_load %arg20[%swap3A_2568] {strides = array<i32>} : memref<5024xi32, #tpu.memory_space<vmem>>, vector<16xi32>,
          tpu.vector_store %arg20[%swap3A_2568], %convert_element_type3A_2514 {strides = array<i32>} : memref<5024xi32, #tpu.memory_space<vmem>>, vector<16xi32>,
        } else {
        }
        %add3A_2562 = arith.addi %scan3A_23, %squeeze3A_2550 : i32
        %add3A_2563 = arith.addi %add3A_2562, %squeeze3A_2556 : i32
        scf.yield %add3A_2544, %add3A_2563 : i32, i32
      }
      %scan3A_15 = arith.constant 157 : i32
      %eq3A_16 = arith.constant 0 : i32
      %eq3A_17 = arith.cmpi eq, %arg1, %eq3A_16 : i32
      %convert_element_type3A_18 = arith.extui %eq3A_17 : i1 to i32
      %cond3A_19 = arith.constant 0 : i32
      %cond3A_20 = arith.cmpi ne, %convert_element_type3A_18, %cond3A_19 : i32
      scf.if %cond3A_20 {
        %scan3A_21 = arith.constant 0 : i32
        %scan3A_22 = arith.constant 0 : i32
        %scan3A_23 = arith.constant 314 : i32
        %scan3A_24 = arith.addi %scan3A_22, %scan3A_23 : i32
        %scan3A_25 = arith.constant 1 : i32
        %scan3A_26 = scf.for %scan3A_28 = %scan3A_22 to %scan3A_24 step %scan3A_25 iter_args(%scan3A_29 = %scan3A_21) -> (i32)  : i32 {
          %mul3A = arith.constant 16 : i32
          %mul3A_30 = arith.muli %scan3A_28, %mul3A : i32
          %get3A = arith.index_cast %mul3A_30 : i32 to index
          %get3A_31 = tpu.vector_load %arg20[%get3A] {strides = array<i32>} : memref<5024xi32, #tpu.memory_space<vmem>>, vector<16xi32>,
          %cumsum3A = arith.constant true
          %cumsum3A_32 = vector.broadcast %cumsum3A : i1 to vector<16xi1>
          %cumsum3A_33 = tpu.scan <sum>, %get3A_31 masked %cumsum3A_32 : vector<16xi32>, vector<16xi1> -> vector<16xi32>
          %sub3A = arith.subi %cumsum3A_33, %get3A_31 : vector<16xi32>
          %add3A = vector.broadcast %mul3A_30 : i32 to vector<16xi32>
          %add3A_34 = arith.addi %add3A, %iota3A : vector<16xi32>
          %gt3A = arith.constant 0 : i32
          %gt3A_35 = vector.broadcast %gt3A : i32 to vector<16xi32>
          %gt3A_36 = arith.cmpi sgt, %get3A_31, %gt3A_35 : vector<16xi32>
          %add3A_37 = vector.broadcast %scan3A_29 : i32 to vector<16xi32>
          %add3A_38 = arith.addi %add3A_37, %sub3A : vector<16xi32>
          %add3A_39 = vector.broadcast %scan3A_14#1 : i32 to vector<16xi32>
          %add3A_40 = arith.addi %add3A_39, %add3A_34 : vector<16xi32>
          %sub3A_41 = vector.broadcast %scan3A_29 : i32 to vector<16xi32>
          %sub3A_42 = arith.subi %add3A_40, %sub3A_41 : vector<16xi32>
          %sub3A_43 = arith.subi %sub3A_42, %sub3A : vector<16xi32>
          %select_n3A = arith.select %gt3A_36, %add3A_38, %sub3A_43 : vector<16xi1>, vector<16xi32>
          %lt3A = arith.constant 100 : i32
          %lt3A_44 = vector.broadcast %lt3A : i32 to vector<16xi32>
          %lt3A_45 = arith.cmpi slt, %select_n3A, %lt3A_44 : vector<16xi32>
          %mul3A_46 = arith.constant 5 : i32
          %mul3A_47 = vector.broadcast %mul3A_46 : i32 to vector<16xi32>
          %mul3A_48 = arith.muli %select_n3A, %mul3A_47 : vector<16xi32>
          %get3A_49 = arith.index_cast %mul3A_30 : i32 to index
          %get3A_50 = tpu.vector_load %arg14[%get3A_49] {strides = array<i32>} : memref<5024xi32, #tpu.memory_space<vmem>>, vector<16xi32>,
          %gather3A = tpu.vector_load_idx %arg9[%get3A_50] : memref<5024xf32, #tpu.memory_space<vmem>>[vector<16xi32>], vector<16xf32>,
          %gather3A_51 = tpu.vector_load_idx %arg10[%get3A_50] : memref<5024xf32, #tpu.memory_space<vmem>>[vector<16xi32>], vector<16xf32>,
          %gather3A_52 = tpu.vector_load_idx %arg11[%get3A_50] : memref<5024xf32, #tpu.memory_space<vmem>>[vector<16xi32>], vector<16xf32>,
          %gather3A_53 = tpu.vector_load_idx %arg12[%get3A_50] : memref<5024xf32, #tpu.memory_space<vmem>>[vector<16xi32>], vector<16xf32>,
          %gather3A_54 = tpu.vector_load_idx %arg13[%get3A_50] : memref<5024xf32, #tpu.memory_space<vmem>>[vector<16xi32>], vector<16xf32>,
          %jit3A = arith.constant -1.000000e+09 : f32
          %broadcast_in_dim3A_55 = vector.broadcast %jit3A : f32 to vector<16xf32>
          %select_n3A_56 = arith.select %gt3A_36, %gather3A_54, %broadcast_in_dim3A_55 : vector<16xi1>, vector<16xf32>
          tpu.vector_store_idx %arg21[%mul3A_48], %gather3A masked %lt3A_45 : memref<512xf32, #tpu.memory_space<vmem>>[vector<16xi32>], vector<16xf32>, vector<16xi1>
          %add3A_57 = arith.constant 1 : i32
          %add3A_58 = vector.broadcast %add3A_57 : i32 to vector<16xi32>
          %add3A_59 = arith.addi %mul3A_48, %add3A_58 : vector<16xi32>
          tpu.vector_store_idx %arg21[%add3A_59], %gather3A_51 masked %lt3A_45 : memref<512xf32, #tpu.memory_space<vmem>>[vector<16xi32>], vector<16xf32>, vector<16xi1>
          %add3A_60 = arith.constant 2 : i32
          %add3A_61 = vector.broadcast %add3A_60 : i32 to vector<16xi32>
          %add3A_62 = arith.addi %mul3A_48, %add3A_61 : vector<16xi32>
          tpu.vector_store_idx %arg21[%add3A_62], %gather3A_52 masked %lt3A_45 : memref<512xf32, #tpu.memory_space<vmem>>[vector<16xi32>], vector<16xf32>, vector<16xi1>
          %add3A_63 = arith.constant 3 : i32
          %add3A_64 = vector.broadcast %add3A_63 : i32 to vector<16xi32>
          %add3A_65 = arith.addi %mul3A_48, %add3A_64 : vector<16xi32>
          tpu.vector_store_idx %arg21[%add3A_65], %gather3A_53 masked %lt3A_45 : memref<512xf32, #tpu.memory_space<vmem>>[vector<16xi32>], vector<16xf32>, vector<16xi1>
          %add3A_66 = arith.constant 4 : i32
          %add3A_67 = vector.broadcast %add3A_66 : i32 to vector<16xi32>
          %add3A_68 = arith.addi %mul3A_48, %add3A_67 : vector<16xi32>
          tpu.vector_store_idx %arg21[%add3A_68], %select_n3A_56 masked %lt3A_45 : memref<512xf32, #tpu.memory_space<vmem>>[vector<16xi32>], vector<16xf32>, vector<16xi1>
          %reduce_sum3A = arith.constant true
          %reduce_sum3A_69 = vector.broadcast %reduce_sum3A : i1 to vector<16xi1>
          %reduce_sum3A_70 = tpu.scan <sum>, %get3A_31 masked %reduce_sum3A_69 : vector<16xi32>, vector<16xi1> -> vector<16xi32>
          %reduce_sum3A_71 = vector.extract %reduce_sum3A_70[15] : i32 from vector<16xi32>
          %add3A_72 = arith.addi %scan3A_29, %reduce_sum3A_71 : i32
          scf.yield %add3A_72 : i32
        }
        %scan3A_27 = arith.constant 314 : i32
        "tpu.region"() ({
          %run_scoped3A = tpu.sem_alloc : memref<!tpu.dma_semaphore, #tpu.memory_space<semaphore_mem>>
          tpu.enqueue_dma source(%arg21 : memref<512xf32, #tpu.memory_space<vmem>>) target(%arg8 : memref<512xf32, #tpu.memory_space<hbm>>) target_semaphore(%run_scoped3A : memref<!tpu.dma_semaphore, #tpu.memory_space<semaphore_mem>>)
          tpu.wait_dma2 semaphore(%run_scoped3A : memref<!tpu.dma_semaphore, #tpu.memory_space<semaphore_mem>>) src(%arg21 : memref<512xf32, #tpu.memory_space<vmem>>) dst(%arg8 : memref<512xf32, #tpu.memory_space<hbm>>)
          tpu.yield
        }) : () -> ()
      } else {
      }
    } else {
    }
    return
  }
}

</mosaic_0001>

<sc_bundles>
// kernel: kernel.3.cloned.1.call-start
scs
__scs_entry_jumppad:
0x0: {  	(pc) =	sbr.rel $0x88, $3  }
0x1: {  	(tag) =	ssettag $0x0;
	lr =	simm.s32 $0x1  }
0x2: {  	[smem:$0x3F9F] =	sst lr;
	_ =	strace $0xD0000000  }
0x3: {  	_ = 	snop  }
0x4: {  	_ = 	snop  }
0x5: {  	_ = 	snop  }
0x6: {  	_ = 	snop  }
0x7: {  	_ = 	snop  }
__scs_overlays_trampoline_lowered:
0x8: {  	[smem:$0x3FAE] =	sst s0  }
0x9: {  	[smem:$0x3FAF] =	sst s1  }
0xa: {  	[smem:$0x3FB0] =	sst s2  }
0xb: {  	[smem:$0x3FB1] =	sst s3  }
0xc: {  	[smem:$0x3FB2] =	sst s4  }
0xd: {  	[smem:$0x3FB3] =	sst s5  }
0xe: {  	[smem:$0x3FB4] =	sst s6  }
0xf: {  	[smem:$0x3FB5] =	sst s7  }
0x10: {  	[smem:$0x3FB6] =	sst s8  }
0x11: {  	[smem:$0x3FB7] =	sst s9;
	s0 =	simm.s32 @!p0 $0x0  }
0x12: {  	s1 =	sld [smem:$0x3F9D];
	s0 =	simm.s32 @p0 $0x1  }
0x13: {  	[smem:$0x3FB8] =	sst s0;
	s0 =	simm.s32 @!p1 $0x0  }
0x14: {  	s2 =	sld [smem:$0x3F9C];
	s0 =	simm.s32 @p1 $0x1  }
0x15: {  	[smem:$0x3FB9] =	sst s0;
	s0 =	simm.s32 @!p2 $0x0  }
0x16: {  	s3 =	sld [smem:$0x3FDB];
	s0 =	simm.s32 @p2 $0x1  }
0x17: {  	s4 =	simm.s32 $0x1BF5;
	[smem:$0x3FBB] =	sst s0  }
0x18: {  	s0 =	sld [smem:$0x3F9E];
	_ =	swait.ge [sflag:s4], $0x0  }
0x19: {  	s7 =	sld [smem:$0x3F9F]  }
0x1a: {  	s8 =	sadd.s32 $0xFFFFE003, lr  }
0x1b: {  	s9 =	sadd.s32 $0xFFFFFEF7, lr;
	s5 =	simm.s32 $0xFFFFFFFF;
	p2 =	slt.u32 s8, $0xFFFFF086  }
0x1c: {  	p1 =	slt.u32 s9, $0xF7A;
	s5 =	simm.s32 @!p2 $0x0  }
0x1d: {  	s5 =	simm.s32 @p1 $0x1;
	p0 =	seq.s32 s7, s2  }
0x1e: {  	s7 =	smul.u32 @!p0 $0xF7A, s2;
	p2 =	seq.s32 @!p0 s5, $0x0  }
0x1f: {  	s9 =	smul.u32 $0xF7A, s1;
	s8 =	simm.s32 @!p0 $0x1BF5;
	p2 =	por !p2, p0  }
0x20: {  	[sflag:s8] =	ssyncset.s32 @!p0 $0xFFFFF086;
	s6 =	sadd.s32 @!p0 s3, s7;
	s7 =	simm.s32 @!p0 $0x108  }
0x21: {  	s3 =	sadd.s32 s3, s9;
	s6 =	sadd.s32 @!p0 $0x88, s6;
	s7 =	simm.s32 @p2 $0x1082  }
0x22: {  	[simem:s7], [sflag:s8] =	dma.local @!p0 [hbm:s6], $0xF7A  }
0x23: {  	s9 =	sor.u32 $0xD0000000, s2;
	s6 =	simm.s32 $0x108;
	_ =	swait.ge @!p0 [sflag:s8], $0x0  }
0x24: {  	s3 =	sadd.s32 $0x88, s3;
	s6 =	simm.s32 @!p1 $0x1082;
	[sflag:s4] =	ssyncset.s32 $0xFFFFF086  }
0x25: {  	[simem:s6], [sflag:s4] =	dma.local [hbm:s3], $0xF7A  }
0x26: {  	[smem:$0x3F9F] =	sst s1;
	(tag) =	ssettag s2;
	_ =	strace s9  }
0x27: {  	s1 =	sld [smem:$0x3FAF]  }
0x28: {  	s2 =	sld [smem:$0x3FB0]  }
0x29: {  	s4 =	sld [smem:$0x3FB2]  }
0x2a: {  	p0 =	seq.s32 s5, $0x0;
	s5 =	sld [smem:$0x3FB3]  }
0x2b: {  	s6 =	sld [smem:$0x3FB4]  }
0x2c: {  	s7 =	sld [smem:$0x3FB5]  }
0x2d: {  	s3 =	simm.s32 $0x108;
	s8 =	sld [smem:$0x3FB6]  }
0x2e: {  	s3 =	simm.s32 @!p0 $0x1082;
	s9 =	sld [smem:$0x3FB7]  }
0x2f: {  	lr =	sadd.s32 s0, s3;
	s0 =	sld [smem:$0x3FAE]  }
0x30: {  	s3 =	sld [smem:$0x3FB1]  }
0x31: {  	[smem:$0x3FBA] =	sst s10  }
0x32: {  	s10 =	sld [smem:$0x3FB8];
	_ =	sdelay $0x3  }
0x33: {  	p0 =	seq.s32 s10, $0x1;
	s10 =	sld [smem:$0x3FBA];
	_ =	sdelay $0x3  }
0x34: {  	[smem:$0x3FBA] =	sst s10  }
0x35: {  	s10 =	sld [smem:$0x3FB9];
	_ =	sdelay $0x3  }
0x36: {  	p1 =	seq.s32 s10, $0x1;
	s10 =	sld [smem:$0x3FBA];
	_ =	sdelay $0x3  }
0x37: {  	[smem:$0x3FBA] =	sst s10  }
0x38: {  	s10 =	sld [smem:$0x3FBB]  }
0x39: {  	_ = 	snop;
	(pc) =	sbr.ind lr, $3  }
0x3a: {  	_ = 	snop  }
0x3b: {  	_ = 	snop  }
0x3c: {  	p2 =	seq.s32 s10, $0x1;
	s10 =	sld [smem:$0x3FBA]  }
0x3d: {  	_ =	shalt  }
0x3e: {  	_ =	shalt  }
0x3f: {  	_ =	shalt  }
0x40: {  	_ =	shalt  }
0x41: {  	_ =	shalt  }
0x42: {  	_ =	shalt  }
0x43: {  	_ =	shalt  }
0x44: {  	_ =	shalt  }
0x45: {  	_ =	shalt  }
0x46: {  	_ =	shalt  }
0x47: {  	_ =	shalt  }
0x48: {  	_ =	shalt  }
0x49: {  	_ =	shalt  }
0x4a: {  	_ =	shalt  }
0x4b: {  	_ =	shalt  }
0x4c: {  	_ =	shalt  }
0x4d: {  	_ =	shalt  }
0x4e: {  	_ =	shalt  }
0x4f: {  	_ =	shalt  }
0x50: {  	_ =	shalt  }
0x51: {  	_ =	shalt  }
0x52: {  	_ =	shalt  }
0x53: {  	_ =	shalt  }
0x54: {  	_ =	shalt  }
0x55: {  	_ =	shalt  }
0x56: {  	_ =	shalt  }
0x57: {  	_ =	shalt  }
0x58: {  	_ =	shalt  }
0x59: {  	_ =	shalt  }
0x5a: {  	_ =	shalt  }
0x5b: {  	_ =	shalt  }
0x5c: {  	_ =	shalt  }
0x5d: {  	_ =	shalt  }
0x5e: {  	_ =	shalt  }
0x5f: {  	_ =	shalt  }
0x60: {  	_ =	shalt  }
0x61: {  	_ =	shalt  }
0x62: {  	_ =	shalt  }
0x63: {  	_ =	shalt  }
0x64: {  	_ =	shalt  }
0x65: {  	_ =	shalt  }
0x66: {  	_ =	shalt  }
0x67: {  	_ =	shalt  }
0x68: {  	_ =	shalt  }
0x69: {  	_ =	shalt  }
0x6a: {  	_ =	shalt  }
0x6b: {  	_ =	shalt  }
0x6c: {  	_ =	shalt  }
0x6d: {  	_ =	shalt  }
0x6e: {  	_ =	shalt  }
0x6f: {  	_ =	shalt  }
0x70: {  	_ =	shalt  }
0x71: {  	_ =	shalt  }
0x72: {  	_ =	shalt  }
0x73: {  	_ =	shalt  }
0x74: {  	_ =	shalt  }
0x75: {  	_ =	shalt  }
0x76: {  	_ =	shalt  }
0x77: {  	_ =	shalt  }
0x78: {  	_ =	shalt  }
0x79: {  	_ =	shalt  }
0x7a: {  	_ =	shalt  }
0x7b: {  	_ =	shalt  }
0x7c: {  	_ =	shalt  }
0x7d: {  	_ =	shalt  }
0x7e: {  	_ =	shalt  }
0x7f: {  	_ =	shalt  }
0x80: {  	_ =	shalt  }
0x81: {  	_ =	shalt  }
0x82: {  	_ =	shalt  }
0x83: {  	_ =	shalt  }
0x84: {  	_ =	shalt  }
0x85: {  	_ =	shalt  }
0x86: {  	_ =	shalt  }
0x87: {  	_ =	shalt  }
.Lfunc_end0:
.L_simem_size_0:
called_computation_lowered:
.L_overlay_start_0:
0x88: {  	s2 =	sld [smem:$0x3FD9]  }
0x89: {  	s3 =	sld [smem:$0x3FFE];
	_ =	sdelay $0x1  }
0x8a: {  	s1 =	srdreg.scid  }
0x8b: {  	s0 =	sand.u32 $0x1, s1  }
0x8c: {  	s17 =	sshll.u32 s0, $0xA;
	s2 =	sadd.s32 s3, s2  }
0x8d: {  	s2 =	sadd.s32 s2, s17  }
0x8e: {  	[smem:$0x3FC6] =	sst s2  }
0x8f: {  	_ = 	snop  }
0x90: {  	s2 =	sld [smem:$0x3FD0];
	(tm) =	ssettm $0x1  }
0x91: {  	s18 =	sld [smem:$0x3FFB];
	_ =	sdelay $0x3  }
0x92: {  	_ =	strace s18  }
0x93: {  	s3 =	sld [smem:$0x3FFC];
	_ =	sdelay $0x3  }
0x94: {  	_ =	strace s3  }
0x95: {  	s3 =	sld [smem:$0x3FFD];
	_ =	sdelay $0x3  }
0x96: {  	_ =	strace s3  }
0x97: {  	_ =	strace $0x8FFFFFFF  }
0x98: {  	s19 =	sld [smem:$0x3FDB];
	_ =	sdelay $0x1  }
0x99: {  	s4 =	simm.s32 $_scs_section_size  }
0x9a: {  	s5 =	simm.s32 $_size__tile_overlayer_lowered;
	s6 =	simm.s32 $_tile_overlayer_lowered  }
0x9b: {  	s22 =	simm.s32 $0x1BFF;
	s21 =	sshll.u32 s6, $0x1;
	s3 =	sadd.s32 s4, s19  }
0x9c: {  	s7 =	simm.s32 $0x0;
	s20 =	sshll.u32 s5, $0x1;
	s5 =	sadd.s32 s21, s3  }
0x9d: {  	[timem:s7], [sflag:s22] =	dma.local [hbm:s5], s20  }
0x9e: {  	_ =	swait.ge [sflag:s22], s20  }
0x9f: {  	s4 =	ssub.s32 $0x0, s20;
	[sflag:s22] =	ssyncset.done $0x0  }
0xa0: {  	[sflag:s22] =	ssyncadd.s32 s4;
	_ =	sdelay $0x1  }
0xa1: {  	s23 =	simm.s32 $0x1B8B  }
0xa2: {  	_ =	swait.ge [sflag:s23], $0x1  }
0xa3: {  	[sflag:s23] =	ssyncset.done $0x0  }
0xa4: {  	s25 =	simm.s32 $0x1B8E;
	s24 =	sld [smem:$0x3FFE];
	[sflag:s23] =	ssyncadd.s32 $0xFFFFFFFF  }
0xa5: {  	s26 =	simm.s32 $execute0_lowered;
	[smem:$0x3FD2] =	sst s25  }
0xa6: {  	s5 =	sshll.u32 s26, $0x1;
	_ =	strace $0x80000046;
	[dreg:$0x1] =	wrdreg $0xFFFFFFFF  }
0xa7: {  	s28 =	simm.s32 $_size_execute0_lowered;
	s3 =	sadd.s32 s3, s5;
	[dreg:$0x0] =	wrdreg $0x0  }
0xa8: {  	s5 =	sshll.u32 s28, $0x1;
	[dreg:$0x2] =	wrdreg s3  }
0xa9: {  	[dreg:$0x3] =	wrdreg s5  }
0xaa: {  	[dreg:$0x4] =	wrdreg $0xC0  }
0xab: {  	_ =	task [dreg:s7], $0x5FFFF  }
0xac: {  	[dreg:$0x1] =	wrdreg $0xFFFFFFFF  }
0xad: {  	[dreg:$0x0] =	wrdreg $0x60  }
0xae: {  	[dreg:$0x2] =	wrdreg s24  }
0xaf: {  	[dreg:$0x3] =	wrdreg s2  }
0xb0: {  	[dreg:$0x4] =	wrdreg $0xF4800  }
0xb1: {  	[dreg:$0x5] =	wrdreg $0x9  }
0xb2: {  	_ =	task.clear_ibuf [dreg:s7], $0x6FFFF;
	_ =	strace $0x90000046  }
0xb3: {  	s29 =	simm.s32 $0x9;
	_ =	strace $0x80000048  }
0xb4: {  	_ =	swait.ge [sflag:s29], $0x1  }
0xb5: {  	[sflag:s29] =	ssyncadd.s32 $0xFFFFFFFF  }
0xb6: {  	_ =	strace $0x90000048  }
0xb7: {  	_ =	sfence  }
0xb8: {  	s30 =	sld [smem:$0x0];
	_ =	sdelay $0x2  }
0xb9: {  	s31 =	sshll.u32 s1, $0xD;
	s1 =	sshrl.u32 s1, $0x2  }
0xba: {  	s3 =	sand.u32 $0x4000, s31;
	s1 =	sadd.s32 s1, s30  }
0xbb: {  	s0 =	sor.u32 s3, s0;
	s1 =	sshll.u32 s1, $0x11  }
0xbc: {  	s0 =	sor.u32 s1, s0  }
0xbd: {  	s0 =	sadd.s32 $0x8F2B, s0  }
0xbe: {  	[sflag:s0] =	ssyncadd.remote.s32 $0x1  }
0xbf: {  	_ =	sfence.sel $0xFFFF  }
0xc0: {  	[dreg:$0x0] =	wrdreg $0xFFFFFFFF;
	(pc) =	sbr.abs _section_cstart, $3  }
0xc1: {  	[dreg:$0x1] =	wrdreg $0xFFFFFFFF  }
0xc2: {  	_ =	task.clear_ibuf [dreg:s7], $0x2FFFF;
	_ =	strace $0x9FFFFFFF  }
0xc3: {  	(tm) =	ssettm $0x7FFFFFFF  }
tec
execute0_lowered:
.L_overlay_start_1:
0x0: {  	(tag) =	ssettag $0x1  }
0x1: {  	s0 =	srdreg.scid  }
0x2: {  	s1 =	sand.u32 $0x1, s0  }
0x3: {  	p0 =	seq.s32 s1, $0x1  }
.Ltmp0:
0x4: {  	_ = 	snop;
	(pc) =	sbr.rel @p0 .LBB2_18-.Ltmp0, $4  }
0x5: {  	s4 =	rddreg [dreg:$0x0]  }
0x6: {  	s2 =	rddreg [dreg:$0x1]  }
0x7: {  	s3 =	rddreg [dreg:$0x2]  }
0x8: {  	s0 =	rddreg [dreg:$0x3];
	_ =	strace $0x80000047;
	s1 =	stileid.u32  }
0x9: {  	s5 =	sadd.s32 $0x1000, s4;
	s6 =	simm.s32 $0x0;
	s23 =	simm.s32 $0x1  }
0xa: {  	[tilespmem:s6], [sflag:$0x1] =	stream.linear.gather [hbm4b:s5+s6], $0x1400, $0x38;
	[tilespmem:$0xF4C0] =	vst v63  }
0xb: {  	_ =	swait.ge [sflag:s23], $0x1400  }
0xc: {  	[sflag:s23] =	ssyncset.done $0x0  }
0xd: {  	s7 =	sadd.s32 $0x800, s4;
	s8 =	simm.s32 $0x1400;
	[sflag:s23] =	ssyncadd.s32 $0xFFFFEC00  }
0xe: {  	[tilespmem:s8], [sflag:$0x1] =	stream.linear.gather [hbm4b:s7+s6], $0x1400, $0x38;
	[tilespmem:$0xF4C0] =	vst v63  }
0xf: {  	_ =	swait.ge [sflag:s23], $0x1400  }
0x10: {  	[sflag:s23] =	ssyncset.done $0x0  }
0x11: {  	s24 =	sadd.s32 $0xC00, s4;
	s25 =	simm.s32 $0x2800;
	[sflag:s23] =	ssyncadd.s32 $0xFFFFEC00  }
0x12: {  	[tilespmem:s25], [sflag:$0x1] =	stream.linear.gather [hbm4b:s24+s6], $0x1400, $0x38;
	[tilespmem:$0xF4C0] =	vst v63  }
0x13: {  	_ =	swait.ge [sflag:s23], $0x1400  }
0x14: {  	[sflag:s23] =	ssyncset.done $0x0  }
0x15: {  	s26 =	sadd.s32 $0x400, s4;
	s28 =	simm.s32 $0x3C00;
	[sflag:s23] =	ssyncadd.s32 $0xFFFFEC00  }
0x16: {  	[tilespmem:s28], [sflag:$0x1] =	stream.linear.gather [hbm4b:s26+s6], $0x1400, $0x38;
	[tilespmem:$0xF4C0] =	vst v63  }
0x17: {  	_ =	swait.ge [sflag:s23], $0x1400  }
0x18: {  	[sflag:s23] =	ssyncset.done $0x0  }
0x19: {  	s29 =	simm.s32 $0x5000;
	[sflag:s23] =	ssyncadd.s32 $0xFFFFEC00  }
0x1a: {  	[tilespmem:s29], [sflag:$0x1] =	stream.linear.gather [hbm4b:s4+s6], $0x1400, $0x38;
	[tilespmem:$0xF4C0] =	vst v63  }
0x1b: {  	_ =	swait.ge [sflag:s23], $0x1400  }
0x1c: {  	[sflag:s23] =	ssyncset.done $0x0  }
0x1d: {  	s30 =	sadd.s32 $0x1400, s4;
	s31 =	simm.s32 $0x6400;
	[sflag:s23] =	ssyncadd.s32 $0xFFFFEC00  }
0x1e: {  	[tilespmem:s31], [sflag:$0x1] =	stream.linear.gather [hbm4b:s30+s6], $0x1400, $0x38;
	[tilespmem:$0xF4C0] =	vst v63  }
0x1f: {  	_ =	swait.ge [sflag:s23], $0x1400  }
0x20: {  	s10 =	sshll.u32 s1, $0x7;
	[sflag:s23] =	ssyncset.done $0x0  }
0x21: {  	v1 =	vmov s1;
	v0 =	vimm.f32 $0.0e+00;
	s5 =	simm.s32 $0x40;
	s4 =	simm.s32 $0x0;
	[sflag:s23] =	ssyncadd.s32 $0xFFFFEC00  }
.LBB2_2:
0x22: {  	p0 =	sne.s32 s5, $0x4FC0;
	[tilespmem:s4+$0xC800] =	vst v0;
	s6 =	smov.u32 s5;
	s5 =	sadd.s32 $0x40, s5  }
.Ltmp1:
0x23: {  	[tilespmem:s4+$0xB400] =	vst v0;
	(pc) =	sbr.rel @p0 .LBB2_2-.Ltmp1, $4  }
0x24: {  	[tilespmem:s4+$0xA000] =	vst v0  }
0x25: {  	[tilespmem:s4+$0x7800] =	vst v0  }
0x26: {  	[tilespmem:s4+$0x8C00] =	vst v0  }
0x27: {  	s4 =	sshra.s32 s6, $0x2  }
0x28: {  	[tilespmem:s4+$0xC800] =	vst v0  }
0x29: {  	vm0 =	vmxor vm0, vm0;
	[tilespmem:s4+$0xB400] =	vst v0  }
0x2a: {  	v2 =	vlaneseq.u32;
	[tilespmem:s4+$0xA000] =	vst v0;
	v3 =	vmpcnt.ones.xlane vm0  }
0x2b: {  	v49 =	vimm.s32 $0x0;
	[tilespmem:s4+$0x7800] =	vst v0;
	vm13 =	veq.s32 v1, v2  }
0x2c: {  	v50 =	vimm.s32 $0x0;
	[tilespmem:s4+$0x8C00] =	vst v0;
	v1 =	vsel vm13, $0xFFFFFFFF, v49;
	vm14 =	veq.s32 v3, $0x0  }
0x2d: {  	vm15 =	vmmov $0x1;
	v51 =	vimm.s32 $0x0;
	[tilespmem:$0x1FF10] =	vst v1;
	v1 =	vsel vm14, $0xFFFFFFFF, v50  }
0x2e: {  	vm4 =	vmmov $0xf;
	v52 =	vimm.s32 $0x0;
	[tilespmem:$0x1FF20] =	vst v1;
	v1 =	vsel vm15, $0xFFFFFFFF, v51  }
0x2f: {  	vm5 =	vmmov $0x1f;
	v53 =	vimm.s32 $0x0;
	[tilespmem:$0x1FF30] =	vst v1;
	v1 =	vsel vm4, $0xFFFFFFFF, v52  }
0x30: {  	vm6 =	vmmov $0x3f;
	v54 =	vimm.s32 $0x0;
	[tilespmem:$0x1FF40] =	vst v1;
	v1 =	vsel vm5, $0xFFFFFFFF, v53  }
0x31: {  	vm7 =	vmmov $0x7f;
	v55 =	vimm.s32 $0x0;
	[tilespmem:$0x1FF50] =	vst v1;
	v1 =	vsel vm6, $0xFFFFFFFF, v54  }
0x32: {  	vm8 =	vmmov $0xff;
	v56 =	vimm.s32 $0x0;
	[tilespmem:$0x1FF60] =	vst v1;
	v1 =	vsel vm7, $0xFFFFFFFF, v55  }
0x33: {  	vm9 =	vmmov $0x1ff;
	v57 =	vimm.s32 $0x0;
	[tilespmem:$0x1FF70] =	vst v1;
	v1 =	vsel vm8, $0xFFFFFFFF, v56  }
0x34: {  	vm10 =	vmmov $0x3ff;
	v58 =	vimm.s32 $0x0;
	[tilespmem:$0x1FF80] =	vst v1;
	v1 =	vsel vm9, $0xFFFFFFFF, v57  }
0x35: {  	vm11 =	vmmov $0x7ff;
	v59 =	vimm.s32 $0x0;
	[tilespmem:$0x1FF90] =	vst v1;
	v1 =	vsel vm10, $0xFFFFFFFF, v58  }
0x36: {  	vm12 =	vmmov $0xfff;
	v60 =	vimm.s32 $0x0;
	[tilespmem:$0x1FFA0] =	vst v1;
	v1 =	vsel vm11, $0xFFFFFFFF, v59  }
.Ltmp2:
0x37: {  	v61 =	vimm.s32 $0x0;
	s5 =	simm.s32 $0x0;
	vm13 =	vmmov $0x1fff;
	[tilespmem:$0x1FFB0] =	vst v1;
	v1 =	vsel vm12, $0xFFFFFFFF, v60;
	(pc) =	sbr.rel .LBB2_4-.Ltmp2, $4  }
0x38: {  	v62 =	vimm.s32 $0x0;
	s6 =	simm.s32 $0x1400;
	s7 =	simm.s32 $0x2800;
	s8 =	simm.s32 $0x3C00;
	vm14 =	vmmov $0x3fff;
	[tilespmem:$0x1FFC0] =	vst v1;
	v1 =	vsel vm13, $0xFFFFFFFF, v61  }
0x39: {  	v63 =	vimm.s32 $0x0;
	s9 =	simm.s32 $0x5000;
	s10 =	sshrl.u32 s10, $0x2;
	s11 =	simm.s32 $0xF200;
	vm15 =	vmmov $0x7fff;
	[tilespmem:$0x1FFD0] =	vst v1;
	v1 =	vsel vm14, $0xFFFFFFFF, v62  }
0x3a: {  	s12 =	simm.s32 $0x1;
	s13 =	simm.s32 $0xF280;
	p0 =	sne.s32 s1, $0x0;
	[tilespmem:$0x1FFE0] =	vst v1;
	v1 =	vsel vm15, $0xFFFFFFFF, v63  }
0x3b: {  	s4 =	simm.s32 $0x0;
	s15 =	simm.s32 $0x0;
	s14 =	simm.s32 $0x0;
	[tilespmem:$0x1FFF0] =	vst v1  }
.LBB2_14:
0x3c: {  	s14 =	sadd.s32 $0x1, s14  }
0x3d: {  	p1 =	seq.s32 s14, $0x9D  }
.Ltmp3:
0x3e: {  	_ = 	snop;
	(pc) =	sbr.rel @p1 .LBB2_15-.Ltmp3, $4  }
0x3f: {  	v1 =	vimm.s32 $0x0  }
0x40: {  	v0 =	vsel vm15, $0x1, v1  }
0x41: {  	v1 =	vsel vm0, $0x1, v1;
	[tilespmem:s16+$0xDC00] =	vst v0  }
0x42: {  	s4 =	sadd.s32 s18, s4;
	[tilespmem:s17+$0xDC00] =	vst v1  }
.LBB2_4:
0x43: {  	s16 =	sshll.u32 s14, $0x5  }
0x44: {  	v0 =	vld [tilespmem:s16+$0x6400];
	_ =	sdelay $0x3  }
0x45: {  	v1 =	vld [tilespmem:s16+$0x6410];
	_ =	sdelay $0x3  }
0x46: {  	v7 =	vld.idx.msk [tilespmem:v0+s5+$0x0], $0xffff  }
0x47: {  	v8 =	vld.idx.msk [tilespmem:v0+s6+$0x0], $0xffff  }
0x48: {  	v9 =	vld.idx.msk [tilespmem:v0+s7+$0x0], $0xffff  }
0x49: {  	v10 =	vld.idx.msk [tilespmem:v0+s8+$0x0], $0xffff  }
0x4a: {  	v5 =	vld.idx.msk [tilespmem:v1+s5+$0x0], $0xffff  }
0x4b: {  	v3 =	vld.idx.msk [tilespmem:v1+s6+$0x0], $0xffff  }
0x4c: {  	v4 =	vld.idx.msk [tilespmem:v1+s7+$0x0], $0xffff  }
0x4d: {  	s17 =	sadd.s32 $0x1, s15;
	v2 =	vld.idx.msk [tilespmem:v1+s8+$0x0], $0xffff  }
0x4e: {  	s17 =	sshra.s32 s17, $0x1  }
0x4f: {  	p1 =	slt.s32 s17, $0x1  }
.Ltmp4:
0x50: {  	_ = 	snop;
	(pc) =	sbr.rel @p1 .LBB2_5-.Ltmp4, $4  }
0x51: {  	v6 =	vsub.f32 v9, v7;
	v11 =	vsub.f32 v10, v8  }
0x52: {  	v13 =	vsub.f32 v4, v5;
	v14 =	vsub.f32 v2, v3  }
0x53: {  	v12 =	vld.idx.msk [tilespmem:v0+s9+$0x0], $0xffff  }
0x54: {  	v0 =	vimm.f32 $0.0e+00;
	v6 =	vmul.f32 v11, v6;
	v11 =	vld.idx.msk [tilespmem:v1+s9+$0x0], $0xffff;
	v1 =	vmul.f32 v14, v13  }
0x55: {  	s18 =	simm.s32 $0xC810  }
0x56: {  	v25 =	vld [tilespmem:s18+$0x0]  }
0x57: {  	s19 =	simm.s32 $0x7810;
	v13 =	vld [tilespmem:s18+$0xFFFFFFF0]  }
0x58: {  	s31 =	simm.s32 $0x8C10;
	v16 =	vld [tilespmem:s19+$0x0]  }
0x59: {  	s20 =	simm.s32 $0xA010;
	v17 =	vld [tilespmem:s31+$0x0]  }
0x5a: {  	s21 =	simm.s32 $0xB410;
	v18 =	vld [tilespmem:s20+$0x0]  }
0x5b: {  	v19 =	vld [tilespmem:s21+$0x0]  }
0x5c: {  	v20 =	vld [tilespmem:s19+$0xFFFFFFF0]  }
0x5d: {  	v21 =	vld [tilespmem:s31+$0xFFFFFFF0]  }
0x5e: {  	v24 =	vld [tilespmem:s20+$0xFFFFFFF0]  }
0x5f: {  	v23 =	vld [tilespmem:s21+$0xFFFFFFF0];
	v14 =	vadd.f32 v25, v6;
	v15 =	vadd.f32 v13, v6  }
0x60: {  	p2 =	sne.s32 s17, $0x1;
	v13 =	vadd.f32 v13, v1;
	v22 =	vmax.f32 v16, v7;
	v27 =	vmax.f32 v17, v8  }
.Ltmp5:
0x61: {  	v29 =	vmin.f32 v18, v9;
	v31 =	vmin.f32 v19, v10;
	v16 =	vmax.f32 v16, v5;
	(pc) =	sbr.rel @!p2 .LBB2_7-.Ltmp5, $4  }
0x62: {  	v26 =	vmax.f32 v17, v3;
	v17 =	vmin.f32 v18, v4;
	v28 =	vmin.f32 v19, v2  }
0x63: {  	v35 =	vmax.f32 v20, v7;
	v30 =	vmax.f32 v21, v8;
	v36 =	vmin.f32 v24, v9  }
0x64: {  	v34 =	vmin.f32 v23, v10;
	v32 =	vmax.f32 v20, v5;
	v29 =	vsub.f32 v29, v22  }
0x65: {  	s22 =	sadd.s32 $0xFFFFFFFF, s17;
	p1 =	por $0x0, $0x0;
	v33 =	vmax.f32 v21, v3;
	v31 =	vsub.f32 v31, v27;
	v27 =	vsub.f32 v17, v16  }
0x66: {  	s17 =	simm.s32 $0xC830;
	v16 =	vsub.f32 v36, v35;
	v17 =	vmin.f32 v24, v4;
	v20 =	vsub.f32 v28, v26  }
0x67: {  	v19 =	vsub.f32 v34, v30;
	v21 =	vmin.f32 v23, v2;
	v23 =	vmax.f32 v29, $0.0e+00;
	v18 =	vld [tilespmem:s17+$0x0]  }
0x68: {  	s18 =	simm.s32 $0x7830;
	v17 =	vsub.f32 v17, v32;
	v22 =	vld [tilespmem:s17+$0xFFFFFFF0];
	v21 =	vsub.f32 v21, v33;
	v24 =	vmax.f32 v31, $0.0e+00  }
0x69: {  	s19 =	simm.s32 $0x8C30;
	v26 =	vld [tilespmem:s18+$0x0];
	v27 =	vmax.f32 v27, $0.0e+00;
	v28 =	vmax.f32 v16, $0.0e+00;
	v19 =	vmax.f32 v19, $0.0e+00  }
0x6a: {  	s20 =	simm.s32 $0xA030;
	v29 =	vld [tilespmem:s19+$0x0];
	v16 =	vmul.f32 v24, v23;
	v23 =	vmax.f32 v17, $0.0e+00;
	v21 =	vmax.f32 v21, $0.0e+00  }
0x6b: {  	v30 =	vld [tilespmem:s20+$0x0];
	v20 =	vmax.f32 v20, $0.0e+00;
	v17 =	vmul.f32 v19, v28;
	v19 =	vmul.f32 v21, v23  }
0x6c: {  	s21 =	simm.s32 $0xB430;
	v24 =	vld [tilespmem:s20+$0xFFFFFFF0];
	v20 =	vmul.f32 v20, v27;
	v14 =	vsub.f32 v14, v16;
	v23 =	vadd.f32 v25, v1  }
0x6d: {  	v28 =	vld [tilespmem:s21+$0x0];
	v15 =	vsub.f32 v15, v17;
	v27 =	vsub.f32 v13, v19  }
0x6e: {  	v21 =	vld [tilespmem:s18+$0xFFFFFFF0];
	(erf) = vrcp.f32 v14;
	v14 =	vadd.f32 v18, v6;
	v31 =	vsub.f32 v23, v20  }
0x6f: {  	v25 =	vld [tilespmem:s19+$0xFFFFFFF0];
	v13 =	vadd.f32 v22, v1;
	v38 =	vmax.f32 v26, v5;
	(erf) = vrcp.f32 v15  }
0x70: {  	v39 =	vmin.f32 v30, v4;
	v15 =	vadd.f32 v22, v6;
	(erf) = vrcp.f32 v27  }
0x71: {  	p2 =	sne.s32 s22, $0x1;
	v23 =	vld [tilespmem:s21+$0xFFFFFFF0];
	v22 =	vmax.f32 v26, v7;
	v26 =	vmax.f32 v29, v3;
	(erf) = vrcp.f32 v31  }
.Ltmp6:
0x72: {  	v36 =	vmin.f32 v24, v9;
	v27 =	vmax.f32 v29, v8;
	v37 =	vmin.f32 v28, v10;
	(pc) =	sbr.rel @!p2 .LBB2_9-.Ltmp6, $4  }
0x73: {  	v28 =	vmin.f32 v28, v2;
	v31 =	vmin.f32 v30, v9;
	v35 =	vmax.f32 v21, v7  }
0x74: {  	v30 =	vmax.f32 v25, v8;
	v32 =	vmax.f32 v21, v5;
	v33 =	vmax.f32 v25, v3  }
0x75: {  	v21 =	vimm.f32 $0.0e+00;
	v29 =	vsub.f32 v31, v22;
	v31 =	vsub.f32 v37, v27  }
0x76: {  	s22 =	sadd.s32 $0xFFFFFFFF, s22;
	p1 =	por $0x1, $0x1;
	v27 =	vsub.f32 v39, v38;
	v22 =	vimm.f32 $0.0e+00;
	v34 =	vmin.f32 v23, v10  }
.LBB2_10:
0x77: {  	p2 =	sne.s32 s22, $0x1;
	v25 =	vsub.f32 v36, v35;
	v24 =	vmin.f32 v24, v4;
	v26 =	vsub.f32 v28, v26;
	v28 =	vpop (erf)  }
0x78: {  	v30 =	vsub.f32 v34, v30;
	v23 =	vmin.f32 v23, v2;
	v24 =	vsub.f32 v24, v32;
	v32 =	vpop (erf)  }
0x79: {  	v29 =	vmax.f32 v29, $0.0e+00;
	s17 =	sadd.s32 $0x20, s17;
	v23 =	vsub.f32 v23, v33;
	v31 =	vmax.f32 v31, $0.0e+00;
	v33 =	vpop (erf)  }
0x7a: {  	v27 =	vmax.f32 v27, $0.0e+00;
	v17 =	vmul.f32 v32, v17;
	v34 =	vld [tilespmem:s17+$0x0];
	v19 =	vmul.f32 v33, v19;
	v32 =	vpop (erf)  }
0x7b: {  	s18 =	sadd.s32 $0x20, s18;
	v28 =	vmul.f32 v28, v16;
	v25 =	vmax.f32 v25, $0.0e+00;
	v33 =	vld [tilespmem:s17+$0xFFFFFFF0];
	v20 =	vmul.f32 v32, v20  }
0x7c: {  	s19 =	sadd.s32 $0x20, s19;
	v30 =	vmax.f32 v30, $0.0e+00;
	v17 =	vmax.f32 v21, v17;
	v32 =	vld [tilespmem:s18+$0x0];
	v19 =	vmax.f32 v22, v19  }
0x7d: {  	s20 =	sadd.s32 $0x20, s20;
	v16 =	vmul.f32 v31, v29;
	v21 =	vmax.f32 v17, v28;
	v35 =	vld [tilespmem:s19+$0x0];
	v22 =	vmax.f32 v19, v20  }
0x7e: {  	s21 =	sadd.s32 $0x20, s21;
	v17 =	vmul.f32 v30, v25;
	v19 =	vmax.f32 v24, $0.0e+00;
	v20 =	vmax.f32 v23, $0.0e+00;
	v28 =	vld [tilespmem:s20+$0x0]  }
0x7f: {  	v14 =	vsub.f32 v14, v16;
	v19 =	vmul.f32 v20, v19;
	v20 =	vmax.f32 v26, $0.0e+00;
	v25 =	vld [tilespmem:s21+$0x0]  }
0x80: {  	v23 =	vadd.f32 v18, v1;
	v15 =	vsub.f32 v15, v17;
	v20 =	vmul.f32 v20, v27;
	v18 =	vmovc v34;
	v29 =	vld [tilespmem:s18+$0xFFFFFFF0]  }
0x81: {  	v26 =	vsub.f32 v13, v19;
	v27 =	vld [tilespmem:s19+$0xFFFFFFF0];
	(erf) = vrcp.f32 v14  }
0x82: {  	v14 =	vadd.f32 v18, v6;
	v30 =	vsub.f32 v23, v20;
	v24 =	vld [tilespmem:s20+$0xFFFFFFF0];
	(erf) = vrcp.f32 v15  }
0x83: {  	v13 =	vadd.f32 v33, v1;
	v15 =	vadd.f32 v33, v6;
	v23 =	vld [tilespmem:s21+$0xFFFFFFF0];
	(erf) = vrcp.f32 v26  }
0x84: {  	v31 =	vmax.f32 v32, v7;
	v37 =	vmax.f32 v35, v8;
	(erf) = vrcp.f32 v30  }
.Ltmp7:
0x85: {  	v39 =	vmax.f32 v32, v5;
	v33 =	vmin.f32 v28, v9;
	v38 =	vmin.f32 v25, v10;
	(pc) =	sbr.rel @p2 .LBB2_10-.Ltmp7, $4  }
0x86: {  	v26 =	vmax.f32 v35, v3;
	v40 =	vmin.f32 v28, v4;
	v28 =	vmin.f32 v25, v2  }
0x87: {  	v35 =	vmax.f32 v29, v7;
	v30 =	vmax.f32 v27, v8;
	v36 =	vmin.f32 v24, v9  }
0x88: {  	v32 =	vmax.f32 v29, v5;
	v29 =	vsub.f32 v33, v31;
	v34 =	vmin.f32 v23, v10  }
0x89: {  	s22 =	sadd.s32 $0xFFFFFFFF, s22;
	v31 =	vsub.f32 v38, v37;
	v33 =	vmax.f32 v27, v3;
	v27 =	vsub.f32 v40, v39  }
0x8a: {  	v25 =	vmov v18  }
.LBB2_12:
0x8b: {  	v18 =	vsub.f32 v36, v35;
	v24 =	vmin.f32 v24, v4;
	v26 =	vsub.f32 v28, v26  }
0x8c: {  	v56 =	vsub.f32 v34, v30;
	v23 =	vmin.f32 v23, v2;
	v29 =	vmax.f32 v29, $0.0e+00  }
0x8d: {  	v57 =	vmax.f32 v31, $0.0e+00;
	v24 =	vsub.f32 v24, v32;
	v23 =	vsub.f32 v23, v33  }
0x8e: {  	v27 =	vmax.f32 v27, $0.0e+00;
	v29 =	vmul.f32 v57, v29;
	v18 =	vmax.f32 v18, $0.0e+00  }
0x8f: {  	v28 =	vmax.f32 v56, $0.0e+00;
	v24 =	vmax.f32 v24, $0.0e+00;
	v23 =	vmax.f32 v23, $0.0e+00  }
0x90: {  	v58 =	vmax.f32 v26, $0.0e+00;
	v18 =	vmul.f32 v28, v18;
	v23 =	vmul.f32 v23, v24  }
0x91: {  	v25 =	vadd.f32 v25, v1;
	v14 =	vsub.f32 v14, v29;
	v24 =	vmul.f32 v58, v27  }
0x92: {  	v15 =	vsub.f32 v15, v18;
	v13 =	vsub.f32 v13, v23  }
0x93: {  	(erf) = vrcp.f32 v14;
	v14 =	vsub.f32 v25, v24  }
0x94: {  	(erf) = vrcp.f32 v15  }
0x95: {  	(erf) = vrcp.f32 v13  }
0x96: {  	(erf) = vrcp.f32 v14;
	v13 =	vpop @p1 (erf)  }
0x97: {  	v14 =	vpop @p1 (erf)  }
0x98: {  	v15 =	vpop @p1 (erf)  }
0x99: {  	v15 =	vmul.f32 @p1 v15, v19;
	_ =	sdelay $0x1  }
0x9a: {  	v14 =	vmul.f32 @p1 v14, v17;
	v25 =	vpop @p1 (erf);
	v15 =	vmax.f32 @p1 v22, v15  }
0x9b: {  	v13 =	vmul.f32 @p1 v13, v16;
	v16 =	vmul.f32 @p1 v25, v20;
	v59 =	vpop (erf)  }
0x9c: {  	v14 =	vmax.f32 @p1 v21, v14;
	v60 =	vpop (erf)  }
.Ltmp8:
0x9d: {  	v13 =	vmax.f32 @p1 v14, v13;
	v14 =	vmax.f32 @p1 v15, v16;
	v15 =	vpop (erf);
	(pc) =	sbr.rel .LBB2_13-.Ltmp8, $4  }
0x9e: {  	v13 =	vpsel p1, v13, v0;
	v61 =	vmul.f32 v60, v18;
	v15 =	vmul.f32 v15, v23;
	v62 =	vpop (erf)  }
0x9f: {  	v0 =	vpsel p1, v14, v0;
	v14 =	vmul.f32 v59, v29;
	v63 =	vmul.f32 v62, v24  }
0xa0: {  	v13 =	vmax.f32 v13, v61;
	v15 =	vmax.f32 v0, v15  }
0xa1: {  	v0 =	vmax.f32 v13, v14;
	v13 =	vmax.f32 v15, v63  }
.LBB2_5:
0xa2: {  	v13 =	vimm.f32 $0.0e+00  }
.LBB2_13:
0xa3: {  	s17 =	sshll.u32 s14, $0x9  }
0xa4: {  	s17 =	sand.u32 $0x200, s17  }
0xa5: {  	[tilespmem:$0xF200] =	vst v0;
	v17 =	vbroadcast v7, $0x1;
	v18 =	vbroadcast v8, $0x1;
	s17 =	sadd.s32 s17, s3  }
0xa6: {  	[tilespmem:$0xF210] =	vst v13;
	v48 =	vbroadcast v9, $0x1;
	v19 =	vbroadcast v10, $0x1;
	s18 =	sadd.s32 s10, s17  }
0xa7: {  	v53 =	vbroadcast v6, $0x1;
	v56 =	vbroadcast v7, $0x2;
	[spmem:s18] =	stream.linear.scatter [tilespmem:s11], [sflag:$0x1], $0x20, $0x38;
	[tilespmem:$0xF4C0] =	vst v63  }
0xa8: {  	v57 =	vbroadcast v8, $0x2;
	v20 =	vbroadcast v9, $0x2;
	_ =	swait.ge [sflag:s12], $0x20  }
0xa9: {  	v21 =	vbroadcast v10, $0x2;
	v61 =	vbroadcast v6, $0x2;
	[sflag:s12] =	ssyncset.done $0x0  }
0xaa: {  	v25 =	vbroadcast v8, $0x3;
	v26 =	vbroadcast v10, $0x3;
	[sflag:s12] =	ssyncadd.s32 $0xFFFFFFE0  }
0xab: {  	v30 =	vbroadcast v6, $0x3;
	v31 =	vbroadcast v7, $0x4;
	[bflag:$0x0] =	sbarrier.arrive $0xFFFF  }
0xac: {  	v32 =	vbroadcast v8, $0x4;
	v33 =	vbroadcast v9, $0x4;
	[tilespmem:s13], [sflag:$0x1] =	stream.linear.gather [spmem:s17], $0x200, $0x38;
	[tilespmem:$0xF4C0] =	vst v63  }
0xad: {  	v34 =	vbroadcast v10, $0x4;
	v39 =	vbroadcast v6, $0x4;
	vm3 =	vcmask $0x704;
	_ =	swait.ge [sflag:s12], $0x200  }
0xae: {  	v17 =	vmax.f32 v7, v17;
	v18 =	vmax.f32 v8, v18;
	v19 =	vmin.f32 v10, v19;
	[sflag:s12] =	ssyncset.done $0x0  }
0xaf: {  	v55 =	vadd.f32 v53, v6;
	v20 =	vmin.f32 v9, v20;
	v21 =	vmin.f32 v10, v21;
	v41 =	vld [tilespmem:$0x1FF30];
	[sflag:s12] =	ssyncadd.s32 $0xFFFFFE00  }
0xb0: {  	vm0 =	vgt.f32 v12, $5.000000070e-02;
	v27 =	vmax.f32 v8, v25;
	v35 =	vadd.f32 v30, v6;
	v45 =	vld [tilespmem:$0xF280]  }
0xb1: {  	v51 =	vsub.f32 v19, v18;
	v18 =	vmax.f32 v7, v56;
	v19 =	vmax.f32 v8, v57;
	v46 =	vld [tilespmem:$0xF2A0]  }
0xb2: {  	v28 =	vmin.f32 v10, v26;
	v18 =	vsub.f32 v20, v18;
	v19 =	vsub.f32 v21, v19;
	v14 =	vld [tilespmem:$0xF2C0]  }
0xb3: {  	v36 =	vmax.f32 v7, v31;
	v42 =	vadd.f32 v39, v6;
	v25 =	vbroadcast v10, $0x7;
	v15 =	vld [tilespmem:$0xF2E0]  }
0xb4: {  	v29 =	vsub.f32 v28, v27;
	v18 =	vmax.f32 v18, $0.0e+00;
	v19 =	vmax.f32 v19, $0.0e+00;
	v16 =	vld [tilespmem:$0xF300]  }
0xb5: {  	v57 =	vbroadcast v9, $0x6;
	v63 =	vmul.f32 v19, v18;
	v18 =	vmin.f32 v10, v34;
	v47 =	vld [tilespmem:$0xF320]  }
0xb6: {  	v34 =	vbroadcast v8, $0x8;
	v49 =	vld [tilespmem:$0xF340];
	vm2 =	vnez.u8 v41;
	v0 =	vmax.f32 v45, v46  }
0xb7: {  	v50 =	vld [tilespmem:$0xF360];
	v45 =	vbroadcast v7, $0x5;
	v46 =	vbroadcast v8, $0x5;
	v0 =	vmax.f32 v0, v14  }
0xb8: {  	v52 =	vld [tilespmem:$0xF380];
	v14 =	vmin.f32 v9, v48;
	v48 =	vbroadcast v10, $0x5;
	v0 =	vmax.f32 v0, v15  }
0xb9: {  	v54 =	vld [tilespmem:$0xF3A0];
	v14 =	vsub.f32 v14, v17;
	v17 =	vmax.f32 v51, $0.0e+00;
	v0 =	vmax.f32 v0, v16  }
0xba: {  	v58 =	vld [tilespmem:$0xF3C0];
	v16 =	vmax.f32 v8, v32;
	v32 =	vbroadcast v6, $0x7;
	v0 =	vmax.f32 v0, v47  }
0xbb: {  	v59 =	vld [tilespmem:$0xF3E0];
	v14 =	vmax.f32 v14, $0.0e+00;
	v38 =	vsub.f32 v18, v16;
	v0 =	vmax.f32 v0, v49  }
0xbc: {  	v22 =	vld [tilespmem:$0xF400];
	v47 =	vbroadcast v9, $0x5;
	v14 =	vmul.f32 v17, v14;
	v0 =	vmax.f32 v0, v50  }
0xbd: {  	v23 =	vld [tilespmem:$0xF420];
	v49 =	vbroadcast v6, $0x5;
	v15 =	vmax.f32 v38, $0.0e+00;
	v0 =	vmax.f32 v0, v52  }
0xbe: {  	v60 =	vld [tilespmem:$0xF440];
	v16 =	vmin.f32 v9, v47;
	v17 =	vsub.f32 v55, v14;
	v0 =	vmax.f32 v0, v54  }
0xbf: {  	v62 =	vld [tilespmem:$0xF460];
	v55 =	vbroadcast v8, $0x6;
	v54 =	vbroadcast v7, $0x6;
	v0 =	vmax.f32 v0, v58  }
0xc0: {  	v17 =	vmax.f32 v17, $9.999999710e-10;
	v58 =	vbroadcast v10, $0x6;
	v0 =	vmax.f32 v0, v59  }
0xc1: {  	(erf) = vrcp.f32 v17;
	v17 =	vadd.f32 v61, v6;
	v0 =	vmax.f32 v0, v22  }
0xc2: {  	v61 =	vbroadcast v6, $0x6;
	v22 =	vbroadcast v7, $0x3;
	v0 =	vmax.f32 v0, v23  }
0xc3: {  	v17 =	vsub.f32 v17, v63;
	v23 =	vbroadcast v9, $0x3;
	v0 =	vmax.f32 v0, v60  }
0xc4: {  	v20 =	vadd.f32 v61, v6;
	v61 =	vbroadcast v7, $0xA;
	v0 =	vmax.f32 v0, v62  }
0xc5: {  	v40 =	vld [tilespmem:$0x1FF20];
	v21 =	vmax.f32 v17, $9.999999710e-10;
	v12 =	vmin.f32 v9, v23;
	v17 =	vmin.f32 v9, v33  }
0xc6: {  	v23 =	vbroadcast v8, $0x7;
	v33 =	vbroadcast v7, $0x8;
	vm1 =	vgt.f32 v0, $5.000000000e-01  }
0xc7: {  	(erf) = vrcp.f32 v21;
	v0 =	vmax.f32 v7, v22;
	v22 =	vbroadcast v7, $0x7  }
0xc8: {  	vm1 =	vmneg vm1;
	v0 =	vsub.f32 v12, v0;
	v12 =	vmax.f32 v29, $0.0e+00  }
0xc9: {  	v27 =	vmax.f32 v8, v23;
	v29 =	vmin.f32 v10, v25;
	vm15 =	vmand vm0, vm1  }
0xca: {  	vm1 =	vnez.u8 v40;
	v26 =	vmax.f32 v7, v22;
	v0 =	vmax.f32 v0, $0.0e+00;
	v24 =	vpop (erf)  }
0xcb: {  	v31 =	vsub.f32 v29, v27;
	v0 =	vmul.f32 v12, v0;
	v14 =	vmul.f32 v24, v14  }
0xcc: {  	v29 =	vbroadcast v7, $0xB;
	vm1 =	vmand vm1, vm15;
	v24 =	vbroadcast v9, $0x7  }
0xcd: {  	vm1 =	vmand vm1, vm2;
	v12 =	vsub.f32 v35, v0;
	vm0 =	vgt.f32 v14, $5.000000000e-01  }
0xce: {  	v14 =	vsub.f32 v17, v36;
	v17 =	vmin.f32 v10, v48;
	v28 =	vmin.f32 v9, v24  }
0xcf: {  	v36 =	vbroadcast v9, $0x8;
	v48 =	vbroadcast v7, $0x9;
	vm0 =	vmand vm0, vm1  }
0xd0: {  	v12 =	vmax.f32 v12, $9.999999710e-10;
	v30 =	vsub.f32 v28, v26;
	v26 =	vbroadcast v6, $0xA  }
0xd1: {  	v37 =	vpop (erf);
	v14 =	vmax.f32 v14, $0.0e+00;
	v43 =	vmpcnt.ones.xlane vm0;
	(erf) = vrcp.f32 v12  }
0xd2: {  	v59 =	vmin.f32 v10, v58;
	v13 =	vmul.f32 v37, v63;
	v14 =	vmul.f32 v15, v14  }
0xd3: {  	v15 =	vmax.f32 v8, v46;
	v37 =	vbroadcast v10, $0x8;
	v28 =	vadd.f32 v26, v6  }
0xd4: {  	v26 =	vbroadcast v10, $0xE;
	vm2 =	veq.s32 v43, $0x0;
	v15 =	vsub.f32 v17, v15  }
0xd5: {  	vm0 =	vgt.f32 v13, $5.000000000e-01;
	v44 =	vsub.f32 v42, v14;
	vm2 =	vmand vm15, vm2  }
0xd6: {  	v13 =	vmax.f32 v7, v45;
	v17 =	vmin.f32 v10, v37;
	v42 =	vbroadcast v6, $0x8  }
0xd7: {  	vm2 =	vmand vm2, vm3;
	v13 =	vsub.f32 v16, v13;
	v15 =	vmax.f32 v15, $0.0e+00  }
0xd8: {  	vm3 =	vcmask $0x1310;
	v16 =	vmin.f32 v9, v36;
	v12 =	vmax.f32 v44, $9.999999710e-10  }
0xd9: {  	vm1 =	vmor vm1, vm2;
	vm2 =	vcmask $0xB08;
	v43 =	vadd.f32 v42, v6  }
0xda: {  	v42 =	vbroadcast v7, $0xC;
	(erf) = vrcp.f32 v12;
	vm0 =	vmand vm0, vm1  }
0xdb: {  	v13 =	vmax.f32 v13, $0.0e+00;
	v12 =	vadd.f32 v49, v6;
	v50 =	vmpcnt.ones.xlane vm0  }
0xdc: {  	v49 =	vbroadcast v8, $0x9;
	v13 =	vmul.f32 v15, v13;
	v15 =	vmax.f32 v8, v55  }
0xdd: {  	v60 =	vsub.f32 v59, v15;
	v15 =	vmax.f32 v8, v34;
	vm0 =	veq.s32 v50, $0x0  }
0xde: {  	v51 =	vpop (erf);
	v12 =	vsub.f32 v12, v13;
	v41 =	vsub.f32 v17, v15;
	v50 =	vbroadcast v9, $0x9  }
0xdf: {  	v0 =	vmul.f32 v51, v0;
	vm0 =	vmand vm15, vm0;
	v51 =	vbroadcast v10, $0x9  }
0xe0: {  	vm0 =	vmand vm0, vm2;
	v52 =	vmax.f32 v12, $9.999999710e-10;
	v12 =	vmax.f32 v7, v54  }
0xe1: {  	v54 =	vmin.f32 v9, v50;
	vm2 =	vgt.f32 v0, $5.000000000e-01;
	vm0 =	vmor vm1, vm0  }
0xe2: {  	(erf) = vrcp.f32 v52;
	v0 =	vmin.f32 v9, v57;
	v52 =	vmax.f32 v7, v48  }
0xe3: {  	v55 =	vmin.f32 v10, v51;
	v57 =	vbroadcast v6, $0x9;
	vm1 =	vmand vm2, vm0  }
0xe4: {  	v48 =	vbroadcast v6, $0xC;
	v0 =	vsub.f32 v0, v12;
	v53 =	vmpcnt.ones.xlane vm1  }
0xe5: {  	vm2 =	vcmask $0xF0C;
	v12 =	vmax.f32 v60, $0.0e+00;
	v60 =	vadd.f32 v57, v6;
	v56 =	vpop (erf)  }
0xe6: {  	v63 =	vld [tilespmem:$0x1FF40];
	v0 =	vmax.f32 v0, $0.0e+00;
	vm1 =	veq.s32 v53, $0x0;
	v14 =	vmul.f32 v56, v14  }
0xe7: {  	v57 =	vbroadcast v8, $0xD;
	v0 =	vmul.f32 v12, v0;
	vm1 =	vmand vm15, vm1  }
0xe8: {  	v53 =	vmax.f32 v8, v49;
	vm1 =	vmand vm1, vm2;
	vm2 =	vgt.f32 v14, $5.000000000e-01  }
0xe9: {  	v12 =	vsub.f32 v20, v0;
	v14 =	vmax.f32 v31, $0.0e+00;
	vm0 =	vmor vm0, vm1  }
0xea: {  	v20 =	vbroadcast v10, $0xA;
	v31 =	vbroadcast v9, $0xB;
	vm1 =	vmand vm2, vm0  }
0xeb: {  	vm2 =	vnez.u8 v63;
	v12 =	vmax.f32 v12, $9.999999710e-10;
	v63 =	vbroadcast v9, $0xA  }
0xec: {  	v24 =	vmin.f32 v10, v20;
	v62 =	vpop (erf);
	vm1 =	vmand vm1, vm2;
	(erf) = vrcp.f32 v12  }
0xed: {  	v12 =	vmax.f32 v30, $0.0e+00;
	v30 =	vbroadcast v8, $0xB;
	v13 =	vmul.f32 v62, v13  }
0xee: {  	v34 =	vmin.f32 v9, v31;
	v21 =	vmpcnt.ones.xlane vm1;
	v12 =	vmul.f32 v14, v12  }
0xef: {  	v14 =	vmax.f32 v7, v33;
	v62 =	vbroadcast v8, $0xA;
	v23 =	vmin.f32 v9, v63  }
0xf0: {  	v35 =	vld [tilespmem:$0x1FF50];
	v63 =	vbroadcast v6, $0xD;
	v40 =	vsub.f32 v16, v14;
	v14 =	vmax.f32 v41, $0.0e+00  }
0xf1: {  	v33 =	vmax.f32 v8, v30;
	v30 =	vmin.f32 v10, v26;
	vm1 =	veq.s32 v21, $0x0  }
0xf2: {  	vm2 =	vgt.f32 v13, $5.000000000e-01;
	v13 =	vadd.f32 v32, v6;
	vm1 =	vmand vm15, vm1  }
0xf3: {  	v21 =	vmax.f32 v7, v61;
	v22 =	vmax.f32 v8, v62;
	vm1 =	vmand vm1, vm3  }
0xf4: {  	v32 =	vbroadcast v10, $0xB;
	v13 =	vsub.f32 v13, v12;
	vm0 =	vmor vm0, vm1  }
0xf5: {  	vm3 =	vcmask $0x1F1C;
	vm1 =	vmand vm2, vm0;
	vm2 =	vnez.u8 v35  }
0xf6: {  	v13 =	vmax.f32 v13, $9.999999710e-10;
	v35 =	vmin.f32 v10, v32;
	vm1 =	vmand vm1, vm2  }
0xf7: {  	(erf) = vrcp.f32 v13;
	v13 =	vmax.f32 v40, $0.0e+00;
	vm2 =	vcmask $0x1714  }
0xf8: {  	v15 =	vsub.f32 v35, v33;
	v33 =	vbroadcast v6, $0xE;
	v35 =	vbroadcast v8, $0xF  }
0xf9: {  	v38 =	vmpcnt.ones.xlane vm1;
	v39 =	vpop (erf);
	v13 =	vmul.f32 v14, v13;
	v14 =	vmax.f32 v7, v29  }
0xfa: {  	v45 =	vld [tilespmem:$0x1FF60];
	v0 =	vmul.f32 v39, v0;
	v14 =	vsub.f32 v34, v14;
	v39 =	vbroadcast v6, $0xB  }
0xfb: {  	v34 =	vbroadcast v7, $0xF;
	vm1 =	veq.s32 v38, $0x0;
	v44 =	vsub.f32 v43, v13  }
0xfc: {  	v38 =	vmax.f32 v15, $0.0e+00;
	v43 =	vbroadcast v8, $0xC;
	vm1 =	vmand vm15, vm1  }
0xfd: {  	v37 =	vmax.f32 v14, $0.0e+00;
	v41 =	vadd.f32 v39, v6;
	vm1 =	vmand vm1, vm2  }
0xfe: {  	vm2 =	vgt.f32 v0, $5.000000000e-01;
	v0 =	vmax.f32 v44, $9.999999710e-10;
	vm0 =	vmor vm0, vm1  }
0xff: {  	v40 =	vmul.f32 v38, v37;
	vm1 =	vmand vm2, vm0;
	vm2 =	vnez.u8 v45  }
0x100: {  	v44 =	vbroadcast v9, $0xC;
	(erf) = vrcp.f32 v0;
	vm1 =	vmand vm1, vm2  }
0x101: {  	v14 =	vmax.f32 v7, v42;
	v37 =	vbroadcast v9, $0xF;
	v46 =	vmpcnt.ones.xlane vm1  }
0x102: {  	v15 =	vmax.f32 v8, v43;
	v38 =	vbroadcast v10, $0xF;
	v45 =	vbroadcast v10, $0xC;
	v47 =	vpop (erf)  }
0x103: {  	v16 =	vmin.f32 v9, v44;
	v0 =	vmul.f32 v47, v12;
	vm1 =	veq.s32 v46, $0x0  }
0x104: {  	vm2 =	vcmask $0x1B18;
	v12 =	vsub.f32 v55, v53;
	vm1 =	vmand vm15, vm1  }
0x105: {  	v56 =	vld [tilespmem:$0x1FF70];
	vm1 =	vmand vm1, vm2;
	vm2 =	vgt.f32 v0, $5.000000000e-01;
	v0 =	vsub.f32 v54, v52  }
0x106: {  	v14 =	vsub.f32 v16, v14;
	v16 =	vmin.f32 v9, v37;
	v17 =	vmin.f32 v10, v45  }
0x107: {  	v15 =	vsub.f32 v17, v15;
	v12 =	vmax.f32 v12, $0.0e+00;
	v0 =	vmax.f32 v0, $0.0e+00  }
0x108: {  	v49 =	vmax.f32 v14, $0.0e+00;
	vm0 =	vmor vm0, vm1;
	v0 =	vmul.f32 v12, v0  }
0x109: {  	v17 =	vmin.f32 v10, v38;
	v50 =	vmax.f32 v15, $0.0e+00;
	vm1 =	vmand vm2, vm0;
	v58 =	vpop (erf)  }
0x10a: {  	vm2 =	vnez.u8 v56;
	v13 =	vmul.f32 v58, v13;
	v12 =	vsub.f32 v60, v0  }
0x10b: {  	v15 =	vmax.f32 v8, v57;
	v52 =	vadd.f32 v48, v6;
	vm1 =	vmand vm1, vm2  }
0x10c: {  	v59 =	vmpcnt.ones.xlane vm1;
	vm2 =	vgt.f32 v13, $5.000000000e-01;
	v12 =	vmax.f32 v12, $9.999999710e-10  }
0x10d: {  	v25 =	vld [tilespmem:$0x1FF80];
	v13 =	vsub.f32 v24, v22;
	(erf) = vrcp.f32 v12;
	v12 =	vsub.f32 v23, v21  }
0x10e: {  	v56 =	vbroadcast v7, $0xD;
	v60 =	vbroadcast v10, $0xD;
	vm1 =	veq.s32 v59, $0x0  }
0x10f: {  	vm1 =	vmand vm15, vm1;
	v13 =	vmax.f32 v13, $0.0e+00;
	v12 =	vmax.f32 v12, $0.0e+00  }
0x110: {  	v24 =	vbroadcast v8, $0xE;
	vm1 =	vmand vm1, vm3;
	v12 =	vmul.f32 v13, v12  }
0x111: {  	v59 =	vbroadcast v9, $0xD;
	v61 =	vmin.f32 v10, v60;
	vm0 =	vmor vm0, vm1  }
0x112: {  	vm1 =	vmand vm2, vm0;
	vm2 =	vnez.u8 v25;
	v13 =	vsub.f32 v28, v12  }
0x113: {  	vm3 =	vcmask $0x2320;
	v62 =	vsub.f32 v61, v15;
	vm1 =	vmand vm1, vm2  }
0x114: {  	v23 =	vbroadcast v7, $0xE;
	v27 =	vmpcnt.ones.xlane vm1;
	v13 =	vmax.f32 v13, $9.999999710e-10  }
0x115: {  	v46 =	vld [tilespmem:$0x1FF90];
	v15 =	vmax.f32 v8, v35;
	v25 =	vbroadcast v9, $0xE;
	(erf) = vrcp.f32 v13  }
0x116: {  	v45 =	vsub.f32 v17, v15;
	vm1 =	veq.s32 v27, $0x0;
	v13 =	vsub.f32 v41, v40;
	v36 =	vpop (erf)  }
0x117: {  	v29 =	vmin.f32 v9, v25;
	vm1 =	vmand vm15, vm1;
	v0 =	vmul.f32 v36, v0  }
0x118: {  	v28 =	vmax.f32 v8, v24;
	vm1 =	vmand vm1, vm3;
	v13 =	vmax.f32 v13, $9.999999710e-10  }
0x119: {  	vm0 =	vmor vm0, vm1;
	(erf) = vrcp.f32 v13;
	vm2 =	vgt.f32 v0, $5.000000000e-01  }
0x11a: {  	v13 =	vmul.f32 v50, v49;
	vm1 =	vmand vm2, vm0;
	vm2 =	vnez.u8 v46  }
0x11b: {  	v39 =	vld [tilespmem:$0xF290];
	v32 =	vsub.f32 v30, v28;
	v28 =	vbroadcast v1, $0x0;
	vm1 =	vmand vm1, vm2  }
0x11c: {  	v27 =	vmax.f32 v7, v23;
	v41 =	vld [tilespmem:$0xF2B0];
	v14 =	vsub.f32 v52, v13;
	v47 =	vmpcnt.ones.xlane vm1  }
0x11d: {  	v54 =	vld [tilespmem:$0x1FFA0];
	v31 =	vsub.f32 v29, v27;
	vm3 =	vcmask $0x2F2C;
	v30 =	vadd.f32 v28, v6  }
0x11e: {  	v42 =	vld [tilespmem:$0xF2D0];
	vm2 =	vcmask $0x2724;
	v53 =	vmax.f32 v14, $9.999999710e-10;
	v51 =	vpop (erf);
	vm1 =	veq.s32 v47, $0x0  }
0x11f: {  	v14 =	vmax.f32 v7, v56;
	v12 =	vmul.f32 v51, v12;
	vm1 =	vmand vm15, vm1  }
0x120: {  	(erf) = vrcp.f32 v53;
	v47 =	vbroadcast v6, $0xF;
	vm1 =	vmand vm1, vm2  }
0x121: {  	v51 =	vmax.f32 v39, v41;
	vm2 =	vgt.f32 v12, $5.000000000e-01;
	vm0 =	vmor vm0, vm1  }
0x122: {  	v50 =	vadd.f32 v47, v6;
	vm1 =	vmand vm2, vm0;
	vm2 =	vnez.u8 v54  }
0x123: {  	v53 =	vmax.f32 v51, v42;
	v12 =	vmin.f32 v9, v59;
	vm1 =	vmand vm1, vm2  }
0x124: {  	v42 =	vbroadcast v5, $0x2;
	v58 =	vpop (erf);
	v12 =	vsub.f32 v12, v14;
	v55 =	vmpcnt.ones.xlane vm1  }
0x125: {  	v21 =	vld [tilespmem:$0x1FFB0];
	v0 =	vmul.f32 v58, v40;
	v14 =	vmax.f32 v62, $0.0e+00;
	v62 =	vbroadcast v5, $0x0  }
0x126: {  	vm2 =	vcmask $0x2B28;
	v12 =	vmax.f32 v12, $0.0e+00;
	vm1 =	veq.s32 v55, $0x0  }
0x127: {  	v12 =	vmul.f32 v14, v12;
	v14 =	vmax.f32 v32, $0.0e+00;
	vm1 =	vmand vm15, vm1  }
0x128: {  	v32 =	vbroadcast v3, $0x1;
	vm1 =	vmand vm1, vm2;
	vm2 =	vgt.f32 v0, $5.000000000e-01  }
0x129: {  	v20 =	vpop (erf);
	v0 =	vadd.f32 v63, v6;
	v63 =	vbroadcast v3, $0x0;
	vm0 =	vmor vm0, vm1  }
0x12a: {  	v13 =	vmul.f32 v20, v13;
	vm1 =	vmand vm2, vm0;
	vm2 =	vnez.u8 v21  }
0x12b: {  	v0 =	vsub.f32 v0, v12;
	v21 =	vbroadcast v4, $0x0;
	v15 =	vmax.f32 v8, v63  }
0x12c: {  	vm1 =	vmand vm1, vm2;
	vm2 =	vgt.f32 v13, $5.000000000e-01;
	v13 =	vadd.f32 v33, v6  }
0x12d: {  	v33 =	vbroadcast v4, $0x1;
	v22 =	vmpcnt.ones.xlane vm1;
	v0 =	vmax.f32 v0, $9.999999710e-10  }
0x12e: {  	v17 =	vmin.f32 v9, v21;
	(erf) = vrcp.f32 v0;
	v0 =	vmax.f32 v31, $0.0e+00  }
0x12f: {  	v31 =	vbroadcast v5, $0x1;
	v37 =	vmin.f32 v4, v33;
	vm1 =	veq.s32 v22, $0x0  }
0x130: {  	v0 =	vmul.f32 v14, v0;
	v14 =	vmax.f32 v7, v34;
	v22 =	vbroadcast v2, $0x0  }
0x131: {  	v34 =	vbroadcast v2, $0x1;
	vm1 =	vmand vm15, vm1;
	v44 =	vsub.f32 v16, v14  }
0x132: {  	v36 =	vld [tilespmem:$0x1FFC0];
	v14 =	vmax.f32 v45, $0.0e+00;
	v35 =	vmax.f32 v5, v31;
	v16 =	vmax.f32 v8, v32  }
0x133: {  	v45 =	vbroadcast v2, $0x2;
	vm1 =	vmand vm1, vm3;
	v13 =	vsub.f32 v13, v0  }
0x134: {  	v18 =	vmin.f32 v10, v22;
	vm3 =	vcmask $0x3B38;
	v38 =	vmin.f32 v2, v34  }
0x135: {  	v19 =	vsub.f32 v37, v35;
	vm0 =	vmor vm0, vm1;
	v15 =	vsub.f32 v18, v15  }
0x136: {  	v18 =	vmin.f32 v10, v34;
	v34 =	vbroadcast v1, $0x3;
	vm1 =	vmand vm2, vm0  }
0x137: {  	vm2 =	vnez.u8 v36;
	v13 =	vmax.f32 v13, $9.999999710e-10;
	v36 =	vmax.f32 v3, v32  }
0x138: {  	v19 =	vmax.f32 v19, $0.0e+00;
	v16 =	vsub.f32 v18, v16;
	vm1 =	vmand vm1, vm2  }
0x139: {  	(erf) = vrcp.f32 v13;
	v13 =	vmax.f32 v44, $0.0e+00;
	vm2 =	vcmask $0x3330  }
0x13a: {  	v27 =	vmax.f32 v15, $0.0e+00;
	v40 =	vmpcnt.ones.xlane vm1;
	v13 =	vmul.f32 v14, v13  }
0x13b: {  	v46 =	vld [tilespmem:$0xF2F0];
	v15 =	vmax.f32 v7, v31;
	v44 =	vbroadcast v4, $0x2;
	v37 =	vadd.f32 v34, v1  }
0x13c: {  	v16 =	vmax.f32 v16, $0.0e+00;
	v43 =	vpop (erf);
	vm1 =	veq.s32 v40, $0x0;
	v14 =	vsub.f32 v50, v13  }
0x13d: {  	v56 =	vld [tilespmem:$0x1FFD0];
	v40 =	vbroadcast v1, $0x1;
	v12 =	vmul.f32 v43, v12;
	vm1 =	vmand vm15, vm1  }
0x13e: {  	v48 =	vld [tilespmem:$0xF310];
	v50 =	vbroadcast v1, $0x2;
	v43 =	vbroadcast v3, $0x2;
	vm1 =	vmand vm1, vm2  }
0x13f: {  	v14 =	vmax.f32 v14, $9.999999710e-10;
	v41 =	vadd.f32 v40, v1;
	vm2 =	vgt.f32 v12, $5.000000000e-01  }
0x140: {  	v49 =	vld [tilespmem:$0xF330];
	vm0 =	vmor vm0, vm1;
	v12 =	vmax.f32 v53, v46;
	(erf) = vrcp.f32 v14  }
0x141: {  	v52 =	vld [tilespmem:$0xF350];
	v14 =	vmax.f32 v7, v62;
	v46 =	vmax.f32 v5, v42;
	v47 =	vmax.f32 v3, v43  }
0x142: {  	v54 =	vld [tilespmem:$0xF370];
	v53 =	vmin.f32 v10, v45;
	vm1 =	vmand vm2, vm0;
	vm2 =	vnez.u8 v56  }
0x143: {  	v12 =	vmax.f32 v12, v48;
	v14 =	vsub.f32 v17, v14;
	v17 =	vmin.f32 v9, v33  }
0x144: {  	v55 =	vld [tilespmem:$0xF390];
	v48 =	vadd.f32 v40, v6;
	v56 =	vbroadcast v5, $0x3;
	vm1 =	vmand vm1, vm2  }
0x145: {  	v57 =	vld [tilespmem:$0xF3B0];
	v12 =	vmax.f32 v12, v49;
	vm2 =	vcmask $0x3734;
	v15 =	vsub.f32 v17, v15  }
0x146: {  	v17 =	vmax.f32 v7, v42;
	v58 =	vmpcnt.ones.xlane vm1;
	v12 =	vmax.f32 v12, v52  }
0x147: {  	v60 =	vld [tilespmem:$0xF3D0];
	v59 =	vpop (erf);
	v26 =	vmax.f32 v14, $0.0e+00;
	v52 =	vadd.f32 v50, v1;
	v12 =	vmax.f32 v12, v54  }
0x148: {  	v0 =	vmul.f32 v59, v0;
	v15 =	vmax.f32 v15, $0.0e+00;
	v59 =	vbroadcast v2, $0x3  }
0x149: {  	vm1 =	veq.s32 v58, $0x0;
	v12 =	vmax.f32 v12, v55;
	v15 =	vmul.f32 v16, v15  }
0x14a: {  	v61 =	vld [tilespmem:$0xF3F0];
	v58 =	vbroadcast v4, $0x3;
	vm1 =	vmand vm15, vm1;
	v12 =	vmax.f32 v12, v57  }
0x14b: {  	v20 =	vld [tilespmem:$0x1FFE0];
	v57 =	vbroadcast v3, $0x3;
	v28 =	vmin.f32 v2, v59;
	v22 =	vmin.f32 v10, v59  }
0x14c: {  	v29 =	vld [tilespmem:$0xF410];
	vm1 =	vmand vm1, vm2;
	vm2 =	vgt.f32 v0, $5.000000000e-01;
	v12 =	vmax.f32 v12, v60  }
0x14d: {  	v16 =	vsub.f32 v48, v15;
	v60 =	vadd.f32 v50, v6;
	v63 =	vmin.f32 v4, v58  }
0x14e: {  	v32 =	vld [tilespmem:$0xF430];
	v21 =	vmin.f32 v9, v58;
	v50 =	vbroadcast v5, $0x4;
	vm0 =	vmor vm0, vm1  }
0x14f: {  	v0 =	vmax.f32 v12, v61;
	v12 =	vmul.f32 v27, v26;
	v61 =	vmax.f32 v5, v56  }
0x150: {  	v33 =	vld [tilespmem:$0xF450];
	v62 =	vmax.f32 v3, v57;
	vm1 =	vmand vm2, vm0;
	vm2 =	vnez.u8 v20  }
0x151: {  	v24 =	vpop (erf);
	v20 =	vsub.f32 v38, v36;
	v0 =	vmax.f32 v0, v29;
	v16 =	vmax.f32 v16, $9.999999710e-10  }
0x152: {  	v42 =	vld [tilespmem:$0xF470];
	vm1 =	vmand vm1, vm2;
	v25 =	vmul.f32 v24, v13;
	v14 =	vsub.f32 v30, v12  }
0x153: {  	v24 =	vmin.f32 v4, v44;
	v0 =	vmax.f32 v0, v32;
	v23 =	vmpcnt.ones.xlane vm1  }
0x154: {  	v20 =	vmax.f32 v20, $0.0e+00;
	v18 =	vsub.f32 v24, v46;
	v24 =	vsub.f32 v28, v62  }
0x155: {  	v0 =	vmax.f32 v0, v33;
	v62 =	vbroadcast v1, $0x4;
	vm2 =	vgt.f32 v25, $5.000000000e-01  }
0x156: {  	v14 =	vmax.f32 v14, $9.999999710e-10;
	v26 =	vmul.f32 v20, v19;
	v25 =	vmin.f32 v2, v45  }
0x157: {  	v20 =	vmin.f32 v9, v44;
	v19 =	vmax.f32 v8, v43;
	v0 =	vmax.f32 v0, v42  }
0x158: {  	v42 =	vbroadcast v1, $0x9;
	vm1 =	veq.s32 v23, $0x0;
	(erf) = vrcp.f32 v14  }
0x159: {  	v23 =	vsub.f32 v25, v47;
	v18 =	vmax.f32 v18, $0.0e+00;
	v17 =	vsub.f32 v20, v17  }
0x15a: {  	v55 =	vsub.f32 v53, v19;
	v31 =	vmax.f32 v24, $0.0e+00;
	v19 =	vmax.f32 v7, v56  }
0x15b: {  	v20 =	vmax.f32 v8, v57;
	v53 =	vbroadcast v4, $0x4;
	v25 =	vadd.f32 v62, v1  }
0x15c: {  	v39 =	vld [tilespmem:$0x1FFF0];
	vm1 =	vmand vm15, vm1;
	v14 =	vsub.f32 v41, v26;
	v19 =	vsub.f32 v21, v19  }
0x15d: {  	v20 =	vsub.f32 v22, v20;
	v41 =	vadd.f32 v34, v6;
	vm1 =	vmand vm1, vm3  }
0x15e: {  	v49 =	vmax.f32 v23, $0.0e+00;
	v17 =	vmax.f32 v17, $0.0e+00;
	v23 =	vsub.f32 v63, v61  }
0x15f: {  	v57 =	vmin.f32 v4, v53;
	vm0 =	vmor vm0, vm1;
	v14 =	vmax.f32 v14, $9.999999710e-10  }
0x160: {  	v51 =	vmul.f32 v49, v18;
	v18 =	vmax.f32 v55, $0.0e+00;
	v38 =	vmax.f32 v19, $0.0e+00  }
0x161: {  	v55 =	vmax.f32 v5, v50;
	vm1 =	vmand vm2, vm0;
	vm2 =	vnez.u8 v39  }
0x162: {  	(erf) = vrcp.f32 v14;
	v17 =	vmul.f32 v18, v17;
	v30 =	vmax.f32 v23, $0.0e+00  }
0x163: {  	v39 =	vmax.f32 v20, $0.0e+00;
	v59 =	vsub.f32 v57, v55;
	vm1 =	vmand vm1, vm2  }
0x164: {  	v54 =	vsub.f32 v52, v51;
	(erf) = vrcp.f32 v16;
	v36 =	vmul.f32 v31, v30  }
0x165: {  	[tilespmem:$0x1FE20] =	vst v51;
	v40 =	vmul.f32 v39, v38;
	vm2 =	vcmask $0x3F3C;
	v51 =	vbroadcast v3, $0x4  }
0x166: {  	v31 =	vadd.f32 v62, v6;
	v62 =	vbroadcast v5, $0x6;
	v39 =	vbroadcast v2, $0x8  }
0x167: {  	v13 =	vmpcnt.ones.xlane vm1;
	v29 =	vsub.f32 v60, v17;
	v14 =	vmax.f32 v54, $9.999999710e-10  }
0x168: {  	v16 =	vsub.f32 v37, v36;
	v18 =	vsub.f32 v41, v40;
	v54 =	vbroadcast v2, $0x4  }
0x169: {  	v56 =	vmax.f32 v3, v51;
	v34 =	vmax.f32 v7, v62;
	v37 =	vbroadcast v3, $0x7  }
0x16a: {  	(erf) = vrcp.f32 v14;
	v35 =	vmax.f32 v29, $9.999999710e-10;
	vm1 =	veq.s32 v13, $0x0  }
0x16b: {  	v41 =	vbroadcast v2, $0x7;
	(erf) = vrcp.f32 v35;
	vm1 =	vmand vm15, vm1  }
0x16c: {  	v43 =	vpop (erf);
	v44 =	vmax.f32 v16, $9.999999710e-10;
	v45 =	vmax.f32 v18, $9.999999710e-10;
	v58 =	vmin.f32 v2, v54  }
0x16d: {  	[tilespmem:$0x1FE00] =	vst v26;
	v26 =	vmin.f32 v10, v54;
	v12 =	vmul.f32 v43, v12;
	vm1 =	vmand vm1, vm2  }
0x16e: {  	(erf) = vrcp.f32 v44;
	v60 =	vsub.f32 v58, v56;
	v56 =	vbroadcast v4, $0x7  }
0x16f: {  	vm15 =	vmor vm0, vm1;
	vm0 =	vgt.f32 v12, $5.000000000e-01;
	v12 =	vmax.f32 v8, v51  }
0x170: {  	v51 =	vbroadcast v4, $0x5;
	v46 =	vpop (erf);
	(erf) = vrcp.f32 v45;
	vm1 =	vmand vm0, vm15  }
0x171: {  	vm0 =	vgt.f32 v11, $5.000000070e-02;
	v45 =	vbroadcast v5, $0x5;
	v12 =	vsub.f32 v26, v12  }
0x172: {  	v13 =	vmpcnt.ones.xlane vm1;
	vm1 =	vgt.f32 v0, $5.000000000e-01;
	v0 =	vmax.f32 v7, v50  }
0x173: {  	[tilespmem:$0x1FE10] =	vst v46;
	v47 =	vpop (erf);
	v46 =	vbroadcast v3, $0x5;
	v29 =	vmin.f32 v9, v51;
	v50 =	vmin.f32 v10, v41  }
0x174: {  	v48 =	vmul.f32 v47, v15;
	v15 =	vmin.f32 v9, v53;
	v27 =	vmax.f32 v7, v45  }
0x175: {  	v12 =	vmax.f32 v12, $0.0e+00;
	v47 =	vbroadcast v5, $0x7;
	vm1 =	vmneg vm1  }
0x176: {  	v0 =	vsub.f32 v15, v0;
	v28 =	vmax.f32 v8, v46;
	v15 =	vsub.f32 v29, v27  }
0x177: {  	v29 =	vbroadcast v2, $0x6;
	vm0 =	vmand vm0, vm1;
	vm1 =	vcmask $0x3F04  }
0x178: {  	vm2 =	vgt.f32 v48, $5.000000000e-01;
	v44 =	vmax.f32 v7, v47;
	v48 =	vmax.f32 v8, v37  }
0x179: {  	v49 =	vpop (erf);
	vm2 =	vmand vm2, vm15;
	v0 =	vmax.f32 v0, $0.0e+00;
	v15 =	vmax.f32 v15, $0.0e+00  }
0x17a: {  	v52 =	vpop (erf);
	v38 =	vmin.f32 v10, v29;
	v22 =	vsub.f32 v50, v48;
	v50 =	vbroadcast v4, $0xA  }
0x17b: {  	[tilespmem:$0x1FE30] =	vst v49;
	v49 =	vmin.f32 v9, v56;
	v11 =	vmul.f32 v52, v17;
	v18 =	vmpcnt.ones.xlane vm2  }
0x17c: {  	v17 =	vmax.f32 v60, $0.0e+00;
	v52 =	vbroadcast v2, $0x5;
	v0 =	vmul.f32 v12, v0  }
0x17d: {  	v21 =	vsub.f32 v49, v44;
	v44 =	vbroadcast v1, $0x7;
	v49 =	vbroadcast v5, $0xA  }
0x17e: {  	v22 =	vmax.f32 v22, $0.0e+00;
	vm3 =	vgt.f32 v11, $5.000000000e-01;
	v11 =	vmax.f32 v59, $0.0e+00  }
0x17f: {  	v30 =	vmin.f32 v10, v52;
	v59 =	vbroadcast v1, $0x5;
	v12 =	vsub.f32 v31, v0  }
0x180: {  	v61 =	vpop (erf);
	v21 =	vmax.f32 v21, $0.0e+00;
	v54 =	vadd.f32 v44, v6;
	vm2 =	vmand vm3, vm15  }
0x181: {  	v63 =	vpop (erf);
	v24 =	vmul.f32 v17, v11;
	v16 =	vsub.f32 v30, v28;
	v28 =	vbroadcast v1, $0x6  }
0x182: {  	vm10 =	vlt.s32 v18, $0x1;
	v20 =	vmpcnt.ones.xlane vm2;
	v14 =	vmul.f32 v63, v40  }
0x183: {  	v32 =	vadd.f32 v59, v6;
	v12 =	vmax.f32 v12, $9.999999710e-10;
	v63 =	vbroadcast v3, $0x6  }
0x184: {  	v11 =	vsub.f32 v25, v24;
	v16 =	vmax.f32 v16, $0.0e+00;
	v53 =	vadd.f32 v28, v6  }
0x185: {  	vm2 =	vgt.f32 v14, $5.000000000e-01;
	v14 =	vmul.f32 v16, v15;
	v35 =	vmax.f32 v8, v63  }
0x186: {  	v16 =	vmin.f32 v10, v39;
	vm2 =	vmand vm2, vm15;
	v11 =	vmax.f32 v11, $9.999999710e-10  }
0x187: {  	v15 =	vsub.f32 v38, v35;
	v35 =	vbroadcast v3, $0x8;
	v38 =	vbroadcast v4, $0x8  }
0x188: {  	vm6 =	vlt.s32 v20, $0x1;
	v19 =	vmpcnt.ones.xlane vm2;
	(erf) = vrcp.f32 v11  }
0x189: {  	v33 =	vsub.f32 v32, v14;
	v32 =	vmul.f32 v22, v21;
	vm2 =	vlt.s32 v13, $0x1  }
0x18a: {  	[tilespmem:$0x1FE50] =	vst v61;
	(erf) = vrcp.f32 v12;
	v15 =	vmax.f32 v15, $0.0e+00;
	v61 =	vmax.f32 v8, v35  }
0x18b: {  	vm1 =	vmor vm2, vm1;
	v11 =	vmax.f32 v33, $9.999999710e-10;
	v33 =	vbroadcast v4, $0x6  }
0x18c: {  	v57 =	vsub.f32 v54, v32;
	v22 =	vsub.f32 v16, v61;
	v61 =	vbroadcast v4, $0x9  }
0x18d: {  	vm8 =	vlt.s32 v19, $0x1;
	v54 =	vbroadcast v2, $0x9;
	vm0 =	vmand vm0, vm1  }
0x18e: {  	[tilespmem:$0x1FE40] =	vst v36;
	vm1 =	vcmask $0x308;
	(erf) = vrcp.f32 v11;
	v36 =	vmin.f32 v9, v33  }
0x18f: {  	v11 =	vmin.f32 v9, v38;
	vm1 =	vmor vm10, vm1;
	v12 =	vsub.f32 v36, v34  }
0x190: {  	[tilespmem:$0x1FE60] =	vst v24;
	v24 =	vmax.f32 v57, $9.999999710e-10;
	v26 =	vmax.f32 v22, $0.0e+00;
	v34 =	vbroadcast v5, $0x8  }
0x191: {  	[tilespmem:$0x1FE80] =	vst v37;
	v31 =	vmin.f32 v9, v61;
	v37 =	vmin.f32 v10, v54;
	v12 =	vmax.f32 v12, $0.0e+00  }
0x192: {  	v57 =	vmin.f32 v9, v50;
	v58 =	vmax.f32 v7, v34;
	v12 =	vmul.f32 v15, v12  }
0x193: {  	[tilespmem:$0x1FEA0] =	vst v50;
	v50 =	vbroadcast v2, $0xB;
	vm1 =	vmand vm0, vm1;
	v21 =	vsub.f32 v11, v58;
	v60 =	vpop (erf)  }
0x194: {  	v58 =	vbroadcast v1, $0x8;
	v55 =	vsub.f32 v53, v12;
	[tilespmem:$0x1FE70] =	vst v60;
	v60 =	vbroadcast v5, $0x9  }
0x195: {  	v17 =	vpop (erf);
	v25 =	vmax.f32 v21, $0.0e+00;
	v53 =	vbroadcast v3, $0x9;
	v21 =	vbroadcast v1, $0xB  }
0x196: {  	v27 =	vadd.f32 v58, v6;
	v0 =	vmul.f32 v17, v0;
	v16 =	vmul.f32 v26, v25  }
0x197: {  	v25 =	vbroadcast v2, $0xA;
	v26 =	vadd.f32 v42, v6;
	v17 =	vbroadcast v1, $0xA  }
0x198: {  	v13 =	vmax.f32 v55, $9.999999710e-10;
	v30 =	vmax.f32 v7, v60;
	v36 =	vmax.f32 v8, v53  }
0x199: {  	[tilespmem:$0x1FE90] =	vst v49;
	v55 =	vmax.f32 v7, v49;
	v49 =	vbroadcast v3, $0xB;
	v18 =	vsub.f32 v31, v30  }
0x19a: {  	v23 =	vpop (erf);
	(erf) = vrcp.f32 v13;
	v15 =	vsub.f32 v27, v16;
	v48 =	vsub.f32 v37, v36  }
0x19b: {  	v13 =	vmin.f32 v10, v25;
	v36 =	vbroadcast v5, $0xB;
	v14 =	vmul.f32 v23, v14  }
0x19c: {  	vm3 =	vgt.f32 v0, $5.000000000e-01;
	(erf) = vrcp.f32 v24;
	v24 =	vbroadcast v3, $0xA  }
0x19d: {  	vm3 =	vmand vm3, vm15;
	v18 =	vmax.f32 v18, $0.0e+00;
	v19 =	vmax.f32 v48, $0.0e+00  }
0x19e: {  	v48 =	vbroadcast v4, $0xB;
	v15 =	vmax.f32 v15, $9.999999710e-10;
	vm4 =	vgt.f32 v14, $5.000000000e-01  }
0x19f: {  	v37 =	vmul.f32 v19, v18;
	v11 =	vmax.f32 v8, v24;
	v18 =	vsub.f32 v57, v55  }
0x1a0: {  	[tilespmem:$0x1FEC0] =	vst v36;
	v55 =	vmax.f32 v7, v36;
	(erf) = vrcp.f32 v15;
	v36 =	vadd.f32 v21, v6  }
0x1a1: {  	vm4 =	vmand vm4, vm15;
	v19 =	vmpcnt.ones.xlane vm3;
	v30 =	vsub.f32 v13, v11  }
0x1a2: {  	v57 =	vmin.f32 v9, v48;
	v11 =	vmin.f32 v10, v50;
	v31 =	vmax.f32 v18, $0.0e+00  }
0x1a3: {  	v20 =	vsub.f32 v26, v37;
	v27 =	vmax.f32 v30, $0.0e+00;
	v30 =	vmax.f32 v8, v49  }
0x1a4: {  	v40 =	vmul.f32 v27, v31;
	v27 =	vsub.f32 v57, v55;
	v30 =	vsub.f32 v11, v30  }
0x1a5: {  	v26 =	vbroadcast v5, $0xC;
	v31 =	vadd.f32 v17, v6;
	v15 =	vmax.f32 v20, $9.999999710e-10  }
0x1a6: {  	(erf) = vrcp.f32 v15;
	v27 =	vmax.f32 v27, $0.0e+00;
	v30 =	vmax.f32 v30, $0.0e+00  }
0x1a7: {  	[tilespmem:$0x1FEF0] =	vst v50;
	v22 =	vsub.f32 v31, v40;
	v50 =	vpop (erf);
	v31 =	vbroadcast v2, $0xC;
	v43 =	vmul.f32 v30, v27  }
0x1a8: {  	vm12 =	vlt.s32 v19, $0x1;
	v27 =	vbroadcast v3, $0xC;
	v30 =	vbroadcast v4, $0xC;
	v20 =	vpop (erf)  }
0x1a9: {  	[tilespmem:$0x1FED0] =	vst v48;
	v12 =	vmul.f32 v50, v12;
	v48 =	vmax.f32 v22, $9.999999710e-10;
	v23 =	vmul.f32 v20, v32  }
0x1aa: {  	v55 =	vmax.f32 v7, v26;
	v20 =	vbroadcast v2, $0xD;
	(erf) = vrcp.f32 v48  }
0x1ab: {  	[tilespmem:$0x1FEE0] =	vst v49;
	v49 =	vsub.f32 v36, v43;
	v57 =	vmax.f32 v8, v27;
	v11 =	vmin.f32 v9, v30  }
0x1ac: {  	v36 =	vmin.f32 v10, v31;
	vm5 =	vgt.f32 v12, $5.000000000e-01;
	v48 =	vmpcnt.ones.xlane vm4  }
0x1ad: {  	[tilespmem:$0x1FF00] =	vst v21;
	v21 =	vpop (erf);
	v18 =	vsub.f32 v36, v57;
	v36 =	vbroadcast v1, $0xC;
	v0 =	vmax.f32 v49, $9.999999710e-10  }
0x1ae: {  	[tilespmem:$0x1FEB0] =	vst v17;
	vm5 =	vmand vm5, vm15;
	v17 =	vmul.f32 v21, v16;
	(erf) = vrcp.f32 v0  }
0x1af: {  	vm9 =	vgt.f32 v23, $5.000000000e-01;
	v21 =	vbroadcast v4, $0xD;
	v0 =	vsub.f32 v11, v55  }
0x1b0: {  	v23 =	vbroadcast v3, $0xD;
	v49 =	vmpcnt.ones.xlane vm5;
	vm3 =	vlt.s32 v48, $0x1  }
0x1b1: {  	vm4 =	vmand vm9, vm15;
	v12 =	vmax.f32 v18, $0.0e+00;
	v0 =	vmax.f32 v0, $0.0e+00  }
0x1b2: {  	v22 =	vadd.f32 v36, v6;
	v55 =	vmin.f32 v9, v21;
	v32 =	vpop (erf);
	v13 =	vmul.f32 v12, v0  }
0x1b3: {  	v11 =	vmin.f32 v10, v20;
	v19 =	vmul.f32 v32, v37;
	v37 =	vbroadcast v5, $0xE  }
0x1b4: {  	vm14 =	vlt.s32 v49, $0x1;
	v12 =	vsub.f32 v22, v13;
	v22 =	vbroadcast v5, $0xD  }
0x1b5: {  	v0 =	vmax.f32 v8, v23;
	v32 =	vbroadcast v4, $0xE;
	v14 =	vmax.f32 v7, v37;
	v48 =	vpop (erf)  }
0x1b6: {  	v15 =	vmul.f32 v48, v40;
	v12 =	vmax.f32 v12, $9.999999710e-10;
	v50 =	vmax.f32 v7, v22  }
0x1b7: {  	v40 =	vbroadcast v2, $0xE;
	v48 =	vsub.f32 v11, v0;
	v57 =	vsub.f32 v55, v50;
	v49 =	vpop (erf)  }
0x1b8: {  	v50 =	vmin.f32 v9, v32;
	v16 =	vmul.f32 v49, v43;
	v43 =	vbroadcast v3, $0xE  }
0x1b9: {  	(erf) = vrcp.f32 v12;
	v55 =	vmin.f32 v10, v40;
	v48 =	vmax.f32 v48, $0.0e+00  }
0x1ba: {  	v49 =	vsub.f32 v50, v14;
	v12 =	vmax.f32 v57, $0.0e+00;
	v18 =	vmax.f32 v8, v43  }
0x1bb: {  	v57 =	vbroadcast v5, $0xF;
	v12 =	vmul.f32 v48, v12;
	v50 =	vsub.f32 v55, v18  }
0x1bc: {  	vm0 =	vcmask $0x70C;
	v18 =	vbroadcast v1, $0xD;
	v55 =	vmpcnt.ones.xlane vm4  }
0x1bd: {  	v48 =	vbroadcast v1, $0xE;
	v49 =	vmax.f32 v49, $0.0e+00;
	v50 =	vmax.f32 v50, $0.0e+00  }
0x1be: {  	v0 =	vadd.f32 v18, v6;
	vm5 =	vlt.s32 v55, $0x1;
	v55 =	vbroadcast v4, $0xF  }
0x1bf: {  	v11 =	vadd.f32 v48, v6;
	v14 =	vmul.f32 v50, v49;
	v49 =	vbroadcast v3, $0xF  }
0x1c0: {  	v50 =	vbroadcast v2, $0xF;
	v0 =	vsub.f32 v0, v12;
	v9 =	vmin.f32 v9, v55  }
0x1c1: {  	v7 =	vmax.f32 v7, v57;
	v11 =	vsub.f32 v11, v14;
	v8 =	vmax.f32 v8, v49  }
0x1c2: {  	v10 =	vmin.f32 v10, v50;
	v7 =	vsub.f32 v9, v7;
	v0 =	vmax.f32 v0, $9.999999710e-10  }
0x1c3: {  	v8 =	vsub.f32 v10, v8;
	v9 =	vpop (erf);
	(erf) = vrcp.f32 v0;
	v0 =	vmax.f32 v11, $9.999999710e-10  }
0x1c4: {  	v9 =	vmul.f32 v9, v13;
	v13 =	vmax.f32 v7, $0.0e+00;
	v7 =	vbroadcast v1, $0xF  }
0x1c5: {  	vm4 =	vgt.f32 v17, $5.000000000e-01;
	v8 =	vmax.f32 v8, $0.0e+00;
	(erf) = vrcp.f32 v0  }
0x1c6: {  	v0 =	vmul.f32 v8, v13;
	v17 =	vadd.f32 v7, v6;
	vm7 =	vgt.f32 v9, $5.000000000e-01  }
0x1c7: {  	vm9 =	vgt.f32 v19, $5.000000000e-01;
	vm11 =	vgt.f32 v15, $5.000000000e-01;
	vm2 =	vmand vm7, vm15  }
0x1c8: {  	v6 =	vsub.f32 v17, v0;
	v17 =	vmpcnt.ones.xlane vm2;
	vm2 =	vmor vm6, vm0  }
0x1c9: {  	vm11 =	vmand vm11, vm15;
	vm1 =	vmand vm1, vm2;
	vm2 =	vcmask $0xB10  }
0x1ca: {  	vm9 =	vmand vm9, vm15;
	v15 =	vmpcnt.ones.xlane vm11;
	vm2 =	vmor vm8, vm2  }
0x1cb: {  	vm4 =	vmand vm4, vm15;
	vm1 =	vmand vm1, vm2;
	vm2 =	vcmask $0xF14  }
0x1cc: {  	vm13 =	vgt.f32 v16, $5.000000000e-01;
	v19 =	vmpcnt.ones.xlane vm4;
	vm2 =	vmor vm12, vm2  }
0x1cd: {  	vm4 =	vmand vm13, vm15;
	vm1 =	vmand vm1, vm2;
	vm2 =	vcmask $0x1318  }
0x1ce: {  	vm13 =	vlt.s32 v15, $0x1;
	v6 =	vmax.f32 v6, $9.999999710e-10;
	vm2 =	vmor vm3, vm2  }
0x1cf: {  	(erf) = vrcp.f32 v6;
	vm1 =	vmand vm1, vm2;
	vm2 =	vcmask $0x171C  }
0x1d0: {  	v16 =	vmpcnt.ones.xlane vm4;
	vm11 =	vlt.s32 v19, $0x1;
	vm2 =	vmor vm14, vm2  }
0x1d1: {  	v13 =	vmpcnt.ones.xlane vm9;
	v19 =	vpop (erf);
	vm1 =	vmand vm1, vm2;
	vm2 =	vcmask $0x1B20  }
0x1d2: {  	vm9 =	vlt.s32 v16, $0x1;
	v8 =	vmul.f32 v19, v12;
	vm2 =	vmor vm5, vm2  }
0x1d3: {  	vm4 =	vlt.s32 v13, $0x1;
	v15 =	vpop (erf);
	vm1 =	vmand vm1, vm2;
	vm2 =	vcmask $0x1F24  }
0x1d4: {  	vm10 =	vgt.f32 v8, $5.000000000e-01;
	v8 =	vmul.f32 v15, v14;
	vm2 =	vmor vm11, vm2  }
0x1d5: {  	vm3 =	vmand vm10, vm15;
	vm1 =	vmand vm1, vm2;
	vm2 =	vcmask $0x2328  }
0x1d6: {  	vm0 =	vlt.s32 v17, $0x1;
	v13 =	vmpcnt.ones.xlane vm3;
	vm2 =	vmor vm4, vm2  }
0x1d7: {  	vm8 =	vgt.f32 v8, $5.000000000e-01;
	vm1 =	vmand vm1, vm2;
	vm2 =	vcmask $0x272C  }
0x1d8: {  	vm3 =	vlt.s32 v13, $0x1;
	v16 =	vpop (erf);
	vm11 =	vcmask $0x2B30;
	vm2 =	vmor vm13, vm2  }
0x1d9: {  	v10 =	vld [tilespmem:$0x1FE00];
	v0 =	vmul.f32 v16, v0;
	vm1 =	vmand vm1, vm2;
	vm2 =	vmand vm8, vm15  }
0x1da: {  	v9 =	vld [tilespmem:$0x1FFF0];
	vm4 =	vmor vm9, vm11;
	v17 =	vmpcnt.ones.xlane vm2;
	vm2 =	vcmask $0x2F34  }
0x1db: {  	v11 =	vld [tilespmem:$0x1FE10];
	vm10 =	vgt.f32 v0, $5.000000000e-01;
	vm1 =	vmand vm1, vm4;
	vm0 =	vmor vm0, vm2  }
0x1dc: {  	v12 =	vld [tilespmem:$0x1FF20];
	vm5 =	vmand vm10, vm15;
	vm0 =	vmand vm1, vm0;
	vm1 =	vcmask $0x3338  }
0x1dd: {  	v13 =	vld [tilespmem:$0x1FF30];
	v19 =	vmpcnt.ones.xlane vm5;
	vm1 =	vmor vm3, vm1  }
0x1de: {  	vm2 =	vlt.s32 v17, $0x1;
	vm0 =	vmand vm0, vm1;
	vm1 =	vcmask $0x373C  }
0x1df: {  	vm8 =	vnez.u8 v9;
	vm3 =	vlt.s32 v19, $0x1;
	vm1 =	vmor vm2, vm1  }
0x1e0: {  	vm0 =	vmand vm0, vm1;
	vm1 =	vmor vm3, vm8  }
0x1e1: {  	v0 =	vmul.f32 v11, v10;
	vm0 =	vmand vm0, vm1;
	vm1 =	vnez.u8 v12  }
0x1e2: {  	v15 =	vld [tilespmem:$0x1FE20];
	vm3 =	vnez.u8 v13;
	vm1 =	vmand vm1, vm0  }
0x1e3: {  	v16 =	vld [tilespmem:$0x1FE30];
	vm2 =	vgt.f32 v0, $5.000000000e-01;
	vm1 =	vmand vm1, vm3  }
0x1e4: {  	vm2 =	vmand vm2, vm1  }
0x1e5: {  	v14 =	vmpcnt.ones.xlane vm2  }
0x1e6: {  	v19 =	vmax.f32 v3, v46  }
0x1e7: {  	v46 =	vmin.f32 v2, v52;
	v52 =	vadd.f32 v59, v1;
	vm2 =	veq.s32 v14, $0x0  }
0x1e8: {  	v59 =	vld [tilespmem:$0x1FE40];
	v0 =	vmul.f32 v16, v15;
	vm3 =	vcmask $0x704;
	vm2 =	vmand vm2, vm0  }
0x1e9: {  	v12 =	vld [tilespmem:$0x1FE50];
	vm2 =	vmand vm2, vm3  }
0x1ea: {  	v17 =	vmax.f32 v5, v45;
	vm3 =	vgt.f32 v0, $5.000000000e-01;
	vm1 =	vmor vm1, vm2  }
0x1eb: {  	v45 =	vmin.f32 v4, v51;
	v6 =	vsub.f32 v46, v19;
	vm2 =	vmand vm3, vm1  }
0x1ec: {  	v47 =	vmax.f32 v5, v47;
	v0 =	vsub.f32 v45, v17;
	v51 =	vmpcnt.ones.xlane vm2  }
0x1ed: {  	v46 =	vadd.f32 v28, v1;
	v16 =	vmin.f32 v4, v33;
	v6 =	vmax.f32 v6, $0.0e+00  }
0x1ee: {  	v33 =	vld [tilespmem:$0x1FE60];
	v8 =	vmul.f32 v12, v59;
	v0 =	vmax.f32 v0, $0.0e+00;
	vm2 =	veq.s32 v51, $0x0  }
0x1ef: {  	v45 =	vld [tilespmem:$0x1FE70];
	vm3 =	vcmask $0xB08;
	v0 =	vmul.f32 v6, v0;
	vm2 =	vmand vm2, vm0  }
0x1f0: {  	v15 =	vmax.f32 v3, v63;
	v14 =	vmax.f32 v5, v62;
	vm2 =	vmand vm2, vm3  }
0x1f1: {  	v6 =	vsub.f32 v52, v0;
	vm1 =	vmor vm2, vm1;
	vm2 =	vgt.f32 v8, $5.000000000e-01  }
0x1f2: {  	v19 =	vsub.f32 v16, v14;
	v17 =	vmin.f32 v2, v29;
	vm2 =	vmand vm2, vm1  }
0x1f3: {  	v29 =	vsub.f32 v17, v15;
	v52 =	vld [tilespmem:$0x1FF40];
	v6 =	vmax.f32 v6, $9.999999710e-10;
	v13 =	vmpcnt.ones.xlane vm2  }
0x1f4: {  	v9 =	vmul.f32 v45, v33;
	v51 =	vmin.f32 v4, v56;
	v56 =	vld [tilespmem:$0x1FE80];
	(erf) = vrcp.f32 v6  }
0x1f5: {  	v6 =	vmax.f32 v19, $0.0e+00;
	v8 =	vmax.f32 v29, $0.0e+00;
	vm2 =	veq.s32 v13, $0x0  }
0x1f6: {  	vm3 =	vcmask $0xF0C;
	v6 =	vmul.f32 v8, v6;
	vm2 =	vmand vm0, vm2  }
0x1f7: {  	v34 =	vmax.f32 v5, v34;
	v59 =	vmin.f32 v2, v41;
	vm2 =	vmand vm2, vm3  }
0x1f8: {  	v8 =	vsub.f32 v46, v6;
	vm1 =	vmor vm2, vm1;
	vm2 =	vgt.f32 v9, $5.000000000e-01  }
0x1f9: {  	v10 =	vmax.f32 v3, v56;
	vm3 =	vnez.u8 v52;
	vm2 =	vmand vm2, vm1  }
0x1fa: {  	v10 =	vsub.f32 v59, v10;
	v8 =	vmax.f32 v8, $9.999999710e-10;
	vm2 =	vmand vm2, vm3  }
0x1fb: {  	(erf) = vrcp.f32 v8;
	v9 =	vsub.f32 v51, v47;
	v63 =	vmpcnt.ones.xlane vm2  }
0x1fc: {  	v41 =	vmax.f32 v3, v35;
	v15 =	vadd.f32 v42, v1;
	v45 =	vmin.f32 v2, v39;
	v29 =	vld [tilespmem:$0x1FF50]  }
0x1fd: {  	v17 =	vmax.f32 v10, $0.0e+00;
	v62 =	vpop (erf);
	v16 =	vmax.f32 v9, $0.0e+00;
	vm2 =	veq.s32 v63, $0x0  }
0x1fe: {  	vm3 =	vcmask $0x1310;
	v0 =	vmul.f32 v62, v0;
	vm2 =	vmand vm0, vm2  }
0x1ff: {  	v19 =	vadd.f32 v44, v1;
	v8 =	vmul.f32 v17, v16;
	vm2 =	vmand vm2, vm3  }
0x200: {  	v44 =	vmin.f32 v4, v38;
	vm1 =	vmor vm2, vm1;
	vm2 =	vgt.f32 v0, $5.000000000e-01  }
0x201: {  	v28 =	vsub.f32 v19, v8;
	vm3 =	vnez.u8 v29;
	vm2 =	vmand vm2, vm1  }
0x202: {  	v56 =	vmax.f32 v5, v60;
	v60 =	vmax.f32 v3, v53;
	vm2 =	vmand vm2, vm3  }
0x203: {  	v47 =	vsub.f32 v45, v41;
	v0 =	vmax.f32 v28, $9.999999710e-10;
	v33 =	vmpcnt.ones.xlane vm2  }
0x204: {  	v46 =	vsub.f32 v44, v34;
	v59 =	vld [tilespmem:$0x1FF60];
	v52 =	vadd.f32 v58, v1;
	v51 =	vpop (erf);
	(erf) = vrcp.f32 v0  }
0x205: {  	v9 =	vmax.f32 v47, $0.0e+00;
	v6 =	vmul.f32 v51, v6;
	vm2 =	veq.s32 v33, $0x0  }
0x206: {  	v0 =	vmax.f32 v46, $0.0e+00;
	vm3 =	vcmask $0x1714;
	vm2 =	vmand vm0, vm2  }
0x207: {  	v58 =	vmin.f32 v4, v61;
	v0 =	vmul.f32 v9, v0;
	vm2 =	vmand vm2, vm3  }
0x208: {  	v61 =	vmin.f32 v2, v54;
	vm1 =	vmor vm2, vm1;
	vm2 =	vgt.f32 v6, $5.000000000e-01  }
0x209: {  	v9 =	vsub.f32 v52, v0;
	vm3 =	vnez.u8 v59;
	vm2 =	vmand vm2, vm1  }
0x20a: {  	v34 =	vmin.f32 v2, v25;
	v10 =	vsub.f32 v61, v60;
	v28 =	vld [tilespmem:$0x1FE90];
	vm2 =	vmand vm2, vm3  }
0x20b: {  	v17 =	vld [tilespmem:$0x1FF70];
	v9 =	vmax.f32 v9, $9.999999710e-10;
	v6 =	vsub.f32 v58, v56;
	v63 =	vmpcnt.ones.xlane vm2  }
0x20c: {  	v14 =	vmax.f32 v10, $0.0e+00;
	v29 =	vmax.f32 v3, v24;
	v33 =	vld [tilespmem:$0x1FEA0];
	(erf) = vrcp.f32 v9  }
0x20d: {  	v62 =	vpop (erf);
	v6 =	vmax.f32 v6, $0.0e+00;
	vm3 =	vcmask $0x1B18;
	vm2 =	veq.s32 v63, $0x0  }
0x20e: {  	v8 =	vmul.f32 v62, v8;
	v6 =	vmul.f32 v14, v6;
	vm2 =	vmand vm0, vm2  }
0x20f: {  	v38 =	vsub.f32 v34, v29;
	v9 =	vmax.f32 v5, v28;
	vm2 =	vmand vm2, vm3  }
0x210: {  	v41 =	vld [tilespmem:$0x1FEB0];
	v16 =	vsub.f32 v15, v6;
	vm1 =	vmor vm2, vm1;
	vm2 =	vgt.f32 v8, $5.000000000e-01  }
0x211: {  	v11 =	vmin.f32 v4, v33;
	vm3 =	vnez.u8 v17;
	vm2 =	vmand vm2, vm1  }
0x212: {  	v44 =	vld [tilespmem:$0x1FED0];
	v35 =	vsub.f32 v11, v9;
	v8 =	vmax.f32 v16, $9.999999710e-10;
	vm2 =	vmand vm2, vm3  }
0x213: {  	v47 =	vld [tilespmem:$0x1FEF0];
	(erf) = vrcp.f32 v8;
	v19 =	vmpcnt.ones.xlane vm2  }
0x214: {  	v45 =	vld [tilespmem:$0x1FF80];
	v9 =	vmax.f32 v38, $0.0e+00;
	v8 =	vmax.f32 v35, $0.0e+00  }
0x215: {  	v42 =	vld [tilespmem:$0x1FEC0];
	v39 =	vpop (erf);
	v8 =	vmul.f32 v9, v8;
	v9 =	vadd.f32 v41, v1;
	vm2 =	veq.s32 v19, $0x0  }
0x216: {  	v46 =	vld [tilespmem:$0x1FEE0];
	v0 =	vmul.f32 v39, v0;
	vm3 =	vcmask $0x1F1C;
	vm2 =	vmand vm0, vm2  }
0x217: {  	v10 =	vmin.f32 v4, v44;
	v9 =	vsub.f32 v9, v8;
	vm2 =	vmand vm2, vm3  }
0x218: {  	v11 =	vmin.f32 v2, v47;
	vm1 =	vmor vm2, vm1;
	vm2 =	vgt.f32 v0, $5.000000000e-01  }
0x219: {  	v9 =	vmax.f32 v9, $9.999999710e-10;
	vm3 =	vnez.u8 v45;
	vm2 =	vmand vm2, vm1  }
0x21a: {  	v54 =	vld [tilespmem:$0x1FF00];
	(erf) = vrcp.f32 v9;
	v0 =	vmax.f32 v5, v42;
	vm2 =	vmand vm2, vm3  }
0x21b: {  	v0 =	vsub.f32 v10, v0;
	v10 =	vmax.f32 v3, v46;
	v52 =	vmpcnt.ones.xlane vm2  }
0x21c: {  	v25 =	vmin.f32 v2, v20;
	v60 =	vmax.f32 v5, v26;
	v58 =	vld [tilespmem:$0x1FF90];
	v10 =	vsub.f32 v11, v10;
	v51 =	vpop (erf)  }
0x21d: {  	vm3 =	vcmask $0x2320;
	v6 =	vmul.f32 v51, v6;
	vm2 =	veq.s32 v52, $0x0  }
0x21e: {  	v0 =	vmax.f32 v0, $0.0e+00;
	v53 =	vmax.f32 v10, $0.0e+00;
	vm2 =	vmand vm0, vm2  }
0x21f: {  	v9 =	vadd.f32 v54, v1;
	v0 =	vmul.f32 v53, v0;
	vm2 =	vmand vm2, vm3  }
0x220: {  	v61 =	vmax.f32 v3, v27;
	vm1 =	vmor vm2, vm1;
	vm2 =	vgt.f32 v6, $5.000000000e-01  }
0x221: {  	v56 =	vsub.f32 v9, v0;
	vm3 =	vnez.u8 v58;
	vm2 =	vmand vm2, vm1  }
0x222: {  	v62 =	vmin.f32 v4, v30;
	v63 =	vmin.f32 v2, v31;
	vm2 =	vmand vm2, vm3  }
0x223: {  	v15 =	vsub.f32 v63, v61;
	v6 =	vmax.f32 v56, $9.999999710e-10;
	v59 =	vmpcnt.ones.xlane vm2  }
0x224: {  	v14 =	vsub.f32 v62, v60;
	v19 =	vmax.f32 v5, v22;
	v22 =	vld [tilespmem:$0x1FFA0];
	v16 =	vpop (erf);
	(erf) = vrcp.f32 v6  }
0x225: {  	v9 =	vmax.f32 v15, $0.0e+00;
	v8 =	vmul.f32 v16, v8;
	vm2 =	veq.s32 v59, $0x0  }
0x226: {  	vm3 =	vcmask $0x2724;
	v6 =	vmax.f32 v14, $0.0e+00;
	vm2 =	vmand vm0, vm2  }
0x227: {  	v17 =	vadd.f32 v36, v1;
	v6 =	vmul.f32 v9, v6;
	vm2 =	vmand vm2, vm3  }
0x228: {  	v24 =	vmax.f32 v3, v23;
	vm1 =	vmor vm2, vm1;
	vm2 =	vgt.f32 v8, $5.000000000e-01  }
0x229: {  	v9 =	vsub.f32 v17, v6;
	vm3 =	vnez.u8 v22;
	vm2 =	vmand vm2, vm1  }
0x22a: {  	v21 =	vmin.f32 v4, v21;
	v10 =	vsub.f32 v25, v24;
	vm2 =	vmand vm2, vm3  }
0x22b: {  	v9 =	vmax.f32 v9, $9.999999710e-10;
	v8 =	vsub.f32 v21, v19;
	v27 =	vmpcnt.ones.xlane vm2  }
0x22c: {  	v29 =	vadd.f32 v18, v1;
	v34 =	vmax.f32 v5, v37;
	v31 =	vld [tilespmem:$0x1FFB0];
	(erf) = vrcp.f32 v9  }
0x22d: {  	v28 =	vmax.f32 v10, $0.0e+00;
	v8 =	vmax.f32 v8, $0.0e+00;
	v26 =	vpop (erf);
	vm2 =	veq.s32 v27, $0x0  }
0x22e: {  	vm3 =	vcmask $0x2B28;
	v0 =	vmul.f32 v26, v0;
	vm2 =	vmand vm0, vm2  }
0x22f: {  	v37 =	vmin.f32 v2, v40;
	v8 =	vmul.f32 v28, v8;
	vm2 =	vmand vm2, vm3  }
0x230: {  	v35 =	vmax.f32 v3, v43;
	vm1 =	vmor vm2, vm1;
	vm2 =	vgt.f32 v0, $5.000000000e-01  }
0x231: {  	v30 =	vsub.f32 v29, v8;
	vm3 =	vnez.u8 v31;
	vm2 =	vmand vm2, vm1  }
0x232: {  	v36 =	vmin.f32 v4, v32;
	v10 =	vsub.f32 v37, v35;
	vm2 =	vmand vm2, vm3  }
0x233: {  	v9 =	vsub.f32 v36, v34;
	v0 =	vmax.f32 v30, $9.999999710e-10;
	v33 =	vmpcnt.ones.xlane vm2  }
0x234: {  	v44 =	vmax.f32 v3, v49;
	v47 =	vmin.f32 v2, v50;
	v46 =	vld [tilespmem:$0x1FFC0];
	(erf) = vrcp.f32 v0  }
0x235: {  	v40 =	vmax.f32 v10, $0.0e+00;
	v39 =	vmax.f32 v9, $0.0e+00;
	v38 =	vpop (erf);
	vm2 =	veq.s32 v33, $0x0  }
0x236: {  	v6 =	vmul.f32 v38, v6;
	vm3 =	vcmask $0x2F2C;
	vm2 =	vmand vm0, vm2  }
0x237: {  	v41 =	vadd.f32 v48, v1;
	v0 =	vmul.f32 v40, v39;
	vm2 =	vmand vm2, vm3  }
0x238: {  	v2 =	vsub.f32 v47, v44;
	vm1 =	vmor vm2, vm1;
	vm2 =	vgt.f32 v6, $5.000000000e-01  }
0x239: {  	v43 =	vsub.f32 v41, v0;
	vm3 =	vnez.u8 v46;
	vm2 =	vmand vm2, vm1  }
0x23a: {  	v45 =	vmin.f32 v4, v55;
	v42 =	vmax.f32 v5, v57;
	vm2 =	vmand vm2, vm3  }
0x23b: {  	v4 =	vsub.f32 v45, v42;
	v6 =	vmax.f32 v43, $9.999999710e-10;
	v48 =	vmpcnt.ones.xlane vm2  }
0x23c: {  	v51 =	vld [tilespmem:$0x1FFD0];
	(erf) = vrcp.f32 v6  }
0x23d: {  	v2 =	vmax.f32 v2, $0.0e+00;
	v4 =	vmax.f32 v4, $0.0e+00;
	v49 =	vpop (erf);
	vm2 =	veq.s32 v48, $0x0  }
0x23e: {  	v53 =	vld [tilespmem:$0x1FF10];
	vm3 =	vcmask $0x3330;
	v3 =	vmul.f32 v49, v8;
	vm2 =	vmand vm0, vm2  }
0x23f: {  	v50 =	vadd.f32 v7, v1;
	v2 =	vmul.f32 v2, v4;
	vm2 =	vmand vm2, vm3  }
0x240: {  	vm1 =	vmor vm2, vm1;
	vm2 =	vgt.f32 v3, $5.000000000e-01  }
0x241: {  	v1 =	vsub.f32 v50, v2;
	vm3 =	vnez.u8 v51;
	vm2 =	vmand vm2, vm1  }
0x242: {  	vm2 =	vmand vm2, vm3  }
0x243: {  	v1 =	vmax.f32 v1, $9.999999710e-10;
	vm3 =	vnez.u8 v53;
	v52 =	vmpcnt.ones.xlane vm2  }
0x244: {  	v56 =	vld [tilespmem:$0x1FFE0];
	(erf) = vrcp.f32 v1;
	vm2 =	vmand vm3, vm15  }
0x245: {  	v54 =	vpop (erf);
	v55 =	vmpcnt.ones.xlane vm2;
	vm2 =	veq.s32 v52, $0x0  }
0x246: {  	vm9 =	vcmask $0x3734;
	v0 =	vmul.f32 v54, v0;
	vm2 =	vmand vm0, vm2  }
0x247: {  	(v2sf) =	vpush v55, $0x0;
	vm2 =	vmand vm2, vm9  }
0x248: {  	vm1 =	vmor vm2, vm1;
	vm2 =	vgt.f32 v0, $5.000000000e-01  }
0x249: {  	vm10 =	vnez.u8 v56;
	vm2 =	vmand vm2, vm1  }
0x24a: {  	vm2 =	vmand vm2, vm10  }
0x24b: {  	v57 =	vmpcnt.ones.xlane vm2;
	_ =	sdelay $0x1  }
0x24c: {  	v58 =	vpop (erf);
	vm2 =	veq.s32 v57, $0x0  }
0x24d: {  	vm11 =	vcmask $0x3B38;
	v59 =	vmul.f32 v58, v2;
	vm2 =	vmand vm0, vm2  }
0x24e: {  	vm2 =	vmand vm2, vm11  }
0x24f: {  	vm1 =	vmor vm2, vm1;
	vm2 =	vgt.f32 v59, $5.000000000e-01  }
0x250: {  	vm2 =	vmand vm2, vm1  }
0x251: {  	vm2 =	vmand vm2, vm8  }
0x252: {  	v60 =	vmpcnt.ones.xlane vm2;
	_ =	sdelay $0x1  }
0x253: {  	vm2 =	veq.s32 v60, $0x0  }
0x254: {  	s30 =	spop (v2sf);
	vm0 =	vmand vm0, vm2;
	vm2 =	vcmask $0x3F3C  }
0x255: {  	p2 =	slt.s32 s30, $0x1;
	vm0 =	vmand vm0, vm2  }
0x256: {  	s17 =	sor.u32 @!p2 s1, s16;
	vm0 =	vmor vm0, vm1  }
0x257: {  	v0 =	vmov @!p2 s17;
	vm1 =	vmand vm3, vm0  }
0x258: {  	v61 =	vmpcnt.ones.xlane vm1;
	_ =	sdelay $0x1  }
0x259: {  	(v2sf) =	vpush v61, $0x0  }
0x25a: {  	s17 =	simm.s32 @!p2 $0x6400  }
0x25b: {  	v0 =	vld.idx.msk @!p2 [tilespmem:v0+s17+$0x0], $0xffff;
	_ =	sdelay $0x6  }
0x25c: {  	s17 =	simm.s32 @!p2 $0x0  }
0x25d: {  	v1 =	vld.idx.msk @!p2 [tilespmem:v0+s17+$0x0], $0xffff;
	s17 =	simm.s32 @!p2 $0x1400  }
0x25e: {  	v2 =	vld.idx.msk @!p2 [tilespmem:v0+s17+$0x0], $0xffff;
	s17 =	simm.s32 @!p2 $0x2800  }
0x25f: {  	v3 =	vld.idx.msk @!p2 [tilespmem:v0+s17+$0x0], $0xffff;
	s17 =	simm.s32 @!p2 $0x3C00  }
0x260: {  	v0 =	vld.idx.msk @!p2 [tilespmem:v0+s17+$0x0], $0xffff;
	_ =	sdelay $0x1  }
0x261: {  	s19 =	spop (v2sf)  }
0x262: {  	s17 =	sor.u32 $0x10, s16;
	p1 =	slt.s32 s19, $0x1  }
0x263: {  	s20 =	sshll.u32 @!p2 s15, $0x4;
	s21 =	sor.u32 @!p1 s1, s17  }
0x264: {  	[tilespmem:s20+$0x7800] =	vst @!p2 v1;
	v1 =	vsub.f32 @!p2 v3, v1;
	v5 =	vsub.f32 @!p2 v0, v2;
	v4 =	vmov @!p1 s21  }
0x265: {  	[tilespmem:s20+$0x8C00] =	vst @!p2 v2  }
0x266: {  	[tilespmem:s20+$0xA000] =	vst @!p2 v3;
	v1 =	vmul.f32 @!p2 v5, v1  }
0x267: {  	[tilespmem:s20+$0xB400] =	vst @!p2 v0  }
0x268: {  	[tilespmem:s20+$0xC800] =	vst @!p2 v1;
	s20 =	simm.s32 @!p1 $0x6400  }
0x269: {  	v0 =	vld.idx.msk @!p1 [tilespmem:v4+s20+$0x0], $0xffff;
	_ =	sdelay $0x1  }
0x26a: {  	v62 =	vmpcnt.ones.xlane vm15  }
0x26b: {  	v63 =	vmpcnt.ones.xlane vm0  }
0x26c: {  	(v2sf) =	vpush v62, $0x0  }
0x26d: {  	(v2sf) =	vpush v63, $0x0;
	_ =	sdelay $0x1  }
0x26e: {  	s20 =	simm.s32 @!p1 $0x0  }
0x26f: {  	v1 =	vld.idx.msk @!p1 [tilespmem:v0+s20+$0x0], $0xffff;
	s20 =	simm.s32 @!p1 $0x1400  }
0x270: {  	v2 =	vld.idx.msk @!p1 [tilespmem:v0+s20+$0x0], $0xffff;
	s20 =	simm.s32 @!p1 $0x2800  }
0x271: {  	v3 =	vld.idx.msk @!p1 [tilespmem:v0+s20+$0x0], $0xffff;
	s20 =	simm.s32 @!p1 $0x3C00  }
0x272: {  	v0 =	vld.idx.msk @!p1 [tilespmem:v0+s20+$0x0], $0xffff  }
0x273: {  	s18 =	simm.s32 $0x1;
	p2 =	sgt.s32 s30, $0x0  }
0x274: {  	s18 =	simm.s32 @!p2 $0x0  }
0x275: {  	s15 =	sadd.s32 s18, s15  }
0x276: {  	s18 =	sshll.u32 @!p1 s15, $0x4  }
.Ltmp9:
0x277: {  	[tilespmem:s18+$0x7800] =	vst @!p1 v1;
	v1 =	vsub.f32 @!p1 v3, v1;
	v4 =	vsub.f32 @!p1 v0, v2;
	(pc) =	sbr.rel @!p0 .LBB2_14-.Ltmp9, $4  }
0x278: {  	[tilespmem:s18+$0x8C00] =	vst @!p1 v2  }
0x279: {  	p2 =	sgt.s32 s19, $0x0;
	s19 =	simm.s32 $0x1;
	[tilespmem:s18+$0xA000] =	vst @!p1 v3;
	v1 =	vmul.f32 @!p1 v4, v1  }
0x27a: {  	s31 =	spop (v2sf);
	s19 =	simm.s32 @!p2 $0x0;
	[tilespmem:s18+$0xB400] =	vst @!p1 v0  }
0x27b: {  	s4 =	sadd.s32 s4, s31;
	s15 =	sadd.s32 s19, s15;
	[tilespmem:s18+$0xC800] =	vst @!p1 v1;
	s18 =	spop (v2sf)  }
0x27c: {  	s14 =	sadd.s32 $0x1, s14  }
0x27d: {  	p1 =	seq.s32 s14, $0x9D  }
.Ltmp10:
0x27e: {  	_ = 	snop;
	(pc) =	sbr.rel @!p1 .LBB2_4-.Ltmp10, $4  }
.Ltmp11:
0x27f: {  	_ = 	snop;
	(pc) =	sbr.rel @p1 .LBB2_18-.Ltmp11, $4  }
0x280: {  	_ = 	snop  }
0x281: {  	_ = 	snop  }
0x282: {  	s4 =	sadd.s32 s18, s4  }
0x283: {  	_ = 	snop  }
.LBB2_7:
.Ltmp12:
0x284: {  	(pc) =	sbr.rel .LBB2_12-.Ltmp12, $2  }
0x285: {  	_ =	sdelay $0x2  }
0x286: {  	v21 =	vimm.f32 $0.0e+00;
	v22 =	vimm.f32 $0.0e+00  }
.LBB2_9:
.Ltmp13:
0x287: {  	(pc) =	sbr.rel .LBB2_12-.Ltmp13, $2  }
0x288: {  	_ =	sdelay $0x2  }
0x289: {  	v21 =	vimm.f32 $0.0e+00;
	v22 =	vimm.f32 $0.0e+00;
	v25 =	vmov v18  }
.LBB2_15:
0x28a: {  	s3 =	simm.s32 $0xDC00  }
0x28b: {  	v1 =	vld [tilespmem:s3+$0x0];
	_ =	sdelay $0x4  }
0x28c: {  	(xrf0) =	vadd.scan.msk.s32 $0xffff, v1;
	_ =	sdelay $0x2  }
0x28d: {  	s9 =	simm.s32 $0x6400  }
0x28e: {  	v2 =	vld [tilespmem:s9+$0x0];
	_ =	sdelay $0x1  }
0x28f: {  	v3, _, _ =	vpop (xrf0)  }
0x290: {  	s3 =	simm.s32 $0x0;
	v0 =	vsub.s32 v3, v1  }
0x291: {  	s5 =	sadd.s32 $0x0, s4;
	(v2sf) =	vpush v3, $0xF;
	v4 =	vadd.s32 s3, v0  }
0x292: {  	v0 =	vlaneseq.u32;
	v5 =	vsub.s32 s5, v4  }
0x293: {  	vm1 =	vgt.s32 v1, $0x0;
	v1 =	vadd.s32 v0, v5  }
0x294: {  	v1 =	vsel vm1, v4, v1  }
0x295: {  	s7 =	simm.s32 $0x1400;
	v6 =	vld.idx.msk [tilespmem:v2+s3+$0x0], $0xffff;
	vm0 =	vlt.s32 v1, $0x64;
	v4 =	vmul.u32 $0x5, v1  }
0x296: {  	s8 =	simm.s32 $0x5000;
	v7 =	vld.idx.msk [tilespmem:v2+s7+$0x0], $0xffff  }
0x297: {  	s6 =	simm.s32 $0x2800;
	v9 =	vld.idx.msk [tilespmem:v2+s8+$0x0], $0xffff;
	v8 =	vadd.s32 $0x1, v4  }
0x298: {  	v5 =	vld.idx.msk [tilespmem:v2+s6+$0x0], $0xffff;
	v10 =	vadd.s32 $0x2, v4  }
0x299: {  	s10 =	simm.s32 $0x3C00  }
0x29a: {  	s5 =	simm.s32 $0xF000;
	v1 =	vld.idx.msk [tilespmem:v2+s10+$0x0], $0xffff;
	v3 =	vadd.s32 $0x3, v4  }
0x29b: {  	v2 =	vadd.s32 $0x4, v4;
	[tilespmem:v4+s5+$0x0] =	vst.idx.msk vm0, v6  }
0x29c: {  	s11 =	simm.s32 $0x10;
	[tilespmem:v8+s5+$0x0] =	vst.idx.msk vm0, v7  }
0x29d: {  	s13 =	simm.s32 $0x20;
	s14 =	simm.s32 $0xDC10;
	s12 =	simm.s32 $0x0;
	v4 =	vnsel vm1, $0xCE6E6B28, v9;
	[tilespmem:v10+s5+$0x0] =	vst.idx.msk vm0, v5  }
.LBB2_16:
0x29e: {  	p0 =	sne.s32 s13, $0x1390  }
0x29f: {  	[tilespmem:v3+s5+$0x0] =	vst.idx.msk vm0, v1;
	s9 =	sadd.s32 $0x10, s9;
	s15 =	smov.u32 s13;
	s13 =	sadd.s32 $0x10, s13  }
0x2a0: {  	[tilespmem:v2+s5+$0x0] =	vst.idx.msk vm0, v4;
	s16 =	spop (v2sf)  }
0x2a1: {  	v1 =	vld [tilespmem:s14+$0x0];
	s12 =	sadd.s32 s12, s16;
	_ =	sdelay $0x4  }
0x2a2: {  	(xrf0) =	vadd.scan.msk.s32 $0xffff, v1;
	_ =	sdelay $0x1  }
0x2a3: {  	v2 =	vld [tilespmem:s9+$0x0];
	_ =	sdelay $0x3  }
0x2a4: {  	v3, _, _ =	vpop (xrf0)  }
0x2a5: {  	v4 =	vsub.s32 v3, v1;
	(v2sf) =	vpush v3, $0xF  }
0x2a6: {  	s16 =	sadd.s32 s4, s11;
	s11 =	smov.u32 s15;
	vm1 =	vgt.s32 v1, $0x0;
	v1 =	vadd.s32 s12, v4  }
0x2a7: {  	v3 =	vsub.s32 s16, v1  }
0x2a8: {  	v3 =	vadd.s32 v0, v3;
	v5 =	vld.idx.msk [tilespmem:v2+s6+$0x0], $0xffff  }
0x2a9: {  	v1 =	vsel vm1, v1, v3;
	v6 =	vld.idx.msk [tilespmem:v2+s7+$0x0], $0xffff  }
0x2aa: {  	vm0 =	vlt.s32 v1, $0x64;
	v4 =	vmul.u32 $0x5, v1;
	v7 =	vld.idx.msk [tilespmem:v2+s3+$0x0], $0xffff  }
0x2ab: {  	v8 =	vld.idx.msk [tilespmem:v2+s8+$0x0], $0xffff  }
0x2ac: {  	v1 =	vld.idx.msk [tilespmem:v2+s10+$0x0], $0xffff;
	v9 =	vadd.s32 $0x1, v4;
	v10 =	vadd.s32 $0x2, v4  }
0x2ad: {  	v3 =	vadd.s32 $0x3, v4  }
.Ltmp14:
0x2ae: {  	v2 =	vadd.s32 $0x4, v4;
	(pc) =	sbr.rel @p0 .LBB2_16-.Ltmp14, $4  }
0x2af: {  	_ = 	snop  }
0x2b0: {  	[tilespmem:v4+s5+$0x0] =	vst.idx.msk vm0, v7  }
0x2b1: {  	v4 =	vnsel vm1, $0xCE6E6B28, v8;
	[tilespmem:v9+s5+$0x0] =	vst.idx.msk vm0, v6  }
0x2b2: {  	s14 =	sadd.s32 $0x10, s14;
	[tilespmem:v10+s5+$0x0] =	vst.idx.msk vm0, v5  }
0x2b3: {  	_ =	sdelay $0x4  }
0x2b4: {  	[tilespmem:v3+s5+$0x0] =	vst.idx.msk vm0, v1  }
0x2b5: {  	[tilespmem:v2+s5+$0x0] =	vst.idx.msk vm0, v4  }
0x2b6: {  	v1 =	vld [tilespmem:s14+$0x0];
	_ =	sdelay $0x4  }
0x2b7: {  	(xrf0) =	vadd.scan.msk.s32 $0xffff, v1;
	_ =	sdelay $0x2  }
0x2b8: {  	s9 =	sadd.s32 $0x10, s9  }
0x2b9: {  	v2 =	vld [tilespmem:s9+$0x0];
	_ =	sdelay $0x1  }
0x2ba: {  	s28 =	spop (v2sf);
	v57, _, _ =	vpop (xrf0)  }
0x2bb: {  	s9 =	sadd.s32 s12, s28;
	v58 =	vsub.s32 v57, v1  }
0x2bc: {  	s4 =	sadd.s32 s4, s11;
	v4 =	vadd.s32 s9, v58  }
0x2bd: {  	(v2sf) =	vpush v57, $0xF;
	v59 =	vsub.s32 s4, v4  }
0x2be: {  	vm15 =	vgt.s32 v1, $0x0;
	v0 =	vadd.s32 v0, v59  }
0x2bf: {  	v0 =	vsel vm15, v4, v0  }
0x2c0: {  	v60 =	vld.idx.msk [tilespmem:v2+s6+$0x0], $0xffff;
	vm1 =	vlt.s32 v0, $0x64;
	v0 =	vmul.u32 $0x5, v0  }
0x2c1: {  	v61 =	vld.idx.msk [tilespmem:v2+s3+$0x0], $0xffff  }
0x2c2: {  	v62 =	vld.idx.msk [tilespmem:v2+s7+$0x0], $0xffff;
	v5 =	vadd.s32 $0x1, v0  }
0x2c3: {  	v6 =	vld.idx.msk [tilespmem:v2+s8+$0x0], $0xffff;
	v7 =	vadd.s32 $0x2, v0  }
0x2c4: {  	v2 =	vld.idx.msk [tilespmem:v2+s10+$0x0], $0xffff;
	v8 =	vadd.s32 $0x3, v0  }
0x2c5: {  	v9 =	vadd.s32 $0x4, v0  }
0x2c6: {  	[tilespmem:v0+s5+$0x0] =	vst.idx.msk vm1, v61  }
0x2c7: {  	[tilespmem:v5+s5+$0x0] =	vst.idx.msk vm1, v62  }
0x2c8: {  	[tilespmem:v7+s5+$0x0] =	vst.idx.msk vm1, v60  }
0x2c9: {  	v63 =	vnsel vm15, $0xCE6E6B28, v6;
	[tilespmem:v8+s5+$0x0] =	vst.idx.msk vm1, v2  }
0x2ca: {  	s29 =	simm.s32 $0x0;
	s30 =	simm.s32 $0xF000;
	[tilespmem:v9+s5+$0x0] =	vst.idx.msk vm1, v63  }
0x2cb: {  	[hbm4b:s2+s29] =	stream.linear.scatter [tilespmem:s30], [sflag:$0x1], $0x200, $0x38;
	[tilespmem:$0xF4C0] =	vst v63  }
0x2cc: {  	s31 =	spop (v2sf);
	s2 =	simm.s32 $0x1  }
0x2cd: {  	_ =	swait.ge [sflag:s2], $0x200  }
0x2ce: {  	[sflag:s2] =	ssyncset.done $0x0  }
0x2cf: {  	[sflag:s2] =	ssyncadd.s32 $0xFFFFFE00  }
.LBB2_18:
0x2d0: {  	_ =	sfence.sel $0x180000  }
0x2d1: {  	[bflag:$0x0] =	sbarrier.arrive $0xFFFF  }
0x2d2: {  	p0 =	sne.s32 s1, $0x0;
	_ =	strace $0x90000047  }
0x2d3: {  	s0 =	sadd.s32 @!p0 $0x100000, s0;
	[bflag:$0x2] =	sbarrier.arrive $0xFFFF  }
0x2d4: {  	[sflag:s0] =	ssyncadd.tile.s32 @!p0 $0x1;
	_ =	shalt  }
.Lfunc_end2:
_tile_overlayer_lowered:
.L_overlay_start_2:
0x2d5: {  	(tag) =	ssettag $0x2  }
0x2d6: {  	s0 =	rddreg [dreg:$0x0];
	s2 =	stileid.u32  }
0x2d7: {  	s1 =	rddreg [dreg:$0x1];
	p0 =	sne.s32 s2, $0x0  }
0x2d8: {  	s3 =	rddreg [dreg:$0x2];
	[bflag:$0x3] =	sbarrier.arrive $0xFFFF;
	s2 =	simm.s32 @!p0 $0x1C01  }
0x2d9: {  	[timem:s3], [sflag:s2] =	dma.local @!p0 [hbm:s0], s1  }
0x2da: {  	s0 =	simm.s32 @!p0 $0x1  }
0x2db: {  	_ =	swait.ge @!p0 [sflag:s0], s1  }
0x2dc: {  	s1 =	ssub.s32 @!p0 $0x0, s1;
	[sflag:s0] =	ssyncset.done @!p0 $0x0  }
0x2dd: {  	[sflag:s0] =	ssyncadd.s32 @!p0 s1  }
0x2de: {  	[bflag:$0x3] =	sbarrier.arrive $0xFFFF  }
0x2df: {  	_ =	shalt  }

</sc_bundles>
